<compile_context>
chip_gen: v7x
topology: tpu7x:2x2x1
jax: 0.10.2.dev20260603
libtpu: 0.0.44.dev20260713+nightly
codegen_flags: <defaults>
</compile_context>

<pallas_src>
import functools

import jax
import jax.numpy as jnp
from jax import lax
from jax.experimental import pallas as pl
from jax.experimental.pallas import tpu as pltpu
from jax.experimental.pallas import tpu_sc as plsc

N = 10000
E = 640000
NIN = 128
H = 4
C = 32
HC = H * C

NC = 2
NS = 16
NW = NC * NS
EPW = E // NW
K1 = 400
NB1 = EPW // K1
SB = 80
NSB = EPW // SB
NPAD = 10240
ROWS_PER_TILE = NPAD // NS
RCHUNKS = ROWS_PER_TILE // SB
NDEEP = 4


def _tc_project_body(x_ref, w_ref, asw_ref, adw_ref, xw_ref, as_ref, ad_ref):
    xw = lax.dot_general(x_ref[...], w_ref[...], (((1,), (1,)), ((), ())),
                         preferred_element_type=jnp.float32)
    xw_ref[...] = xw
    for h in range(H):
        sl = xw[:, h * C:(h + 1) * C]
        as_ref[:, h:h + 1] = jnp.sum(sl * asw_ref[h:h + 1, :], axis=1,
                                     keepdims=True)
        ad_ref[:, h:h + 1] = jnp.sum(sl * adw_ref[h:h + 1, :], axis=1,
                                     keepdims=True)


def _tc_project(x, W, att_src, att_dst):
    blk = 2000
    grid = N // blk
    return pl.pallas_call(
        _tc_project_body,
        grid=(grid,),
        in_specs=[
            pl.BlockSpec((blk, NIN), lambda i: (i, 0)),
            pl.BlockSpec((HC, NIN), lambda i: (0, 0)),
            pl.BlockSpec((H, C), lambda i: (0, 0)),
            pl.BlockSpec((H, C), lambda i: (0, 0)),
        ],
        out_specs=[
            pl.BlockSpec((blk, HC), lambda i: (i, 0)),
            pl.BlockSpec((blk, H), lambda i: (i, 0)),
            pl.BlockSpec((blk, H), lambda i: (i, 0)),
        ],
        out_shape=[
            jax.ShapeDtypeStruct((N, HC), jnp.float32),
            jax.ShapeDtypeStruct((N, H), jnp.float32),
            jax.ShapeDtypeStruct((N, H), jnp.float32),
        ],
    )(x, W, att_src, att_dst)


def _tc_transpose_body(as_ref, ad_ref, i4_ref, ast_ref, adt_ref):
    i4 = i4_ref[...]
    dn = (((1,), (1,)), ((), ()))
    ast_ref[...] = lax.dot_general(i4, as_ref[...], dn,
                                   preferred_element_type=jnp.float32)
    adt_ref[...] = lax.dot_general(i4, ad_ref[...], dn,
                                   preferred_element_type=jnp.float32)


def _tc_transpose(a_src, a_dst, i4):
    return pl.pallas_call(
        _tc_transpose_body,
        out_shape=[
            jax.ShapeDtypeStruct((H, NPAD), jnp.float32),
            jax.ShapeDtypeStruct((H, NPAD), jnp.float32),
        ],
    )(a_src, a_dst, i4)


def _sc_phase1_body(asrc_hbm, adst_hbm, src_hbm, dst_hbm, e_hbm, denp_hbm,
                    asrc_v, adst_v, den_v, si0, si1, di0, di1, ec0, ec1,
                    sin0, sin1, so0, so1):
    cid = lax.axis_index("c")
    sid = lax.axis_index("s")
    wid = sid * NC + cid
    sib = (si0, si1)
    dib = (di0, di1)
    ecb = (ec0, ec1)
    sem_i = (sin0, sin1)
    sem_o = (so0, so1)

    for h in range(H):
        pltpu.async_copy(asrc_hbm.at[h], asrc_v.at[pl.ds(h * NPAD, NPAD)],
                         sin0)
        pltpu.async_copy(adst_hbm.at[h], adst_v.at[pl.ds(h * NPAD, NPAD)],
                         sin0)
    for h in range(H):
        pltpu.make_async_copy(asrc_hbm.at[h],
                              asrc_v.at[pl.ds(h * NPAD, NPAD)], sin0).wait()
        pltpu.make_async_copy(adst_hbm.at[h],
                              adst_v.at[pl.ds(h * NPAD, NPAD)], sin0).wait()

    zeros16 = jnp.zeros((16,), jnp.float32)

    @pl.loop(0, (NPAD * H) // 16)
    def _zero(i):
        den_v[pl.ds(i * 16, 16)] = zeros16

    iota16 = lax.iota(jnp.int32, 16)

    def in_descs(j, b):
        base = wid * EPW + j * K1
        yield (src_hbm.at[pl.ds(base, K1)], sib[b])
        yield (dst_hbm.at[pl.ds(base, K1)], dib[b])

    def out_desc(j, b):
        base = wid * EPW + j * K1
        return (ecb[b], e_hbm.at[pl.ds(base * H, K1 * H)])

    def issue_in(j, b):
        for s_, d_ in in_descs(j, b):
            pltpu.async_copy(s_, d_, sem_i[b])

    issue_in(0, 0)

    @pl.loop(0, NB1, step=2)
    def _batch(i):
        for b in range(2):
            j = i + b

            @pl.when(j + 1 < NB1)
            def _():
                issue_in(j + 1, 1 - b)

            @pl.when(j >= 2)
            def _():
                s_, d_ = out_desc(j - 2, b)
                pltpu.make_async_copy(s_, d_, sem_o[b]).wait()

            for s_, d_ in in_descs(j, b):
                pltpu.make_async_copy(s_, d_, sem_i[b]).wait()

            sidx = sib[b]
            didx = dib[b]
            e_c = ecb[b]

            @pl.loop(0, K1 // 16, unroll=2)
            def _grp(jj):
                sv = sidx[pl.ds(jj * 16, 16)]
                dv = didx[pl.ds(jj * 16, 16)]
                kvec = jj * 16 + iota16
                for h in range(H):
                    a_s = plsc.load_gather(asrc_v, [sv + h * NPAD])
                    a_d = plsc.load_gather(adst_v, [dv + h * NPAD])
                    al = a_s + a_d
                    al = jnp.where(al >= 0.0, al, al * jnp.float32(0.2))
                    e = jnp.exp(al)
                    plsc.addupdate_scatter(den_v, [dv * H + h], e)
                    plsc.store_scatter(e_c, [kvec * H + h], e)

            s_, d_ = out_desc(j, b)
            pltpu.async_copy(s_, d_, sem_o[b])

    for j in (NB1 - 2, NB1 - 1):
        s_, d_ = out_desc(j, j % 2)
        pltpu.make_async_copy(s_, d_, sem_o[j % 2]).wait()

    pltpu.sync_copy(den_v, denp_hbm.at[wid])


def _sc_phase1(asrc_flat, adst_flat, src, dst):
    mesh = plsc.VectorSubcoreMesh(core_axis_name="c", subcore_axis_name="s")
    f = functools.partial(
        pl.kernel,
        out_type=(
            jax.ShapeDtypeStruct((E * H,), jnp.float32),
            jax.ShapeDtypeStruct((NW, NPAD * H), jnp.float32),
        ),
        mesh=mesh,
        scratch_types=[
            pltpu.VMEM((NPAD * H,), jnp.float32),
            pltpu.VMEM((NPAD * H,), jnp.float32),
            pltpu.VMEM((NPAD * H,), jnp.float32),
            pltpu.VMEM((K1,), jnp.int32),
            pltpu.VMEM((K1,), jnp.int32),
            pltpu.VMEM((K1,), jnp.int32),
            pltpu.VMEM((K1,), jnp.int32),
            pltpu.VMEM((K1 * H,), jnp.float32),
            pltpu.VMEM((K1 * H,), jnp.float32),
        ] + [pltpu.SemaphoreType.DMA] * 4,
        compiler_params=pltpu.CompilerParams(needs_layout_passes=False),
    )(_sc_phase1_body)
    return f(asrc_flat, adst_flat, src, dst)


def _sc_phase2_body(xw_hbm, sd_hbm, ef_hbm, accp_hbm,
                    g0, g1, g2, g3, e0, e1, e2, e3,
                    sd0, sd1, sd2, sd3, acc,
                    *sems):
    cid = lax.axis_index("c")
    sid = lax.axis_index("s")
    wid = sid * NC + cid
    gb = (g0, g1, g2, g3)
    eb = (e0, e1, e2, e3)
    sdb = (sd0, sd1, sd2, sd3)
    sem_i = sems[0:NDEEP]
    sem_g = sems[NDEEP:2 * NDEEP]
    sem_s = sems[2 * NDEEP:3 * NDEEP]

    zeros16 = jnp.zeros((16,), jnp.float32)

    @pl.loop(0, SB)
    def _zg(r):
        for c8 in range(HC // 16):
            g0[r, pl.ds(c8 * 16, 16)] = zeros16

    row0 = sid * ROWS_PER_TILE
    for t in range(RCHUNKS):
        pltpu.async_copy(g0.at[pl.ds(0, SB)],
                         acc.at[pl.ds(row0 + t * SB, SB)], sems[0])
    for t in range(RCHUNKS):
        pltpu.make_async_copy(g0.at[pl.ds(0, SB)],
                              acc.at[pl.ds(row0 + t * SB, SB)],
                              sems[0]).wait()
    plsc.subcore_barrier()

    def in_descs(j, b):
        yield (sd_hbm.at[wid, j], sdb[b])
        yield (ef_hbm.at[pl.ds((wid * EPW + j * SB) * H, SB * H)],
               eb[b].at[pl.ds(0, SB * H)])

    def g_desc(j, b):
        del j
        return (xw_hbm.at[sdb[b].at[0]], gb[b])

    def s_desc(j, b):
        del j
        return (gb[b], acc.at[sdb[b].at[1]])

    def issue_in(j, b):
        for s_, d_ in in_descs(j, b):
            pltpu.async_copy(s_, d_, sem_i[b])

    def wait_in(j, b):
        for s_, d_ in in_descs(j, b):
            pltpu.make_async_copy(s_, d_, sem_i[b]).wait()

    issue_in(0, 0)
    issue_in(1, 1)
    wait_in(0, 0)
    s_, d_ = g_desc(0, 0)
    pltpu.async_copy(s_, d_, sem_g[0])

    @pl.loop(0, NSB + 2, step=NDEEP)
    def _sb(i):
        for b in range(NDEEP):
            j = i + b
            bn1 = (b + 1) % NDEEP
            bn2 = (b + 2) % NDEEP

            @pl.when(j >= 2)
            def _():
                s_, d_ = s_desc(j - 2, bn2)
                pltpu.make_async_copy(s_, d_, sem_s[bn2]).wait()

            @pl.when(j + 2 < NSB)
            def _():
                issue_in(j + 2, bn2)

            @pl.when(j + 1 < NSB)
            def _():
                wait_in(j + 1, bn1)
                s_, d_ = g_desc(j + 1, bn1)
                pltpu.async_copy(s_, d_, sem_g[bn1])

            @pl.when(j < NSB)
            def _():
                s_, d_ = g_desc(j, b)
                pltpu.make_async_copy(s_, d_, sem_g[b]).wait()

                g = gb[b]
                ev_ref = eb[b]

                @pl.loop(0, SB, unroll=4)
                def _edge(k):
                    ev = ev_ref[pl.ds(k * H, 16)]
                    for h in range(H):
                        bvec = jnp.full((16,), ev[h], jnp.float32)
                        for half in range(C // 16):
                            col = h * C + half * 16
                            g[k, pl.ds(col, 16)] = g[k, pl.ds(col, 16)] * bvec

                s_, d_ = s_desc(j, b)
                pltpu.async_copy(s_, d_, sem_s[b], add=True)

    plsc.subcore_barrier()

    for t in range(RCHUNKS):
        gt = gb[t % 2]
        if t >= 2:
            pltpu.make_async_copy(
                gb[t % 2].at[pl.ds(0, SB)],
                accp_hbm.at[cid, pl.ds(row0 + (t - 2) * SB, SB)],
                sems[1]).wait()
        pltpu.sync_copy(acc.at[pl.ds(row0 + t * SB, SB)], gt.at[pl.ds(0, SB)])
        pltpu.async_copy(gt.at[pl.ds(0, SB)],
                         accp_hbm.at[cid, pl.ds(row0 + t * SB, SB)], sems[1])
    for t in (RCHUNKS - 2, RCHUNKS - 1):
        pltpu.make_async_copy(gb[t % 2].at[pl.ds(0, SB)],
                              accp_hbm.at[cid, pl.ds(row0 + t * SB, SB)],
                              sems[1]).wait()


def _sc_phase2(xw, sd, e_all):
    mesh = plsc.VectorSubcoreMesh(core_axis_name="c", subcore_axis_name="s")
    f = functools.partial(
        pl.kernel,
        out_type=jax.ShapeDtypeStruct((NC, NPAD, HC), jnp.float32),
        mesh=mesh,
        scratch_types=(
            [pltpu.VMEM((SB, HC), jnp.float32)] * NDEEP
            + [pltpu.VMEM((SB * H + 16,), jnp.float32)] * NDEEP
            + [pltpu.VMEM((2, SB), jnp.int32)] * NDEEP
            + [pltpu.VMEM_SHARED((NPAD, HC), jnp.float32)]
            + [pltpu.SemaphoreType.DMA] * (3 * NDEEP)
        ),
        compiler_params=pltpu.CompilerParams(needs_layout_passes=False),
    )(_sc_phase2_body)
    return f(xw, sd, e_all)


def _tc_densum_body(dp_ref, out_ref):
    out_ref[...] = jnp.sum(dp_ref[...], axis=0)


def _tc_densum(denp3):
    rows = NPAD * H // 128
    blkr = 40
    return pl.pallas_call(
        _tc_densum_body,
        grid=(rows // blkr,),
        in_specs=[pl.BlockSpec((NW, blkr, 128), lambda i: (0, i, 0))],
        out_specs=pl.BlockSpec((blkr, 128), lambda i: (i, 0)),
        out_shape=jax.ShapeDtypeStruct((rows, 128), jnp.float32),
    )(denp3)


def _tc_fin_body(acc_ref, den_ref, as_ref, ad_ref, xw_ref, b_ref, out_ref):
    acc = acc_ref[0] + acc_ref[1]
    den = den_ref[...]
    al = as_ref[...] + ad_ref[...]
    al = jnp.where(al >= 0.0, al, al * jnp.float32(0.2))
    es = jnp.exp(al)
    xw = xw_ref[...]
    for h in range(H):
        sl = slice(h * C, (h + 1) * C)
        num = acc[:, sl] + es[:, h:h + 1] * xw[:, sl]
        d = den[:, h:h + 1] + es[:, h:h + 1] + jnp.float32(1e-16)
        out_ref[:, sl] = num / d + b_ref[0, sl]


def _tc_fin(accp, den_tot, a_src, a_dst, xw, bias):
    blk = 2000
    grid = N // blk
    return pl.pallas_call(
        _tc_fin_body,
        grid=(grid,),
        in_specs=[
            pl.BlockSpec((NC, blk, HC), lambda i: (0, i, 0)),
            pl.BlockSpec((blk, H), lambda i: (i, 0)),
            pl.BlockSpec((blk, H), lambda i: (i, 0)),
            pl.BlockSpec((blk, H), lambda i: (i, 0)),
            pl.BlockSpec((blk, HC), lambda i: (i, 0)),
            pl.BlockSpec((1, HC), lambda i: (0, 0)),
        ],
        out_specs=pl.BlockSpec((blk, HC), lambda i: (i, 0)),
        out_shape=jax.ShapeDtypeStruct((N, HC), jnp.float32),
    )(accp, den_tot, a_src, a_dst, xw, bias)


def kernel(x, edge_index, edge_attr, W, att_src, att_dst, bias):
    del edge_attr
    src = edge_index[0].astype(jnp.int32)
    dst = edge_index[1].astype(jnp.int32)
    xw, a_src, a_dst = _tc_project(x, W, att_src, att_dst)
    pad = ((0, NPAD - N), (0, 0))
    a_srcT, a_dstT = _tc_transpose(jnp.pad(a_src, pad), jnp.pad(a_dst, pad),
                                   jnp.eye(H, dtype=jnp.float32))
    e_all, denp = _sc_phase1(a_srcT, a_dstT, src, dst)
    sd = jnp.stack([src.reshape(NW, NSB, SB), dst.reshape(NW, NSB, SB)],
                   axis=2)
    accp = _sc_phase2(xw, sd, e_all)
    den_tot = _tc_densum(denp.reshape(NW, NPAD * H // 128, 128))
    out = _tc_fin(accp, den_tot.reshape(NPAD, H), a_src, a_dst, xw,
                  bias.reshape(1, HC))
    return out

# --- scband reference (transcript-rebuilt; emitter-appended) ---
"""Pipeline reference for scband-gatconv-3693671875304 (READ-ONLY COPY).

The authoritative reference and input builder live on the scoring server;
editing this copy changes nothing except your own understanding.
"""

import jax, jax.numpy as jnp
import numpy as np

N_NODES = 10000
N_EDGES = 640000
NIN = 128
HEADS = 4
CH = 32  # nout // nhead


def setup_inputs(seed: int = 0) -> dict:
    key = jax.random.key(seed)
    k1, k2, k3, k4, k5, k6, k7 = jax.random.split(key, 7)
    x = jax.random.normal(k1, (N_NODES, NIN), dtype=jnp.float32)
    edge_index = jax.random.randint(k2, (2, N_EDGES), 0, N_NODES, dtype=jnp.int64)
    edge_attr = jax.random.normal(k3, (N_EDGES, 16), dtype=jnp.float32)
    # learned params (PyG GATConv: lin weight [H*C, nin], att_src/att_dst [1,H,C], bias [H*C])
    scale = 1.0 / np.sqrt(NIN)
    W = jax.random.uniform(k4, (HEADS * CH, NIN), dtype=jnp.float32, minval=-scale, maxval=scale)
    att_src = jax.random.uniform(k5, (HEADS, CH), dtype=jnp.float32, minval=-scale, maxval=scale)
    att_dst = jax.random.uniform(k6, (HEADS, CH), dtype=jnp.float32, minval=-scale, maxval=scale)
    bias = jnp.zeros((HEADS * CH,), dtype=jnp.float32)
    return {"x": x, "edge_index": edge_index, "edge_attr": edge_attr,
            "W": W, "att_src": att_src, "att_dst": att_dst, "bias": bias}


def reference(x, edge_index, edge_attr, W, att_src, att_dst, bias):
    # edge_attr is accepted but unused (matches the wrapped module's forward)
    N = x.shape[0]
    xw = (x @ W.T).reshape(N, HEADS, CH)
    a_src = (xw * att_src[None, :, :]).sum(-1)  # [N, H]
    a_dst = (xw * att_dst[None, :, :]).sum(-1)  # [N, H]
    # add self loops (PyG default add_self_loops=True)
    loop = jnp.arange(N, dtype=edge_index.dtype)
    src = jnp.concatenate([edge_index[0], loop])
    dst = jnp.concatenate([edge_index[1], loop])
    alpha = a_src[src] + a_dst[dst]                       # [E', H]
    alpha = jax.nn.leaky_relu(alpha, negative_slope=0.2)
    amax = jax.ops.segment_max(alpha, dst, num_segments=N)
    amax = jnp.where(jnp.isfinite(amax), amax, 0.0)
    ex = jnp.exp(alpha - amax[dst])
    denom = jax.ops.segment_sum(ex, dst, num_segments=N)
    attn = ex / (denom[dst] + 1e-16)                      # softmax over incoming edges per dst
    msg = xw[src] * attn[:, :, None]                      # [E', H, C]
    out = jax.ops.segment_sum(msg, dst, num_segments=N)   # [N, H, C]
    out = out.reshape(N, HEADS * CH) + bias
    return out


if False:  # reference __main__ guard neutralized (emitter)
    inp = setup_inputs()
    o = reference(**inp)
    print(o.shape)

if __name__ == "__main__":
    import jax
    _d = setup_inputs()
    print(jax.jit(kernel)(*tuple(_d.values())))

</pallas_src>

<mosaic_0001>
#map = affine_map<(d0, d1) -> (0, 0)>
#map1 = affine_map<(d0, d1) -> (0, 0, 0, 0)>
#map2 = affine_map<(d0, d1) -> (0)>
#map3 = affine_map<(d0, d1) -> (0, 0, 0)>
module attributes {stable_mosaic.version = 14 : i64} {
  func.func @_sc_phase2_body(%arg0: i32, %arg1: i32, %arg2: memref<10000x128xf32, #tpu.memory_space<hbm>>, %arg3: memref<32x250x2x80xi32, #tpu.memory_space<hbm>>, %arg4: memref<2560000xf32, #tpu.memory_space<hbm>>, %arg5: memref<2x10240x128xf32, #tpu.memory_space<hbm>>, %arg6: memref<80x128xf32, #tpu.memory_space<vmem>>, %arg7: memref<80x128xf32, #tpu.memory_space<vmem>>, %arg8: memref<80x128xf32, #tpu.memory_space<vmem>>, %arg9: memref<80x128xf32, #tpu.memory_space<vmem>>, %arg10: memref<336xf32, #tpu.memory_space<vmem>>, %arg11: memref<336xf32, #tpu.memory_space<vmem>>, %arg12: memref<336xf32, #tpu.memory_space<vmem>>, %arg13: memref<336xf32, #tpu.memory_space<vmem>>, %arg14: memref<2x80xi32, #tpu.memory_space<vmem>>, %arg15: memref<2x80xi32, #tpu.memory_space<vmem>>, %arg16: memref<2x80xi32, #tpu.memory_space<vmem>>, %arg17: memref<2x80xi32, #tpu.memory_space<vmem>>, %arg18: memref<10240x128xf32, #tpu.memory_space<vmem_shared>>, %arg19: memref<!tpu.dma_semaphore, #tpu.memory_space<semaphore_mem>>, %arg20: memref<!tpu.dma_semaphore, #tpu.memory_space<semaphore_mem>>, %arg21: memref<!tpu.dma_semaphore, #tpu.memory_space<semaphore_mem>>, %arg22: memref<!tpu.dma_semaphore, #tpu.memory_space<semaphore_mem>>, %arg23: memref<!tpu.dma_semaphore, #tpu.memory_space<semaphore_mem>>, %arg24: memref<!tpu.dma_semaphore, #tpu.memory_space<semaphore_mem>>, %arg25: memref<!tpu.dma_semaphore, #tpu.memory_space<semaphore_mem>>, %arg26: memref<!tpu.dma_semaphore, #tpu.memory_space<semaphore_mem>>, %arg27: memref<!tpu.dma_semaphore, #tpu.memory_space<semaphore_mem>>, %arg28: memref<!tpu.dma_semaphore, #tpu.memory_space<semaphore_mem>>, %arg29: memref<!tpu.dma_semaphore, #tpu.memory_space<semaphore_mem>>, %arg30: memref<!tpu.dma_semaphore, #tpu.memory_space<semaphore_mem>>) attributes {dimension_semantics = [#tpu.dimension_semantics<core_parallel>, #tpu.dimension_semantics<subcore_parallel>], iteration_bounds = array<i64: 2, 16>, scalar_prefetch = 0 : i64, scratch_operands = 25 : i64, tpu.core_type = #tpu.core_type<sc_vector_subcore>, window_params = [{transform_indices = #map}, {transform_indices = #map1}, {transform_indices = #map2}, {transform_indices = #map3}]} {
    %mul3A = arith.constant 2 : i32
    %mul3A_0 = arith.muli %arg1, %mul3A : i32
    %add3A = arith.addi %mul3A_0, %arg0 : i32
    %broadcast_in_dim3A = arith.constant 0.000000e+00 : f32
    %broadcast_in_dim3A_1 = vector.broadcast %broadcast_in_dim3A : f32 to vector<16xf32>
    %scan3A = arith.constant 0 : i32
    %scan3A_2 = arith.constant 80 : i32
    %scan3A_3 = arith.addi %scan3A, %scan3A_2 : i32
    %scan3A_4 = arith.constant 1 : i32
    scf.for %scan3A_514 = %scan3A to %scan3A_3 step %scan3A_4  : i32 {
      %mul3A_515 = arith.constant 1 : i32
      %mul3A_516 = arith.muli %scan3A_514, %mul3A_515 : i32
      %add3A_517 = arith.constant 0 : i32
      %add3A_518 = arith.addi %add3A_517, %mul3A_516 : i32
      %swap3A = arith.index_cast %add3A_518 : i32 to index
      %swap3A_519 = arith.constant 0 : index
      %swap3A_520 = tpu.vector_load %arg6[%swap3A, %swap3A_519] {strides = array<i32>} : memref<80x128xf32, #tpu.memory_space<vmem>>, vector<16xf32>,
      tpu.vector_store %arg6[%swap3A, %swap3A_519], %broadcast_in_dim3A_1 {strides = array<i32>} : memref<80x128xf32, #tpu.memory_space<vmem>>, vector<16xf32>,
      %swap3A_521 = arith.index_cast %add3A_518 : i32 to index
      %swap3A_522 = arith.constant 16 : index
      %swap3A_523 = tpu.vector_load %arg6[%swap3A_521, %swap3A_522] {strides = array<i32>} : memref<80x128xf32, #tpu.memory_space<vmem>>, vector<16xf32>,
      tpu.vector_store %arg6[%swap3A_521, %swap3A_522], %broadcast_in_dim3A_1 {strides = array<i32>} : memref<80x128xf32, #tpu.memory_space<vmem>>, vector<16xf32>,
      %swap3A_524 = arith.index_cast %add3A_518 : i32 to index
      %swap3A_525 = arith.constant 32 : index
      %swap3A_526 = tpu.vector_load %arg6[%swap3A_524, %swap3A_525] {strides = array<i32>} : memref<80x128xf32, #tpu.memory_space<vmem>>, vector<16xf32>,
      tpu.vector_store %arg6[%swap3A_524, %swap3A_525], %broadcast_in_dim3A_1 {strides = array<i32>} : memref<80x128xf32, #tpu.memory_space<vmem>>, vector<16xf32>,
      %swap3A_527 = arith.index_cast %add3A_518 : i32 to index
      %swap3A_528 = arith.constant 48 : index
      %swap3A_529 = tpu.vector_load %arg6[%swap3A_527, %swap3A_528] {strides = array<i32>} : memref<80x128xf32, #tpu.memory_space<vmem>>, vector<16xf32>,
      tpu.vector_store %arg6[%swap3A_527, %swap3A_528], %broadcast_in_dim3A_1 {strides = array<i32>} : memref<80x128xf32, #tpu.memory_space<vmem>>, vector<16xf32>,
      %swap3A_530 = arith.index_cast %add3A_518 : i32 to index
      %swap3A_531 = arith.constant 64 : index
      %swap3A_532 = tpu.vector_load %arg6[%swap3A_530, %swap3A_531] {strides = array<i32>} : memref<80x128xf32, #tpu.memory_space<vmem>>, vector<16xf32>,
      tpu.vector_store %arg6[%swap3A_530, %swap3A_531], %broadcast_in_dim3A_1 {strides = array<i32>} : memref<80x128xf32, #tpu.memory_space<vmem>>, vector<16xf32>,
      %swap3A_533 = arith.index_cast %add3A_518 : i32 to index
      %swap3A_534 = arith.constant 80 : index
      %swap3A_535 = tpu.vector_load %arg6[%swap3A_533, %swap3A_534] {strides = array<i32>} : memref<80x128xf32, #tpu.memory_space<vmem>>, vector<16xf32>,
      tpu.vector_store %arg6[%swap3A_533, %swap3A_534], %broadcast_in_dim3A_1 {strides = array<i32>} : memref<80x128xf32, #tpu.memory_space<vmem>>, vector<16xf32>,
      %swap3A_536 = arith.index_cast %add3A_518 : i32 to index
      %swap3A_537 = arith.constant 96 : index
      %swap3A_538 = tpu.vector_load %arg6[%swap3A_536, %swap3A_537] {strides = array<i32>} : memref<80x128xf32, #tpu.memory_space<vmem>>, vector<16xf32>,
      tpu.vector_store %arg6[%swap3A_536, %swap3A_537], %broadcast_in_dim3A_1 {strides = array<i32>} : memref<80x128xf32, #tpu.memory_space<vmem>>, vector<16xf32>,
      %swap3A_539 = arith.index_cast %add3A_518 : i32 to index
      %swap3A_540 = arith.constant 112 : index
      %swap3A_541 = tpu.vector_load %arg6[%swap3A_539, %swap3A_540] {strides = array<i32>} : memref<80x128xf32, #tpu.memory_space<vmem>>, vector<16xf32>,
      tpu.vector_store %arg6[%swap3A_539, %swap3A_540], %broadcast_in_dim3A_1 {strides = array<i32>} : memref<80x128xf32, #tpu.memory_space<vmem>>, vector<16xf32>,
    }
    %scan3A_5 = arith.constant 80 : i32
    %mul3A_6 = arith.constant 640 : i32
    %mul3A_7 = arith.muli %arg1, %mul3A_6 : i32
    %add3A_8 = arith.constant 0 : i32
    %add3A_9 = arith.addi %mul3A_7, %add3A_8 : i32
    %dma_start3A = arith.constant 0 : i32
    %dma_start3A_10 = arith.constant 0 : i32
    %dma_start3A_11 = tpu.memref_slice %arg6[%dma_start3A, %dma_start3A_10] : memref<80x128xf32, #tpu.memory_space<vmem>> -> memref<80x128xf32, #tpu.memory_space<vmem>>
    %dma_start3A_12 = arith.constant 0 : i32
    %dma_start3A_13 = tpu.memref_slice %arg18[%add3A_9, %dma_start3A_12] : memref<10240x128xf32, #tpu.memory_space<vmem_shared>> -> memref<80x128xf32, #tpu.memory_space<vmem_shared>>
    %dma_start3A_14 = arith.constant 0 : i32
    %dma_start3A_15 = tpu.memref_slice %arg18[%add3A_9, %dma_start3A_14] : memref<10240x128xf32, #tpu.memory_space<vmem_shared>> -> memref<80x128xf32, #tpu.memory_space<vmem_shared>>
    %dma_start3A_16 = arith.constant 0 : i32
    %dma_start3A_17 = arith.constant 0 : i32
    %dma_start3A_18 = tpu.memref_slice %arg6[%dma_start3A_16, %dma_start3A_17] : memref<80x128xf32, #tpu.memory_space<vmem>> -> memref<80x128xf32, #tpu.memory_space<vmem>>
    tpu.enqueue_dma source(%dma_start3A_18 : memref<80x128xf32, #tpu.memory_space<vmem>>) target(%dma_start3A_15 : memref<80x128xf32, #tpu.memory_space<vmem_shared>>) target_semaphore(%arg19 : memref<!tpu.dma_semaphore, #tpu.memory_space<semaphore_mem>>)
    %add3A_19 = arith.constant 80 : i32
    %add3A_20 = arith.addi %mul3A_7, %add3A_19 : i32
    %dma_start3A_21 = arith.constant 0 : i32
    %dma_start3A_22 = arith.constant 0 : i32
    %dma_start3A_23 = tpu.memref_slice %arg6[%dma_start3A_21, %dma_start3A_22] : memref<80x128xf32, #tpu.memory_space<vmem>> -> memref<80x128xf32, #tpu.memory_space<vmem>>
    %dma_start3A_24 = arith.constant 0 : i32
    %dma_start3A_25 = tpu.memref_slice %arg18[%add3A_20, %dma_start3A_24] : memref<10240x128xf32, #tpu.memory_space<vmem_shared>> -> memref<80x128xf32, #tpu.memory_space<vmem_shared>>
    %dma_start3A_26 = arith.constant 0 : i32
    %dma_start3A_27 = tpu.memref_slice %arg18[%add3A_20, %dma_start3A_26] : memref<10240x128xf32, #tpu.memory_space<vmem_shared>> -> memref<80x128xf32, #tpu.memory_space<vmem_shared>>
    %dma_start3A_28 = arith.constant 0 : i32
    %dma_start3A_29 = arith.constant 0 : i32
    %dma_start3A_30 = tpu.memref_slice %arg6[%dma_start3A_28, %dma_start3A_29] : memref<80x128xf32, #tpu.memory_space<vmem>> -> memref<80x128xf32, #tpu.memory_space<vmem>>
    tpu.enqueue_dma source(%dma_start3A_30 : memref<80x128xf32, #tpu.memory_space<vmem>>) target(%dma_start3A_27 : memref<80x128xf32, #tpu.memory_space<vmem_shared>>) target_semaphore(%arg19 : memref<!tpu.dma_semaphore, #tpu.memory_space<semaphore_mem>>)
    %add3A_31 = arith.constant 160 : i32
    %add3A_32 = arith.addi %mul3A_7, %add3A_31 : i32
    %dma_start3A_33 = arith.constant 0 : i32
    %dma_start3A_34 = arith.constant 0 : i32
    %dma_start3A_35 = tpu.memref_slice %arg6[%dma_start3A_33, %dma_start3A_34] : memref<80x128xf32, #tpu.memory_space<vmem>> -> memref<80x128xf32, #tpu.memory_space<vmem>>
    %dma_start3A_36 = arith.constant 0 : i32
    %dma_start3A_37 = tpu.memref_slice %arg18[%add3A_32, %dma_start3A_36] : memref<10240x128xf32, #tpu.memory_space<vmem_shared>> -> memref<80x128xf32, #tpu.memory_space<vmem_shared>>
    %dma_start3A_38 = arith.constant 0 : i32
    %dma_start3A_39 = tpu.memref_slice %arg18[%add3A_32, %dma_start3A_38] : memref<10240x128xf32, #tpu.memory_space<vmem_shared>> -> memref<80x128xf32, #tpu.memory_space<vmem_shared>>
    %dma_start3A_40 = arith.constant 0 : i32
    %dma_start3A_41 = arith.constant 0 : i32
    %dma_start3A_42 = tpu.memref_slice %arg6[%dma_start3A_40, %dma_start3A_41] : memref<80x128xf32, #tpu.memory_space<vmem>> -> memref<80x128xf32, #tpu.memory_space<vmem>>
    tpu.enqueue_dma source(%dma_start3A_42 : memref<80x128xf32, #tpu.memory_space<vmem>>) target(%dma_start3A_39 : memref<80x128xf32, #tpu.memory_space<vmem_shared>>) target_semaphore(%arg19 : memref<!tpu.dma_semaphore, #tpu.memory_space<semaphore_mem>>)
    %add3A_43 = arith.constant 240 : i32
    %add3A_44 = arith.addi %mul3A_7, %add3A_43 : i32
    %dma_start3A_45 = arith.constant 0 : i32
    %dma_start3A_46 = arith.constant 0 : i32
    %dma_start3A_47 = tpu.memref_slice %arg6[%dma_start3A_45, %dma_start3A_46] : memref<80x128xf32, #tpu.memory_space<vmem>> -> memref<80x128xf32, #tpu.memory_space<vmem>>
    %dma_start3A_48 = arith.constant 0 : i32
    %dma_start3A_49 = tpu.memref_slice %arg18[%add3A_44, %dma_start3A_48] : memref<10240x128xf32, #tpu.memory_space<vmem_shared>> -> memref<80x128xf32, #tpu.memory_space<vmem_shared>>
    %dma_start3A_50 = arith.constant 0 : i32
    %dma_start3A_51 = tpu.memref_slice %arg18[%add3A_44, %dma_start3A_50] : memref<10240x128xf32, #tpu.memory_space<vmem_shared>> -> memref<80x128xf32, #tpu.memory_space<vmem_shared>>
    %dma_start3A_52 = arith.constant 0 : i32
    %dma_start3A_53 = arith.constant 0 : i32
    %dma_start3A_54 = tpu.memref_slice %arg6[%dma_start3A_52, %dma_start3A_53] : memref<80x128xf32, #tpu.memory_space<vmem>> -> memref<80x128xf32, #tpu.memory_space<vmem>>
    tpu.enqueue_dma source(%dma_start3A_54 : memref<80x128xf32, #tpu.memory_space<vmem>>) target(%dma_start3A_51 : memref<80x128xf32, #tpu.memory_space<vmem_shared>>) target_semaphore(%arg19 : memref<!tpu.dma_semaphore, #tpu.memory_space<semaphore_mem>>)
    %add3A_55 = arith.constant 320 : i32
    %add3A_56 = arith.addi %mul3A_7, %add3A_55 : i32
    %dma_start3A_57 = arith.constant 0 : i32
    %dma_start3A_58 = arith.constant 0 : i32
    %dma_start3A_59 = tpu.memref_slice %arg6[%dma_start3A_57, %dma_start3A_58] : memref<80x128xf32, #tpu.memory_space<vmem>> -> memref<80x128xf32, #tpu.memory_space<vmem>>
    %dma_start3A_60 = arith.constant 0 : i32
    %dma_start3A_61 = tpu.memref_slice %arg18[%add3A_56, %dma_start3A_60] : memref<10240x128xf32, #tpu.memory_space<vmem_shared>> -> memref<80x128xf32, #tpu.memory_space<vmem_shared>>
    %dma_start3A_62 = arith.constant 0 : i32
    %dma_start3A_63 = tpu.memref_slice %arg18[%add3A_56, %dma_start3A_62] : memref<10240x128xf32, #tpu.memory_space<vmem_shared>> -> memref<80x128xf32, #tpu.memory_space<vmem_shared>>
    %dma_start3A_64 = arith.constant 0 : i32
    %dma_start3A_65 = arith.constant 0 : i32
    %dma_start3A_66 = tpu.memref_slice %arg6[%dma_start3A_64, %dma_start3A_65] : memref<80x128xf32, #tpu.memory_space<vmem>> -> memref<80x128xf32, #tpu.memory_space<vmem>>
    tpu.enqueue_dma source(%dma_start3A_66 : memref<80x128xf32, #tpu.memory_space<vmem>>) target(%dma_start3A_63 : memref<80x128xf32, #tpu.memory_space<vmem_shared>>) target_semaphore(%arg19 : memref<!tpu.dma_semaphore, #tpu.memory_space<semaphore_mem>>)
    %add3A_67 = arith.constant 400 : i32
    %add3A_68 = arith.addi %mul3A_7, %add3A_67 : i32
    %dma_start3A_69 = arith.constant 0 : i32
    %dma_start3A_70 = arith.constant 0 : i32
    %dma_start3A_71 = tpu.memref_slice %arg6[%dma_start3A_69, %dma_start3A_70] : memref<80x128xf32, #tpu.memory_space<vmem>> -> memref<80x128xf32, #tpu.memory_space<vmem>>
    %dma_start3A_72 = arith.constant 0 : i32
    %dma_start3A_73 = tpu.memref_slice %arg18[%add3A_68, %dma_start3A_72] : memref<10240x128xf32, #tpu.memory_space<vmem_shared>> -> memref<80x128xf32, #tpu.memory_space<vmem_shared>>
    %dma_start3A_74 = arith.constant 0 : i32
    %dma_start3A_75 = tpu.memref_slice %arg18[%add3A_68, %dma_start3A_74] : memref<10240x128xf32, #tpu.memory_space<vmem_shared>> -> memref<80x128xf32, #tpu.memory_space<vmem_shared>>
    %dma_start3A_76 = arith.constant 0 : i32
    %dma_start3A_77 = arith.constant 0 : i32
    %dma_start3A_78 = tpu.memref_slice %arg6[%dma_start3A_76, %dma_start3A_77] : memref<80x128xf32, #tpu.memory_space<vmem>> -> memref<80x128xf32, #tpu.memory_space<vmem>>
    tpu.enqueue_dma source(%dma_start3A_78 : memref<80x128xf32, #tpu.memory_space<vmem>>) target(%dma_start3A_75 : memref<80x128xf32, #tpu.memory_space<vmem_shared>>) target_semaphore(%arg19 : memref<!tpu.dma_semaphore, #tpu.memory_space<semaphore_mem>>)
    %add3A_79 = arith.constant 480 : i32
    %add3A_80 = arith.addi %mul3A_7, %add3A_79 : i32
    %dma_start3A_81 = arith.constant 0 : i32
    %dma_start3A_82 = arith.constant 0 : i32
    %dma_start3A_83 = tpu.memref_slice %arg6[%dma_start3A_81, %dma_start3A_82] : memref<80x128xf32, #tpu.memory_space<vmem>> -> memref<80x128xf32, #tpu.memory_space<vmem>>
    %dma_start3A_84 = arith.constant 0 : i32
    %dma_start3A_85 = tpu.memref_slice %arg18[%add3A_80, %dma_start3A_84] : memref<10240x128xf32, #tpu.memory_space<vmem_shared>> -> memref<80x128xf32, #tpu.memory_space<vmem_shared>>
    %dma_start3A_86 = arith.constant 0 : i32
    %dma_start3A_87 = tpu.memref_slice %arg18[%add3A_80, %dma_start3A_86] : memref<10240x128xf32, #tpu.memory_space<vmem_shared>> -> memref<80x128xf32, #tpu.memory_space<vmem_shared>>
    %dma_start3A_88 = arith.constant 0 : i32
    %dma_start3A_89 = arith.constant 0 : i32
    %dma_start3A_90 = tpu.memref_slice %arg6[%dma_start3A_88, %dma_start3A_89] : memref<80x128xf32, #tpu.memory_space<vmem>> -> memref<80x128xf32, #tpu.memory_space<vmem>>
    tpu.enqueue_dma source(%dma_start3A_90 : memref<80x128xf32, #tpu.memory_space<vmem>>) target(%dma_start3A_87 : memref<80x128xf32, #tpu.memory_space<vmem_shared>>) target_semaphore(%arg19 : memref<!tpu.dma_semaphore, #tpu.memory_space<semaphore_mem>>)
    %add3A_91 = arith.constant 560 : i32
    %add3A_92 = arith.addi %mul3A_7, %add3A_91 : i32
    %dma_start3A_93 = arith.constant 0 : i32
    %dma_start3A_94 = arith.constant 0 : i32
    %dma_start3A_95 = tpu.memref_slice %arg6[%dma_start3A_93, %dma_start3A_94] : memref<80x128xf32, #tpu.memory_space<vmem>> -> memref<80x128xf32, #tpu.memory_space<vmem>>
    %dma_start3A_96 = arith.constant 0 : i32
    %dma_start3A_97 = tpu.memref_slice %arg18[%add3A_92, %dma_start3A_96] : memref<10240x128xf32, #tpu.memory_space<vmem_shared>> -> memref<80x128xf32, #tpu.memory_space<vmem_shared>>
    %dma_start3A_98 = arith.constant 0 : i32
    %dma_start3A_99 = tpu.memref_slice %arg18[%add3A_92, %dma_start3A_98] : memref<10240x128xf32, #tpu.memory_space<vmem_shared>> -> memref<80x128xf32, #tpu.memory_space<vmem_shared>>
    %dma_start3A_100 = arith.constant 0 : i32
    %dma_start3A_101 = arith.constant 0 : i32
    %dma_start3A_102 = tpu.memref_slice %arg6[%dma_start3A_100, %dma_start3A_101] : memref<80x128xf32, #tpu.memory_space<vmem>> -> memref<80x128xf32, #tpu.memory_space<vmem>>
    tpu.enqueue_dma source(%dma_start3A_102 : memref<80x128xf32, #tpu.memory_space<vmem>>) target(%dma_start3A_99 : memref<80x128xf32, #tpu.memory_space<vmem_shared>>) target_semaphore(%arg19 : memref<!tpu.dma_semaphore, #tpu.memory_space<semaphore_mem>>)
    %add3A_103 = arith.constant 0 : i32
    %add3A_104 = arith.addi %mul3A_7, %add3A_103 : i32
    %dma_wait3A = arith.constant 0 : i32
    %dma_wait3A_105 = arith.constant 0 : i32
    %dma_wait3A_106 = tpu.memref_slice %arg6[%dma_wait3A, %dma_wait3A_105] : memref<80x128xf32, #tpu.memory_space<vmem>> -> memref<80x128xf32, #tpu.memory_space<vmem>>
    %dma_wait3A_107 = arith.constant 0 : i32
    %dma_wait3A_108 = tpu.memref_slice %arg18[%add3A_104, %dma_wait3A_107] : memref<10240x128xf32, #tpu.memory_space<vmem_shared>> -> memref<80x128xf32, #tpu.memory_space<vmem_shared>>
    %dma_wait3A_109 = arith.constant 0 : i32
    %dma_wait3A_110 = tpu.memref_slice %arg18[%add3A_104, %dma_wait3A_109] : memref<10240x128xf32, #tpu.memory_space<vmem_shared>> -> memref<80x128xf32, #tpu.memory_space<vmem_shared>>
    %dma_wait3A_111 = arith.constant 0 : i32
    %dma_wait3A_112 = arith.constant 0 : i32
    %dma_wait3A_113 = tpu.memref_slice %arg6[%dma_wait3A_111, %dma_wait3A_112] : memref<80x128xf32, #tpu.memory_space<vmem>> -> memref<80x128xf32, #tpu.memory_space<vmem>>
    tpu.wait_dma2 semaphore(%arg19 : memref<!tpu.dma_semaphore, #tpu.memory_space<semaphore_mem>>) src(%dma_wait3A_113 : memref<80x128xf32, #tpu.memory_space<vmem>>) dst(%dma_wait3A_110 : memref<80x128xf32, #tpu.memory_space<vmem_shared>>)
    %add3A_114 = arith.constant 80 : i32
    %add3A_115 = arith.addi %mul3A_7, %add3A_114 : i32
    %dma_wait3A_116 = arith.constant 0 : i32
    %dma_wait3A_117 = arith.constant 0 : i32
    %dma_wait3A_118 = tpu.memref_slice %arg6[%dma_wait3A_116, %dma_wait3A_117] : memref<80x128xf32, #tpu.memory_space<vmem>> -> memref<80x128xf32, #tpu.memory_space<vmem>>
    %dma_wait3A_119 = arith.constant 0 : i32
    %dma_wait3A_120 = tpu.memref_slice %arg18[%add3A_115, %dma_wait3A_119] : memref<10240x128xf32, #tpu.memory_space<vmem_shared>> -> memref<80x128xf32, #tpu.memory_space<vmem_shared>>
    %dma_wait3A_121 = arith.constant 0 : i32
    %dma_wait3A_122 = tpu.memref_slice %arg18[%add3A_115, %dma_wait3A_121] : memref<10240x128xf32, #tpu.memory_space<vmem_shared>> -> memref<80x128xf32, #tpu.memory_space<vmem_shared>>
    %dma_wait3A_123 = arith.constant 0 : i32
    %dma_wait3A_124 = arith.constant 0 : i32
    %dma_wait3A_125 = tpu.memref_slice %arg6[%dma_wait3A_123, %dma_wait3A_124] : memref<80x128xf32, #tpu.memory_space<vmem>> -> memref<80x128xf32, #tpu.memory_space<vmem>>
    tpu.wait_dma2 semaphore(%arg19 : memref<!tpu.dma_semaphore, #tpu.memory_space<semaphore_mem>>) src(%dma_wait3A_125 : memref<80x128xf32, #tpu.memory_space<vmem>>) dst(%dma_wait3A_122 : memref<80x128xf32, #tpu.memory_space<vmem_shared>>)
    %add3A_126 = arith.constant 160 : i32
    %add3A_127 = arith.addi %mul3A_7, %add3A_126 : i32
    %dma_wait3A_128 = arith.constant 0 : i32
    %dma_wait3A_129 = arith.constant 0 : i32
    %dma_wait3A_130 = tpu.memref_slice %arg6[%dma_wait3A_128, %dma_wait3A_129] : memref<80x128xf32, #tpu.memory_space<vmem>> -> memref<80x128xf32, #tpu.memory_space<vmem>>
    %dma_wait3A_131 = arith.constant 0 : i32
    %dma_wait3A_132 = tpu.memref_slice %arg18[%add3A_127, %dma_wait3A_131] : memref<10240x128xf32, #tpu.memory_space<vmem_shared>> -> memref<80x128xf32, #tpu.memory_space<vmem_shared>>
    %dma_wait3A_133 = arith.constant 0 : i32
    %dma_wait3A_134 = tpu.memref_slice %arg18[%add3A_127, %dma_wait3A_133] : memref<10240x128xf32, #tpu.memory_space<vmem_shared>> -> memref<80x128xf32, #tpu.memory_space<vmem_shared>>
    %dma_wait3A_135 = arith.constant 0 : i32
    %dma_wait3A_136 = arith.constant 0 : i32
    %dma_wait3A_137 = tpu.memref_slice %arg6[%dma_wait3A_135, %dma_wait3A_136] : memref<80x128xf32, #tpu.memory_space<vmem>> -> memref<80x128xf32, #tpu.memory_space<vmem>>
    tpu.wait_dma2 semaphore(%arg19 : memref<!tpu.dma_semaphore, #tpu.memory_space<semaphore_mem>>) src(%dma_wait3A_137 : memref<80x128xf32, #tpu.memory_space<vmem>>) dst(%dma_wait3A_134 : memref<80x128xf32, #tpu.memory_space<vmem_shared>>)
    %add3A_138 = arith.constant 240 : i32
    %add3A_139 = arith.addi %mul3A_7, %add3A_138 : i32
    %dma_wait3A_140 = arith.constant 0 : i32
    %dma_wait3A_141 = arith.constant 0 : i32
    %dma_wait3A_142 = tpu.memref_slice %arg6[%dma_wait3A_140, %dma_wait3A_141] : memref<80x128xf32, #tpu.memory_space<vmem>> -> memref<80x128xf32, #tpu.memory_space<vmem>>
    %dma_wait3A_143 = arith.constant 0 : i32
    %dma_wait3A_144 = tpu.memref_slice %arg18[%add3A_139, %dma_wait3A_143] : memref<10240x128xf32, #tpu.memory_space<vmem_shared>> -> memref<80x128xf32, #tpu.memory_space<vmem_shared>>
    %dma_wait3A_145 = arith.constant 0 : i32
    %dma_wait3A_146 = tpu.memref_slice %arg18[%add3A_139, %dma_wait3A_145] : memref<10240x128xf32, #tpu.memory_space<vmem_shared>> -> memref<80x128xf32, #tpu.memory_space<vmem_shared>>
    %dma_wait3A_147 = arith.constant 0 : i32
    %dma_wait3A_148 = arith.constant 0 : i32
    %dma_wait3A_149 = tpu.memref_slice %arg6[%dma_wait3A_147, %dma_wait3A_148] : memref<80x128xf32, #tpu.memory_space<vmem>> -> memref<80x128xf32, #tpu.memory_space<vmem>>
    tpu.wait_dma2 semaphore(%arg19 : memref<!tpu.dma_semaphore, #tpu.memory_space<semaphore_mem>>) src(%dma_wait3A_149 : memref<80x128xf32, #tpu.memory_space<vmem>>) dst(%dma_wait3A_146 : memref<80x128xf32, #tpu.memory_space<vmem_shared>>)
    %add3A_150 = arith.constant 320 : i32
    %add3A_151 = arith.addi %mul3A_7, %add3A_150 : i32
    %dma_wait3A_152 = arith.constant 0 : i32
    %dma_wait3A_153 = arith.constant 0 : i32
    %dma_wait3A_154 = tpu.memref_slice %arg6[%dma_wait3A_152, %dma_wait3A_153] : memref<80x128xf32, #tpu.memory_space<vmem>> -> memref<80x128xf32, #tpu.memory_space<vmem>>
    %dma_wait3A_155 = arith.constant 0 : i32
    %dma_wait3A_156 = tpu.memref_slice %arg18[%add3A_151, %dma_wait3A_155] : memref<10240x128xf32, #tpu.memory_space<vmem_shared>> -> memref<80x128xf32, #tpu.memory_space<vmem_shared>>
    %dma_wait3A_157 = arith.constant 0 : i32
    %dma_wait3A_158 = tpu.memref_slice %arg18[%add3A_151, %dma_wait3A_157] : memref<10240x128xf32, #tpu.memory_space<vmem_shared>> -> memref<80x128xf32, #tpu.memory_space<vmem_shared>>
    %dma_wait3A_159 = arith.constant 0 : i32
    %dma_wait3A_160 = arith.constant 0 : i32
    %dma_wait3A_161 = tpu.memref_slice %arg6[%dma_wait3A_159, %dma_wait3A_160] : memref<80x128xf32, #tpu.memory_space<vmem>> -> memref<80x128xf32, #tpu.memory_space<vmem>>
    tpu.wait_dma2 semaphore(%arg19 : memref<!tpu.dma_semaphore, #tpu.memory_space<semaphore_mem>>) src(%dma_wait3A_161 : memref<80x128xf32, #tpu.memory_space<vmem>>) dst(%dma_wait3A_158 : memref<80x128xf32, #tpu.memory_space<vmem_shared>>)
    %add3A_162 = arith.constant 400 : i32
    %add3A_163 = arith.addi %mul3A_7, %add3A_162 : i32
    %dma_wait3A_164 = arith.constant 0 : i32
    %dma_wait3A_165 = arith.constant 0 : i32
    %dma_wait3A_166 = tpu.memref_slice %arg6[%dma_wait3A_164, %dma_wait3A_165] : memref<80x128xf32, #tpu.memory_space<vmem>> -> memref<80x128xf32, #tpu.memory_space<vmem>>
    %dma_wait3A_167 = arith.constant 0 : i32
    %dma_wait3A_168 = tpu.memref_slice %arg18[%add3A_163, %dma_wait3A_167] : memref<10240x128xf32, #tpu.memory_space<vmem_shared>> -> memref<80x128xf32, #tpu.memory_space<vmem_shared>>
    %dma_wait3A_169 = arith.constant 0 : i32
    %dma_wait3A_170 = tpu.memref_slice %arg18[%add3A_163, %dma_wait3A_169] : memref<10240x128xf32, #tpu.memory_space<vmem_shared>> -> memref<80x128xf32, #tpu.memory_space<vmem_shared>>
    %dma_wait3A_171 = arith.constant 0 : i32
    %dma_wait3A_172 = arith.constant 0 : i32
    %dma_wait3A_173 = tpu.memref_slice %arg6[%dma_wait3A_171, %dma_wait3A_172] : memref<80x128xf32, #tpu.memory_space<vmem>> -> memref<80x128xf32, #tpu.memory_space<vmem>>
    tpu.wait_dma2 semaphore(%arg19 : memref<!tpu.dma_semaphore, #tpu.memory_space<semaphore_mem>>) src(%dma_wait3A_173 : memref<80x128xf32, #tpu.memory_space<vmem>>) dst(%dma_wait3A_170 : memref<80x128xf32, #tpu.memory_space<vmem_shared>>)
    %add3A_174 = arith.constant 480 : i32
    %add3A_175 = arith.addi %mul3A_7, %add3A_174 : i32
    %dma_wait3A_176 = arith.constant 0 : i32
    %dma_wait3A_177 = arith.constant 0 : i32
    %dma_wait3A_178 = tpu.memref_slice %arg6[%dma_wait3A_176, %dma_wait3A_177] : memref<80x128xf32, #tpu.memory_space<vmem>> -> memref<80x128xf32, #tpu.memory_space<vmem>>
    %dma_wait3A_179 = arith.constant 0 : i32
    %dma_wait3A_180 = tpu.memref_slice %arg18[%add3A_175, %dma_wait3A_179] : memref<10240x128xf32, #tpu.memory_space<vmem_shared>> -> memref<80x128xf32, #tpu.memory_space<vmem_shared>>
    %dma_wait3A_181 = arith.constant 0 : i32
    %dma_wait3A_182 = tpu.memref_slice %arg18[%add3A_175, %dma_wait3A_181] : memref<10240x128xf32, #tpu.memory_space<vmem_shared>> -> memref<80x128xf32, #tpu.memory_space<vmem_shared>>
    %dma_wait3A_183 = arith.constant 0 : i32
    %dma_wait3A_184 = arith.constant 0 : i32
    %dma_wait3A_185 = tpu.memref_slice %arg6[%dma_wait3A_183, %dma_wait3A_184] : memref<80x128xf32, #tpu.memory_space<vmem>> -> memref<80x128xf32, #tpu.memory_space<vmem>>
    tpu.wait_dma2 semaphore(%arg19 : memref<!tpu.dma_semaphore, #tpu.memory_space<semaphore_mem>>) src(%dma_wait3A_185 : memref<80x128xf32, #tpu.memory_space<vmem>>) dst(%dma_wait3A_182 : memref<80x128xf32, #tpu.memory_space<vmem_shared>>)
    %add3A_186 = arith.constant 560 : i32
    %add3A_187 = arith.addi %mul3A_7, %add3A_186 : i32
    %dma_wait3A_188 = arith.constant 0 : i32
    %dma_wait3A_189 = arith.constant 0 : i32
    %dma_wait3A_190 = tpu.memref_slice %arg6[%dma_wait3A_188, %dma_wait3A_189] : memref<80x128xf32, #tpu.memory_space<vmem>> -> memref<80x128xf32, #tpu.memory_space<vmem>>
    %dma_wait3A_191 = arith.constant 0 : i32
    %dma_wait3A_192 = tpu.memref_slice %arg18[%add3A_187, %dma_wait3A_191] : memref<10240x128xf32, #tpu.memory_space<vmem_shared>> -> memref<80x128xf32, #tpu.memory_space<vmem_shared>>
    %dma_wait3A_193 = arith.constant 0 : i32
    %dma_wait3A_194 = tpu.memref_slice %arg18[%add3A_187, %dma_wait3A_193] : memref<10240x128xf32, #tpu.memory_space<vmem_shared>> -> memref<80x128xf32, #tpu.memory_space<vmem_shared>>
    %dma_wait3A_195 = arith.constant 0 : i32
    %dma_wait3A_196 = arith.constant 0 : i32
    %dma_wait3A_197 = tpu.memref_slice %arg6[%dma_wait3A_195, %dma_wait3A_196] : memref<80x128xf32, #tpu.memory_space<vmem>> -> memref<80x128xf32, #tpu.memory_space<vmem>>
    tpu.wait_dma2 semaphore(%arg19 : memref<!tpu.dma_semaphore, #tpu.memory_space<semaphore_mem>>) src(%dma_wait3A_197 : memref<80x128xf32, #tpu.memory_space<vmem>>) dst(%dma_wait3A_194 : memref<80x128xf32, #tpu.memory_space<vmem_shared>>)
    %barrier3A = arith.constant 0 : index
    tpu.barrier barrier_id(%barrier3A)
    %dma_start3A_198 = arith.constant 0 : i32
    %dma_start3A_199 = arith.constant 0 : i32
    %dma_start3A_200 = arith.constant 0 : i32
    %dma_start3A_201 = tpu.memref_slice %arg3[%add3A, %dma_start3A_198, %dma_start3A_199, %dma_start3A_200] : memref<32x250x2x80xi32, #tpu.memory_space<hbm>> -> memref<1x1x2x80xi32, #tpu.memory_space<hbm>>
    %dma_start3A_202 = tpu.memref_squeeze %dma_start3A_201 : memref<1x1x2x80xi32, #tpu.memory_space<hbm>> -> memref<2x80xi32, #tpu.memory_space<hbm>>
    %dma_start3A_203 = arith.constant 0 : i32
    %dma_start3A_204 = arith.constant 0 : i32
    %dma_start3A_205 = tpu.memref_slice %arg3[%add3A, %dma_start3A_198, %dma_start3A_203, %dma_start3A_204] : memref<32x250x2x80xi32, #tpu.memory_space<hbm>> -> memref<1x1x2x80xi32, #tpu.memory_space<hbm>>
    %dma_start3A_206 = tpu.memref_squeeze %dma_start3A_205 : memref<1x1x2x80xi32, #tpu.memory_space<hbm>> -> memref<2x80xi32, #tpu.memory_space<hbm>>
    tpu.enqueue_dma source(%dma_start3A_206 : memref<2x80xi32, #tpu.memory_space<hbm>>) target(%arg14 : memref<2x80xi32, #tpu.memory_space<vmem>>) target_semaphore(%arg19 : memref<!tpu.dma_semaphore, #tpu.memory_space<semaphore_mem>>)
    %mul3A_207 = arith.constant 20000 : i32
    %mul3A_208 = arith.muli %add3A, %mul3A_207 : i32
    %add3A_209 = arith.constant 0 : i32
    %add3A_210 = arith.addi %mul3A_208, %add3A_209 : i32
    %mul3A_211 = arith.constant 4 : i32
    %mul3A_212 = arith.muli %add3A_210, %mul3A_211 : i32
    %dma_start3A_213 = arith.constant 0 : i32
    %dma_start3A_214 = tpu.memref_slice %arg10[%dma_start3A_213] : memref<336xf32, #tpu.memory_space<vmem>> -> memref<320xf32, #tpu.memory_space<vmem>>
    %dma_start3A_215 = tpu.memref_slice %arg4[%mul3A_212] : memref<2560000xf32, #tpu.memory_space<hbm>> -> memref<320xf32, #tpu.memory_space<hbm>>
    %dma_start3A_216 = arith.constant 0 : i32
    %dma_start3A_217 = tpu.memref_slice %arg10[%dma_start3A_216] : memref<336xf32, #tpu.memory_space<vmem>> -> memref<320xf32, #tpu.memory_space<vmem>>
    %dma_start3A_218 = tpu.memref_slice %arg4[%mul3A_212] : memref<2560000xf32, #tpu.memory_space<hbm>> -> memref<320xf32, #tpu.memory_space<hbm>>
    tpu.enqueue_dma source(%dma_start3A_218 : memref<320xf32, #tpu.memory_space<hbm>>) target(%dma_start3A_217 : memref<320xf32, #tpu.memory_space<vmem>>) target_semaphore(%arg19 : memref<!tpu.dma_semaphore, #tpu.memory_space<semaphore_mem>>)
    %dma_start3A_219 = arith.constant 1 : i32
    %dma_start3A_220 = arith.constant 0 : i32
    %dma_start3A_221 = arith.constant 0 : i32
    %dma_start3A_222 = tpu.memref_slice %arg3[%add3A, %dma_start3A_219, %dma_start3A_220, %dma_start3A_221] : memref<32x250x2x80xi32, #tpu.memory_space<hbm>> -> memref<1x1x2x80xi32, #tpu.memory_space<hbm>>
    %dma_start3A_223 = tpu.memref_squeeze %dma_start3A_222 : memref<1x1x2x80xi32, #tpu.memory_space<hbm>> -> memref<2x80xi32, #tpu.memory_space<hbm>>
    %dma_start3A_224 = arith.constant 0 : i32
    %dma_start3A_225 = arith.constant 0 : i32
    %dma_start3A_226 = tpu.memref_slice %arg3[%add3A, %dma_start3A_219, %dma_start3A_224, %dma_start3A_225] : memref<32x250x2x80xi32, #tpu.memory_space<hbm>> -> memref<1x1x2x80xi32, #tpu.memory_space<hbm>>
    %dma_start3A_227 = tpu.memref_squeeze %dma_start3A_226 : memref<1x1x2x80xi32, #tpu.memory_space<hbm>> -> memref<2x80xi32, #tpu.memory_space<hbm>>
    tpu.enqueue_dma source(%dma_start3A_227 : memref<2x80xi32, #tpu.memory_space<hbm>>) target(%arg15 : memref<2x80xi32, #tpu.memory_space<vmem>>) target_semaphore(%arg20 : memref<!tpu.dma_semaphore, #tpu.memory_space<semaphore_mem>>)
    %mul3A_228 = arith.constant 20000 : i32
    %mul3A_229 = arith.muli %add3A, %mul3A_228 : i32
    %add3A_230 = arith.constant 80 : i32
    %add3A_231 = arith.addi %mul3A_229, %add3A_230 : i32
    %mul3A_232 = arith.constant 4 : i32
    %mul3A_233 = arith.muli %add3A_231, %mul3A_232 : i32
    %dma_start3A_234 = arith.constant 0 : i32
    %dma_start3A_235 = tpu.memref_slice %arg11[%dma_start3A_234] : memref<336xf32, #tpu.memory_space<vmem>> -> memref<320xf32, #tpu.memory_space<vmem>>
    %dma_start3A_236 = tpu.memref_slice %arg4[%mul3A_233] : memref<2560000xf32, #tpu.memory_space<hbm>> -> memref<320xf32, #tpu.memory_space<hbm>>
    %dma_start3A_237 = arith.constant 0 : i32
    %dma_start3A_238 = tpu.memref_slice %arg11[%dma_start3A_237] : memref<336xf32, #tpu.memory_space<vmem>> -> memref<320xf32, #tpu.memory_space<vmem>>
    %dma_start3A_239 = tpu.memref_slice %arg4[%mul3A_233] : memref<2560000xf32, #tpu.memory_space<hbm>> -> memref<320xf32, #tpu.memory_space<hbm>>
    tpu.enqueue_dma source(%dma_start3A_239 : memref<320xf32, #tpu.memory_space<hbm>>) target(%dma_start3A_238 : memref<320xf32, #tpu.memory_space<vmem>>) target_semaphore(%arg20 : memref<!tpu.dma_semaphore, #tpu.memory_space<semaphore_mem>>)
    %dma_wait3A_240 = arith.constant 0 : i32
    %dma_wait3A_241 = arith.constant 0 : i32
    %dma_wait3A_242 = arith.constant 0 : i32
    %dma_wait3A_243 = tpu.memref_slice %arg3[%add3A, %dma_wait3A_240, %dma_wait3A_241, %dma_wait3A_242] : memref<32x250x2x80xi32, #tpu.memory_space<hbm>> -> memref<1x1x2x80xi32, #tpu.memory_space<hbm>>
    %dma_wait3A_244 = tpu.memref_squeeze %dma_wait3A_243 : memref<1x1x2x80xi32, #tpu.memory_space<hbm>> -> memref<2x80xi32, #tpu.memory_space<hbm>>
    %dma_wait3A_245 = arith.constant 0 : i32
    %dma_wait3A_246 = arith.constant 0 : i32
    %dma_wait3A_247 = tpu.memref_slice %arg3[%add3A, %dma_wait3A_240, %dma_wait3A_245, %dma_wait3A_246] : memref<32x250x2x80xi32, #tpu.memory_space<hbm>> -> memref<1x1x2x80xi32, #tpu.memory_space<hbm>>
    %dma_wait3A_248 = tpu.memref_squeeze %dma_wait3A_247 : memref<1x1x2x80xi32, #tpu.memory_space<hbm>> -> memref<2x80xi32, #tpu.memory_space<hbm>>
    tpu.wait_dma2 semaphore(%arg19 : memref<!tpu.dma_semaphore, #tpu.memory_space<semaphore_mem>>) src(%dma_wait3A_248 : memref<2x80xi32, #tpu.memory_space<hbm>>) dst(%arg14 : memref<2x80xi32, #tpu.memory_space<vmem>>)
    %mul3A_249 = arith.constant 20000 : i32
    %mul3A_250 = arith.muli %add3A, %mul3A_249 : i32
    %add3A_251 = arith.constant 0 : i32
    %add3A_252 = arith.addi %mul3A_250, %add3A_251 : i32
    %mul3A_253 = arith.constant 4 : i32
    %mul3A_254 = arith.muli %add3A_252, %mul3A_253 : i32
    %dma_wait3A_255 = arith.constant 0 : i32
    %dma_wait3A_256 = tpu.memref_slice %arg10[%dma_wait3A_255] : memref<336xf32, #tpu.memory_space<vmem>> -> memref<320xf32, #tpu.memory_space<vmem>>
    %dma_wait3A_257 = tpu.memref_slice %arg4[%mul3A_254] : memref<2560000xf32, #tpu.memory_space<hbm>> -> memref<320xf32, #tpu.memory_space<hbm>>
    %dma_wait3A_258 = arith.constant 0 : i32
    %dma_wait3A_259 = tpu.memref_slice %arg10[%dma_wait3A_258] : memref<336xf32, #tpu.memory_space<vmem>> -> memref<320xf32, #tpu.memory_space<vmem>>
    %dma_wait3A_260 = tpu.memref_slice %arg4[%mul3A_254] : memref<2560000xf32, #tpu.memory_space<hbm>> -> memref<320xf32, #tpu.memory_space<hbm>>
    tpu.wait_dma2 semaphore(%arg19 : memref<!tpu.dma_semaphore, #tpu.memory_space<semaphore_mem>>) src(%dma_wait3A_260 : memref<320xf32, #tpu.memory_space<hbm>>) dst(%dma_wait3A_259 : memref<320xf32, #tpu.memory_space<vmem>>)
    %dma_start3A_261 = arith.constant 0 : i32
    %dma_start3A_262 = arith.constant 0 : i32
    %dma_start3A_263 = tpu.memref_slice %arg14[%dma_start3A_261, %dma_start3A_262] : memref<2x80xi32, #tpu.memory_space<vmem>> -> memref<1x80xi32, #tpu.memory_space<vmem>>
    %dma_start3A_264 = tpu.memref_squeeze %dma_start3A_263 : memref<1x80xi32, #tpu.memory_space<vmem>> -> memref<80xi32, #tpu.memory_space<vmem>>
    %dma_start3A_265 = arith.constant 0 : i32
    %dma_start3A_266 = arith.constant 0 : i32
    %dma_start3A_267 = tpu.memref_slice %arg2[%dma_start3A_265, %dma_start3A_266] : memref<10000x128xf32, #tpu.memory_space<hbm>> -> memref<10000x128xf32, #tpu.memory_space<hbm>>
    tpu.enqueue_indirect_dma source(%dma_start3A_267 : memref<10000x128xf32, #tpu.memory_space<hbm>>) target(%arg6 : memref<80x128xf32, #tpu.memory_space<vmem>>) offsets(%dma_start3A_264 : memref<80xi32, #tpu.memory_space<vmem>>) semaphore(%arg23 : memref<!tpu.dma_semaphore, #tpu.memory_space<semaphore_mem>>)
    %scan3A_268 = arith.constant 0 : i32
    %scan3A_269 = arith.constant 63 : i32
    %scan3A_270 = arith.addi %scan3A_268, %scan3A_269 : i32
    %scan3A_271 = arith.constant 1 : i32
    scf.for %scan3A_514 = %scan3A_268 to %scan3A_270 step %scan3A_271  : i32 {
      %mul3A_515 = arith.constant 4 : i32
      %mul3A_516 = arith.muli %scan3A_514, %mul3A_515 : i32
      %add3A_517 = arith.constant 0 : i32
      %add3A_518 = arith.addi %add3A_517, %mul3A_516 : i32
      %add3A_519 = arith.constant 0 : i32
      %add3A_520 = arith.addi %add3A_518, %add3A_519 : i32
      %ge3A = arith.constant 2 : i32
      %ge3A_521 = arith.cmpi sge, %add3A_520, %ge3A : i32
      %convert_element_type3A = arith.extui %ge3A_521 : i1 to i32
      %cond3A = arith.constant 0 : i32
      %cond3A_522 = arith.cmpi ne, %convert_element_type3A, %cond3A : i32
      scf.if %cond3A_522 {
        %sub3A = arith.constant 2 : i32
        %sub3A_619 = arith.subi %add3A_520, %sub3A : i32
        %dma_wait3A_620 = arith.constant 1 : i32
        %dma_wait3A_621 = arith.constant 0 : i32
        %dma_wait3A_622 = tpu.memref_slice %arg16[%dma_wait3A_620, %dma_wait3A_621] : memref<2x80xi32, #tpu.memory_space<vmem>> -> memref<1x80xi32, #tpu.memory_space<vmem>>
        %dma_wait3A_623 = tpu.memref_squeeze %dma_wait3A_622 : memref<1x80xi32, #tpu.memory_space<vmem>> -> memref<80xi32, #tpu.memory_space<vmem>>
        %dma_wait3A_624 = arith.constant 0 : i32
        %dma_wait3A_625 = arith.constant 0 : i32
        %dma_wait3A_626 = tpu.memref_slice %arg18[%dma_wait3A_624, %dma_wait3A_625] : memref<10240x128xf32, #tpu.memory_space<vmem_shared>> -> memref<10240x128xf32, #tpu.memory_space<vmem_shared>>
        tpu.wait_indirect_dma semaphore(%arg29 : memref<!tpu.dma_semaphore, #tpu.memory_space<semaphore_mem>>) src(%arg8 : memref<80x128xf32, #tpu.memory_space<vmem>>) dst(%dma_wait3A_626 : memref<10240x128xf32, #tpu.memory_space<vmem_shared>>)
      } else {
      }
      %add3A_523 = arith.constant 2 : i32
      %add3A_524 = arith.addi %add3A_520, %add3A_523 : i32
      %lt3A = arith.constant 250 : i32
      %lt3A_525 = arith.cmpi slt, %add3A_524, %lt3A : i32
      %convert_element_type3A_526 = arith.extui %lt3A_525 : i1 to i32
      %cond3A_527 = arith.constant 0 : i32
      %cond3A_528 = arith.cmpi ne, %convert_element_type3A_526, %cond3A_527 : i32
      scf.if %cond3A_528 {
        %add3A_619 = arith.constant 2 : i32
        %add3A_620 = arith.addi %add3A_520, %add3A_619 : i32
        %dma_start3A_621 = arith.constant 0 : i32
        %dma_start3A_622 = arith.constant 0 : i32
        %dma_start3A_623 = tpu.memref_slice %arg3[%add3A, %add3A_620, %dma_start3A_621, %dma_start3A_622] : memref<32x250x2x80xi32, #tpu.memory_space<hbm>> -> memref<1x1x2x80xi32, #tpu.memory_space<hbm>>
        %dma_start3A_624 = tpu.memref_squeeze %dma_start3A_623 : memref<1x1x2x80xi32, #tpu.memory_space<hbm>> -> memref<2x80xi32, #tpu.memory_space<hbm>>
        %dma_start3A_625 = arith.constant 0 : i32
        %dma_start3A_626 = arith.constant 0 : i32
        %dma_start3A_627 = tpu.memref_slice %arg3[%add3A, %add3A_620, %dma_start3A_625, %dma_start3A_626] : memref<32x250x2x80xi32, #tpu.memory_space<hbm>> -> memref<1x1x2x80xi32, #tpu.memory_space<hbm>>
        %dma_start3A_628 = tpu.memref_squeeze %dma_start3A_627 : memref<1x1x2x80xi32, #tpu.memory_space<hbm>> -> memref<2x80xi32, #tpu.memory_space<hbm>>
        tpu.enqueue_dma source(%dma_start3A_628 : memref<2x80xi32, #tpu.memory_space<hbm>>) target(%arg16 : memref<2x80xi32, #tpu.memory_space<vmem>>) target_semaphore(%arg21 : memref<!tpu.dma_semaphore, #tpu.memory_space<semaphore_mem>>)
        %mul3A_629 = arith.constant 20000 : i32
        %mul3A_630 = arith.muli %add3A, %mul3A_629 : i32
        %mul3A_631 = arith.constant 80 : i32
        %mul3A_632 = arith.muli %add3A_620, %mul3A_631 : i32
        %add3A_633 = arith.addi %mul3A_630, %mul3A_632 : i32
        %mul3A_634 = arith.constant 4 : i32
        %mul3A_635 = arith.muli %add3A_633, %mul3A_634 : i32
        %dma_start3A_636 = arith.constant 0 : i32
        %dma_start3A_637 = tpu.memref_slice %arg12[%dma_start3A_636] : memref<336xf32, #tpu.memory_space<vmem>> -> memref<320xf32, #tpu.memory_space<vmem>>
        %dma_start3A_638 = tpu.memref_slice %arg4[%mul3A_635] : memref<2560000xf32, #tpu.memory_space<hbm>> -> memref<320xf32, #tpu.memory_space<hbm>>
        %dma_start3A_639 = arith.constant 0 : i32
        %dma_start3A_640 = tpu.memref_slice %arg12[%dma_start3A_639] : memref<336xf32, #tpu.memory_space<vmem>> -> memref<320xf32, #tpu.memory_space<vmem>>
        %dma_start3A_641 = tpu.memref_slice %arg4[%mul3A_635] : memref<2560000xf32, #tpu.memory_space<hbm>> -> memref<320xf32, #tpu.memory_space<hbm>>
        tpu.enqueue_dma source(%dma_start3A_641 : memref<320xf32, #tpu.memory_space<hbm>>) target(%dma_start3A_640 : memref<320xf32, #tpu.memory_space<vmem>>) target_semaphore(%arg21 : memref<!tpu.dma_semaphore, #tpu.memory_space<semaphore_mem>>)
      } else {
      }
      %add3A_529 = arith.constant 1 : i32
      %add3A_530 = arith.addi %add3A_520, %add3A_529 : i32
      %lt3A_531 = arith.constant 250 : i32
      %lt3A_532 = arith.cmpi slt, %add3A_530, %lt3A_531 : i32
      %convert_element_type3A_533 = arith.extui %lt3A_532 : i1 to i32
      %cond3A_534 = arith.constant 0 : i32
      %cond3A_535 = arith.cmpi ne, %convert_element_type3A_533, %cond3A_534 : i32
      scf.if %cond3A_535 {
        %add3A_619 = arith.constant 1 : i32
        %add3A_620 = arith.addi %add3A_520, %add3A_619 : i32
        %dma_wait3A_621 = arith.constant 0 : i32
        %dma_wait3A_622 = arith.constant 0 : i32
        %dma_wait3A_623 = tpu.memref_slice %arg3[%add3A, %add3A_620, %dma_wait3A_621, %dma_wait3A_622] : memref<32x250x2x80xi32, #tpu.memory_space<hbm>> -> memref<1x1x2x80xi32, #tpu.memory_space<hbm>>
        %dma_wait3A_624 = tpu.memref_squeeze %dma_wait3A_623 : memref<1x1x2x80xi32, #tpu.memory_space<hbm>> -> memref<2x80xi32, #tpu.memory_space<hbm>>
        %dma_wait3A_625 = arith.constant 0 : i32
        %dma_wait3A_626 = arith.constant 0 : i32
        %dma_wait3A_627 = tpu.memref_slice %arg3[%add3A, %add3A_620, %dma_wait3A_625, %dma_wait3A_626] : memref<32x250x2x80xi32, #tpu.memory_space<hbm>> -> memref<1x1x2x80xi32, #tpu.memory_space<hbm>>
        %dma_wait3A_628 = tpu.memref_squeeze %dma_wait3A_627 : memref<1x1x2x80xi32, #tpu.memory_space<hbm>> -> memref<2x80xi32, #tpu.memory_space<hbm>>
        tpu.wait_dma2 semaphore(%arg20 : memref<!tpu.dma_semaphore, #tpu.memory_space<semaphore_mem>>) src(%dma_wait3A_628 : memref<2x80xi32, #tpu.memory_space<hbm>>) dst(%arg15 : memref<2x80xi32, #tpu.memory_space<vmem>>)
        %mul3A_629 = arith.constant 20000 : i32
        %mul3A_630 = arith.muli %add3A, %mul3A_629 : i32
        %mul3A_631 = arith.constant 80 : i32
        %mul3A_632 = arith.muli %add3A_620, %mul3A_631 : i32
        %add3A_633 = arith.addi %mul3A_630, %mul3A_632 : i32
        %mul3A_634 = arith.constant 4 : i32
        %mul3A_635 = arith.muli %add3A_633, %mul3A_634 : i32
        %dma_wait3A_636 = arith.constant 0 : i32
        %dma_wait3A_637 = tpu.memref_slice %arg11[%dma_wait3A_636] : memref<336xf32, #tpu.memory_space<vmem>> -> memref<320xf32, #tpu.memory_space<vmem>>
        %dma_wait3A_638 = tpu.memref_slice %arg4[%mul3A_635] : memref<2560000xf32, #tpu.memory_space<hbm>> -> memref<320xf32, #tpu.memory_space<hbm>>
        %dma_wait3A_639 = arith.constant 0 : i32
        %dma_wait3A_640 = tpu.memref_slice %arg11[%dma_wait3A_639] : memref<336xf32, #tpu.memory_space<vmem>> -> memref<320xf32, #tpu.memory_space<vmem>>
        %dma_wait3A_641 = tpu.memref_slice %arg4[%mul3A_635] : memref<2560000xf32, #tpu.memory_space<hbm>> -> memref<320xf32, #tpu.memory_space<hbm>>
        tpu.wait_dma2 semaphore(%arg20 : memref<!tpu.dma_semaphore, #tpu.memory_space<semaphore_mem>>) src(%dma_wait3A_641 : memref<320xf32, #tpu.memory_space<hbm>>) dst(%dma_wait3A_640 : memref<320xf32, #tpu.memory_space<vmem>>)
        %add3A_642 = arith.constant 1 : i32
        %add3A_643 = arith.addi %add3A_520, %add3A_642 : i32
        %dma_start3A_644 = arith.constant 0 : i32
        %dma_start3A_645 = arith.constant 0 : i32
        %dma_start3A_646 = tpu.memref_slice %arg15[%dma_start3A_644, %dma_start3A_645] : memref<2x80xi32, #tpu.memory_space<vmem>> -> memref<1x80xi32, #tpu.memory_space<vmem>>
        %dma_start3A_647 = tpu.memref_squeeze %dma_start3A_646 : memref<1x80xi32, #tpu.memory_space<vmem>> -> memref<80xi32, #tpu.memory_space<vmem>>
        %dma_start3A_648 = arith.constant 0 : i32
        %dma_start3A_649 = arith.constant 0 : i32
        %dma_start3A_650 = tpu.memref_slice %arg2[%dma_start3A_648, %dma_start3A_649] : memref<10000x128xf32, #tpu.memory_space<hbm>> -> memref<10000x128xf32, #tpu.memory_space<hbm>>
        tpu.enqueue_indirect_dma source(%dma_start3A_650 : memref<10000x128xf32, #tpu.memory_space<hbm>>) target(%arg7 : memref<80x128xf32, #tpu.memory_space<vmem>>) offsets(%dma_start3A_647 : memref<80xi32, #tpu.memory_space<vmem>>) semaphore(%arg24 : memref<!tpu.dma_semaphore, #tpu.memory_space<semaphore_mem>>)
      } else {
      }
      %lt3A_536 = arith.constant 250 : i32
      %lt3A_537 = arith.cmpi slt, %add3A_520, %lt3A_536 : i32
      %convert_element_type3A_538 = arith.extui %lt3A_537 : i1 to i32
      %cond3A_539 = arith.constant 0 : i32
      %cond3A_540 = arith.cmpi ne, %convert_element_type3A_538, %cond3A_539 : i32
      scf.if %cond3A_540 {
        %dma_wait3A_619 = arith.constant 0 : i32
        %dma_wait3A_620 = arith.constant 0 : i32
        %dma_wait3A_621 = tpu.memref_slice %arg14[%dma_wait3A_619, %dma_wait3A_620] : memref<2x80xi32, #tpu.memory_space<vmem>> -> memref<1x80xi32, #tpu.memory_space<vmem>>
        %dma_wait3A_622 = tpu.memref_squeeze %dma_wait3A_621 : memref<1x80xi32, #tpu.memory_space<vmem>> -> memref<80xi32, #tpu.memory_space<vmem>>
        %dma_wait3A_623 = arith.constant 0 : i32
        %dma_wait3A_624 = arith.constant 0 : i32
        %dma_wait3A_625 = tpu.memref_slice %arg2[%dma_wait3A_623, %dma_wait3A_624] : memref<10000x128xf32, #tpu.memory_space<hbm>> -> memref<10000x128xf32, #tpu.memory_space<hbm>>
        tpu.wait_indirect_dma semaphore(%arg23 : memref<!tpu.dma_semaphore, #tpu.memory_space<semaphore_mem>>) src(%dma_wait3A_625 : memref<10000x128xf32, #tpu.memory_space<hbm>>) dst(%arg6 : memref<80x128xf32, #tpu.memory_space<vmem>>)
        %scan3A_626 = arith.constant 0 : i32
        %scan3A_627 = arith.constant 80 : i32
        %scan3A_628 = arith.addi %scan3A_626, %scan3A_627 : i32
        %scan3A_629 = arith.constant 4 : i32
        scf.for %scan3A_638 = %scan3A_626 to %scan3A_628 step %scan3A_629  : i32 {
          %mul3A_639 = arith.constant 1 : i32
          %mul3A_640 = arith.muli %scan3A_638, %mul3A_639 : i32
          %add3A_641 = arith.constant 0 : i32
          %add3A_642 = arith.addi %add3A_641, %mul3A_640 : i32
          %mul3A_643 = arith.constant 4 : i32
          %mul3A_644 = arith.muli %add3A_642, %mul3A_643 : i32
          %get3A = arith.index_cast %mul3A_644 : i32 to index
          %get3A_645 = tpu.vector_load %arg10[%get3A] {strides = array<i32>} : memref<336xf32, #tpu.memory_space<vmem>>, vector<16xf32>,
          %slice3A = vector.extract_strided_slice %get3A_645 {offsets = [0], sizes = [1], strides = [1]} : vector<16xf32> to vector<1xf32>
          %squeeze3A = vector.extract %slice3A[0] : f32 from vector<1xf32>
          %broadcast_in_dim3A_646 = vector.broadcast %squeeze3A : f32 to vector<16xf32>
          %get3A_647 = arith.index_cast %add3A_642 : i32 to index
          %get3A_648 = arith.constant 0 : index
          %get3A_649 = tpu.vector_load %arg6[%get3A_647, %get3A_648] {strides = array<i32>} : memref<80x128xf32, #tpu.memory_space<vmem>>, vector<16xf32>,
          %mul3A_650 = arith.mulf %get3A_649, %broadcast_in_dim3A_646 : vector<16xf32>
          %swap3A = arith.index_cast %add3A_642 : i32 to index
          %swap3A_651 = arith.constant 0 : index
          %swap3A_652 = tpu.vector_load %arg6[%swap3A, %swap3A_651] {strides = array<i32>} : memref<80x128xf32, #tpu.memory_space<vmem>>, vector<16xf32>,
          tpu.vector_store %arg6[%swap3A, %swap3A_651], %mul3A_650 {strides = array<i32>} : memref<80x128xf32, #tpu.memory_space<vmem>>, vector<16xf32>,
          %get3A_653 = arith.index_cast %add3A_642 : i32 to index
          %get3A_654 = arith.constant 16 : index
          %get3A_655 = tpu.vector_load %arg6[%get3A_653, %get3A_654] {strides = array<i32>} : memref<80x128xf32, #tpu.memory_space<vmem>>, vector<16xf32>,
          %mul3A_656 = arith.mulf %get3A_655, %broadcast_in_dim3A_646 : vector<16xf32>
          %swap3A_657 = arith.index_cast %add3A_642 : i32 to index
          %swap3A_658 = arith.constant 16 : index
          %swap3A_659 = tpu.vector_load %arg6[%swap3A_657, %swap3A_658] {strides = array<i32>} : memref<80x128xf32, #tpu.memory_space<vmem>>, vector<16xf32>,
          tpu.vector_store %arg6[%swap3A_657, %swap3A_658], %mul3A_656 {strides = array<i32>} : memref<80x128xf32, #tpu.memory_space<vmem>>, vector<16xf32>,
          %slice3A_660 = vector.extract_strided_slice %get3A_645 {offsets = [1], sizes = [1], strides = [1]} : vector<16xf32> to vector<1xf32>
          %squeeze3A_661 = vector.extract %slice3A_660[0] : f32 from vector<1xf32>
          %broadcast_in_dim3A_662 = vector.broadcast %squeeze3A_661 : f32 to vector<16xf32>
          %get3A_663 = arith.index_cast %add3A_642 : i32 to index
          %get3A_664 = arith.constant 32 : index
          %get3A_665 = tpu.vector_load %arg6[%get3A_663, %get3A_664] {strides = array<i32>} : memref<80x128xf32, #tpu.memory_space<vmem>>, vector<16xf32>,
          %mul3A_666 = arith.mulf %get3A_665, %broadcast_in_dim3A_662 : vector<16xf32>
          %swap3A_667 = arith.index_cast %add3A_642 : i32 to index
          %swap3A_668 = arith.constant 32 : index
          %swap3A_669 = tpu.vector_load %arg6[%swap3A_667, %swap3A_668] {strides = array<i32>} : memref<80x128xf32, #tpu.memory_space<vmem>>, vector<16xf32>,
          tpu.vector_store %arg6[%swap3A_667, %swap3A_668], %mul3A_666 {strides = array<i32>} : memref<80x128xf32, #tpu.memory_space<vmem>>, vector<16xf32>,
          %get3A_670 = arith.index_cast %add3A_642 : i32 to index
          %get3A_671 = arith.constant 48 : index
          %get3A_672 = tpu.vector_load %arg6[%get3A_670, %get3A_671] {strides = array<i32>} : memref<80x128xf32, #tpu.memory_space<vmem>>, vector<16xf32>,
          %mul3A_673 = arith.mulf %get3A_672, %broadcast_in_dim3A_662 : vector<16xf32>
          %swap3A_674 = arith.index_cast %add3A_642 : i32 to index
          %swap3A_675 = arith.constant 48 : index
          %swap3A_676 = tpu.vector_load %arg6[%swap3A_674, %swap3A_675] {strides = array<i32>} : memref<80x128xf32, #tpu.memory_space<vmem>>, vector<16xf32>,
          tpu.vector_store %arg6[%swap3A_674, %swap3A_675], %mul3A_673 {strides = array<i32>} : memref<80x128xf32, #tpu.memory_space<vmem>>, vector<16xf32>,
          %slice3A_677 = vector.extract_strided_slice %get3A_645 {offsets = [2], sizes = [1], strides = [1]} : vector<16xf32> to vector<1xf32>
          %squeeze3A_678 = vector.extract %slice3A_677[0] : f32 from vector<1xf32>
          %broadcast_in_dim3A_679 = vector.broadcast %squeeze3A_678 : f32 to vector<16xf32>
          %get3A_680 = arith.index_cast %add3A_642 : i32 to index
          %get3A_681 = arith.constant 64 : index
          %get3A_682 = tpu.vector_load %arg6[%get3A_680, %get3A_681] {strides = array<i32>} : memref<80x128xf32, #tpu.memory_space<vmem>>, vector<16xf32>,
          %mul3A_683 = arith.mulf %get3A_682, %broadcast_in_dim3A_679 : vector<16xf32>
          %swap3A_684 = arith.index_cast %add3A_642 : i32 to index
          %swap3A_685 = arith.constant 64 : index
          %swap3A_686 = tpu.vector_load %arg6[%swap3A_684, %swap3A_685] {strides = array<i32>} : memref<80x128xf32, #tpu.memory_space<vmem>>, vector<16xf32>,
          tpu.vector_store %arg6[%swap3A_684, %swap3A_685], %mul3A_683 {strides = array<i32>} : memref<80x128xf32, #tpu.memory_space<vmem>>, vector<16xf32>,
          %get3A_687 = arith.index_cast %add3A_642 : i32 to index
          %get3A_688 = arith.constant 80 : index
          %get3A_689 = tpu.vector_load %arg6[%get3A_687, %get3A_688] {strides = array<i32>} : memref<80x128xf32, #tpu.memory_space<vmem>>, vector<16xf32>,
          %mul3A_690 = arith.mulf %get3A_689, %broadcast_in_dim3A_679 : vector<16xf32>
          %swap3A_691 = arith.index_cast %add3A_642 : i32 to index
          %swap3A_692 = arith.constant 80 : index
          %swap3A_693 = tpu.vector_load %arg6[%swap3A_691, %swap3A_692] {strides = array<i32>} : memref<80x128xf32, #tpu.memory_space<vmem>>, vector<16xf32>,
          tpu.vector_store %arg6[%swap3A_691, %swap3A_692], %mul3A_690 {strides = array<i32>} : memref<80x128xf32, #tpu.memory_space<vmem>>, vector<16xf32>,
          %slice3A_694 = vector.extract_strided_slice %get3A_645 {offsets = [3], sizes = [1], strides = [1]} : vector<16xf32> to vector<1xf32>
          %squeeze3A_695 = vector.extract %slice3A_694[0] : f32 from vector<1xf32>
          %broadcast_in_dim3A_696 = vector.broadcast %squeeze3A_695 : f32 to vector<16xf32>
          %get3A_697 = arith.index_cast %add3A_642 : i32 to index
          %get3A_698 = arith.constant 96 : index
          %get3A_699 = tpu.vector_load %arg6[%get3A_697, %get3A_698] {strides = array<i32>} : memref<80x128xf32, #tpu.memory_space<vmem>>, vector<16xf32>,
          %mul3A_700 = arith.mulf %get3A_699, %broadcast_in_dim3A_696 : vector<16xf32>
          %swap3A_701 = arith.index_cast %add3A_642 : i32 to index
          %swap3A_702 = arith.constant 96 : index
          %swap3A_703 = tpu.vector_load %arg6[%swap3A_701, %swap3A_702] {strides = array<i32>} : memref<80x128xf32, #tpu.memory_space<vmem>>, vector<16xf32>,
          tpu.vector_store %arg6[%swap3A_701, %swap3A_702], %mul3A_700 {strides = array<i32>} : memref<80x128xf32, #tpu.memory_space<vmem>>, vector<16xf32>,
          %get3A_704 = arith.index_cast %add3A_642 : i32 to index
          %get3A_705 = arith.constant 112 : index
          %get3A_706 = tpu.vector_load %arg6[%get3A_704, %get3A_705] {strides = array<i32>} : memref<80x128xf32, #tpu.memory_space<vmem>>, vector<16xf32>,
          %mul3A_707 = arith.mulf %get3A_706, %broadcast_in_dim3A_696 : vector<16xf32>
          %swap3A_708 = arith.index_cast %add3A_642 : i32 to index
          %swap3A_709 = arith.constant 112 : index
          %swap3A_710 = tpu.vector_load %arg6[%swap3A_708, %swap3A_709] {strides = array<i32>} : memref<80x128xf32, #tpu.memory_space<vmem>>, vector<16xf32>,
          tpu.vector_store %arg6[%swap3A_708, %swap3A_709], %mul3A_707 {strides = array<i32>} : memref<80x128xf32, #tpu.memory_space<vmem>>, vector<16xf32>,
          %scan3A_711 = arith.constant 1 : i32
          %scan3A_712 = arith.addi %scan3A_638, %scan3A_711 : i32
          %mul3A_713 = arith.constant 1 : i32
          %mul3A_714 = arith.muli %scan3A_712, %mul3A_713 : i32
          %add3A_715 = arith.constant 0 : i32
          %add3A_716 = arith.addi %add3A_715, %mul3A_714 : i32
          %mul3A_717 = arith.constant 4 : i32
          %mul3A_718 = arith.muli %add3A_716, %mul3A_717 : i32
          %get3A_719 = arith.index_cast %mul3A_718 : i32 to index
          %get3A_720 = tpu.vector_load %arg10[%get3A_719] {strides = array<i32>} : memref<336xf32, #tpu.memory_space<vmem>>, vector<16xf32>,
          %slice3A_721 = vector.extract_strided_slice %get3A_720 {offsets = [0], sizes = [1], strides = [1]} : vector<16xf32> to vector<1xf32>
          %squeeze3A_722 = vector.extract %slice3A_721[0] : f32 from vector<1xf32>
          %broadcast_in_dim3A_723 = vector.broadcast %squeeze3A_722 : f32 to vector<16xf32>
          %get3A_724 = arith.index_cast %add3A_716 : i32 to index
          %get3A_725 = arith.constant 0 : index
          %get3A_726 = tpu.vector_load %arg6[%get3A_724, %get3A_725] {strides = array<i32>} : memref<80x128xf32, #tpu.memory_space<vmem>>, vector<16xf32>,
          %mul3A_727 = arith.mulf %get3A_726, %broadcast_in_dim3A_723 : vector<16xf32>
          %swap3A_728 = arith.index_cast %add3A_716 : i32 to index
          %swap3A_729 = arith.constant 0 : index
          %swap3A_730 = tpu.vector_load %arg6[%swap3A_728, %swap3A_729] {strides = array<i32>} : memref<80x128xf32, #tpu.memory_space<vmem>>, vector<16xf32>,
          tpu.vector_store %arg6[%swap3A_728, %swap3A_729], %mul3A_727 {strides = array<i32>} : memref<80x128xf32, #tpu.memory_space<vmem>>, vector<16xf32>,
          %get3A_731 = arith.index_cast %add3A_716 : i32 to index
          %get3A_732 = arith.constant 16 : index
          %get3A_733 = tpu.vector_load %arg6[%get3A_731, %get3A_732] {strides = array<i32>} : memref<80x128xf32, #tpu.memory_space<vmem>>, vector<16xf32>,
          %mul3A_734 = arith.mulf %get3A_733, %broadcast_in_dim3A_723 : vector<16xf32>
          %swap3A_735 = arith.index_cast %add3A_716 : i32 to index
          %swap3A_736 = arith.constant 16 : index
          %swap3A_737 = tpu.vector_load %arg6[%swap3A_735, %swap3A_736] {strides = array<i32>} : memref<80x128xf32, #tpu.memory_space<vmem>>, vector<16xf32>,
          tpu.vector_store %arg6[%swap3A_735, %swap3A_736], %mul3A_734 {strides = array<i32>} : memref<80x128xf32, #tpu.memory_space<vmem>>, vector<16xf32>,
          %slice3A_738 = vector.extract_strided_slice %get3A_720 {offsets = [1], sizes = [1], strides = [1]} : vector<16xf32> to vector<1xf32>
          %squeeze3A_739 = vector.extract %slice3A_738[0] : f32 from vector<1xf32>
          %broadcast_in_dim3A_740 = vector.broadcast %squeeze3A_739 : f32 to vector<16xf32>
          %get3A_741 = arith.index_cast %add3A_716 : i32 to index
          %get3A_742 = arith.constant 32 : index
          %get3A_743 = tpu.vector_load %arg6[%get3A_741, %get3A_742] {strides = array<i32>} : memref<80x128xf32, #tpu.memory_space<vmem>>, vector<16xf32>,
          %mul3A_744 = arith.mulf %get3A_743, %broadcast_in_dim3A_740 : vector<16xf32>
          %swap3A_745 = arith.index_cast %add3A_716 : i32 to index
          %swap3A_746 = arith.constant 32 : index
          %swap3A_747 = tpu.vector_load %arg6[%swap3A_745, %swap3A_746] {strides = array<i32>} : memref<80x128xf32, #tpu.memory_space<vmem>>, vector<16xf32>,
          tpu.vector_store %arg6[%swap3A_745, %swap3A_746], %mul3A_744 {strides = array<i32>} : memref<80x128xf32, #tpu.memory_space<vmem>>, vector<16xf32>,
          %get3A_748 = arith.index_cast %add3A_716 : i32 to index
          %get3A_749 = arith.constant 48 : index
          %get3A_750 = tpu.vector_load %arg6[%get3A_748, %get3A_749] {strides = array<i32>} : memref<80x128xf32, #tpu.memory_space<vmem>>, vector<16xf32>,
          %mul3A_751 = arith.mulf %get3A_750, %broadcast_in_dim3A_740 : vector<16xf32>
          %swap3A_752 = arith.index_cast %add3A_716 : i32 to index
          %swap3A_753 = arith.constant 48 : index
          %swap3A_754 = tpu.vector_load %arg6[%swap3A_752, %swap3A_753] {strides = array<i32>} : memref<80x128xf32, #tpu.memory_space<vmem>>, vector<16xf32>,
          tpu.vector_store %arg6[%swap3A_752, %swap3A_753], %mul3A_751 {strides = array<i32>} : memref<80x128xf32, #tpu.memory_space<vmem>>, vector<16xf32>,
          %slice3A_755 = vector.extract_strided_slice %get3A_720 {offsets = [2], sizes = [1], strides = [1]} : vector<16xf32> to vector<1xf32>
          %squeeze3A_756 = vector.extract %slice3A_755[0] : f32 from vector<1xf32>
          %broadcast_in_dim3A_757 = vector.broadcast %squeeze3A_756 : f32 to vector<16xf32>
          %get3A_758 = arith.index_cast %add3A_716 : i32 to index
          %get3A_759 = arith.constant 64 : index
          %get3A_760 = tpu.vector_load %arg6[%get3A_758, %get3A_759] {strides = array<i32>} : memref<80x128xf32, #tpu.memory_space<vmem>>, vector<16xf32>,
          %mul3A_761 = arith.mulf %get3A_760, %broadcast_in_dim3A_757 : vector<16xf32>
          %swap3A_762 = arith.index_cast %add3A_716 : i32 to index
          %swap3A_763 = arith.constant 64 : index
          %swap3A_764 = tpu.vector_load %arg6[%swap3A_762, %swap3A_763] {strides = array<i32>} : memref<80x128xf32, #tpu.memory_space<vmem>>, vector<16xf32>,
          tpu.vector_store %arg6[%swap3A_762, %swap3A_763], %mul3A_761 {strides = array<i32>} : memref<80x128xf32, #tpu.memory_space<vmem>>, vector<16xf32>,
          %get3A_765 = arith.index_cast %add3A_716 : i32 to index
          %get3A_766 = arith.constant 80 : index
          %get3A_767 = tpu.vector_load %arg6[%get3A_765, %get3A_766] {strides = array<i32>} : memref<80x128xf32, #tpu.memory_space<vmem>>, vector<16xf32>,
          %mul3A_768 = arith.mulf %get3A_767, %broadcast_in_dim3A_757 : vector<16xf32>
          %swap3A_769 = arith.index_cast %add3A_716 : i32 to index
          %swap3A_770 = arith.constant 80 : index
          %swap3A_771 = tpu.vector_load %arg6[%swap3A_769, %swap3A_770] {strides = array<i32>} : memref<80x128xf32, #tpu.memory_space<vmem>>, vector<16xf32>,
          tpu.vector_store %arg6[%swap3A_769, %swap3A_770], %mul3A_768 {strides = array<i32>} : memref<80x128xf32, #tpu.memory_space<vmem>>, vector<16xf32>,
          %slice3A_772 = vector.extract_strided_slice %get3A_720 {offsets = [3], sizes = [1], strides = [1]} : vector<16xf32> to vector<1xf32>
          %squeeze3A_773 = vector.extract %slice3A_772[0] : f32 from vector<1xf32>
          %broadcast_in_dim3A_774 = vector.broadcast %squeeze3A_773 : f32 to vector<16xf32>
          %get3A_775 = arith.index_cast %add3A_716 : i32 to index
          %get3A_776 = arith.constant 96 : index
          %get3A_777 = tpu.vector_load %arg6[%get3A_775, %get3A_776] {strides = array<i32>} : memref<80x128xf32, #tpu.memory_space<vmem>>, vector<16xf32>,
          %mul3A_778 = arith.mulf %get3A_777, %broadcast_in_dim3A_774 : vector<16xf32>
          %swap3A_779 = arith.index_cast %add3A_716 : i32 to index
          %swap3A_780 = arith.constant 96 : index
          %swap3A_781 = tpu.vector_load %arg6[%swap3A_779, %swap3A_780] {strides = array<i32>} : memref<80x128xf32, #tpu.memory_space<vmem>>, vector<16xf32>,
          tpu.vector_store %arg6[%swap3A_779, %swap3A_780], %mul3A_778 {strides = array<i32>} : memref<80x128xf32, #tpu.memory_space<vmem>>, vector<16xf32>,
          %get3A_782 = arith.index_cast %add3A_716 : i32 to index
          %get3A_783 = arith.constant 112 : index
          %get3A_784 = tpu.vector_load %arg6[%get3A_782, %get3A_783] {strides = array<i32>} : memref<80x128xf32, #tpu.memory_space<vmem>>, vector<16xf32>,
          %mul3A_785 = arith.mulf %get3A_784, %broadcast_in_dim3A_774 : vector<16xf32>
          %swap3A_786 = arith.index_cast %add3A_716 : i32 to index
          %swap3A_787 = arith.constant 112 : index
          %swap3A_788 = tpu.vector_load %arg6[%swap3A_786, %swap3A_787] {strides = array<i32>} : memref<80x128xf32, #tpu.memory_space<vmem>>, vector<16xf32>,
          tpu.vector_store %arg6[%swap3A_786, %swap3A_787], %mul3A_785 {strides = array<i32>} : memref<80x128xf32, #tpu.memory_space<vmem>>, vector<16xf32>,
          %scan3A_789 = arith.constant 2 : i32
          %scan3A_790 = arith.addi %scan3A_638, %scan3A_789 : i32
          %mul3A_791 = arith.constant 1 : i32
          %mul3A_792 = arith.muli %scan3A_790, %mul3A_791 : i32
          %add3A_793 = arith.constant 0 : i32
          %add3A_794 = arith.addi %add3A_793, %mul3A_792 : i32
          %mul3A_795 = arith.constant 4 : i32
          %mul3A_796 = arith.muli %add3A_794, %mul3A_795 : i32
          %get3A_797 = arith.index_cast %mul3A_796 : i32 to index
          %get3A_798 = tpu.vector_load %arg10[%get3A_797] {strides = array<i32>} : memref<336xf32, #tpu.memory_space<vmem>>, vector<16xf32>,
          %slice3A_799 = vector.extract_strided_slice %get3A_798 {offsets = [0], sizes = [1], strides = [1]} : vector<16xf32> to vector<1xf32>
          %squeeze3A_800 = vector.extract %slice3A_799[0] : f32 from vector<1xf32>
          %broadcast_in_dim3A_801 = vector.broadcast %squeeze3A_800 : f32 to vector<16xf32>
          %get3A_802 = arith.index_cast %add3A_794 : i32 to index
          %get3A_803 = arith.constant 0 : index
          %get3A_804 = tpu.vector_load %arg6[%get3A_802, %get3A_803] {strides = array<i32>} : memref<80x128xf32, #tpu.memory_space<vmem>>, vector<16xf32>,
          %mul3A_805 = arith.mulf %get3A_804, %broadcast_in_dim3A_801 : vector<16xf32>
          %swap3A_806 = arith.index_cast %add3A_794 : i32 to index
          %swap3A_807 = arith.constant 0 : index
          %swap3A_808 = tpu.vector_load %arg6[%swap3A_806, %swap3A_807] {strides = array<i32>} : memref<80x128xf32, #tpu.memory_space<vmem>>, vector<16xf32>,
          tpu.vector_store %arg6[%swap3A_806, %swap3A_807], %mul3A_805 {strides = array<i32>} : memref<80x128xf32, #tpu.memory_space<vmem>>, vector<16xf32>,
          %get3A_809 = arith.index_cast %add3A_794 : i32 to index
          %get3A_810 = arith.constant 16 : index
          %get3A_811 = tpu.vector_load %arg6[%get3A_809, %get3A_810] {strides = array<i32>} : memref<80x128xf32, #tpu.memory_space<vmem>>, vector<16xf32>,
          %mul3A_812 = arith.mulf %get3A_811, %broadcast_in_dim3A_801 : vector<16xf32>
          %swap3A_813 = arith.index_cast %add3A_794 : i32 to index
          %swap3A_814 = arith.constant 16 : index
          %swap3A_815 = tpu.vector_load %arg6[%swap3A_813, %swap3A_814] {strides = array<i32>} : memref<80x128xf32, #tpu.memory_space<vmem>>, vector<16xf32>,
          tpu.vector_store %arg6[%swap3A_813, %swap3A_814], %mul3A_812 {strides = array<i32>} : memref<80x128xf32, #tpu.memory_space<vmem>>, vector<16xf32>,
          %slice3A_816 = vector.extract_strided_slice %get3A_798 {offsets = [1], sizes = [1], strides = [1]} : vector<16xf32> to vector<1xf32>
          %squeeze3A_817 = vector.extract %slice3A_816[0] : f32 from vector<1xf32>
          %broadcast_in_dim3A_818 = vector.broadcast %squeeze3A_817 : f32 to vector<16xf32>
          %get3A_819 = arith.index_cast %add3A_794 : i32 to index
          %get3A_820 = arith.constant 32 : index
          %get3A_821 = tpu.vector_load %arg6[%get3A_819, %get3A_820] {strides = array<i32>} : memref<80x128xf32, #tpu.memory_space<vmem>>, vector<16xf32>,
          %mul3A_822 = arith.mulf %get3A_821, %broadcast_in_dim3A_818 : vector<16xf32>
          %swap3A_823 = arith.index_cast %add3A_794 : i32 to index
          %swap3A_824 = arith.constant 32 : index
          %swap3A_825 = tpu.vector_load %arg6[%swap3A_823, %swap3A_824] {strides = array<i32>} : memref<80x128xf32, #tpu.memory_space<vmem>>, vector<16xf32>,
          tpu.vector_store %arg6[%swap3A_823, %swap3A_824], %mul3A_822 {strides = array<i32>} : memref<80x128xf32, #tpu.memory_space<vmem>>, vector<16xf32>,
          %get3A_826 = arith.index_cast %add3A_794 : i32 to index
          %get3A_827 = arith.constant 48 : index
          %get3A_828 = tpu.vector_load %arg6[%get3A_826, %get3A_827] {strides = array<i32>} : memref<80x128xf32, #tpu.memory_space<vmem>>, vector<16xf32>,
          %mul3A_829 = arith.mulf %get3A_828, %broadcast_in_dim3A_818 : vector<16xf32>
          %swap3A_830 = arith.index_cast %add3A_794 : i32 to index
          %swap3A_831 = arith.constant 48 : index
          %swap3A_832 = tpu.vector_load %arg6[%swap3A_830, %swap3A_831] {strides = array<i32>} : memref<80x128xf32, #tpu.memory_space<vmem>>, vector<16xf32>,
          tpu.vector_store %arg6[%swap3A_830, %swap3A_831], %mul3A_829 {strides = array<i32>} : memref<80x128xf32, #tpu.memory_space<vmem>>, vector<16xf32>,
          %slice3A_833 = vector.extract_strided_slice %get3A_798 {offsets = [2], sizes = [1], strides = [1]} : vector<16xf32> to vector<1xf32>
          %squeeze3A_834 = vector.extract %slice3A_833[0] : f32 from vector<1xf32>
          %broadcast_in_dim3A_835 = vector.broadcast %squeeze3A_834 : f32 to vector<16xf32>
          %get3A_836 = arith.index_cast %add3A_794 : i32 to index
          %get3A_837 = arith.constant 64 : index
          %get3A_838 = tpu.vector_load %arg6[%get3A_836, %get3A_837] {strides = array<i32>} : memref<80x128xf32, #tpu.memory_space<vmem>>, vector<16xf32>,
          %mul3A_839 = arith.mulf %get3A_838, %broadcast_in_dim3A_835 : vector<16xf32>
          %swap3A_840 = arith.index_cast %add3A_794 : i32 to index
          %swap3A_841 = arith.constant 64 : index
          %swap3A_842 = tpu.vector_load %arg6[%swap3A_840, %swap3A_841] {strides = array<i32>} : memref<80x128xf32, #tpu.memory_space<vmem>>, vector<16xf32>,
          tpu.vector_store %arg6[%swap3A_840, %swap3A_841], %mul3A_839 {strides = array<i32>} : memref<80x128xf32, #tpu.memory_space<vmem>>, vector<16xf32>,
          %get3A_843 = arith.index_cast %add3A_794 : i32 to index
          %get3A_844 = arith.constant 80 : index
          %get3A_845 = tpu.vector_load %arg6[%get3A_843, %get3A_844] {strides = array<i32>} : memref<80x128xf32, #tpu.memory_space<vmem>>, vector<16xf32>,
          %mul3A_846 = arith.mulf %get3A_845, %broadcast_in_dim3A_835 : vector<16xf32>
          %swap3A_847 = arith.index_cast %add3A_794 : i32 to index
          %swap3A_848 = arith.constant 80 : index
          %swap3A_849 = tpu.vector_load %arg6[%swap3A_847, %swap3A_848] {strides = array<i32>} : memref<80x128xf32, #tpu.memory_space<vmem>>, vector<16xf32>,
          tpu.vector_store %arg6[%swap3A_847, %swap3A_848], %mul3A_846 {strides = array<i32>} : memref<80x128xf32, #tpu.memory_space<vmem>>, vector<16xf32>,
          %slice3A_850 = vector.extract_strided_slice %get3A_798 {offsets = [3], sizes = [1], strides = [1]} : vector<16xf32> to vector<1xf32>
          %squeeze3A_851 = vector.extract %slice3A_850[0] : f32 from vector<1xf32>
          %broadcast_in_dim3A_852 = vector.broadcast %squeeze3A_851 : f32 to vector<16xf32>
          %get3A_853 = arith.index_cast %add3A_794 : i32 to index
          %get3A_854 = arith.constant 96 : index
          %get3A_855 = tpu.vector_load %arg6[%get3A_853, %get3A_854] {strides = array<i32>} : memref<80x128xf32, #tpu.memory_space<vmem>>, vector<16xf32>,
          %mul3A_856 = arith.mulf %get3A_855, %broadcast_in_dim3A_852 : vector<16xf32>
          %swap3A_857 = arith.index_cast %add3A_794 : i32 to index
          %swap3A_858 = arith.constant 96 : index
          %swap3A_859 = tpu.vector_load %arg6[%swap3A_857, %swap3A_858] {strides = array<i32>} : memref<80x128xf32, #tpu.memory_space<vmem>>, vector<16xf32>,
          tpu.vector_store %arg6[%swap3A_857, %swap3A_858], %mul3A_856 {strides = array<i32>} : memref<80x128xf32, #tpu.memory_space<vmem>>, vector<16xf32>,
          %get3A_860 = arith.index_cast %add3A_794 : i32 to index
          %get3A_861 = arith.constant 112 : index
          %get3A_862 = tpu.vector_load %arg6[%get3A_860, %get3A_861] {strides = array<i32>} : memref<80x128xf32, #tpu.memory_space<vmem>>, vector<16xf32>,
          %mul3A_863 = arith.mulf %get3A_862, %broadcast_in_dim3A_852 : vector<16xf32>
          %swap3A_864 = arith.index_cast %add3A_794 : i32 to index
          %swap3A_865 = arith.constant 112 : index
          %swap3A_866 = tpu.vector_load %arg6[%swap3A_864, %swap3A_865] {strides = array<i32>} : memref<80x128xf32, #tpu.memory_space<vmem>>, vector<16xf32>,
          tpu.vector_store %arg6[%swap3A_864, %swap3A_865], %mul3A_863 {strides = array<i32>} : memref<80x128xf32, #tpu.memory_space<vmem>>, vector<16xf32>,
          %scan3A_867 = arith.constant 3 : i32
          %scan3A_868 = arith.addi %scan3A_638, %scan3A_867 : i32
          %mul3A_869 = arith.constant 1 : i32
          %mul3A_870 = arith.muli %scan3A_868, %mul3A_869 : i32
          %add3A_871 = arith.constant 0 : i32
          %add3A_872 = arith.addi %add3A_871, %mul3A_870 : i32
          %mul3A_873 = arith.constant 4 : i32
          %mul3A_874 = arith.muli %add3A_872, %mul3A_873 : i32
          %get3A_875 = arith.index_cast %mul3A_874 : i32 to index
          %get3A_876 = tpu.vector_load %arg10[%get3A_875] {strides = array<i32>} : memref<336xf32, #tpu.memory_space<vmem>>, vector<16xf32>,
          %slice3A_877 = vector.extract_strided_slice %get3A_876 {offsets = [0], sizes = [1], strides = [1]} : vector<16xf32> to vector<1xf32>
          %squeeze3A_878 = vector.extract %slice3A_877[0] : f32 from vector<1xf32>
          %broadcast_in_dim3A_879 = vector.broadcast %squeeze3A_878 : f32 to vector<16xf32>
          %get3A_880 = arith.index_cast %add3A_872 : i32 to index
          %get3A_881 = arith.constant 0 : index
          %get3A_882 = tpu.vector_load %arg6[%get3A_880, %get3A_881] {strides = array<i32>} : memref<80x128xf32, #tpu.memory_space<vmem>>, vector<16xf32>,
          %mul3A_883 = arith.mulf %get3A_882, %broadcast_in_dim3A_879 : vector<16xf32>
          %swap3A_884 = arith.index_cast %add3A_872 : i32 to index
          %swap3A_885 = arith.constant 0 : index
          %swap3A_886 = tpu.vector_load %arg6[%swap3A_884, %swap3A_885] {strides = array<i32>} : memref<80x128xf32, #tpu.memory_space<vmem>>, vector<16xf32>,
          tpu.vector_store %arg6[%swap3A_884, %swap3A_885], %mul3A_883 {strides = array<i32>} : memref<80x128xf32, #tpu.memory_space<vmem>>, vector<16xf32>,
          %get3A_887 = arith.index_cast %add3A_872 : i32 to index
          %get3A_888 = arith.constant 16 : index
          %get3A_889 = tpu.vector_load %arg6[%get3A_887, %get3A_888] {strides = array<i32>} : memref<80x128xf32, #tpu.memory_space<vmem>>, vector<16xf32>,
          %mul3A_890 = arith.mulf %get3A_889, %broadcast_in_dim3A_879 : vector<16xf32>
          %swap3A_891 = arith.index_cast %add3A_872 : i32 to index
          %swap3A_892 = arith.constant 16 : index
          %swap3A_893 = tpu.vector_load %arg6[%swap3A_891, %swap3A_892] {strides = array<i32>} : memref<80x128xf32, #tpu.memory_space<vmem>>, vector<16xf32>,
          tpu.vector_store %arg6[%swap3A_891, %swap3A_892], %mul3A_890 {strides = array<i32>} : memref<80x128xf32, #tpu.memory_space<vmem>>, vector<16xf32>,
          %slice3A_894 = vector.extract_strided_slice %get3A_876 {offsets = [1], sizes = [1], strides = [1]} : vector<16xf32> to vector<1xf32>
          %squeeze3A_895 = vector.extract %slice3A_894[0] : f32 from vector<1xf32>
          %broadcast_in_dim3A_896 = vector.broadcast %squeeze3A_895 : f32 to vector<16xf32>
          %get3A_897 = arith.index_cast %add3A_872 : i32 to index
          %get3A_898 = arith.constant 32 : index
          %get3A_899 = tpu.vector_load %arg6[%get3A_897, %get3A_898] {strides = array<i32>} : memref<80x128xf32, #tpu.memory_space<vmem>>, vector<16xf32>,
          %mul3A_900 = arith.mulf %get3A_899, %broadcast_in_dim3A_896 : vector<16xf32>
          %swap3A_901 = arith.index_cast %add3A_872 : i32 to index
          %swap3A_902 = arith.constant 32 : index
          %swap3A_903 = tpu.vector_load %arg6[%swap3A_901, %swap3A_902] {strides = array<i32>} : memref<80x128xf32, #tpu.memory_space<vmem>>, vector<16xf32>,
          tpu.vector_store %arg6[%swap3A_901, %swap3A_902], %mul3A_900 {strides = array<i32>} : memref<80x128xf32, #tpu.memory_space<vmem>>, vector<16xf32>,
          %get3A_904 = arith.index_cast %add3A_872 : i32 to index
          %get3A_905 = arith.constant 48 : index
          %get3A_906 = tpu.vector_load %arg6[%get3A_904, %get3A_905] {strides = array<i32>} : memref<80x128xf32, #tpu.memory_space<vmem>>, vector<16xf32>,
          %mul3A_907 = arith.mulf %get3A_906, %broadcast_in_dim3A_896 : vector<16xf32>
          %swap3A_908 = arith.index_cast %add3A_872 : i32 to index
          %swap3A_909 = arith.constant 48 : index
          %swap3A_910 = tpu.vector_load %arg6[%swap3A_908, %swap3A_909] {strides = array<i32>} : memref<80x128xf32, #tpu.memory_space<vmem>>, vector<16xf32>,
          tpu.vector_store %arg6[%swap3A_908, %swap3A_909], %mul3A_907 {strides = array<i32>} : memref<80x128xf32, #tpu.memory_space<vmem>>, vector<16xf32>,
          %slice3A_911 = vector.extract_strided_slice %get3A_876 {offsets = [2], sizes = [1], strides = [1]} : vector<16xf32> to vector<1xf32>
          %squeeze3A_912 = vector.extract %slice3A_911[0] : f32 from vector<1xf32>
          %broadcast_in_dim3A_913 = vector.broadcast %squeeze3A_912 : f32 to vector<16xf32>
          %get3A_914 = arith.index_cast %add3A_872 : i32 to index
          %get3A_915 = arith.constant 64 : index
          %get3A_916 = tpu.vector_load %arg6[%get3A_914, %get3A_915] {strides = array<i32>} : memref<80x128xf32, #tpu.memory_space<vmem>>, vector<16xf32>,
          %mul3A_917 = arith.mulf %get3A_916, %broadcast_in_dim3A_913 : vector<16xf32>
          %swap3A_918 = arith.index_cast %add3A_872 : i32 to index
          %swap3A_919 = arith.constant 64 : index
          %swap3A_920 = tpu.vector_load %arg6[%swap3A_918, %swap3A_919] {strides = array<i32>} : memref<80x128xf32, #tpu.memory_space<vmem>>, vector<16xf32>,
          tpu.vector_store %arg6[%swap3A_918, %swap3A_919], %mul3A_917 {strides = array<i32>} : memref<80x128xf32, #tpu.memory_space<vmem>>, vector<16xf32>,
          %get3A_921 = arith.index_cast %add3A_872 : i32 to index
          %get3A_922 = arith.constant 80 : index
          %get3A_923 = tpu.vector_load %arg6[%get3A_921, %get3A_922] {strides = array<i32>} : memref<80x128xf32, #tpu.memory_space<vmem>>, vector<16xf32>,
          %mul3A_924 = arith.mulf %get3A_923, %broadcast_in_dim3A_913 : vector<16xf32>
          %swap3A_925 = arith.index_cast %add3A_872 : i32 to index
          %swap3A_926 = arith.constant 80 : index
          %swap3A_927 = tpu.vector_load %arg6[%swap3A_925, %swap3A_926] {strides = array<i32>} : memref<80x128xf32, #tpu.memory_space<vmem>>, vector<16xf32>,
          tpu.vector_store %arg6[%swap3A_925, %swap3A_926], %mul3A_924 {strides = array<i32>} : memref<80x128xf32, #tpu.memory_space<vmem>>, vector<16xf32>,
          %slice3A_928 = vector.extract_strided_slice %get3A_876 {offsets = [3], sizes = [1], strides = [1]} : vector<16xf32> to vector<1xf32>
          %squeeze3A_929 = vector.extract %slice3A_928[0] : f32 from vector<1xf32>
          %broadcast_in_dim3A_930 = vector.broadcast %squeeze3A_929 : f32 to vector<16xf32>
          %get3A_931 = arith.index_cast %add3A_872 : i32 to index
          %get3A_932 = arith.constant 96 : index
          %get3A_933 = tpu.vector_load %arg6[%get3A_931, %get3A_932] {strides = array<i32>} : memref<80x128xf32, #tpu.memory_space<vmem>>, vector<16xf32>,
          %mul3A_934 = arith.mulf %get3A_933, %broadcast_in_dim3A_930 : vector<16xf32>
          %swap3A_935 = arith.index_cast %add3A_872 : i32 to index
          %swap3A_936 = arith.constant 96 : index
          %swap3A_937 = tpu.vector_load %arg6[%swap3A_935, %swap3A_936] {strides = array<i32>} : memref<80x128xf32, #tpu.memory_space<vmem>>, vector<16xf32>,
          tpu.vector_store %arg6[%swap3A_935, %swap3A_936], %mul3A_934 {strides = array<i32>} : memref<80x128xf32, #tpu.memory_space<vmem>>, vector<16xf32>,
          %get3A_938 = arith.index_cast %add3A_872 : i32 to index
          %get3A_939 = arith.constant 112 : index
          %get3A_940 = tpu.vector_load %arg6[%get3A_938, %get3A_939] {strides = array<i32>} : memref<80x128xf32, #tpu.memory_space<vmem>>, vector<16xf32>,
          %mul3A_941 = arith.mulf %get3A_940, %broadcast_in_dim3A_930 : vector<16xf32>
          %swap3A_942 = arith.index_cast %add3A_872 : i32 to index
          %swap3A_943 = arith.constant 112 : index
          %swap3A_944 = tpu.vector_load %arg6[%swap3A_942, %swap3A_943] {strides = array<i32>} : memref<80x128xf32, #tpu.memory_space<vmem>>, vector<16xf32>,
          tpu.vector_store %arg6[%swap3A_942, %swap3A_943], %mul3A_941 {strides = array<i32>} : memref<80x128xf32, #tpu.memory_space<vmem>>, vector<16xf32>,
        }
        %scan3A_630 = arith.constant 80 : i32
        %dma_start3A_631 = arith.constant 1 : i32
        %dma_start3A_632 = arith.constant 0 : i32
        %dma_start3A_633 = tpu.memref_slice %arg14[%dma_start3A_631, %dma_start3A_632] : memref<2x80xi32, #tpu.memory_space<vmem>> -> memref<1x80xi32, #tpu.memory_space<vmem>>
        %dma_start3A_634 = tpu.memref_squeeze %dma_start3A_633 : memref<1x80xi32, #tpu.memory_space<vmem>> -> memref<80xi32, #tpu.memory_space<vmem>>
        %dma_start3A_635 = arith.constant 0 : i32
        %dma_start3A_636 = arith.constant 0 : i32
        %dma_start3A_637 = tpu.memref_slice %arg18[%dma_start3A_635, %dma_start3A_636] : memref<10240x128xf32, #tpu.memory_space<vmem_shared>> -> memref<10240x128xf32, #tpu.memory_space<vmem_shared>>
        tpu.enqueue_indirect_dma source(%arg6 : memref<80x128xf32, #tpu.memory_space<vmem>>) target(%dma_start3A_637 : memref<10240x128xf32, #tpu.memory_space<vmem_shared>>) offsets(%dma_start3A_634 : memref<80xi32, #tpu.memory_space<vmem>>) semaphore(%arg27 : memref<!tpu.dma_semaphore, #tpu.memory_space<semaphore_mem>>) {add = true}
      } else {
      }
      %add3A_541 = arith.constant 1 : i32
      %add3A_542 = arith.addi %add3A_518, %add3A_541 : i32
      %ge3A_543 = arith.constant 2 : i32
      %ge3A_544 = arith.cmpi sge, %add3A_542, %ge3A_543 : i32
      %convert_element_type3A_545 = arith.extui %ge3A_544 : i1 to i32
      %cond3A_546 = arith.constant 0 : i32
      %cond3A_547 = arith.cmpi ne, %convert_element_type3A_545, %cond3A_546 : i32
      scf.if %cond3A_547 {
        %sub3A = arith.constant 2 : i32
        %sub3A_619 = arith.subi %add3A_542, %sub3A : i32
        %dma_wait3A_620 = arith.constant 1 : i32
        %dma_wait3A_621 = arith.constant 0 : i32
        %dma_wait3A_622 = tpu.memref_slice %arg17[%dma_wait3A_620, %dma_wait3A_621] : memref<2x80xi32, #tpu.memory_space<vmem>> -> memref<1x80xi32, #tpu.memory_space<vmem>>
        %dma_wait3A_623 = tpu.memref_squeeze %dma_wait3A_622 : memref<1x80xi32, #tpu.memory_space<vmem>> -> memref<80xi32, #tpu.memory_space<vmem>>
        %dma_wait3A_624 = arith.constant 0 : i32
        %dma_wait3A_625 = arith.constant 0 : i32
        %dma_wait3A_626 = tpu.memref_slice %arg18[%dma_wait3A_624, %dma_wait3A_625] : memref<10240x128xf32, #tpu.memory_space<vmem_shared>> -> memref<10240x128xf32, #tpu.memory_space<vmem_shared>>
        tpu.wait_indirect_dma semaphore(%arg30 : memref<!tpu.dma_semaphore, #tpu.memory_space<semaphore_mem>>) src(%arg9 : memref<80x128xf32, #tpu.memory_space<vmem>>) dst(%dma_wait3A_626 : memref<10240x128xf32, #tpu.memory_space<vmem_shared>>)
      } else {
      }
      %add3A_548 = arith.constant 2 : i32
      %add3A_549 = arith.addi %add3A_542, %add3A_548 : i32
      %lt3A_550 = arith.constant 250 : i32
      %lt3A_551 = arith.cmpi slt, %add3A_549, %lt3A_550 : i32
      %convert_element_type3A_552 = arith.extui %lt3A_551 : i1 to i32
      %cond3A_553 = arith.constant 0 : i32
      %cond3A_554 = arith.cmpi ne, %convert_element_type3A_552, %cond3A_553 : i32
      scf.if %cond3A_554 {
        %add3A_619 = arith.constant 2 : i32
        %add3A_620 = arith.addi %add3A_542, %add3A_619 : i32
        %dma_start3A_621 = arith.constant 0 : i32
        %dma_start3A_622 = arith.constant 0 : i32
        %dma_start3A_623 = tpu.memref_slice %arg3[%add3A, %add3A_620, %dma_start3A_621, %dma_start3A_622] : memref<32x250x2x80xi32, #tpu.memory_space<hbm>> -> memref<1x1x2x80xi32, #tpu.memory_space<hbm>>
        %dma_start3A_624 = tpu.memref_squeeze %dma_start3A_623 : memref<1x1x2x80xi32, #tpu.memory_space<hbm>> -> memref<2x80xi32, #tpu.memory_space<hbm>>
        %dma_start3A_625 = arith.constant 0 : i32
        %dma_start3A_626 = arith.constant 0 : i32
        %dma_start3A_627 = tpu.memref_slice %arg3[%add3A, %add3A_620, %dma_start3A_625, %dma_start3A_626] : memref<32x250x2x80xi32, #tpu.memory_space<hbm>> -> memref<1x1x2x80xi32, #tpu.memory_space<hbm>>
        %dma_start3A_628 = tpu.memref_squeeze %dma_start3A_627 : memref<1x1x2x80xi32, #tpu.memory_space<hbm>> -> memref<2x80xi32, #tpu.memory_space<hbm>>
        tpu.enqueue_dma source(%dma_start3A_628 : memref<2x80xi32, #tpu.memory_space<hbm>>) target(%arg17 : memref<2x80xi32, #tpu.memory_space<vmem>>) target_semaphore(%arg22 : memref<!tpu.dma_semaphore, #tpu.memory_space<semaphore_mem>>)
        %mul3A_629 = arith.constant 20000 : i32
        %mul3A_630 = arith.muli %add3A, %mul3A_629 : i32
        %mul3A_631 = arith.constant 80 : i32
        %mul3A_632 = arith.muli %add3A_620, %mul3A_631 : i32
        %add3A_633 = arith.addi %mul3A_630, %mul3A_632 : i32
        %mul3A_634 = arith.constant 4 : i32
        %mul3A_635 = arith.muli %add3A_633, %mul3A_634 : i32
        %dma_start3A_636 = arith.constant 0 : i32
        %dma_start3A_637 = tpu.memref_slice %arg13[%dma_start3A_636] : memref<336xf32, #tpu.memory_space<vmem>> -> memref<320xf32, #tpu.memory_space<vmem>>
        %dma_start3A_638 = tpu.memref_slice %arg4[%mul3A_635] : memref<2560000xf32, #tpu.memory_space<hbm>> -> memref<320xf32, #tpu.memory_space<hbm>>
        %dma_start3A_639 = arith.constant 0 : i32
        %dma_start3A_640 = tpu.memref_slice %arg13[%dma_start3A_639] : memref<336xf32, #tpu.memory_space<vmem>> -> memref<320xf32, #tpu.memory_space<vmem>>
        %dma_start3A_641 = tpu.memref_slice %arg4[%mul3A_635] : memref<2560000xf32, #tpu.memory_space<hbm>> -> memref<320xf32, #tpu.memory_space<hbm>>
        tpu.enqueue_dma source(%dma_start3A_641 : memref<320xf32, #tpu.memory_space<hbm>>) target(%dma_start3A_640 : memref<320xf32, #tpu.memory_space<vmem>>) target_semaphore(%arg22 : memref<!tpu.dma_semaphore, #tpu.memory_space<semaphore_mem>>)
      } else {
      }
      %add3A_555 = arith.constant 1 : i32
      %add3A_556 = arith.addi %add3A_542, %add3A_555 : i32
      %lt3A_557 = arith.constant 250 : i32
      %lt3A_558 = arith.cmpi slt, %add3A_556, %lt3A_557 : i32
      %convert_element_type3A_559 = arith.extui %lt3A_558 : i1 to i32
      %cond3A_560 = arith.constant 0 : i32
      %cond3A_561 = arith.cmpi ne, %convert_element_type3A_559, %cond3A_560 : i32
      scf.if %cond3A_561 {
        %add3A_619 = arith.constant 1 : i32
        %add3A_620 = arith.addi %add3A_542, %add3A_619 : i32
        %dma_wait3A_621 = arith.constant 0 : i32
        %dma_wait3A_622 = arith.constant 0 : i32
        %dma_wait3A_623 = tpu.memref_slice %arg3[%add3A, %add3A_620, %dma_wait3A_621, %dma_wait3A_622] : memref<32x250x2x80xi32, #tpu.memory_space<hbm>> -> memref<1x1x2x80xi32, #tpu.memory_space<hbm>>
        %dma_wait3A_624 = tpu.memref_squeeze %dma_wait3A_623 : memref<1x1x2x80xi32, #tpu.memory_space<hbm>> -> memref<2x80xi32, #tpu.memory_space<hbm>>
        %dma_wait3A_625 = arith.constant 0 : i32
        %dma_wait3A_626 = arith.constant 0 : i32
        %dma_wait3A_627 = tpu.memref_slice %arg3[%add3A, %add3A_620, %dma_wait3A_625, %dma_wait3A_626] : memref<32x250x2x80xi32, #tpu.memory_space<hbm>> -> memref<1x1x2x80xi32, #tpu.memory_space<hbm>>
        %dma_wait3A_628 = tpu.memref_squeeze %dma_wait3A_627 : memref<1x1x2x80xi32, #tpu.memory_space<hbm>> -> memref<2x80xi32, #tpu.memory_space<hbm>>
        tpu.wait_dma2 semaphore(%arg21 : memref<!tpu.dma_semaphore, #tpu.memory_space<semaphore_mem>>) src(%dma_wait3A_628 : memref<2x80xi32, #tpu.memory_space<hbm>>) dst(%arg16 : memref<2x80xi32, #tpu.memory_space<vmem>>)
        %mul3A_629 = arith.constant 20000 : i32
        %mul3A_630 = arith.muli %add3A, %mul3A_629 : i32
        %mul3A_631 = arith.constant 80 : i32
        %mul3A_632 = arith.muli %add3A_620, %mul3A_631 : i32
        %add3A_633 = arith.addi %mul3A_630, %mul3A_632 : i32
        %mul3A_634 = arith.constant 4 : i32
        %mul3A_635 = arith.muli %add3A_633, %mul3A_634 : i32
        %dma_wait3A_636 = arith.constant 0 : i32
        %dma_wait3A_637 = tpu.memref_slice %arg12[%dma_wait3A_636] : memref<336xf32, #tpu.memory_space<vmem>> -> memref<320xf32, #tpu.memory_space<vmem>>
        %dma_wait3A_638 = tpu.memref_slice %arg4[%mul3A_635] : memref<2560000xf32, #tpu.memory_space<hbm>> -> memref<320xf32, #tpu.memory_space<hbm>>
        %dma_wait3A_639 = arith.constant 0 : i32
        %dma_wait3A_640 = tpu.memref_slice %arg12[%dma_wait3A_639] : memref<336xf32, #tpu.memory_space<vmem>> -> memref<320xf32, #tpu.memory_space<vmem>>
        %dma_wait3A_641 = tpu.memref_slice %arg4[%mul3A_635] : memref<2560000xf32, #tpu.memory_space<hbm>> -> memref<320xf32, #tpu.memory_space<hbm>>
        tpu.wait_dma2 semaphore(%arg21 : memref<!tpu.dma_semaphore, #tpu.memory_space<semaphore_mem>>) src(%dma_wait3A_641 : memref<320xf32, #tpu.memory_space<hbm>>) dst(%dma_wait3A_640 : memref<320xf32, #tpu.memory_space<vmem>>)
        %add3A_642 = arith.constant 1 : i32
        %add3A_643 = arith.addi %add3A_542, %add3A_642 : i32
        %dma_start3A_644 = arith.constant 0 : i32
        %dma_start3A_645 = arith.constant 0 : i32
        %dma_start3A_646 = tpu.memref_slice %arg16[%dma_start3A_644, %dma_start3A_645] : memref<2x80xi32, #tpu.memory_space<vmem>> -> memref<1x80xi32, #tpu.memory_space<vmem>>
        %dma_start3A_647 = tpu.memref_squeeze %dma_start3A_646 : memref<1x80xi32, #tpu.memory_space<vmem>> -> memref<80xi32, #tpu.memory_space<vmem>>
        %dma_start3A_648 = arith.constant 0 : i32
        %dma_start3A_649 = arith.constant 0 : i32
        %dma_start3A_650 = tpu.memref_slice %arg2[%dma_start3A_648, %dma_start3A_649] : memref<10000x128xf32, #tpu.memory_space<hbm>> -> memref<10000x128xf32, #tpu.memory_space<hbm>>
        tpu.enqueue_indirect_dma source(%dma_start3A_650 : memref<10000x128xf32, #tpu.memory_space<hbm>>) target(%arg8 : memref<80x128xf32, #tpu.memory_space<vmem>>) offsets(%dma_start3A_647 : memref<80xi32, #tpu.memory_space<vmem>>) semaphore(%arg25 : memref<!tpu.dma_semaphore, #tpu.memory_space<semaphore_mem>>)
      } else {
      }
      %lt3A_562 = arith.constant 250 : i32
      %lt3A_563 = arith.cmpi slt, %add3A_542, %lt3A_562 : i32
      %convert_element_type3A_564 = arith.extui %lt3A_563 : i1 to i32
      %cond3A_565 = arith.constant 0 : i32
      %cond3A_566 = arith.cmpi ne, %convert_element_type3A_564, %cond3A_565 : i32
      scf.if %cond3A_566 {
        %dma_wait3A_619 = arith.constant 0 : i32
        %dma_wait3A_620 = arith.constant 0 : i32
        %dma_wait3A_621 = tpu.memref_slice %arg15[%dma_wait3A_619, %dma_wait3A_620] : memref<2x80xi32, #tpu.memory_space<vmem>> -> memref<1x80xi32, #tpu.memory_space<vmem>>
        %dma_wait3A_622 = tpu.memref_squeeze %dma_wait3A_621 : memref<1x80xi32, #tpu.memory_space<vmem>> -> memref<80xi32, #tpu.memory_space<vmem>>
        %dma_wait3A_623 = arith.constant 0 : i32
        %dma_wait3A_624 = arith.constant 0 : i32
        %dma_wait3A_625 = tpu.memref_slice %arg2[%dma_wait3A_623, %dma_wait3A_624] : memref<10000x128xf32, #tpu.memory_space<hbm>> -> memref<10000x128xf32, #tpu.memory_space<hbm>>
        tpu.wait_indirect_dma semaphore(%arg24 : memref<!tpu.dma_semaphore, #tpu.memory_space<semaphore_mem>>) src(%dma_wait3A_625 : memref<10000x128xf32, #tpu.memory_space<hbm>>) dst(%arg7 : memref<80x128xf32, #tpu.memory_space<vmem>>)
        %scan3A_626 = arith.constant 0 : i32
        %scan3A_627 = arith.constant 80 : i32
        %scan3A_628 = arith.addi %scan3A_626, %scan3A_627 : i32
        %scan3A_629 = arith.constant 4 : i32
        scf.for %scan3A_638 = %scan3A_626 to %scan3A_628 step %scan3A_629  : i32 {
          %mul3A_639 = arith.constant 1 : i32
          %mul3A_640 = arith.muli %scan3A_638, %mul3A_639 : i32
          %add3A_641 = arith.constant 0 : i32
          %add3A_642 = arith.addi %add3A_641, %mul3A_640 : i32
          %mul3A_643 = arith.constant 4 : i32
          %mul3A_644 = arith.muli %add3A_642, %mul3A_643 : i32
          %get3A = arith.index_cast %mul3A_644 : i32 to index
          %get3A_645 = tpu.vector_load %arg11[%get3A] {strides = array<i32>} : memref<336xf32, #tpu.memory_space<vmem>>, vector<16xf32>,
          %slice3A = vector.extract_strided_slice %get3A_645 {offsets = [0], sizes = [1], strides = [1]} : vector<16xf32> to vector<1xf32>
          %squeeze3A = vector.extract %slice3A[0] : f32 from vector<1xf32>
          %broadcast_in_dim3A_646 = vector.broadcast %squeeze3A : f32 to vector<16xf32>
          %get3A_647 = arith.index_cast %add3A_642 : i32 to index
          %get3A_648 = arith.constant 0 : index
          %get3A_649 = tpu.vector_load %arg7[%get3A_647, %get3A_648] {strides = array<i32>} : memref<80x128xf32, #tpu.memory_space<vmem>>, vector<16xf32>,
          %mul3A_650 = arith.mulf %get3A_649, %broadcast_in_dim3A_646 : vector<16xf32>
          %swap3A = arith.index_cast %add3A_642 : i32 to index
          %swap3A_651 = arith.constant 0 : index
          %swap3A_652 = tpu.vector_load %arg7[%swap3A, %swap3A_651] {strides = array<i32>} : memref<80x128xf32, #tpu.memory_space<vmem>>, vector<16xf32>,
          tpu.vector_store %arg7[%swap3A, %swap3A_651], %mul3A_650 {strides = array<i32>} : memref<80x128xf32, #tpu.memory_space<vmem>>, vector<16xf32>,
          %get3A_653 = arith.index_cast %add3A_642 : i32 to index
          %get3A_654 = arith.constant 16 : index
          %get3A_655 = tpu.vector_load %arg7[%get3A_653, %get3A_654] {strides = array<i32>} : memref<80x128xf32, #tpu.memory_space<vmem>>, vector<16xf32>,
          %mul3A_656 = arith.mulf %get3A_655, %broadcast_in_dim3A_646 : vector<16xf32>
          %swap3A_657 = arith.index_cast %add3A_642 : i32 to index
          %swap3A_658 = arith.constant 16 : index
          %swap3A_659 = tpu.vector_load %arg7[%swap3A_657, %swap3A_658] {strides = array<i32>} : memref<80x128xf32, #tpu.memory_space<vmem>>, vector<16xf32>,
          tpu.vector_store %arg7[%swap3A_657, %swap3A_658], %mul3A_656 {strides = array<i32>} : memref<80x128xf32, #tpu.memory_space<vmem>>, vector<16xf32>,
          %slice3A_660 = vector.extract_strided_slice %get3A_645 {offsets = [1], sizes = [1], strides = [1]} : vector<16xf32> to vector<1xf32>
          %squeeze3A_661 = vector.extract %slice3A_660[0] : f32 from vector<1xf32>
          %broadcast_in_dim3A_662 = vector.broadcast %squeeze3A_661 : f32 to vector<16xf32>
          %get3A_663 = arith.index_cast %add3A_642 : i32 to index
          %get3A_664 = arith.constant 32 : index
          %get3A_665 = tpu.vector_load %arg7[%get3A_663, %get3A_664] {strides = array<i32>} : memref<80x128xf32, #tpu.memory_space<vmem>>, vector<16xf32>,
          %mul3A_666 = arith.mulf %get3A_665, %broadcast_in_dim3A_662 : vector<16xf32>
          %swap3A_667 = arith.index_cast %add3A_642 : i32 to index
          %swap3A_668 = arith.constant 32 : index
          %swap3A_669 = tpu.vector_load %arg7[%swap3A_667, %swap3A_668] {strides = array<i32>} : memref<80x128xf32, #tpu.memory_space<vmem>>, vector<16xf32>,
          tpu.vector_store %arg7[%swap3A_667, %swap3A_668], %mul3A_666 {strides = array<i32>} : memref<80x128xf32, #tpu.memory_space<vmem>>, vector<16xf32>,
          %get3A_670 = arith.index_cast %add3A_642 : i32 to index
          %get3A_671 = arith.constant 48 : index
          %get3A_672 = tpu.vector_load %arg7[%get3A_670, %get3A_671] {strides = array<i32>} : memref<80x128xf32, #tpu.memory_space<vmem>>, vector<16xf32>,
          %mul3A_673 = arith.mulf %get3A_672, %broadcast_in_dim3A_662 : vector<16xf32>
          %swap3A_674 = arith.index_cast %add3A_642 : i32 to index
          %swap3A_675 = arith.constant 48 : index
          %swap3A_676 = tpu.vector_load %arg7[%swap3A_674, %swap3A_675] {strides = array<i32>} : memref<80x128xf32, #tpu.memory_space<vmem>>, vector<16xf32>,
          tpu.vector_store %arg7[%swap3A_674, %swap3A_675], %mul3A_673 {strides = array<i32>} : memref<80x128xf32, #tpu.memory_space<vmem>>, vector<16xf32>,
          %slice3A_677 = vector.extract_strided_slice %get3A_645 {offsets = [2], sizes = [1], strides = [1]} : vector<16xf32> to vector<1xf32>
          %squeeze3A_678 = vector.extract %slice3A_677[0] : f32 from vector<1xf32>
          %broadcast_in_dim3A_679 = vector.broadcast %squeeze3A_678 : f32 to vector<16xf32>
          %get3A_680 = arith.index_cast %add3A_642 : i32 to index
          %get3A_681 = arith.constant 64 : index
          %get3A_682 = tpu.vector_load %arg7[%get3A_680, %get3A_681] {strides = array<i32>} : memref<80x128xf32, #tpu.memory_space<vmem>>, vector<16xf32>,
          %mul3A_683 = arith.mulf %get3A_682, %broadcast_in_dim3A_679 : vector<16xf32>
          %swap3A_684 = arith.index_cast %add3A_642 : i32 to index
          %swap3A_685 = arith.constant 64 : index
          %swap3A_686 = tpu.vector_load %arg7[%swap3A_684, %swap3A_685] {strides = array<i32>} : memref<80x128xf32, #tpu.memory_space<vmem>>, vector<16xf32>,
          tpu.vector_store %arg7[%swap3A_684, %swap3A_685], %mul3A_683 {strides = array<i32>} : memref<80x128xf32, #tpu.memory_space<vmem>>, vector<16xf32>,
          %get3A_687 = arith.index_cast %add3A_642 : i32 to index
          %get3A_688 = arith.constant 80 : index
          %get3A_689 = tpu.vector_load %arg7[%get3A_687, %get3A_688] {strides = array<i32>} : memref<80x128xf32, #tpu.memory_space<vmem>>, vector<16xf32>,
          %mul3A_690 = arith.mulf %get3A_689, %broadcast_in_dim3A_679 : vector<16xf32>
          %swap3A_691 = arith.index_cast %add3A_642 : i32 to index
          %swap3A_692 = arith.constant 80 : index
          %swap3A_693 = tpu.vector_load %arg7[%swap3A_691, %swap3A_692] {strides = array<i32>} : memref<80x128xf32, #tpu.memory_space<vmem>>, vector<16xf32>,
          tpu.vector_store %arg7[%swap3A_691, %swap3A_692], %mul3A_690 {strides = array<i32>} : memref<80x128xf32, #tpu.memory_space<vmem>>, vector<16xf32>,
          %slice3A_694 = vector.extract_strided_slice %get3A_645 {offsets = [3], sizes = [1], strides = [1]} : vector<16xf32> to vector<1xf32>
          %squeeze3A_695 = vector.extract %slice3A_694[0] : f32 from vector<1xf32>
          %broadcast_in_dim3A_696 = vector.broadcast %squeeze3A_695 : f32 to vector<16xf32>
          %get3A_697 = arith.index_cast %add3A_642 : i32 to index
          %get3A_698 = arith.constant 96 : index
          %get3A_699 = tpu.vector_load %arg7[%get3A_697, %get3A_698] {strides = array<i32>} : memref<80x128xf32, #tpu.memory_space<vmem>>, vector<16xf32>,
          %mul3A_700 = arith.mulf %get3A_699, %broadcast_in_dim3A_696 : vector<16xf32>
          %swap3A_701 = arith.index_cast %add3A_642 : i32 to index
          %swap3A_702 = arith.constant 96 : index
          %swap3A_703 = tpu.vector_load %arg7[%swap3A_701, %swap3A_702] {strides = array<i32>} : memref<80x128xf32, #tpu.memory_space<vmem>>, vector<16xf32>,
          tpu.vector_store %arg7[%swap3A_701, %swap3A_702], %mul3A_700 {strides = array<i32>} : memref<80x128xf32, #tpu.memory_space<vmem>>, vector<16xf32>,
          %get3A_704 = arith.index_cast %add3A_642 : i32 to index
          %get3A_705 = arith.constant 112 : index
          %get3A_706 = tpu.vector_load %arg7[%get3A_704, %get3A_705] {strides = array<i32>} : memref<80x128xf32, #tpu.memory_space<vmem>>, vector<16xf32>,
          %mul3A_707 = arith.mulf %get3A_706, %broadcast_in_dim3A_696 : vector<16xf32>
          %swap3A_708 = arith.index_cast %add3A_642 : i32 to index
          %swap3A_709 = arith.constant 112 : index
          %swap3A_710 = tpu.vector_load %arg7[%swap3A_708, %swap3A_709] {strides = array<i32>} : memref<80x128xf32, #tpu.memory_space<vmem>>, vector<16xf32>,
          tpu.vector_store %arg7[%swap3A_708, %swap3A_709], %mul3A_707 {strides = array<i32>} : memref<80x128xf32, #tpu.memory_space<vmem>>, vector<16xf32>,
          %scan3A_711 = arith.constant 1 : i32
          %scan3A_712 = arith.addi %scan3A_638, %scan3A_711 : i32
          %mul3A_713 = arith.constant 1 : i32
          %mul3A_714 = arith.muli %scan3A_712, %mul3A_713 : i32
          %add3A_715 = arith.constant 0 : i32
          %add3A_716 = arith.addi %add3A_715, %mul3A_714 : i32
          %mul3A_717 = arith.constant 4 : i32
          %mul3A_718 = arith.muli %add3A_716, %mul3A_717 : i32
          %get3A_719 = arith.index_cast %mul3A_718 : i32 to index
          %get3A_720 = tpu.vector_load %arg11[%get3A_719] {strides = array<i32>} : memref<336xf32, #tpu.memory_space<vmem>>, vector<16xf32>,
          %slice3A_721 = vector.extract_strided_slice %get3A_720 {offsets = [0], sizes = [1], strides = [1]} : vector<16xf32> to vector<1xf32>
          %squeeze3A_722 = vector.extract %slice3A_721[0] : f32 from vector<1xf32>
          %broadcast_in_dim3A_723 = vector.broadcast %squeeze3A_722 : f32 to vector<16xf32>
          %get3A_724 = arith.index_cast %add3A_716 : i32 to index
          %get3A_725 = arith.constant 0 : index
          %get3A_726 = tpu.vector_load %arg7[%get3A_724, %get3A_725] {strides = array<i32>} : memref<80x128xf32, #tpu.memory_space<vmem>>, vector<16xf32>,
          %mul3A_727 = arith.mulf %get3A_726, %broadcast_in_dim3A_723 : vector<16xf32>
          %swap3A_728 = arith.index_cast %add3A_716 : i32 to index
          %swap3A_729 = arith.constant 0 : index
          %swap3A_730 = tpu.vector_load %arg7[%swap3A_728, %swap3A_729] {strides = array<i32>} : memref<80x128xf32, #tpu.memory_space<vmem>>, vector<16xf32>,
          tpu.vector_store %arg7[%swap3A_728, %swap3A_729], %mul3A_727 {strides = array<i32>} : memref<80x128xf32, #tpu.memory_space<vmem>>, vector<16xf32>,
          %get3A_731 = arith.index_cast %add3A_716 : i32 to index
          %get3A_732 = arith.constant 16 : index
          %get3A_733 = tpu.vector_load %arg7[%get3A_731, %get3A_732] {strides = array<i32>} : memref<80x128xf32, #tpu.memory_space<vmem>>, vector<16xf32>,
          %mul3A_734 = arith.mulf %get3A_733, %broadcast_in_dim3A_723 : vector<16xf32>
          %swap3A_735 = arith.index_cast %add3A_716 : i32 to index
          %swap3A_736 = arith.constant 16 : index
          %swap3A_737 = tpu.vector_load %arg7[%swap3A_735, %swap3A_736] {strides = array<i32>} : memref<80x128xf32, #tpu.memory_space<vmem>>, vector<16xf32>,
          tpu.vector_store %arg7[%swap3A_735, %swap3A_736], %mul3A_734 {strides = array<i32>} : memref<80x128xf32, #tpu.memory_space<vmem>>, vector<16xf32>,
          %slice3A_738 = vector.extract_strided_slice %get3A_720 {offsets = [1], sizes = [1], strides = [1]} : vector<16xf32> to vector<1xf32>
          %squeeze3A_739 = vector.extract %slice3A_738[0] : f32 from vector<1xf32>
          %broadcast_in_dim3A_740 = vector.broadcast %squeeze3A_739 : f32 to vector<16xf32>
          %get3A_741 = arith.index_cast %add3A_716 : i32 to index
          %get3A_742 = arith.constant 32 : index
          %get3A_743 = tpu.vector_load %arg7[%get3A_741, %get3A_742] {strides = array<i32>} : memref<80x128xf32, #tpu.memory_space<vmem>>, vector<16xf32>,
          %mul3A_744 = arith.mulf %get3A_743, %broadcast_in_dim3A_740 : vector<16xf32>
          %swap3A_745 = arith.index_cast %add3A_716 : i32 to index
          %swap3A_746 = arith.constant 32 : index
          %swap3A_747 = tpu.vector_load %arg7[%swap3A_745, %swap3A_746] {strides = array<i32>} : memref<80x128xf32, #tpu.memory_space<vmem>>, vector<16xf32>,
          tpu.vector_store %arg7[%swap3A_745, %swap3A_746], %mul3A_744 {strides = array<i32>} : memref<80x128xf32, #tpu.memory_space<vmem>>, vector<16xf32>,
          %get3A_748 = arith.index_cast %add3A_716 : i32 to index
          %get3A_749 = arith.constant 48 : index
          %get3A_750 = tpu.vector_load %arg7[%get3A_748, %get3A_749] {strides = array<i32>} : memref<80x128xf32, #tpu.memory_space<vmem>>, vector<16xf32>,
          %mul3A_751 = arith.mulf %get3A_750, %broadcast_in_dim3A_740 : vector<16xf32>
          %swap3A_752 = arith.index_cast %add3A_716 : i32 to index
          %swap3A_753 = arith.constant 48 : index
          %swap3A_754 = tpu.vector_load %arg7[%swap3A_752, %swap3A_753] {strides = array<i32>} : memref<80x128xf32, #tpu.memory_space<vmem>>, vector<16xf32>,
          tpu.vector_store %arg7[%swap3A_752, %swap3A_753], %mul3A_751 {strides = array<i32>} : memref<80x128xf32, #tpu.memory_space<vmem>>, vector<16xf32>,
          %slice3A_755 = vector.extract_strided_slice %get3A_720 {offsets = [2], sizes = [1], strides = [1]} : vector<16xf32> to vector<1xf32>
          %squeeze3A_756 = vector.extract %slice3A_755[0] : f32 from vector<1xf32>
          %broadcast_in_dim3A_757 = vector.broadcast %squeeze3A_756 : f32 to vector<16xf32>
          %get3A_758 = arith.index_cast %add3A_716 : i32 to index
          %get3A_759 = arith.constant 64 : index
          %get3A_760 = tpu.vector_load %arg7[%get3A_758, %get3A_759] {strides = array<i32>} : memref<80x128xf32, #tpu.memory_space<vmem>>, vector<16xf32>,
          %mul3A_761 = arith.mulf %get3A_760, %broadcast_in_dim3A_757 : vector<16xf32>
          %swap3A_762 = arith.index_cast %add3A_716 : i32 to index
          %swap3A_763 = arith.constant 64 : index
          %swap3A_764 = tpu.vector_load %arg7[%swap3A_762, %swap3A_763] {strides = array<i32>} : memref<80x128xf32, #tpu.memory_space<vmem>>, vector<16xf32>,
          tpu.vector_store %arg7[%swap3A_762, %swap3A_763], %mul3A_761 {strides = array<i32>} : memref<80x128xf32, #tpu.memory_space<vmem>>, vector<16xf32>,
          %get3A_765 = arith.index_cast %add3A_716 : i32 to index
          %get3A_766 = arith.constant 80 : index
          %get3A_767 = tpu.vector_load %arg7[%get3A_765, %get3A_766] {strides = array<i32>} : memref<80x128xf32, #tpu.memory_space<vmem>>, vector<16xf32>,
          %mul3A_768 = arith.mulf %get3A_767, %broadcast_in_dim3A_757 : vector<16xf32>
          %swap3A_769 = arith.index_cast %add3A_716 : i32 to index
          %swap3A_770 = arith.constant 80 : index
          %swap3A_771 = tpu.vector_load %arg7[%swap3A_769, %swap3A_770] {strides = array<i32>} : memref<80x128xf32, #tpu.memory_space<vmem>>, vector<16xf32>,
          tpu.vector_store %arg7[%swap3A_769, %swap3A_770], %mul3A_768 {strides = array<i32>} : memref<80x128xf32, #tpu.memory_space<vmem>>, vector<16xf32>,
          %slice3A_772 = vector.extract_strided_slice %get3A_720 {offsets = [3], sizes = [1], strides = [1]} : vector<16xf32> to vector<1xf32>
          %squeeze3A_773 = vector.extract %slice3A_772[0] : f32 from vector<1xf32>
          %broadcast_in_dim3A_774 = vector.broadcast %squeeze3A_773 : f32 to vector<16xf32>
          %get3A_775 = arith.index_cast %add3A_716 : i32 to index
          %get3A_776 = arith.constant 96 : index
          %get3A_777 = tpu.vector_load %arg7[%get3A_775, %get3A_776] {strides = array<i32>} : memref<80x128xf32, #tpu.memory_space<vmem>>, vector<16xf32>,
          %mul3A_778 = arith.mulf %get3A_777, %broadcast_in_dim3A_774 : vector<16xf32>
          %swap3A_779 = arith.index_cast %add3A_716 : i32 to index
          %swap3A_780 = arith.constant 96 : index
          %swap3A_781 = tpu.vector_load %arg7[%swap3A_779, %swap3A_780] {strides = array<i32>} : memref<80x128xf32, #tpu.memory_space<vmem>>, vector<16xf32>,
          tpu.vector_store %arg7[%swap3A_779, %swap3A_780], %mul3A_778 {strides = array<i32>} : memref<80x128xf32, #tpu.memory_space<vmem>>, vector<16xf32>,
          %get3A_782 = arith.index_cast %add3A_716 : i32 to index
          %get3A_783 = arith.constant 112 : index
          %get3A_784 = tpu.vector_load %arg7[%get3A_782, %get3A_783] {strides = array<i32>} : memref<80x128xf32, #tpu.memory_space<vmem>>, vector<16xf32>,
          %mul3A_785 = arith.mulf %get3A_784, %broadcast_in_dim3A_774 : vector<16xf32>
          %swap3A_786 = arith.index_cast %add3A_716 : i32 to index
          %swap3A_787 = arith.constant 112 : index
          %swap3A_788 = tpu.vector_load %arg7[%swap3A_786, %swap3A_787] {strides = array<i32>} : memref<80x128xf32, #tpu.memory_space<vmem>>, vector<16xf32>,
          tpu.vector_store %arg7[%swap3A_786, %swap3A_787], %mul3A_785 {strides = array<i32>} : memref<80x128xf32, #tpu.memory_space<vmem>>, vector<16xf32>,
          %scan3A_789 = arith.constant 2 : i32
          %scan3A_790 = arith.addi %scan3A_638, %scan3A_789 : i32
          %mul3A_791 = arith.constant 1 : i32
          %mul3A_792 = arith.muli %scan3A_790, %mul3A_791 : i32
          %add3A_793 = arith.constant 0 : i32
          %add3A_794 = arith.addi %add3A_793, %mul3A_792 : i32
          %mul3A_795 = arith.constant 4 : i32
          %mul3A_796 = arith.muli %add3A_794, %mul3A_795 : i32
          %get3A_797 = arith.index_cast %mul3A_796 : i32 to index
          %get3A_798 = tpu.vector_load %arg11[%get3A_797] {strides = array<i32>} : memref<336xf32, #tpu.memory_space<vmem>>, vector<16xf32>,
          %slice3A_799 = vector.extract_strided_slice %get3A_798 {offsets = [0], sizes = [1], strides = [1]} : vector<16xf32> to vector<1xf32>
          %squeeze3A_800 = vector.extract %slice3A_799[0] : f32 from vector<1xf32>
          %broadcast_in_dim3A_801 = vector.broadcast %squeeze3A_800 : f32 to vector<16xf32>
          %get3A_802 = arith.index_cast %add3A_794 : i32 to index
          %get3A_803 = arith.constant 0 : index
          %get3A_804 = tpu.vector_load %arg7[%get3A_802, %get3A_803] {strides = array<i32>} : memref<80x128xf32, #tpu.memory_space<vmem>>, vector<16xf32>,
          %mul3A_805 = arith.mulf %get3A_804, %broadcast_in_dim3A_801 : vector<16xf32>
          %swap3A_806 = arith.index_cast %add3A_794 : i32 to index
          %swap3A_807 = arith.constant 0 : index
          %swap3A_808 = tpu.vector_load %arg7[%swap3A_806, %swap3A_807] {strides = array<i32>} : memref<80x128xf32, #tpu.memory_space<vmem>>, vector<16xf32>,
          tpu.vector_store %arg7[%swap3A_806, %swap3A_807], %mul3A_805 {strides = array<i32>} : memref<80x128xf32, #tpu.memory_space<vmem>>, vector<16xf32>,
          %get3A_809 = arith.index_cast %add3A_794 : i32 to index
          %get3A_810 = arith.constant 16 : index
          %get3A_811 = tpu.vector_load %arg7[%get3A_809, %get3A_810] {strides = array<i32>} : memref<80x128xf32, #tpu.memory_space<vmem>>, vector<16xf32>,
          %mul3A_812 = arith.mulf %get3A_811, %broadcast_in_dim3A_801 : vector<16xf32>
          %swap3A_813 = arith.index_cast %add3A_794 : i32 to index
          %swap3A_814 = arith.constant 16 : index
          %swap3A_815 = tpu.vector_load %arg7[%swap3A_813, %swap3A_814] {strides = array<i32>} : memref<80x128xf32, #tpu.memory_space<vmem>>, vector<16xf32>,
          tpu.vector_store %arg7[%swap3A_813, %swap3A_814], %mul3A_812 {strides = array<i32>} : memref<80x128xf32, #tpu.memory_space<vmem>>, vector<16xf32>,
          %slice3A_816 = vector.extract_strided_slice %get3A_798 {offsets = [1], sizes = [1], strides = [1]} : vector<16xf32> to vector<1xf32>
          %squeeze3A_817 = vector.extract %slice3A_816[0] : f32 from vector<1xf32>
          %broadcast_in_dim3A_818 = vector.broadcast %squeeze3A_817 : f32 to vector<16xf32>
          %get3A_819 = arith.index_cast %add3A_794 : i32 to index
          %get3A_820 = arith.constant 32 : index
          %get3A_821 = tpu.vector_load %arg7[%get3A_819, %get3A_820] {strides = array<i32>} : memref<80x128xf32, #tpu.memory_space<vmem>>, vector<16xf32>,
          %mul3A_822 = arith.mulf %get3A_821, %broadcast_in_dim3A_818 : vector<16xf32>
          %swap3A_823 = arith.index_cast %add3A_794 : i32 to index
          %swap3A_824 = arith.constant 32 : index
          %swap3A_825 = tpu.vector_load %arg7[%swap3A_823, %swap3A_824] {strides = array<i32>} : memref<80x128xf32, #tpu.memory_space<vmem>>, vector<16xf32>,
          tpu.vector_store %arg7[%swap3A_823, %swap3A_824], %mul3A_822 {strides = array<i32>} : memref<80x128xf32, #tpu.memory_space<vmem>>, vector<16xf32>,
          %get3A_826 = arith.index_cast %add3A_794 : i32 to index
          %get3A_827 = arith.constant 48 : index
          %get3A_828 = tpu.vector_load %arg7[%get3A_826, %get3A_827] {strides = array<i32>} : memref<80x128xf32, #tpu.memory_space<vmem>>, vector<16xf32>,
          %mul3A_829 = arith.mulf %get3A_828, %broadcast_in_dim3A_818 : vector<16xf32>
          %swap3A_830 = arith.index_cast %add3A_794 : i32 to index
          %swap3A_831 = arith.constant 48 : index
          %swap3A_832 = tpu.vector_load %arg7[%swap3A_830, %swap3A_831] {strides = array<i32>} : memref<80x128xf32, #tpu.memory_space<vmem>>, vector<16xf32>,
          tpu.vector_store %arg7[%swap3A_830, %swap3A_831], %mul3A_829 {strides = array<i32>} : memref<80x128xf32, #tpu.memory_space<vmem>>, vector<16xf32>,
          %slice3A_833 = vector.extract_strided_slice %get3A_798 {offsets = [2], sizes = [1], strides = [1]} : vector<16xf32> to vector<1xf32>
          %squeeze3A_834 = vector.extract %slice3A_833[0] : f32 from vector<1xf32>
          %broadcast_in_dim3A_835 = vector.broadcast %squeeze3A_834 : f32 to vector<16xf32>
          %get3A_836 = arith.index_cast %add3A_794 : i32 to index
          %get3A_837 = arith.constant 64 : index
          %get3A_838 = tpu.vector_load %arg7[%get3A_836, %get3A_837] {strides = array<i32>} : memref<80x128xf32, #tpu.memory_space<vmem>>, vector<16xf32>,
          %mul3A_839 = arith.mulf %get3A_838, %broadcast_in_dim3A_835 : vector<16xf32>
          %swap3A_840 = arith.index_cast %add3A_794 : i32 to index
          %swap3A_841 = arith.constant 64 : index
          %swap3A_842 = tpu.vector_load %arg7[%swap3A_840, %swap3A_841] {strides = array<i32>} : memref<80x128xf32, #tpu.memory_space<vmem>>, vector<16xf32>,
          tpu.vector_store %arg7[%swap3A_840, %swap3A_841], %mul3A_839 {strides = array<i32>} : memref<80x128xf32, #tpu.memory_space<vmem>>, vector<16xf32>,
          %get3A_843 = arith.index_cast %add3A_794 : i32 to index
          %get3A_844 = arith.constant 80 : index
          %get3A_845 = tpu.vector_load %arg7[%get3A_843, %get3A_844] {strides = array<i32>} : memref<80x128xf32, #tpu.memory_space<vmem>>, vector<16xf32>,
          %mul3A_846 = arith.mulf %get3A_845, %broadcast_in_dim3A_835 : vector<16xf32>
          %swap3A_847 = arith.index_cast %add3A_794 : i32 to index
          %swap3A_848 = arith.constant 80 : index
          %swap3A_849 = tpu.vector_load %arg7[%swap3A_847, %swap3A_848] {strides = array<i32>} : memref<80x128xf32, #tpu.memory_space<vmem>>, vector<16xf32>,
          tpu.vector_store %arg7[%swap3A_847, %swap3A_848], %mul3A_846 {strides = array<i32>} : memref<80x128xf32, #tpu.memory_space<vmem>>, vector<16xf32>,
          %slice3A_850 = vector.extract_strided_slice %get3A_798 {offsets = [3], sizes = [1], strides = [1]} : vector<16xf32> to vector<1xf32>
          %squeeze3A_851 = vector.extract %slice3A_850[0] : f32 from vector<1xf32>
          %broadcast_in_dim3A_852 = vector.broadcast %squeeze3A_851 : f32 to vector<16xf32>
          %get3A_853 = arith.index_cast %add3A_794 : i32 to index
          %get3A_854 = arith.constant 96 : index
          %get3A_855 = tpu.vector_load %arg7[%get3A_853, %get3A_854] {strides = array<i32>} : memref<80x128xf32, #tpu.memory_space<vmem>>, vector<16xf32>,
          %mul3A_856 = arith.mulf %get3A_855, %broadcast_in_dim3A_852 : vector<16xf32>
          %swap3A_857 = arith.index_cast %add3A_794 : i32 to index
          %swap3A_858 = arith.constant 96 : index
          %swap3A_859 = tpu.vector_load %arg7[%swap3A_857, %swap3A_858] {strides = array<i32>} : memref<80x128xf32, #tpu.memory_space<vmem>>, vector<16xf32>,
          tpu.vector_store %arg7[%swap3A_857, %swap3A_858], %mul3A_856 {strides = array<i32>} : memref<80x128xf32, #tpu.memory_space<vmem>>, vector<16xf32>,
          %get3A_860 = arith.index_cast %add3A_794 : i32 to index
          %get3A_861 = arith.constant 112 : index
          %get3A_862 = tpu.vector_load %arg7[%get3A_860, %get3A_861] {strides = array<i32>} : memref<80x128xf32, #tpu.memory_space<vmem>>, vector<16xf32>,
          %mul3A_863 = arith.mulf %get3A_862, %broadcast_in_dim3A_852 : vector<16xf32>
          %swap3A_864 = arith.index_cast %add3A_794 : i32 to index
          %swap3A_865 = arith.constant 112 : index
          %swap3A_866 = tpu.vector_load %arg7[%swap3A_864, %swap3A_865] {strides = array<i32>} : memref<80x128xf32, #tpu.memory_space<vmem>>, vector<16xf32>,
          tpu.vector_store %arg7[%swap3A_864, %swap3A_865], %mul3A_863 {strides = array<i32>} : memref<80x128xf32, #tpu.memory_space<vmem>>, vector<16xf32>,
          %scan3A_867 = arith.constant 3 : i32
          %scan3A_868 = arith.addi %scan3A_638, %scan3A_867 : i32
          %mul3A_869 = arith.constant 1 : i32
          %mul3A_870 = arith.muli %scan3A_868, %mul3A_869 : i32
          %add3A_871 = arith.constant 0 : i32
          %add3A_872 = arith.addi %add3A_871, %mul3A_870 : i32
          %mul3A_873 = arith.constant 4 : i32
          %mul3A_874 = arith.muli %add3A_872, %mul3A_873 : i32
          %get3A_875 = arith.index_cast %mul3A_874 : i32 to index
          %get3A_876 = tpu.vector_load %arg11[%get3A_875] {strides = array<i32>} : memref<336xf32, #tpu.memory_space<vmem>>, vector<16xf32>,
          %slice3A_877 = vector.extract_strided_slice %get3A_876 {offsets = [0], sizes = [1], strides = [1]} : vector<16xf32> to vector<1xf32>
          %squeeze3A_878 = vector.extract %slice3A_877[0] : f32 from vector<1xf32>
          %broadcast_in_dim3A_879 = vector.broadcast %squeeze3A_878 : f32 to vector<16xf32>
          %get3A_880 = arith.index_cast %add3A_872 : i32 to index
          %get3A_881 = arith.constant 0 : index
          %get3A_882 = tpu.vector_load %arg7[%get3A_880, %get3A_881] {strides = array<i32>} : memref<80x128xf32, #tpu.memory_space<vmem>>, vector<16xf32>,
          %mul3A_883 = arith.mulf %get3A_882, %broadcast_in_dim3A_879 : vector<16xf32>
          %swap3A_884 = arith.index_cast %add3A_872 : i32 to index
          %swap3A_885 = arith.constant 0 : index
          %swap3A_886 = tpu.vector_load %arg7[%swap3A_884, %swap3A_885] {strides = array<i32>} : memref<80x128xf32, #tpu.memory_space<vmem>>, vector<16xf32>,
          tpu.vector_store %arg7[%swap3A_884, %swap3A_885], %mul3A_883 {strides = array<i32>} : memref<80x128xf32, #tpu.memory_space<vmem>>, vector<16xf32>,
          %get3A_887 = arith.index_cast %add3A_872 : i32 to index
          %get3A_888 = arith.constant 16 : index
          %get3A_889 = tpu.vector_load %arg7[%get3A_887, %get3A_888] {strides = array<i32>} : memref<80x128xf32, #tpu.memory_space<vmem>>, vector<16xf32>,
          %mul3A_890 = arith.mulf %get3A_889, %broadcast_in_dim3A_879 : vector<16xf32>
          %swap3A_891 = arith.index_cast %add3A_872 : i32 to index
          %swap3A_892 = arith.constant 16 : index
          %swap3A_893 = tpu.vector_load %arg7[%swap3A_891, %swap3A_892] {strides = array<i32>} : memref<80x128xf32, #tpu.memory_space<vmem>>, vector<16xf32>,
          tpu.vector_store %arg7[%swap3A_891, %swap3A_892], %mul3A_890 {strides = array<i32>} : memref<80x128xf32, #tpu.memory_space<vmem>>, vector<16xf32>,
          %slice3A_894 = vector.extract_strided_slice %get3A_876 {offsets = [1], sizes = [1], strides = [1]} : vector<16xf32> to vector<1xf32>
          %squeeze3A_895 = vector.extract %slice3A_894[0] : f32 from vector<1xf32>
          %broadcast_in_dim3A_896 = vector.broadcast %squeeze3A_895 : f32 to vector<16xf32>
          %get3A_897 = arith.index_cast %add3A_872 : i32 to index
          %get3A_898 = arith.constant 32 : index
          %get3A_899 = tpu.vector_load %arg7[%get3A_897, %get3A_898] {strides = array<i32>} : memref<80x128xf32, #tpu.memory_space<vmem>>, vector<16xf32>,
          %mul3A_900 = arith.mulf %get3A_899, %broadcast_in_dim3A_896 : vector<16xf32>
          %swap3A_901 = arith.index_cast %add3A_872 : i32 to index
          %swap3A_902 = arith.constant 32 : index
          %swap3A_903 = tpu.vector_load %arg7[%swap3A_901, %swap3A_902] {strides = array<i32>} : memref<80x128xf32, #tpu.memory_space<vmem>>, vector<16xf32>,
          tpu.vector_store %arg7[%swap3A_901, %swap3A_902], %mul3A_900 {strides = array<i32>} : memref<80x128xf32, #tpu.memory_space<vmem>>, vector<16xf32>,
          %get3A_904 = arith.index_cast %add3A_872 : i32 to index
          %get3A_905 = arith.constant 48 : index
          %get3A_906 = tpu.vector_load %arg7[%get3A_904, %get3A_905] {strides = array<i32>} : memref<80x128xf32, #tpu.memory_space<vmem>>, vector<16xf32>,
          %mul3A_907 = arith.mulf %get3A_906, %broadcast_in_dim3A_896 : vector<16xf32>
          %swap3A_908 = arith.index_cast %add3A_872 : i32 to index
          %swap3A_909 = arith.constant 48 : index
          %swap3A_910 = tpu.vector_load %arg7[%swap3A_908, %swap3A_909] {strides = array<i32>} : memref<80x128xf32, #tpu.memory_space<vmem>>, vector<16xf32>,
          tpu.vector_store %arg7[%swap3A_908, %swap3A_909], %mul3A_907 {strides = array<i32>} : memref<80x128xf32, #tpu.memory_space<vmem>>, vector<16xf32>,
          %slice3A_911 = vector.extract_strided_slice %get3A_876 {offsets = [2], sizes = [1], strides = [1]} : vector<16xf32> to vector<1xf32>
          %squeeze3A_912 = vector.extract %slice3A_911[0] : f32 from vector<1xf32>
          %broadcast_in_dim3A_913 = vector.broadcast %squeeze3A_912 : f32 to vector<16xf32>
          %get3A_914 = arith.index_cast %add3A_872 : i32 to index
          %get3A_915 = arith.constant 64 : index
          %get3A_916 = tpu.vector_load %arg7[%get3A_914, %get3A_915] {strides = array<i32>} : memref<80x128xf32, #tpu.memory_space<vmem>>, vector<16xf32>,
          %mul3A_917 = arith.mulf %get3A_916, %broadcast_in_dim3A_913 : vector<16xf32>
          %swap3A_918 = arith.index_cast %add3A_872 : i32 to index
          %swap3A_919 = arith.constant 64 : index
          %swap3A_920 = tpu.vector_load %arg7[%swap3A_918, %swap3A_919] {strides = array<i32>} : memref<80x128xf32, #tpu.memory_space<vmem>>, vector<16xf32>,
          tpu.vector_store %arg7[%swap3A_918, %swap3A_919], %mul3A_917 {strides = array<i32>} : memref<80x128xf32, #tpu.memory_space<vmem>>, vector<16xf32>,
          %get3A_921 = arith.index_cast %add3A_872 : i32 to index
          %get3A_922 = arith.constant 80 : index
          %get3A_923 = tpu.vector_load %arg7[%get3A_921, %get3A_922] {strides = array<i32>} : memref<80x128xf32, #tpu.memory_space<vmem>>, vector<16xf32>,
          %mul3A_924 = arith.mulf %get3A_923, %broadcast_in_dim3A_913 : vector<16xf32>
          %swap3A_925 = arith.index_cast %add3A_872 : i32 to index
          %swap3A_926 = arith.constant 80 : index
          %swap3A_927 = tpu.vector_load %arg7[%swap3A_925, %swap3A_926] {strides = array<i32>} : memref<80x128xf32, #tpu.memory_space<vmem>>, vector<16xf32>,
          tpu.vector_store %arg7[%swap3A_925, %swap3A_926], %mul3A_924 {strides = array<i32>} : memref<80x128xf32, #tpu.memory_space<vmem>>, vector<16xf32>,
          %slice3A_928 = vector.extract_strided_slice %get3A_876 {offsets = [3], sizes = [1], strides = [1]} : vector<16xf32> to vector<1xf32>
          %squeeze3A_929 = vector.extract %slice3A_928[0] : f32 from vector<1xf32>
          %broadcast_in_dim3A_930 = vector.broadcast %squeeze3A_929 : f32 to vector<16xf32>
          %get3A_931 = arith.index_cast %add3A_872 : i32 to index
          %get3A_932 = arith.constant 96 : index
          %get3A_933 = tpu.vector_load %arg7[%get3A_931, %get3A_932] {strides = array<i32>} : memref<80x128xf32, #tpu.memory_space<vmem>>, vector<16xf32>,
          %mul3A_934 = arith.mulf %get3A_933, %broadcast_in_dim3A_930 : vector<16xf32>
          %swap3A_935 = arith.index_cast %add3A_872 : i32 to index
          %swap3A_936 = arith.constant 96 : index
          %swap3A_937 = tpu.vector_load %arg7[%swap3A_935, %swap3A_936] {strides = array<i32>} : memref<80x128xf32, #tpu.memory_space<vmem>>, vector<16xf32>,
          tpu.vector_store %arg7[%swap3A_935, %swap3A_936], %mul3A_934 {strides = array<i32>} : memref<80x128xf32, #tpu.memory_space<vmem>>, vector<16xf32>,
          %get3A_938 = arith.index_cast %add3A_872 : i32 to index
          %get3A_939 = arith.constant 112 : index
          %get3A_940 = tpu.vector_load %arg7[%get3A_938, %get3A_939] {strides = array<i32>} : memref<80x128xf32, #tpu.memory_space<vmem>>, vector<16xf32>,
          %mul3A_941 = arith.mulf %get3A_940, %broadcast_in_dim3A_930 : vector<16xf32>
          %swap3A_942 = arith.index_cast %add3A_872 : i32 to index
          %swap3A_943 = arith.constant 112 : index
          %swap3A_944 = tpu.vector_load %arg7[%swap3A_942, %swap3A_943] {strides = array<i32>} : memref<80x128xf32, #tpu.memory_space<vmem>>, vector<16xf32>,
          tpu.vector_store %arg7[%swap3A_942, %swap3A_943], %mul3A_941 {strides = array<i32>} : memref<80x128xf32, #tpu.memory_space<vmem>>, vector<16xf32>,
        }
        %scan3A_630 = arith.constant 80 : i32
        %dma_start3A_631 = arith.constant 1 : i32
        %dma_start3A_632 = arith.constant 0 : i32
        %dma_start3A_633 = tpu.memref_slice %arg15[%dma_start3A_631, %dma_start3A_632] : memref<2x80xi32, #tpu.memory_space<vmem>> -> memref<1x80xi32, #tpu.memory_space<vmem>>
        %dma_start3A_634 = tpu.memref_squeeze %dma_start3A_633 : memref<1x80xi32, #tpu.memory_space<vmem>> -> memref<80xi32, #tpu.memory_space<vmem>>
        %dma_start3A_635 = arith.constant 0 : i32
        %dma_start3A_636 = arith.constant 0 : i32
        %dma_start3A_637 = tpu.memref_slice %arg18[%dma_start3A_635, %dma_start3A_636] : memref<10240x128xf32, #tpu.memory_space<vmem_shared>> -> memref<10240x128xf32, #tpu.memory_space<vmem_shared>>
        tpu.enqueue_indirect_dma source(%arg7 : memref<80x128xf32, #tpu.memory_space<vmem>>) target(%dma_start3A_637 : memref<10240x128xf32, #tpu.memory_space<vmem_shared>>) offsets(%dma_start3A_634 : memref<80xi32, #tpu.memory_space<vmem>>) semaphore(%arg28 : memref<!tpu.dma_semaphore, #tpu.memory_space<semaphore_mem>>) {add = true}
      } else {
      }
      %add3A_567 = arith.constant 2 : i32
      %add3A_568 = arith.addi %add3A_518, %add3A_567 : i32
      %ge3A_569 = arith.constant 2 : i32
      %ge3A_570 = arith.cmpi sge, %add3A_568, %ge3A_569 : i32
      %convert_element_type3A_571 = arith.extui %ge3A_570 : i1 to i32
      %cond3A_572 = arith.constant 0 : i32
      %cond3A_573 = arith.cmpi ne, %convert_element_type3A_571, %cond3A_572 : i32
      scf.if %cond3A_573 {
        %sub3A = arith.constant 2 : i32
        %sub3A_619 = arith.subi %add3A_568, %sub3A : i32
        %dma_wait3A_620 = arith.constant 1 : i32
        %dma_wait3A_621 = arith.constant 0 : i32
        %dma_wait3A_622 = tpu.memref_slice %arg14[%dma_wait3A_620, %dma_wait3A_621] : memref<2x80xi32, #tpu.memory_space<vmem>> -> memref<1x80xi32, #tpu.memory_space<vmem>>
        %dma_wait3A_623 = tpu.memref_squeeze %dma_wait3A_622 : memref<1x80xi32, #tpu.memory_space<vmem>> -> memref<80xi32, #tpu.memory_space<vmem>>
        %dma_wait3A_624 = arith.constant 0 : i32
        %dma_wait3A_625 = arith.constant 0 : i32
        %dma_wait3A_626 = tpu.memref_slice %arg18[%dma_wait3A_624, %dma_wait3A_625] : memref<10240x128xf32, #tpu.memory_space<vmem_shared>> -> memref<10240x128xf32, #tpu.memory_space<vmem_shared>>
        tpu.wait_indirect_dma semaphore(%arg27 : memref<!tpu.dma_semaphore, #tpu.memory_space<semaphore_mem>>) src(%arg6 : memref<80x128xf32, #tpu.memory_space<vmem>>) dst(%dma_wait3A_626 : memref<10240x128xf32, #tpu.memory_space<vmem_shared>>)
      } else {
      }
      %add3A_574 = arith.constant 2 : i32
      %add3A_575 = arith.addi %add3A_568, %add3A_574 : i32
      %lt3A_576 = arith.constant 250 : i32
      %lt3A_577 = arith.cmpi slt, %add3A_575, %lt3A_576 : i32
      %convert_element_type3A_578 = arith.extui %lt3A_577 : i1 to i32
      %cond3A_579 = arith.constant 0 : i32
      %cond3A_580 = arith.cmpi ne, %convert_element_type3A_578, %cond3A_579 : i32
      scf.if %cond3A_580 {
        %add3A_619 = arith.constant 2 : i32
        %add3A_620 = arith.addi %add3A_568, %add3A_619 : i32
        %dma_start3A_621 = arith.constant 0 : i32
        %dma_start3A_622 = arith.constant 0 : i32
        %dma_start3A_623 = tpu.memref_slice %arg3[%add3A, %add3A_620, %dma_start3A_621, %dma_start3A_622] : memref<32x250x2x80xi32, #tpu.memory_space<hbm>> -> memref<1x1x2x80xi32, #tpu.memory_space<hbm>>
        %dma_start3A_624 = tpu.memref_squeeze %dma_start3A_623 : memref<1x1x2x80xi32, #tpu.memory_space<hbm>> -> memref<2x80xi32, #tpu.memory_space<hbm>>
        %dma_start3A_625 = arith.constant 0 : i32
        %dma_start3A_626 = arith.constant 0 : i32
        %dma_start3A_627 = tpu.memref_slice %arg3[%add3A, %add3A_620, %dma_start3A_625, %dma_start3A_626] : memref<32x250x2x80xi32, #tpu.memory_space<hbm>> -> memref<1x1x2x80xi32, #tpu.memory_space<hbm>>
        %dma_start3A_628 = tpu.memref_squeeze %dma_start3A_627 : memref<1x1x2x80xi32, #tpu.memory_space<hbm>> -> memref<2x80xi32, #tpu.memory_space<hbm>>
        tpu.enqueue_dma source(%dma_start3A_628 : memref<2x80xi32, #tpu.memory_space<hbm>>) target(%arg14 : memref<2x80xi32, #tpu.memory_space<vmem>>) target_semaphore(%arg19 : memref<!tpu.dma_semaphore, #tpu.memory_space<semaphore_mem>>)
        %mul3A_629 = arith.constant 20000 : i32
        %mul3A_630 = arith.muli %add3A, %mul3A_629 : i32
        %mul3A_631 = arith.constant 80 : i32
        %mul3A_632 = arith.muli %add3A_620, %mul3A_631 : i32
        %add3A_633 = arith.addi %mul3A_630, %mul3A_632 : i32
        %mul3A_634 = arith.constant 4 : i32
        %mul3A_635 = arith.muli %add3A_633, %mul3A_634 : i32
        %dma_start3A_636 = arith.constant 0 : i32
        %dma_start3A_637 = tpu.memref_slice %arg10[%dma_start3A_636] : memref<336xf32, #tpu.memory_space<vmem>> -> memref<320xf32, #tpu.memory_space<vmem>>
        %dma_start3A_638 = tpu.memref_slice %arg4[%mul3A_635] : memref<2560000xf32, #tpu.memory_space<hbm>> -> memref<320xf32, #tpu.memory_space<hbm>>
        %dma_start3A_639 = arith.constant 0 : i32
        %dma_start3A_640 = tpu.memref_slice %arg10[%dma_start3A_639] : memref<336xf32, #tpu.memory_space<vmem>> -> memref<320xf32, #tpu.memory_space<vmem>>
        %dma_start3A_641 = tpu.memref_slice %arg4[%mul3A_635] : memref<2560000xf32, #tpu.memory_space<hbm>> -> memref<320xf32, #tpu.memory_space<hbm>>
        tpu.enqueue_dma source(%dma_start3A_641 : memref<320xf32, #tpu.memory_space<hbm>>) target(%dma_start3A_640 : memref<320xf32, #tpu.memory_space<vmem>>) target_semaphore(%arg19 : memref<!tpu.dma_semaphore, #tpu.memory_space<semaphore_mem>>)
      } else {
      }
      %add3A_581 = arith.constant 1 : i32
      %add3A_582 = arith.addi %add3A_568, %add3A_581 : i32
      %lt3A_583 = arith.constant 250 : i32
      %lt3A_584 = arith.cmpi slt, %add3A_582, %lt3A_583 : i32
      %convert_element_type3A_585 = arith.extui %lt3A_584 : i1 to i32
      %cond3A_586 = arith.constant 0 : i32
      %cond3A_587 = arith.cmpi ne, %convert_element_type3A_585, %cond3A_586 : i32
      scf.if %cond3A_587 {
        %add3A_619 = arith.constant 1 : i32
        %add3A_620 = arith.addi %add3A_568, %add3A_619 : i32
        %dma_wait3A_621 = arith.constant 0 : i32
        %dma_wait3A_622 = arith.constant 0 : i32
        %dma_wait3A_623 = tpu.memref_slice %arg3[%add3A, %add3A_620, %dma_wait3A_621, %dma_wait3A_622] : memref<32x250x2x80xi32, #tpu.memory_space<hbm>> -> memref<1x1x2x80xi32, #tpu.memory_space<hbm>>
        %dma_wait3A_624 = tpu.memref_squeeze %dma_wait3A_623 : memref<1x1x2x80xi32, #tpu.memory_space<hbm>> -> memref<2x80xi32, #tpu.memory_space<hbm>>
        %dma_wait3A_625 = arith.constant 0 : i32
        %dma_wait3A_626 = arith.constant 0 : i32
        %dma_wait3A_627 = tpu.memref_slice %arg3[%add3A, %add3A_620, %dma_wait3A_625, %dma_wait3A_626] : memref<32x250x2x80xi32, #tpu.memory_space<hbm>> -> memref<1x1x2x80xi32, #tpu.memory_space<hbm>>
        %dma_wait3A_628 = tpu.memref_squeeze %dma_wait3A_627 : memref<1x1x2x80xi32, #tpu.memory_space<hbm>> -> memref<2x80xi32, #tpu.memory_space<hbm>>
        tpu.wait_dma2 semaphore(%arg22 : memref<!tpu.dma_semaphore, #tpu.memory_space<semaphore_mem>>) src(%dma_wait3A_628 : memref<2x80xi32, #tpu.memory_space<hbm>>) dst(%arg17 : memref<2x80xi32, #tpu.memory_space<vmem>>)
        %mul3A_629 = arith.constant 20000 : i32
        %mul3A_630 = arith.muli %add3A, %mul3A_629 : i32
        %mul3A_631 = arith.constant 80 : i32
        %mul3A_632 = arith.muli %add3A_620, %mul3A_631 : i32
        %add3A_633 = arith.addi %mul3A_630, %mul3A_632 : i32
        %mul3A_634 = arith.constant 4 : i32
        %mul3A_635 = arith.muli %add3A_633, %mul3A_634 : i32
        %dma_wait3A_636 = arith.constant 0 : i32
        %dma_wait3A_637 = tpu.memref_slice %arg13[%dma_wait3A_636] : memref<336xf32, #tpu.memory_space<vmem>> -> memref<320xf32, #tpu.memory_space<vmem>>
        %dma_wait3A_638 = tpu.memref_slice %arg4[%mul3A_635] : memref<2560000xf32, #tpu.memory_space<hbm>> -> memref<320xf32, #tpu.memory_space<hbm>>
        %dma_wait3A_639 = arith.constant 0 : i32
        %dma_wait3A_640 = tpu.memref_slice %arg13[%dma_wait3A_639] : memref<336xf32, #tpu.memory_space<vmem>> -> memref<320xf32, #tpu.memory_space<vmem>>
        %dma_wait3A_641 = tpu.memref_slice %arg4[%mul3A_635] : memref<2560000xf32, #tpu.memory_space<hbm>> -> memref<320xf32, #tpu.memory_space<hbm>>
        tpu.wait_dma2 semaphore(%arg22 : memref<!tpu.dma_semaphore, #tpu.memory_space<semaphore_mem>>) src(%dma_wait3A_641 : memref<320xf32, #tpu.memory_space<hbm>>) dst(%dma_wait3A_640 : memref<320xf32, #tpu.memory_space<vmem>>)
        %add3A_642 = arith.constant 1 : i32
        %add3A_643 = arith.addi %add3A_568, %add3A_642 : i32
        %dma_start3A_644 = arith.constant 0 : i32
        %dma_start3A_645 = arith.constant 0 : i32
        %dma_start3A_646 = tpu.memref_slice %arg17[%dma_start3A_644, %dma_start3A_645] : memref<2x80xi32, #tpu.memory_space<vmem>> -> memref<1x80xi32, #tpu.memory_space<vmem>>
        %dma_start3A_647 = tpu.memref_squeeze %dma_start3A_646 : memref<1x80xi32, #tpu.memory_space<vmem>> -> memref<80xi32, #tpu.memory_space<vmem>>
        %dma_start3A_648 = arith.constant 0 : i32
        %dma_start3A_649 = arith.constant 0 : i32
        %dma_start3A_650 = tpu.memref_slice %arg2[%dma_start3A_648, %dma_start3A_649] : memref<10000x128xf32, #tpu.memory_space<hbm>> -> memref<10000x128xf32, #tpu.memory_space<hbm>>
        tpu.enqueue_indirect_dma source(%dma_start3A_650 : memref<10000x128xf32, #tpu.memory_space<hbm>>) target(%arg9 : memref<80x128xf32, #tpu.memory_space<vmem>>) offsets(%dma_start3A_647 : memref<80xi32, #tpu.memory_space<vmem>>) semaphore(%arg26 : memref<!tpu.dma_semaphore, #tpu.memory_space<semaphore_mem>>)
      } else {
      }
      %lt3A_588 = arith.constant 250 : i32
      %lt3A_589 = arith.cmpi slt, %add3A_568, %lt3A_588 : i32
      %convert_element_type3A_590 = arith.extui %lt3A_589 : i1 to i32
      %cond3A_591 = arith.constant 0 : i32
      %cond3A_592 = arith.cmpi ne, %convert_element_type3A_590, %cond3A_591 : i32
      scf.if %cond3A_592 {
        %dma_wait3A_619 = arith.constant 0 : i32
        %dma_wait3A_620 = arith.constant 0 : i32
        %dma_wait3A_621 = tpu.memref_slice %arg16[%dma_wait3A_619, %dma_wait3A_620] : memref<2x80xi32, #tpu.memory_space<vmem>> -> memref<1x80xi32, #tpu.memory_space<vmem>>
        %dma_wait3A_622 = tpu.memref_squeeze %dma_wait3A_621 : memref<1x80xi32, #tpu.memory_space<vmem>> -> memref<80xi32, #tpu.memory_space<vmem>>
        %dma_wait3A_623 = arith.constant 0 : i32
        %dma_wait3A_624 = arith.constant 0 : i32
        %dma_wait3A_625 = tpu.memref_slice %arg2[%dma_wait3A_623, %dma_wait3A_624] : memref<10000x128xf32, #tpu.memory_space<hbm>> -> memref<10000x128xf32, #tpu.memory_space<hbm>>
        tpu.wait_indirect_dma semaphore(%arg25 : memref<!tpu.dma_semaphore, #tpu.memory_space<semaphore_mem>>) src(%dma_wait3A_625 : memref<10000x128xf32, #tpu.memory_space<hbm>>) dst(%arg8 : memref<80x128xf32, #tpu.memory_space<vmem>>)
        %scan3A_626 = arith.constant 0 : i32
        %scan3A_627 = arith.constant 80 : i32
        %scan3A_628 = arith.addi %scan3A_626, %scan3A_627 : i32
        %scan3A_629 = arith.constant 4 : i32
        scf.for %scan3A_638 = %scan3A_626 to %scan3A_628 step %scan3A_629  : i32 {
          %mul3A_639 = arith.constant 1 : i32
          %mul3A_640 = arith.muli %scan3A_638, %mul3A_639 : i32
          %add3A_641 = arith.constant 0 : i32
          %add3A_642 = arith.addi %add3A_641, %mul3A_640 : i32
          %mul3A_643 = arith.constant 4 : i32
          %mul3A_644 = arith.muli %add3A_642, %mul3A_643 : i32
          %get3A = arith.index_cast %mul3A_644 : i32 to index
          %get3A_645 = tpu.vector_load %arg12[%get3A] {strides = array<i32>} : memref<336xf32, #tpu.memory_space<vmem>>, vector<16xf32>,
          %slice3A = vector.extract_strided_slice %get3A_645 {offsets = [0], sizes = [1], strides = [1]} : vector<16xf32> to vector<1xf32>
          %squeeze3A = vector.extract %slice3A[0] : f32 from vector<1xf32>
          %broadcast_in_dim3A_646 = vector.broadcast %squeeze3A : f32 to vector<16xf32>
          %get3A_647 = arith.index_cast %add3A_642 : i32 to index
          %get3A_648 = arith.constant 0 : index
          %get3A_649 = tpu.vector_load %arg8[%get3A_647, %get3A_648] {strides = array<i32>} : memref<80x128xf32, #tpu.memory_space<vmem>>, vector<16xf32>,
          %mul3A_650 = arith.mulf %get3A_649, %broadcast_in_dim3A_646 : vector<16xf32>
          %swap3A = arith.index_cast %add3A_642 : i32 to index
          %swap3A_651 = arith.constant 0 : index
          %swap3A_652 = tpu.vector_load %arg8[%swap3A, %swap3A_651] {strides = array<i32>} : memref<80x128xf32, #tpu.memory_space<vmem>>, vector<16xf32>,
          tpu.vector_store %arg8[%swap3A, %swap3A_651], %mul3A_650 {strides = array<i32>} : memref<80x128xf32, #tpu.memory_space<vmem>>, vector<16xf32>,
          %get3A_653 = arith.index_cast %add3A_642 : i32 to index
          %get3A_654 = arith.constant 16 : index
          %get3A_655 = tpu.vector_load %arg8[%get3A_653, %get3A_654] {strides = array<i32>} : memref<80x128xf32, #tpu.memory_space<vmem>>, vector<16xf32>,
          %mul3A_656 = arith.mulf %get3A_655, %broadcast_in_dim3A_646 : vector<16xf32>
          %swap3A_657 = arith.index_cast %add3A_642 : i32 to index
          %swap3A_658 = arith.constant 16 : index
          %swap3A_659 = tpu.vector_load %arg8[%swap3A_657, %swap3A_658] {strides = array<i32>} : memref<80x128xf32, #tpu.memory_space<vmem>>, vector<16xf32>,
          tpu.vector_store %arg8[%swap3A_657, %swap3A_658], %mul3A_656 {strides = array<i32>} : memref<80x128xf32, #tpu.memory_space<vmem>>, vector<16xf32>,
          %slice3A_660 = vector.extract_strided_slice %get3A_645 {offsets = [1], sizes = [1], strides = [1]} : vector<16xf32> to vector<1xf32>
          %squeeze3A_661 = vector.extract %slice3A_660[0] : f32 from vector<1xf32>
          %broadcast_in_dim3A_662 = vector.broadcast %squeeze3A_661 : f32 to vector<16xf32>
          %get3A_663 = arith.index_cast %add3A_642 : i32 to index
          %get3A_664 = arith.constant 32 : index
          %get3A_665 = tpu.vector_load %arg8[%get3A_663, %get3A_664] {strides = array<i32>} : memref<80x128xf32, #tpu.memory_space<vmem>>, vector<16xf32>,
          %mul3A_666 = arith.mulf %get3A_665, %broadcast_in_dim3A_662 : vector<16xf32>
          %swap3A_667 = arith.index_cast %add3A_642 : i32 to index
          %swap3A_668 = arith.constant 32 : index
          %swap3A_669 = tpu.vector_load %arg8[%swap3A_667, %swap3A_668] {strides = array<i32>} : memref<80x128xf32, #tpu.memory_space<vmem>>, vector<16xf32>,
          tpu.vector_store %arg8[%swap3A_667, %swap3A_668], %mul3A_666 {strides = array<i32>} : memref<80x128xf32, #tpu.memory_space<vmem>>, vector<16xf32>,
          %get3A_670 = arith.index_cast %add3A_642 : i32 to index
          %get3A_671 = arith.constant 48 : index
          %get3A_672 = tpu.vector_load %arg8[%get3A_670, %get3A_671] {strides = array<i32>} : memref<80x128xf32, #tpu.memory_space<vmem>>, vector<16xf32>,
          %mul3A_673 = arith.mulf %get3A_672, %broadcast_in_dim3A_662 : vector<16xf32>
          %swap3A_674 = arith.index_cast %add3A_642 : i32 to index
          %swap3A_675 = arith.constant 48 : index
          %swap3A_676 = tpu.vector_load %arg8[%swap3A_674, %swap3A_675] {strides = array<i32>} : memref<80x128xf32, #tpu.memory_space<vmem>>, vector<16xf32>,
          tpu.vector_store %arg8[%swap3A_674, %swap3A_675], %mul3A_673 {strides = array<i32>} : memref<80x128xf32, #tpu.memory_space<vmem>>, vector<16xf32>,
          %slice3A_677 = vector.extract_strided_slice %get3A_645 {offsets = [2], sizes = [1], strides = [1]} : vector<16xf32> to vector<1xf32>
          %squeeze3A_678 = vector.extract %slice3A_677[0] : f32 from vector<1xf32>
          %broadcast_in_dim3A_679 = vector.broadcast %squeeze3A_678 : f32 to vector<16xf32>
          %get3A_680 = arith.index_cast %add3A_642 : i32 to index
          %get3A_681 = arith.constant 64 : index
          %get3A_682 = tpu.vector_load %arg8[%get3A_680, %get3A_681] {strides = array<i32>} : memref<80x128xf32, #tpu.memory_space<vmem>>, vector<16xf32>,
          %mul3A_683 = arith.mulf %get3A_682, %broadcast_in_dim3A_679 : vector<16xf32>
          %swap3A_684 = arith.index_cast %add3A_642 : i32 to index
          %swap3A_685 = arith.constant 64 : index
          %swap3A_686 = tpu.vector_load %arg8[%swap3A_684, %swap3A_685] {strides = array<i32>} : memref<80x128xf32, #tpu.memory_space<vmem>>, vector<16xf32>,
          tpu.vector_store %arg8[%swap3A_684, %swap3A_685], %mul3A_683 {strides = array<i32>} : memref<80x128xf32, #tpu.memory_space<vmem>>, vector<16xf32>,
          %get3A_687 = arith.index_cast %add3A_642 : i32 to index
          %get3A_688 = arith.constant 80 : index
          %get3A_689 = tpu.vector_load %arg8[%get3A_687, %get3A_688] {strides = array<i32>} : memref<80x128xf32, #tpu.memory_space<vmem>>, vector<16xf32>,
          %mul3A_690 = arith.mulf %get3A_689, %broadcast_in_dim3A_679 : vector<16xf32>
          %swap3A_691 = arith.index_cast %add3A_642 : i32 to index
          %swap3A_692 = arith.constant 80 : index
          %swap3A_693 = tpu.vector_load %arg8[%swap3A_691, %swap3A_692] {strides = array<i32>} : memref<80x128xf32, #tpu.memory_space<vmem>>, vector<16xf32>,
          tpu.vector_store %arg8[%swap3A_691, %swap3A_692], %mul3A_690 {strides = array<i32>} : memref<80x128xf32, #tpu.memory_space<vmem>>, vector<16xf32>,
          %slice3A_694 = vector.extract_strided_slice %get3A_645 {offsets = [3], sizes = [1], strides = [1]} : vector<16xf32> to vector<1xf32>
          %squeeze3A_695 = vector.extract %slice3A_694[0] : f32 from vector<1xf32>
          %broadcast_in_dim3A_696 = vector.broadcast %squeeze3A_695 : f32 to vector<16xf32>
          %get3A_697 = arith.index_cast %add3A_642 : i32 to index
          %get3A_698 = arith.constant 96 : index
          %get3A_699 = tpu.vector_load %arg8[%get3A_697, %get3A_698] {strides = array<i32>} : memref<80x128xf32, #tpu.memory_space<vmem>>, vector<16xf32>,
          %mul3A_700 = arith.mulf %get3A_699, %broadcast_in_dim3A_696 : vector<16xf32>
          %swap3A_701 = arith.index_cast %add3A_642 : i32 to index
          %swap3A_702 = arith.constant 96 : index
          %swap3A_703 = tpu.vector_load %arg8[%swap3A_701, %swap3A_702] {strides = array<i32>} : memref<80x128xf32, #tpu.memory_space<vmem>>, vector<16xf32>,
          tpu.vector_store %arg8[%swap3A_701, %swap3A_702], %mul3A_700 {strides = array<i32>} : memref<80x128xf32, #tpu.memory_space<vmem>>, vector<16xf32>,
          %get3A_704 = arith.index_cast %add3A_642 : i32 to index
          %get3A_705 = arith.constant 112 : index
          %get3A_706 = tpu.vector_load %arg8[%get3A_704, %get3A_705] {strides = array<i32>} : memref<80x128xf32, #tpu.memory_space<vmem>>, vector<16xf32>,
          %mul3A_707 = arith.mulf %get3A_706, %broadcast_in_dim3A_696 : vector<16xf32>
          %swap3A_708 = arith.index_cast %add3A_642 : i32 to index
          %swap3A_709 = arith.constant 112 : index
          %swap3A_710 = tpu.vector_load %arg8[%swap3A_708, %swap3A_709] {strides = array<i32>} : memref<80x128xf32, #tpu.memory_space<vmem>>, vector<16xf32>,
          tpu.vector_store %arg8[%swap3A_708, %swap3A_709], %mul3A_707 {strides = array<i32>} : memref<80x128xf32, #tpu.memory_space<vmem>>, vector<16xf32>,
          %scan3A_711 = arith.constant 1 : i32
          %scan3A_712 = arith.addi %scan3A_638, %scan3A_711 : i32
          %mul3A_713 = arith.constant 1 : i32
          %mul3A_714 = arith.muli %scan3A_712, %mul3A_713 : i32
          %add3A_715 = arith.constant 0 : i32
          %add3A_716 = arith.addi %add3A_715, %mul3A_714 : i32
          %mul3A_717 = arith.constant 4 : i32
          %mul3A_718 = arith.muli %add3A_716, %mul3A_717 : i32
          %get3A_719 = arith.index_cast %mul3A_718 : i32 to index
          %get3A_720 = tpu.vector_load %arg12[%get3A_719] {strides = array<i32>} : memref<336xf32, #tpu.memory_space<vmem>>, vector<16xf32>,
          %slice3A_721 = vector.extract_strided_slice %get3A_720 {offsets = [0], sizes = [1], strides = [1]} : vector<16xf32> to vector<1xf32>
          %squeeze3A_722 = vector.extract %slice3A_721[0] : f32 from vector<1xf32>
          %broadcast_in_dim3A_723 = vector.broadcast %squeeze3A_722 : f32 to vector<16xf32>
          %get3A_724 = arith.index_cast %add3A_716 : i32 to index
          %get3A_725 = arith.constant 0 : index
          %get3A_726 = tpu.vector_load %arg8[%get3A_724, %get3A_725] {strides = array<i32>} : memref<80x128xf32, #tpu.memory_space<vmem>>, vector<16xf32>,
          %mul3A_727 = arith.mulf %get3A_726, %broadcast_in_dim3A_723 : vector<16xf32>
          %swap3A_728 = arith.index_cast %add3A_716 : i32 to index
          %swap3A_729 = arith.constant 0 : index
          %swap3A_730 = tpu.vector_load %arg8[%swap3A_728, %swap3A_729] {strides = array<i32>} : memref<80x128xf32, #tpu.memory_space<vmem>>, vector<16xf32>,
          tpu.vector_store %arg8[%swap3A_728, %swap3A_729], %mul3A_727 {strides = array<i32>} : memref<80x128xf32, #tpu.memory_space<vmem>>, vector<16xf32>,
          %get3A_731 = arith.index_cast %add3A_716 : i32 to index
          %get3A_732 = arith.constant 16 : index
          %get3A_733 = tpu.vector_load %arg8[%get3A_731, %get3A_732] {strides = array<i32>} : memref<80x128xf32, #tpu.memory_space<vmem>>, vector<16xf32>,
          %mul3A_734 = arith.mulf %get3A_733, %broadcast_in_dim3A_723 : vector<16xf32>
          %swap3A_735 = arith.index_cast %add3A_716 : i32 to index
          %swap3A_736 = arith.constant 16 : index
          %swap3A_737 = tpu.vector_load %arg8[%swap3A_735, %swap3A_736] {strides = array<i32>} : memref<80x128xf32, #tpu.memory_space<vmem>>, vector<16xf32>,
          tpu.vector_store %arg8[%swap3A_735, %swap3A_736], %mul3A_734 {strides = array<i32>} : memref<80x128xf32, #tpu.memory_space<vmem>>, vector<16xf32>,
          %slice3A_738 = vector.extract_strided_slice %get3A_720 {offsets = [1], sizes = [1], strides = [1]} : vector<16xf32> to vector<1xf32>
          %squeeze3A_739 = vector.extract %slice3A_738[0] : f32 from vector<1xf32>
          %broadcast_in_dim3A_740 = vector.broadcast %squeeze3A_739 : f32 to vector<16xf32>
          %get3A_741 = arith.index_cast %add3A_716 : i32 to index
          %get3A_742 = arith.constant 32 : index
          %get3A_743 = tpu.vector_load %arg8[%get3A_741, %get3A_742] {strides = array<i32>} : memref<80x128xf32, #tpu.memory_space<vmem>>, vector<16xf32>,
          %mul3A_744 = arith.mulf %get3A_743, %broadcast_in_dim3A_740 : vector<16xf32>
          %swap3A_745 = arith.index_cast %add3A_716 : i32 to index
          %swap3A_746 = arith.constant 32 : index
          %swap3A_747 = tpu.vector_load %arg8[%swap3A_745, %swap3A_746] {strides = array<i32>} : memref<80x128xf32, #tpu.memory_space<vmem>>, vector<16xf32>,
          tpu.vector_store %arg8[%swap3A_745, %swap3A_746], %mul3A_744 {strides = array<i32>} : memref<80x128xf32, #tpu.memory_space<vmem>>, vector<16xf32>,
          %get3A_748 = arith.index_cast %add3A_716 : i32 to index
          %get3A_749 = arith.constant 48 : index
          %get3A_750 = tpu.vector_load %arg8[%get3A_748, %get3A_749] {strides = array<i32>} : memref<80x128xf32, #tpu.memory_space<vmem>>, vector<16xf32>,
          %mul3A_751 = arith.mulf %get3A_750, %broadcast_in_dim3A_740 : vector<16xf32>
          %swap3A_752 = arith.index_cast %add3A_716 : i32 to index
          %swap3A_753 = arith.constant 48 : index
          %swap3A_754 = tpu.vector_load %arg8[%swap3A_752, %swap3A_753] {strides = array<i32>} : memref<80x128xf32, #tpu.memory_space<vmem>>, vector<16xf32>,
          tpu.vector_store %arg8[%swap3A_752, %swap3A_753], %mul3A_751 {strides = array<i32>} : memref<80x128xf32, #tpu.memory_space<vmem>>, vector<16xf32>,
          %slice3A_755 = vector.extract_strided_slice %get3A_720 {offsets = [2], sizes = [1], strides = [1]} : vector<16xf32> to vector<1xf32>
          %squeeze3A_756 = vector.extract %slice3A_755[0] : f32 from vector<1xf32>
          %broadcast_in_dim3A_757 = vector.broadcast %squeeze3A_756 : f32 to vector<16xf32>
          %get3A_758 = arith.index_cast %add3A_716 : i32 to index
          %get3A_759 = arith.constant 64 : index
          %get3A_760 = tpu.vector_load %arg8[%get3A_758, %get3A_759] {strides = array<i32>} : memref<80x128xf32, #tpu.memory_space<vmem>>, vector<16xf32>,
          %mul3A_761 = arith.mulf %get3A_760, %broadcast_in_dim3A_757 : vector<16xf32>
          %swap3A_762 = arith.index_cast %add3A_716 : i32 to index
          %swap3A_763 = arith.constant 64 : index
          %swap3A_764 = tpu.vector_load %arg8[%swap3A_762, %swap3A_763] {strides = array<i32>} : memref<80x128xf32, #tpu.memory_space<vmem>>, vector<16xf32>,
          tpu.vector_store %arg8[%swap3A_762, %swap3A_763], %mul3A_761 {strides = array<i32>} : memref<80x128xf32, #tpu.memory_space<vmem>>, vector<16xf32>,
          %get3A_765 = arith.index_cast %add3A_716 : i32 to index
          %get3A_766 = arith.constant 80 : index
          %get3A_767 = tpu.vector_load %arg8[%get3A_765, %get3A_766] {strides = array<i32>} : memref<80x128xf32, #tpu.memory_space<vmem>>, vector<16xf32>,
          %mul3A_768 = arith.mulf %get3A_767, %broadcast_in_dim3A_757 : vector<16xf32>
          %swap3A_769 = arith.index_cast %add3A_716 : i32 to index
          %swap3A_770 = arith.constant 80 : index
          %swap3A_771 = tpu.vector_load %arg8[%swap3A_769, %swap3A_770] {strides = array<i32>} : memref<80x128xf32, #tpu.memory_space<vmem>>, vector<16xf32>,
          tpu.vector_store %arg8[%swap3A_769, %swap3A_770], %mul3A_768 {strides = array<i32>} : memref<80x128xf32, #tpu.memory_space<vmem>>, vector<16xf32>,
          %slice3A_772 = vector.extract_strided_slice %get3A_720 {offsets = [3], sizes = [1], strides = [1]} : vector<16xf32> to vector<1xf32>
          %squeeze3A_773 = vector.extract %slice3A_772[0] : f32 from vector<1xf32>
          %broadcast_in_dim3A_774 = vector.broadcast %squeeze3A_773 : f32 to vector<16xf32>
          %get3A_775 = arith.index_cast %add3A_716 : i32 to index
          %get3A_776 = arith.constant 96 : index
          %get3A_777 = tpu.vector_load %arg8[%get3A_775, %get3A_776] {strides = array<i32>} : memref<80x128xf32, #tpu.memory_space<vmem>>, vector<16xf32>,
          %mul3A_778 = arith.mulf %get3A_777, %broadcast_in_dim3A_774 : vector<16xf32>
          %swap3A_779 = arith.index_cast %add3A_716 : i32 to index
          %swap3A_780 = arith.constant 96 : index
          %swap3A_781 = tpu.vector_load %arg8[%swap3A_779, %swap3A_780] {strides = array<i32>} : memref<80x128xf32, #tpu.memory_space<vmem>>, vector<16xf32>,
          tpu.vector_store %arg8[%swap3A_779, %swap3A_780], %mul3A_778 {strides = array<i32>} : memref<80x128xf32, #tpu.memory_space<vmem>>, vector<16xf32>,
          %get3A_782 = arith.index_cast %add3A_716 : i32 to index
          %get3A_783 = arith.constant 112 : index
          %get3A_784 = tpu.vector_load %arg8[%get3A_782, %get3A_783] {strides = array<i32>} : memref<80x128xf32, #tpu.memory_space<vmem>>, vector<16xf32>,
          %mul3A_785 = arith.mulf %get3A_784, %broadcast_in_dim3A_774 : vector<16xf32>
          %swap3A_786 = arith.index_cast %add3A_716 : i32 to index
          %swap3A_787 = arith.constant 112 : index
          %swap3A_788 = tpu.vector_load %arg8[%swap3A_786, %swap3A_787] {strides = array<i32>} : memref<80x128xf32, #tpu.memory_space<vmem>>, vector<16xf32>,
          tpu.vector_store %arg8[%swap3A_786, %swap3A_787], %mul3A_785 {strides = array<i32>} : memref<80x128xf32, #tpu.memory_space<vmem>>, vector<16xf32>,
          %scan3A_789 = arith.constant 2 : i32
          %scan3A_790 = arith.addi %scan3A_638, %scan3A_789 : i32
          %mul3A_791 = arith.constant 1 : i32
          %mul3A_792 = arith.muli %scan3A_790, %mul3A_791 : i32
          %add3A_793 = arith.constant 0 : i32
          %add3A_794 = arith.addi %add3A_793, %mul3A_792 : i32
          %mul3A_795 = arith.constant 4 : i32
          %mul3A_796 = arith.muli %add3A_794, %mul3A_795 : i32
          %get3A_797 = arith.index_cast %mul3A_796 : i32 to index
          %get3A_798 = tpu.vector_load %arg12[%get3A_797] {strides = array<i32>} : memref<336xf32, #tpu.memory_space<vmem>>, vector<16xf32>,
          %slice3A_799 = vector.extract_strided_slice %get3A_798 {offsets = [0], sizes = [1], strides = [1]} : vector<16xf32> to vector<1xf32>
          %squeeze3A_800 = vector.extract %slice3A_799[0] : f32 from vector<1xf32>
          %broadcast_in_dim3A_801 = vector.broadcast %squeeze3A_800 : f32 to vector<16xf32>
          %get3A_802 = arith.index_cast %add3A_794 : i32 to index
          %get3A_803 = arith.constant 0 : index
          %get3A_804 = tpu.vector_load %arg8[%get3A_802, %get3A_803] {strides = array<i32>} : memref<80x128xf32, #tpu.memory_space<vmem>>, vector<16xf32>,
          %mul3A_805 = arith.mulf %get3A_804, %broadcast_in_dim3A_801 : vector<16xf32>
          %swap3A_806 = arith.index_cast %add3A_794 : i32 to index
          %swap3A_807 = arith.constant 0 : index
          %swap3A_808 = tpu.vector_load %arg8[%swap3A_806, %swap3A_807] {strides = array<i32>} : memref<80x128xf32, #tpu.memory_space<vmem>>, vector<16xf32>,
          tpu.vector_store %arg8[%swap3A_806, %swap3A_807], %mul3A_805 {strides = array<i32>} : memref<80x128xf32, #tpu.memory_space<vmem>>, vector<16xf32>,
          %get3A_809 = arith.index_cast %add3A_794 : i32 to index
          %get3A_810 = arith.constant 16 : index
          %get3A_811 = tpu.vector_load %arg8[%get3A_809, %get3A_810] {strides = array<i32>} : memref<80x128xf32, #tpu.memory_space<vmem>>, vector<16xf32>,
          %mul3A_812 = arith.mulf %get3A_811, %broadcast_in_dim3A_801 : vector<16xf32>
          %swap3A_813 = arith.index_cast %add3A_794 : i32 to index
          %swap3A_814 = arith.constant 16 : index
          %swap3A_815 = tpu.vector_load %arg8[%swap3A_813, %swap3A_814] {strides = array<i32>} : memref<80x128xf32, #tpu.memory_space<vmem>>, vector<16xf32>,
          tpu.vector_store %arg8[%swap3A_813, %swap3A_814], %mul3A_812 {strides = array<i32>} : memref<80x128xf32, #tpu.memory_space<vmem>>, vector<16xf32>,
          %slice3A_816 = vector.extract_strided_slice %get3A_798 {offsets = [1], sizes = [1], strides = [1]} : vector<16xf32> to vector<1xf32>
          %squeeze3A_817 = vector.extract %slice3A_816[0] : f32 from vector<1xf32>
          %broadcast_in_dim3A_818 = vector.broadcast %squeeze3A_817 : f32 to vector<16xf32>
          %get3A_819 = arith.index_cast %add3A_794 : i32 to index
          %get3A_820 = arith.constant 32 : index
          %get3A_821 = tpu.vector_load %arg8[%get3A_819, %get3A_820] {strides = array<i32>} : memref<80x128xf32, #tpu.memory_space<vmem>>, vector<16xf32>,
          %mul3A_822 = arith.mulf %get3A_821, %broadcast_in_dim3A_818 : vector<16xf32>
          %swap3A_823 = arith.index_cast %add3A_794 : i32 to index
          %swap3A_824 = arith.constant 32 : index
          %swap3A_825 = tpu.vector_load %arg8[%swap3A_823, %swap3A_824] {strides = array<i32>} : memref<80x128xf32, #tpu.memory_space<vmem>>, vector<16xf32>,
          tpu.vector_store %arg8[%swap3A_823, %swap3A_824], %mul3A_822 {strides = array<i32>} : memref<80x128xf32, #tpu.memory_space<vmem>>, vector<16xf32>,
          %get3A_826 = arith.index_cast %add3A_794 : i32 to index
          %get3A_827 = arith.constant 48 : index
          %get3A_828 = tpu.vector_load %arg8[%get3A_826, %get3A_827] {strides = array<i32>} : memref<80x128xf32, #tpu.memory_space<vmem>>, vector<16xf32>,
          %mul3A_829 = arith.mulf %get3A_828, %broadcast_in_dim3A_818 : vector<16xf32>
          %swap3A_830 = arith.index_cast %add3A_794 : i32 to index
          %swap3A_831 = arith.constant 48 : index
          %swap3A_832 = tpu.vector_load %arg8[%swap3A_830, %swap3A_831] {strides = array<i32>} : memref<80x128xf32, #tpu.memory_space<vmem>>, vector<16xf32>,
          tpu.vector_store %arg8[%swap3A_830, %swap3A_831], %mul3A_829 {strides = array<i32>} : memref<80x128xf32, #tpu.memory_space<vmem>>, vector<16xf32>,
          %slice3A_833 = vector.extract_strided_slice %get3A_798 {offsets = [2], sizes = [1], strides = [1]} : vector<16xf32> to vector<1xf32>
          %squeeze3A_834 = vector.extract %slice3A_833[0] : f32 from vector<1xf32>
          %broadcast_in_dim3A_835 = vector.broadcast %squeeze3A_834 : f32 to vector<16xf32>
          %get3A_836 = arith.index_cast %add3A_794 : i32 to index
          %get3A_837 = arith.constant 64 : index
          %get3A_838 = tpu.vector_load %arg8[%get3A_836, %get3A_837] {strides = array<i32>} : memref<80x128xf32, #tpu.memory_space<vmem>>, vector<16xf32>,
          %mul3A_839 = arith.mulf %get3A_838, %broadcast_in_dim3A_835 : vector<16xf32>
          %swap3A_840 = arith.index_cast %add3A_794 : i32 to index
          %swap3A_841 = arith.constant 64 : index
          %swap3A_842 = tpu.vector_load %arg8[%swap3A_840, %swap3A_841] {strides = array<i32>} : memref<80x128xf32, #tpu.memory_space<vmem>>, vector<16xf32>,
          tpu.vector_store %arg8[%swap3A_840, %swap3A_841], %mul3A_839 {strides = array<i32>} : memref<80x128xf32, #tpu.memory_space<vmem>>, vector<16xf32>,
          %get3A_843 = arith.index_cast %add3A_794 : i32 to index
          %get3A_844 = arith.constant 80 : index
          %get3A_845 = tpu.vector_load %arg8[%get3A_843, %get3A_844] {strides = array<i32>} : memref<80x128xf32, #tpu.memory_space<vmem>>, vector<16xf32>,
          %mul3A_846 = arith.mulf %get3A_845, %broadcast_in_dim3A_835 : vector<16xf32>
          %swap3A_847 = arith.index_cast %add3A_794 : i32 to index
          %swap3A_848 = arith.constant 80 : index
          %swap3A_849 = tpu.vector_load %arg8[%swap3A_847, %swap3A_848] {strides = array<i32>} : memref<80x128xf32, #tpu.memory_space<vmem>>, vector<16xf32>,
          tpu.vector_store %arg8[%swap3A_847, %swap3A_848], %mul3A_846 {strides = array<i32>} : memref<80x128xf32, #tpu.memory_space<vmem>>, vector<16xf32>,
          %slice3A_850 = vector.extract_strided_slice %get3A_798 {offsets = [3], sizes = [1], strides = [1]} : vector<16xf32> to vector<1xf32>
          %squeeze3A_851 = vector.extract %slice3A_850[0] : f32 from vector<1xf32>
          %broadcast_in_dim3A_852 = vector.broadcast %squeeze3A_851 : f32 to vector<16xf32>
          %get3A_853 = arith.index_cast %add3A_794 : i32 to index
          %get3A_854 = arith.constant 96 : index
          %get3A_855 = tpu.vector_load %arg8[%get3A_853, %get3A_854] {strides = array<i32>} : memref<80x128xf32, #tpu.memory_space<vmem>>, vector<16xf32>,
          %mul3A_856 = arith.mulf %get3A_855, %broadcast_in_dim3A_852 : vector<16xf32>
          %swap3A_857 = arith.index_cast %add3A_794 : i32 to index
          %swap3A_858 = arith.constant 96 : index
          %swap3A_859 = tpu.vector_load %arg8[%swap3A_857, %swap3A_858] {strides = array<i32>} : memref<80x128xf32, #tpu.memory_space<vmem>>, vector<16xf32>,
          tpu.vector_store %arg8[%swap3A_857, %swap3A_858], %mul3A_856 {strides = array<i32>} : memref<80x128xf32, #tpu.memory_space<vmem>>, vector<16xf32>,
          %get3A_860 = arith.index_cast %add3A_794 : i32 to index
          %get3A_861 = arith.constant 112 : index
          %get3A_862 = tpu.vector_load %arg8[%get3A_860, %get3A_861] {strides = array<i32>} : memref<80x128xf32, #tpu.memory_space<vmem>>, vector<16xf32>,
          %mul3A_863 = arith.mulf %get3A_862, %broadcast_in_dim3A_852 : vector<16xf32>
          %swap3A_864 = arith.index_cast %add3A_794 : i32 to index
          %swap3A_865 = arith.constant 112 : index
          %swap3A_866 = tpu.vector_load %arg8[%swap3A_864, %swap3A_865] {strides = array<i32>} : memref<80x128xf32, #tpu.memory_space<vmem>>, vector<16xf32>,
          tpu.vector_store %arg8[%swap3A_864, %swap3A_865], %mul3A_863 {strides = array<i32>} : memref<80x128xf32, #tpu.memory_space<vmem>>, vector<16xf32>,
          %scan3A_867 = arith.constant 3 : i32
          %scan3A_868 = arith.addi %scan3A_638, %scan3A_867 : i32
          %mul3A_869 = arith.constant 1 : i32
          %mul3A_870 = arith.muli %scan3A_868, %mul3A_869 : i32
          %add3A_871 = arith.constant 0 : i32
          %add3A_872 = arith.addi %add3A_871, %mul3A_870 : i32
          %mul3A_873 = arith.constant 4 : i32
          %mul3A_874 = arith.muli %add3A_872, %mul3A_873 : i32
          %get3A_875 = arith.index_cast %mul3A_874 : i32 to index
          %get3A_876 = tpu.vector_load %arg12[%get3A_875] {strides = array<i32>} : memref<336xf32, #tpu.memory_space<vmem>>, vector<16xf32>,
          %slice3A_877 = vector.extract_strided_slice %get3A_876 {offsets = [0], sizes = [1], strides = [1]} : vector<16xf32> to vector<1xf32>
          %squeeze3A_878 = vector.extract %slice3A_877[0] : f32 from vector<1xf32>
          %broadcast_in_dim3A_879 = vector.broadcast %squeeze3A_878 : f32 to vector<16xf32>
          %get3A_880 = arith.index_cast %add3A_872 : i32 to index
          %get3A_881 = arith.constant 0 : index
          %get3A_882 = tpu.vector_load %arg8[%get3A_880, %get3A_881] {strides = array<i32>} : memref<80x128xf32, #tpu.memory_space<vmem>>, vector<16xf32>,
          %mul3A_883 = arith.mulf %get3A_882, %broadcast_in_dim3A_879 : vector<16xf32>
          %swap3A_884 = arith.index_cast %add3A_872 : i32 to index
          %swap3A_885 = arith.constant 0 : index
          %swap3A_886 = tpu.vector_load %arg8[%swap3A_884, %swap3A_885] {strides = array<i32>} : memref<80x128xf32, #tpu.memory_space<vmem>>, vector<16xf32>,
          tpu.vector_store %arg8[%swap3A_884, %swap3A_885], %mul3A_883 {strides = array<i32>} : memref<80x128xf32, #tpu.memory_space<vmem>>, vector<16xf32>,
          %get3A_887 = arith.index_cast %add3A_872 : i32 to index
          %get3A_888 = arith.constant 16 : index
          %get3A_889 = tpu.vector_load %arg8[%get3A_887, %get3A_888] {strides = array<i32>} : memref<80x128xf32, #tpu.memory_space<vmem>>, vector<16xf32>,
          %mul3A_890 = arith.mulf %get3A_889, %broadcast_in_dim3A_879 : vector<16xf32>
          %swap3A_891 = arith.index_cast %add3A_872 : i32 to index
          %swap3A_892 = arith.constant 16 : index
          %swap3A_893 = tpu.vector_load %arg8[%swap3A_891, %swap3A_892] {strides = array<i32>} : memref<80x128xf32, #tpu.memory_space<vmem>>, vector<16xf32>,
          tpu.vector_store %arg8[%swap3A_891, %swap3A_892], %mul3A_890 {strides = array<i32>} : memref<80x128xf32, #tpu.memory_space<vmem>>, vector<16xf32>,
          %slice3A_894 = vector.extract_strided_slice %get3A_876 {offsets = [1], sizes = [1], strides = [1]} : vector<16xf32> to vector<1xf32>
          %squeeze3A_895 = vector.extract %slice3A_894[0] : f32 from vector<1xf32>
          %broadcast_in_dim3A_896 = vector.broadcast %squeeze3A_895 : f32 to vector<16xf32>
          %get3A_897 = arith.index_cast %add3A_872 : i32 to index
          %get3A_898 = arith.constant 32 : index
          %get3A_899 = tpu.vector_load %arg8[%get3A_897, %get3A_898] {strides = array<i32>} : memref<80x128xf32, #tpu.memory_space<vmem>>, vector<16xf32>,
          %mul3A_900 = arith.mulf %get3A_899, %broadcast_in_dim3A_896 : vector<16xf32>
          %swap3A_901 = arith.index_cast %add3A_872 : i32 to index
          %swap3A_902 = arith.constant 32 : index
          %swap3A_903 = tpu.vector_load %arg8[%swap3A_901, %swap3A_902] {strides = array<i32>} : memref<80x128xf32, #tpu.memory_space<vmem>>, vector<16xf32>,
          tpu.vector_store %arg8[%swap3A_901, %swap3A_902], %mul3A_900 {strides = array<i32>} : memref<80x128xf32, #tpu.memory_space<vmem>>, vector<16xf32>,
          %get3A_904 = arith.index_cast %add3A_872 : i32 to index
          %get3A_905 = arith.constant 48 : index
          %get3A_906 = tpu.vector_load %arg8[%get3A_904, %get3A_905] {strides = array<i32>} : memref<80x128xf32, #tpu.memory_space<vmem>>, vector<16xf32>,
          %mul3A_907 = arith.mulf %get3A_906, %broadcast_in_dim3A_896 : vector<16xf32>
          %swap3A_908 = arith.index_cast %add3A_872 : i32 to index
          %swap3A_909 = arith.constant 48 : index
          %swap3A_910 = tpu.vector_load %arg8[%swap3A_908, %swap3A_909] {strides = array<i32>} : memref<80x128xf32, #tpu.memory_space<vmem>>, vector<16xf32>,
          tpu.vector_store %arg8[%swap3A_908, %swap3A_909], %mul3A_907 {strides = array<i32>} : memref<80x128xf32, #tpu.memory_space<vmem>>, vector<16xf32>,
          %slice3A_911 = vector.extract_strided_slice %get3A_876 {offsets = [2], sizes = [1], strides = [1]} : vector<16xf32> to vector<1xf32>
          %squeeze3A_912 = vector.extract %slice3A_911[0] : f32 from vector<1xf32>
          %broadcast_in_dim3A_913 = vector.broadcast %squeeze3A_912 : f32 to vector<16xf32>
          %get3A_914 = arith.index_cast %add3A_872 : i32 to index
          %get3A_915 = arith.constant 64 : index
          %get3A_916 = tpu.vector_load %arg8[%get3A_914, %get3A_915] {strides = array<i32>} : memref<80x128xf32, #tpu.memory_space<vmem>>, vector<16xf32>,
          %mul3A_917 = arith.mulf %get3A_916, %broadcast_in_dim3A_913 : vector<16xf32>
          %swap3A_918 = arith.index_cast %add3A_872 : i32 to index
          %swap3A_919 = arith.constant 64 : index
          %swap3A_920 = tpu.vector_load %arg8[%swap3A_918, %swap3A_919] {strides = array<i32>} : memref<80x128xf32, #tpu.memory_space<vmem>>, vector<16xf32>,
          tpu.vector_store %arg8[%swap3A_918, %swap3A_919], %mul3A_917 {strides = array<i32>} : memref<80x128xf32, #tpu.memory_space<vmem>>, vector<16xf32>,
          %get3A_921 = arith.index_cast %add3A_872 : i32 to index
          %get3A_922 = arith.constant 80 : index
          %get3A_923 = tpu.vector_load %arg8[%get3A_921, %get3A_922] {strides = array<i32>} : memref<80x128xf32, #tpu.memory_space<vmem>>, vector<16xf32>,
          %mul3A_924 = arith.mulf %get3A_923, %broadcast_in_dim3A_913 : vector<16xf32>
          %swap3A_925 = arith.index_cast %add3A_872 : i32 to index
          %swap3A_926 = arith.constant 80 : index
          %swap3A_927 = tpu.vector_load %arg8[%swap3A_925, %swap3A_926] {strides = array<i32>} : memref<80x128xf32, #tpu.memory_space<vmem>>, vector<16xf32>,
          tpu.vector_store %arg8[%swap3A_925, %swap3A_926], %mul3A_924 {strides = array<i32>} : memref<80x128xf32, #tpu.memory_space<vmem>>, vector<16xf32>,
          %slice3A_928 = vector.extract_strided_slice %get3A_876 {offsets = [3], sizes = [1], strides = [1]} : vector<16xf32> to vector<1xf32>
          %squeeze3A_929 = vector.extract %slice3A_928[0] : f32 from vector<1xf32>
          %broadcast_in_dim3A_930 = vector.broadcast %squeeze3A_929 : f32 to vector<16xf32>
          %get3A_931 = arith.index_cast %add3A_872 : i32 to index
          %get3A_932 = arith.constant 96 : index
          %get3A_933 = tpu.vector_load %arg8[%get3A_931, %get3A_932] {strides = array<i32>} : memref<80x128xf32, #tpu.memory_space<vmem>>, vector<16xf32>,
          %mul3A_934 = arith.mulf %get3A_933, %broadcast_in_dim3A_930 : vector<16xf32>
          %swap3A_935 = arith.index_cast %add3A_872 : i32 to index
          %swap3A_936 = arith.constant 96 : index
          %swap3A_937 = tpu.vector_load %arg8[%swap3A_935, %swap3A_936] {strides = array<i32>} : memref<80x128xf32, #tpu.memory_space<vmem>>, vector<16xf32>,
          tpu.vector_store %arg8[%swap3A_935, %swap3A_936], %mul3A_934 {strides = array<i32>} : memref<80x128xf32, #tpu.memory_space<vmem>>, vector<16xf32>,
          %get3A_938 = arith.index_cast %add3A_872 : i32 to index
          %get3A_939 = arith.constant 112 : index
          %get3A_940 = tpu.vector_load %arg8[%get3A_938, %get3A_939] {strides = array<i32>} : memref<80x128xf32, #tpu.memory_space<vmem>>, vector<16xf32>,
          %mul3A_941 = arith.mulf %get3A_940, %broadcast_in_dim3A_930 : vector<16xf32>
          %swap3A_942 = arith.index_cast %add3A_872 : i32 to index
          %swap3A_943 = arith.constant 112 : index
          %swap3A_944 = tpu.vector_load %arg8[%swap3A_942, %swap3A_943] {strides = array<i32>} : memref<80x128xf32, #tpu.memory_space<vmem>>, vector<16xf32>,
          tpu.vector_store %arg8[%swap3A_942, %swap3A_943], %mul3A_941 {strides = array<i32>} : memref<80x128xf32, #tpu.memory_space<vmem>>, vector<16xf32>,
        }
        %scan3A_630 = arith.constant 80 : i32
        %dma_start3A_631 = arith.constant 1 : i32
        %dma_start3A_632 = arith.constant 0 : i32
        %dma_start3A_633 = tpu.memref_slice %arg16[%dma_start3A_631, %dma_start3A_632] : memref<2x80xi32, #tpu.memory_space<vmem>> -> memref<1x80xi32, #tpu.memory_space<vmem>>
        %dma_start3A_634 = tpu.memref_squeeze %dma_start3A_633 : memref<1x80xi32, #tpu.memory_space<vmem>> -> memref<80xi32, #tpu.memory_space<vmem>>
        %dma_start3A_635 = arith.constant 0 : i32
        %dma_start3A_636 = arith.constant 0 : i32
        %dma_start3A_637 = tpu.memref_slice %arg18[%dma_start3A_635, %dma_start3A_636] : memref<10240x128xf32, #tpu.memory_space<vmem_shared>> -> memref<10240x128xf32, #tpu.memory_space<vmem_shared>>
        tpu.enqueue_indirect_dma source(%arg8 : memref<80x128xf32, #tpu.memory_space<vmem>>) target(%dma_start3A_637 : memref<10240x128xf32, #tpu.memory_space<vmem_shared>>) offsets(%dma_start3A_634 : memref<80xi32, #tpu.memory_space<vmem>>) semaphore(%arg29 : memref<!tpu.dma_semaphore, #tpu.memory_space<semaphore_mem>>) {add = true}
      } else {
      }
      %add3A_593 = arith.constant 3 : i32
      %add3A_594 = arith.addi %add3A_518, %add3A_593 : i32
      %ge3A_595 = arith.constant 2 : i32
      %ge3A_596 = arith.cmpi sge, %add3A_594, %ge3A_595 : i32
      %convert_element_type3A_597 = arith.extui %ge3A_596 : i1 to i32
      %cond3A_598 = arith.constant 0 : i32
      %cond3A_599 = arith.cmpi ne, %convert_element_type3A_597, %cond3A_598 : i32
      scf.if %cond3A_599 {
        %sub3A = arith.constant 2 : i32
        %sub3A_619 = arith.subi %add3A_594, %sub3A : i32
        %dma_wait3A_620 = arith.constant 1 : i32
        %dma_wait3A_621 = arith.constant 0 : i32
        %dma_wait3A_622 = tpu.memref_slice %arg15[%dma_wait3A_620, %dma_wait3A_621] : memref<2x80xi32, #tpu.memory_space<vmem>> -> memref<1x80xi32, #tpu.memory_space<vmem>>
        %dma_wait3A_623 = tpu.memref_squeeze %dma_wait3A_622 : memref<1x80xi32, #tpu.memory_space<vmem>> -> memref<80xi32, #tpu.memory_space<vmem>>
        %dma_wait3A_624 = arith.constant 0 : i32
        %dma_wait3A_625 = arith.constant 0 : i32
        %dma_wait3A_626 = tpu.memref_slice %arg18[%dma_wait3A_624, %dma_wait3A_625] : memref<10240x128xf32, #tpu.memory_space<vmem_shared>> -> memref<10240x128xf32, #tpu.memory_space<vmem_shared>>
        tpu.wait_indirect_dma semaphore(%arg28 : memref<!tpu.dma_semaphore, #tpu.memory_space<semaphore_mem>>) src(%arg7 : memref<80x128xf32, #tpu.memory_space<vmem>>) dst(%dma_wait3A_626 : memref<10240x128xf32, #tpu.memory_space<vmem_shared>>)
      } else {
      }
      %add3A_600 = arith.constant 2 : i32
      %add3A_601 = arith.addi %add3A_594, %add3A_600 : i32
      %lt3A_602 = arith.constant 250 : i32
      %lt3A_603 = arith.cmpi slt, %add3A_601, %lt3A_602 : i32
      %convert_element_type3A_604 = arith.extui %lt3A_603 : i1 to i32
      %cond3A_605 = arith.constant 0 : i32
      %cond3A_606 = arith.cmpi ne, %convert_element_type3A_604, %cond3A_605 : i32
      scf.if %cond3A_606 {
        %add3A_619 = arith.constant 2 : i32
        %add3A_620 = arith.addi %add3A_594, %add3A_619 : i32
        %dma_start3A_621 = arith.constant 0 : i32
        %dma_start3A_622 = arith.constant 0 : i32
        %dma_start3A_623 = tpu.memref_slice %arg3[%add3A, %add3A_620, %dma_start3A_621, %dma_start3A_622] : memref<32x250x2x80xi32, #tpu.memory_space<hbm>> -> memref<1x1x2x80xi32, #tpu.memory_space<hbm>>
        %dma_start3A_624 = tpu.memref_squeeze %dma_start3A_623 : memref<1x1x2x80xi32, #tpu.memory_space<hbm>> -> memref<2x80xi32, #tpu.memory_space<hbm>>
        %dma_start3A_625 = arith.constant 0 : i32
        %dma_start3A_626 = arith.constant 0 : i32
        %dma_start3A_627 = tpu.memref_slice %arg3[%add3A, %add3A_620, %dma_start3A_625, %dma_start3A_626] : memref<32x250x2x80xi32, #tpu.memory_space<hbm>> -> memref<1x1x2x80xi32, #tpu.memory_space<hbm>>
        %dma_start3A_628 = tpu.memref_squeeze %dma_start3A_627 : memref<1x1x2x80xi32, #tpu.memory_space<hbm>> -> memref<2x80xi32, #tpu.memory_space<hbm>>
        tpu.enqueue_dma source(%dma_start3A_628 : memref<2x80xi32, #tpu.memory_space<hbm>>) target(%arg15 : memref<2x80xi32, #tpu.memory_space<vmem>>) target_semaphore(%arg20 : memref<!tpu.dma_semaphore, #tpu.memory_space<semaphore_mem>>)
        %mul3A_629 = arith.constant 20000 : i32
        %mul3A_630 = arith.muli %add3A, %mul3A_629 : i32
        %mul3A_631 = arith.constant 80 : i32
        %mul3A_632 = arith.muli %add3A_620, %mul3A_631 : i32
        %add3A_633 = arith.addi %mul3A_630, %mul3A_632 : i32
        %mul3A_634 = arith.constant 4 : i32
        %mul3A_635 = arith.muli %add3A_633, %mul3A_634 : i32
        %dma_start3A_636 = arith.constant 0 : i32
        %dma_start3A_637 = tpu.memref_slice %arg11[%dma_start3A_636] : memref<336xf32, #tpu.memory_space<vmem>> -> memref<320xf32, #tpu.memory_space<vmem>>
        %dma_start3A_638 = tpu.memref_slice %arg4[%mul3A_635] : memref<2560000xf32, #tpu.memory_space<hbm>> -> memref<320xf32, #tpu.memory_space<hbm>>
        %dma_start3A_639 = arith.constant 0 : i32
        %dma_start3A_640 = tpu.memref_slice %arg11[%dma_start3A_639] : memref<336xf32, #tpu.memory_space<vmem>> -> memref<320xf32, #tpu.memory_space<vmem>>
        %dma_start3A_641 = tpu.memref_slice %arg4[%mul3A_635] : memref<2560000xf32, #tpu.memory_space<hbm>> -> memref<320xf32, #tpu.memory_space<hbm>>
        tpu.enqueue_dma source(%dma_start3A_641 : memref<320xf32, #tpu.memory_space<hbm>>) target(%dma_start3A_640 : memref<320xf32, #tpu.memory_space<vmem>>) target_semaphore(%arg20 : memref<!tpu.dma_semaphore, #tpu.memory_space<semaphore_mem>>)
      } else {
      }
      %add3A_607 = arith.constant 1 : i32
      %add3A_608 = arith.addi %add3A_594, %add3A_607 : i32
      %lt3A_609 = arith.constant 250 : i32
      %lt3A_610 = arith.cmpi slt, %add3A_608, %lt3A_609 : i32
      %convert_element_type3A_611 = arith.extui %lt3A_610 : i1 to i32
      %cond3A_612 = arith.constant 0 : i32
      %cond3A_613 = arith.cmpi ne, %convert_element_type3A_611, %cond3A_612 : i32
      scf.if %cond3A_613 {
        %add3A_619 = arith.constant 1 : i32
        %add3A_620 = arith.addi %add3A_594, %add3A_619 : i32
        %dma_wait3A_621 = arith.constant 0 : i32
        %dma_wait3A_622 = arith.constant 0 : i32
        %dma_wait3A_623 = tpu.memref_slice %arg3[%add3A, %add3A_620, %dma_wait3A_621, %dma_wait3A_622] : memref<32x250x2x80xi32, #tpu.memory_space<hbm>> -> memref<1x1x2x80xi32, #tpu.memory_space<hbm>>
        %dma_wait3A_624 = tpu.memref_squeeze %dma_wait3A_623 : memref<1x1x2x80xi32, #tpu.memory_space<hbm>> -> memref<2x80xi32, #tpu.memory_space<hbm>>
        %dma_wait3A_625 = arith.constant 0 : i32
        %dma_wait3A_626 = arith.constant 0 : i32
        %dma_wait3A_627 = tpu.memref_slice %arg3[%add3A, %add3A_620, %dma_wait3A_625, %dma_wait3A_626] : memref<32x250x2x80xi32, #tpu.memory_space<hbm>> -> memref<1x1x2x80xi32, #tpu.memory_space<hbm>>
        %dma_wait3A_628 = tpu.memref_squeeze %dma_wait3A_627 : memref<1x1x2x80xi32, #tpu.memory_space<hbm>> -> memref<2x80xi32, #tpu.memory_space<hbm>>
        tpu.wait_dma2 semaphore(%arg19 : memref<!tpu.dma_semaphore, #tpu.memory_space<semaphore_mem>>) src(%dma_wait3A_628 : memref<2x80xi32, #tpu.memory_space<hbm>>) dst(%arg14 : memref<2x80xi32, #tpu.memory_space<vmem>>)
        %mul3A_629 = arith.constant 20000 : i32
        %mul3A_630 = arith.muli %add3A, %mul3A_629 : i32
        %mul3A_631 = arith.constant 80 : i32
        %mul3A_632 = arith.muli %add3A_620, %mul3A_631 : i32
        %add3A_633 = arith.addi %mul3A_630, %mul3A_632 : i32
        %mul3A_634 = arith.constant 4 : i32
        %mul3A_635 = arith.muli %add3A_633, %mul3A_634 : i32
        %dma_wait3A_636 = arith.constant 0 : i32
        %dma_wait3A_637 = tpu.memref_slice %arg10[%dma_wait3A_636] : memref<336xf32, #tpu.memory_space<vmem>> -> memref<320xf32, #tpu.memory_space<vmem>>
        %dma_wait3A_638 = tpu.memref_slice %arg4[%mul3A_635] : memref<2560000xf32, #tpu.memory_space<hbm>> -> memref<320xf32, #tpu.memory_space<hbm>>
        %dma_wait3A_639 = arith.constant 0 : i32
        %dma_wait3A_640 = tpu.memref_slice %arg10[%dma_wait3A_639] : memref<336xf32, #tpu.memory_space<vmem>> -> memref<320xf32, #tpu.memory_space<vmem>>
        %dma_wait3A_641 = tpu.memref_slice %arg4[%mul3A_635] : memref<2560000xf32, #tpu.memory_space<hbm>> -> memref<320xf32, #tpu.memory_space<hbm>>
        tpu.wait_dma2 semaphore(%arg19 : memref<!tpu.dma_semaphore, #tpu.memory_space<semaphore_mem>>) src(%dma_wait3A_641 : memref<320xf32, #tpu.memory_space<hbm>>) dst(%dma_wait3A_640 : memref<320xf32, #tpu.memory_space<vmem>>)
        %add3A_642 = arith.constant 1 : i32
        %add3A_643 = arith.addi %add3A_594, %add3A_642 : i32
        %dma_start3A_644 = arith.constant 0 : i32
        %dma_start3A_645 = arith.constant 0 : i32
        %dma_start3A_646 = tpu.memref_slice %arg14[%dma_start3A_644, %dma_start3A_645] : memref<2x80xi32, #tpu.memory_space<vmem>> -> memref<1x80xi32, #tpu.memory_space<vmem>>
        %dma_start3A_647 = tpu.memref_squeeze %dma_start3A_646 : memref<1x80xi32, #tpu.memory_space<vmem>> -> memref<80xi32, #tpu.memory_space<vmem>>
        %dma_start3A_648 = arith.constant 0 : i32
        %dma_start3A_649 = arith.constant 0 : i32
        %dma_start3A_650 = tpu.memref_slice %arg2[%dma_start3A_648, %dma_start3A_649] : memref<10000x128xf32, #tpu.memory_space<hbm>> -> memref<10000x128xf32, #tpu.memory_space<hbm>>
        tpu.enqueue_indirect_dma source(%dma_start3A_650 : memref<10000x128xf32, #tpu.memory_space<hbm>>) target(%arg6 : memref<80x128xf32, #tpu.memory_space<vmem>>) offsets(%dma_start3A_647 : memref<80xi32, #tpu.memory_space<vmem>>) semaphore(%arg23 : memref<!tpu.dma_semaphore, #tpu.memory_space<semaphore_mem>>)
      } else {
      }
      %lt3A_614 = arith.constant 250 : i32
      %lt3A_615 = arith.cmpi slt, %add3A_594, %lt3A_614 : i32
      %convert_element_type3A_616 = arith.extui %lt3A_615 : i1 to i32
      %cond3A_617 = arith.constant 0 : i32
      %cond3A_618 = arith.cmpi ne, %convert_element_type3A_616, %cond3A_617 : i32
      scf.if %cond3A_618 {
        %dma_wait3A_619 = arith.constant 0 : i32
        %dma_wait3A_620 = arith.constant 0 : i32
        %dma_wait3A_621 = tpu.memref_slice %arg17[%dma_wait3A_619, %dma_wait3A_620] : memref<2x80xi32, #tpu.memory_space<vmem>> -> memref<1x80xi32, #tpu.memory_space<vmem>>
        %dma_wait3A_622 = tpu.memref_squeeze %dma_wait3A_621 : memref<1x80xi32, #tpu.memory_space<vmem>> -> memref<80xi32, #tpu.memory_space<vmem>>
        %dma_wait3A_623 = arith.constant 0 : i32
        %dma_wait3A_624 = arith.constant 0 : i32
        %dma_wait3A_625 = tpu.memref_slice %arg2[%dma_wait3A_623, %dma_wait3A_624] : memref<10000x128xf32, #tpu.memory_space<hbm>> -> memref<10000x128xf32, #tpu.memory_space<hbm>>
        tpu.wait_indirect_dma semaphore(%arg26 : memref<!tpu.dma_semaphore, #tpu.memory_space<semaphore_mem>>) src(%dma_wait3A_625 : memref<10000x128xf32, #tpu.memory_space<hbm>>) dst(%arg9 : memref<80x128xf32, #tpu.memory_space<vmem>>)
        %scan3A_626 = arith.constant 0 : i32
        %scan3A_627 = arith.constant 80 : i32
        %scan3A_628 = arith.addi %scan3A_626, %scan3A_627 : i32
        %scan3A_629 = arith.constant 4 : i32
        scf.for %scan3A_638 = %scan3A_626 to %scan3A_628 step %scan3A_629  : i32 {
          %mul3A_639 = arith.constant 1 : i32
          %mul3A_640 = arith.muli %scan3A_638, %mul3A_639 : i32
          %add3A_641 = arith.constant 0 : i32
          %add3A_642 = arith.addi %add3A_641, %mul3A_640 : i32
          %mul3A_643 = arith.constant 4 : i32
          %mul3A_644 = arith.muli %add3A_642, %mul3A_643 : i32
          %get3A = arith.index_cast %mul3A_644 : i32 to index
          %get3A_645 = tpu.vector_load %arg13[%get3A] {strides = array<i32>} : memref<336xf32, #tpu.memory_space<vmem>>, vector<16xf32>,
          %slice3A = vector.extract_strided_slice %get3A_645 {offsets = [0], sizes = [1], strides = [1]} : vector<16xf32> to vector<1xf32>
          %squeeze3A = vector.extract %slice3A[0] : f32 from vector<1xf32>
          %broadcast_in_dim3A_646 = vector.broadcast %squeeze3A : f32 to vector<16xf32>
          %get3A_647 = arith.index_cast %add3A_642 : i32 to index
          %get3A_648 = arith.constant 0 : index
          %get3A_649 = tpu.vector_load %arg9[%get3A_647, %get3A_648] {strides = array<i32>} : memref<80x128xf32, #tpu.memory_space<vmem>>, vector<16xf32>,
          %mul3A_650 = arith.mulf %get3A_649, %broadcast_in_dim3A_646 : vector<16xf32>
          %swap3A = arith.index_cast %add3A_642 : i32 to index
          %swap3A_651 = arith.constant 0 : index
          %swap3A_652 = tpu.vector_load %arg9[%swap3A, %swap3A_651] {strides = array<i32>} : memref<80x128xf32, #tpu.memory_space<vmem>>, vector<16xf32>,
          tpu.vector_store %arg9[%swap3A, %swap3A_651], %mul3A_650 {strides = array<i32>} : memref<80x128xf32, #tpu.memory_space<vmem>>, vector<16xf32>,
          %get3A_653 = arith.index_cast %add3A_642 : i32 to index
          %get3A_654 = arith.constant 16 : index
          %get3A_655 = tpu.vector_load %arg9[%get3A_653, %get3A_654] {strides = array<i32>} : memref<80x128xf32, #tpu.memory_space<vmem>>, vector<16xf32>,
          %mul3A_656 = arith.mulf %get3A_655, %broadcast_in_dim3A_646 : vector<16xf32>
          %swap3A_657 = arith.index_cast %add3A_642 : i32 to index
          %swap3A_658 = arith.constant 16 : index
          %swap3A_659 = tpu.vector_load %arg9[%swap3A_657, %swap3A_658] {strides = array<i32>} : memref<80x128xf32, #tpu.memory_space<vmem>>, vector<16xf32>,
          tpu.vector_store %arg9[%swap3A_657, %swap3A_658], %mul3A_656 {strides = array<i32>} : memref<80x128xf32, #tpu.memory_space<vmem>>, vector<16xf32>,
          %slice3A_660 = vector.extract_strided_slice %get3A_645 {offsets = [1], sizes = [1], strides = [1]} : vector<16xf32> to vector<1xf32>
          %squeeze3A_661 = vector.extract %slice3A_660[0] : f32 from vector<1xf32>
          %broadcast_in_dim3A_662 = vector.broadcast %squeeze3A_661 : f32 to vector<16xf32>
          %get3A_663 = arith.index_cast %add3A_642 : i32 to index
          %get3A_664 = arith.constant 32 : index
          %get3A_665 = tpu.vector_load %arg9[%get3A_663, %get3A_664] {strides = array<i32>} : memref<80x128xf32, #tpu.memory_space<vmem>>, vector<16xf32>,
          %mul3A_666 = arith.mulf %get3A_665, %broadcast_in_dim3A_662 : vector<16xf32>
          %swap3A_667 = arith.index_cast %add3A_642 : i32 to index
          %swap3A_668 = arith.constant 32 : index
          %swap3A_669 = tpu.vector_load %arg9[%swap3A_667, %swap3A_668] {strides = array<i32>} : memref<80x128xf32, #tpu.memory_space<vmem>>, vector<16xf32>,
          tpu.vector_store %arg9[%swap3A_667, %swap3A_668], %mul3A_666 {strides = array<i32>} : memref<80x128xf32, #tpu.memory_space<vmem>>, vector<16xf32>,
          %get3A_670 = arith.index_cast %add3A_642 : i32 to index
          %get3A_671 = arith.constant 48 : index
          %get3A_672 = tpu.vector_load %arg9[%get3A_670, %get3A_671] {strides = array<i32>} : memref<80x128xf32, #tpu.memory_space<vmem>>, vector<16xf32>,
          %mul3A_673 = arith.mulf %get3A_672, %broadcast_in_dim3A_662 : vector<16xf32>
          %swap3A_674 = arith.index_cast %add3A_642 : i32 to index
          %swap3A_675 = arith.constant 48 : index
          %swap3A_676 = tpu.vector_load %arg9[%swap3A_674, %swap3A_675] {strides = array<i32>} : memref<80x128xf32, #tpu.memory_space<vmem>>, vector<16xf32>,
          tpu.vector_store %arg9[%swap3A_674, %swap3A_675], %mul3A_673 {strides = array<i32>} : memref<80x128xf32, #tpu.memory_space<vmem>>, vector<16xf32>,
          %slice3A_677 = vector.extract_strided_slice %get3A_645 {offsets = [2], sizes = [1], strides = [1]} : vector<16xf32> to vector<1xf32>
          %squeeze3A_678 = vector.extract %slice3A_677[0] : f32 from vector<1xf32>
          %broadcast_in_dim3A_679 = vector.broadcast %squeeze3A_678 : f32 to vector<16xf32>
          %get3A_680 = arith.index_cast %add3A_642 : i32 to index
          %get3A_681 = arith.constant 64 : index
          %get3A_682 = tpu.vector_load %arg9[%get3A_680, %get3A_681] {strides = array<i32>} : memref<80x128xf32, #tpu.memory_space<vmem>>, vector<16xf32>,
          %mul3A_683 = arith.mulf %get3A_682, %broadcast_in_dim3A_679 : vector<16xf32>
          %swap3A_684 = arith.index_cast %add3A_642 : i32 to index
          %swap3A_685 = arith.constant 64 : index
          %swap3A_686 = tpu.vector_load %arg9[%swap3A_684, %swap3A_685] {strides = array<i32>} : memref<80x128xf32, #tpu.memory_space<vmem>>, vector<16xf32>,
          tpu.vector_store %arg9[%swap3A_684, %swap3A_685], %mul3A_683 {strides = array<i32>} : memref<80x128xf32, #tpu.memory_space<vmem>>, vector<16xf32>,
          %get3A_687 = arith.index_cast %add3A_642 : i32 to index
          %get3A_688 = arith.constant 80 : index
          %get3A_689 = tpu.vector_load %arg9[%get3A_687, %get3A_688] {strides = array<i32>} : memref<80x128xf32, #tpu.memory_space<vmem>>, vector<16xf32>,
          %mul3A_690 = arith.mulf %get3A_689, %broadcast_in_dim3A_679 : vector<16xf32>
          %swap3A_691 = arith.index_cast %add3A_642 : i32 to index
          %swap3A_692 = arith.constant 80 : index
          %swap3A_693 = tpu.vector_load %arg9[%swap3A_691, %swap3A_692] {strides = array<i32>} : memref<80x128xf32, #tpu.memory_space<vmem>>, vector<16xf32>,
          tpu.vector_store %arg9[%swap3A_691, %swap3A_692], %mul3A_690 {strides = array<i32>} : memref<80x128xf32, #tpu.memory_space<vmem>>, vector<16xf32>,
          %slice3A_694 = vector.extract_strided_slice %get3A_645 {offsets = [3], sizes = [1], strides = [1]} : vector<16xf32> to vector<1xf32>
          %squeeze3A_695 = vector.extract %slice3A_694[0] : f32 from vector<1xf32>
          %broadcast_in_dim3A_696 = vector.broadcast %squeeze3A_695 : f32 to vector<16xf32>
          %get3A_697 = arith.index_cast %add3A_642 : i32 to index
          %get3A_698 = arith.constant 96 : index
          %get3A_699 = tpu.vector_load %arg9[%get3A_697, %get3A_698] {strides = array<i32>} : memref<80x128xf32, #tpu.memory_space<vmem>>, vector<16xf32>,
          %mul3A_700 = arith.mulf %get3A_699, %broadcast_in_dim3A_696 : vector<16xf32>
          %swap3A_701 = arith.index_cast %add3A_642 : i32 to index
          %swap3A_702 = arith.constant 96 : index
          %swap3A_703 = tpu.vector_load %arg9[%swap3A_701, %swap3A_702] {strides = array<i32>} : memref<80x128xf32, #tpu.memory_space<vmem>>, vector<16xf32>,
          tpu.vector_store %arg9[%swap3A_701, %swap3A_702], %mul3A_700 {strides = array<i32>} : memref<80x128xf32, #tpu.memory_space<vmem>>, vector<16xf32>,
          %get3A_704 = arith.index_cast %add3A_642 : i32 to index
          %get3A_705 = arith.constant 112 : index
          %get3A_706 = tpu.vector_load %arg9[%get3A_704, %get3A_705] {strides = array<i32>} : memref<80x128xf32, #tpu.memory_space<vmem>>, vector<16xf32>,
          %mul3A_707 = arith.mulf %get3A_706, %broadcast_in_dim3A_696 : vector<16xf32>
          %swap3A_708 = arith.index_cast %add3A_642 : i32 to index
          %swap3A_709 = arith.constant 112 : index
          %swap3A_710 = tpu.vector_load %arg9[%swap3A_708, %swap3A_709] {strides = array<i32>} : memref<80x128xf32, #tpu.memory_space<vmem>>, vector<16xf32>,
          tpu.vector_store %arg9[%swap3A_708, %swap3A_709], %mul3A_707 {strides = array<i32>} : memref<80x128xf32, #tpu.memory_space<vmem>>, vector<16xf32>,
          %scan3A_711 = arith.constant 1 : i32
          %scan3A_712 = arith.addi %scan3A_638, %scan3A_711 : i32
          %mul3A_713 = arith.constant 1 : i32
          %mul3A_714 = arith.muli %scan3A_712, %mul3A_713 : i32
          %add3A_715 = arith.constant 0 : i32
          %add3A_716 = arith.addi %add3A_715, %mul3A_714 : i32
          %mul3A_717 = arith.constant 4 : i32
          %mul3A_718 = arith.muli %add3A_716, %mul3A_717 : i32
          %get3A_719 = arith.index_cast %mul3A_718 : i32 to index
          %get3A_720 = tpu.vector_load %arg13[%get3A_719] {strides = array<i32>} : memref<336xf32, #tpu.memory_space<vmem>>, vector<16xf32>,
          %slice3A_721 = vector.extract_strided_slice %get3A_720 {offsets = [0], sizes = [1], strides = [1]} : vector<16xf32> to vector<1xf32>
          %squeeze3A_722 = vector.extract %slice3A_721[0] : f32 from vector<1xf32>
          %broadcast_in_dim3A_723 = vector.broadcast %squeeze3A_722 : f32 to vector<16xf32>
          %get3A_724 = arith.index_cast %add3A_716 : i32 to index
          %get3A_725 = arith.constant 0 : index
          %get3A_726 = tpu.vector_load %arg9[%get3A_724, %get3A_725] {strides = array<i32>} : memref<80x128xf32, #tpu.memory_space<vmem>>, vector<16xf32>,
          %mul3A_727 = arith.mulf %get3A_726, %broadcast_in_dim3A_723 : vector<16xf32>
          %swap3A_728 = arith.index_cast %add3A_716 : i32 to index
          %swap3A_729 = arith.constant 0 : index
          %swap3A_730 = tpu.vector_load %arg9[%swap3A_728, %swap3A_729] {strides = array<i32>} : memref<80x128xf32, #tpu.memory_space<vmem>>, vector<16xf32>,
          tpu.vector_store %arg9[%swap3A_728, %swap3A_729], %mul3A_727 {strides = array<i32>} : memref<80x128xf32, #tpu.memory_space<vmem>>, vector<16xf32>,
          %get3A_731 = arith.index_cast %add3A_716 : i32 to index
          %get3A_732 = arith.constant 16 : index
          %get3A_733 = tpu.vector_load %arg9[%get3A_731, %get3A_732] {strides = array<i32>} : memref<80x128xf32, #tpu.memory_space<vmem>>, vector<16xf32>,
          %mul3A_734 = arith.mulf %get3A_733, %broadcast_in_dim3A_723 : vector<16xf32>
          %swap3A_735 = arith.index_cast %add3A_716 : i32 to index
          %swap3A_736 = arith.constant 16 : index
          %swap3A_737 = tpu.vector_load %arg9[%swap3A_735, %swap3A_736] {strides = array<i32>} : memref<80x128xf32, #tpu.memory_space<vmem>>, vector<16xf32>,
          tpu.vector_store %arg9[%swap3A_735, %swap3A_736], %mul3A_734 {strides = array<i32>} : memref<80x128xf32, #tpu.memory_space<vmem>>, vector<16xf32>,
          %slice3A_738 = vector.extract_strided_slice %get3A_720 {offsets = [1], sizes = [1], strides = [1]} : vector<16xf32> to vector<1xf32>
          %squeeze3A_739 = vector.extract %slice3A_738[0] : f32 from vector<1xf32>
          %broadcast_in_dim3A_740 = vector.broadcast %squeeze3A_739 : f32 to vector<16xf32>
          %get3A_741 = arith.index_cast %add3A_716 : i32 to index
          %get3A_742 = arith.constant 32 : index
          %get3A_743 = tpu.vector_load %arg9[%get3A_741, %get3A_742] {strides = array<i32>} : memref<80x128xf32, #tpu.memory_space<vmem>>, vector<16xf32>,
          %mul3A_744 = arith.mulf %get3A_743, %broadcast_in_dim3A_740 : vector<16xf32>
          %swap3A_745 = arith.index_cast %add3A_716 : i32 to index
          %swap3A_746 = arith.constant 32 : index
          %swap3A_747 = tpu.vector_load %arg9[%swap3A_745, %swap3A_746] {strides = array<i32>} : memref<80x128xf32, #tpu.memory_space<vmem>>, vector<16xf32>,
          tpu.vector_store %arg9[%swap3A_745, %swap3A_746], %mul3A_744 {strides = array<i32>} : memref<80x128xf32, #tpu.memory_space<vmem>>, vector<16xf32>,
          %get3A_748 = arith.index_cast %add3A_716 : i32 to index
          %get3A_749 = arith.constant 48 : index
          %get3A_750 = tpu.vector_load %arg9[%get3A_748, %get3A_749] {strides = array<i32>} : memref<80x128xf32, #tpu.memory_space<vmem>>, vector<16xf32>,
          %mul3A_751 = arith.mulf %get3A_750, %broadcast_in_dim3A_740 : vector<16xf32>
          %swap3A_752 = arith.index_cast %add3A_716 : i32 to index
          %swap3A_753 = arith.constant 48 : index
          %swap3A_754 = tpu.vector_load %arg9[%swap3A_752, %swap3A_753] {strides = array<i32>} : memref<80x128xf32, #tpu.memory_space<vmem>>, vector<16xf32>,
          tpu.vector_store %arg9[%swap3A_752, %swap3A_753], %mul3A_751 {strides = array<i32>} : memref<80x128xf32, #tpu.memory_space<vmem>>, vector<16xf32>,
          %slice3A_755 = vector.extract_strided_slice %get3A_720 {offsets = [2], sizes = [1], strides = [1]} : vector<16xf32> to vector<1xf32>
          %squeeze3A_756 = vector.extract %slice3A_755[0] : f32 from vector<1xf32>
          %broadcast_in_dim3A_757 = vector.broadcast %squeeze3A_756 : f32 to vector<16xf32>
          %get3A_758 = arith.index_cast %add3A_716 : i32 to index
          %get3A_759 = arith.constant 64 : index
          %get3A_760 = tpu.vector_load %arg9[%get3A_758, %get3A_759] {strides = array<i32>} : memref<80x128xf32, #tpu.memory_space<vmem>>, vector<16xf32>,
          %mul3A_761 = arith.mulf %get3A_760, %broadcast_in_dim3A_757 : vector<16xf32>
          %swap3A_762 = arith.index_cast %add3A_716 : i32 to index
          %swap3A_763 = arith.constant 64 : index
          %swap3A_764 = tpu.vector_load %arg9[%swap3A_762, %swap3A_763] {strides = array<i32>} : memref<80x128xf32, #tpu.memory_space<vmem>>, vector<16xf32>,
          tpu.vector_store %arg9[%swap3A_762, %swap3A_763], %mul3A_761 {strides = array<i32>} : memref<80x128xf32, #tpu.memory_space<vmem>>, vector<16xf32>,
          %get3A_765 = arith.index_cast %add3A_716 : i32 to index
          %get3A_766 = arith.constant 80 : index
          %get3A_767 = tpu.vector_load %arg9[%get3A_765, %get3A_766] {strides = array<i32>} : memref<80x128xf32, #tpu.memory_space<vmem>>, vector<16xf32>,
          %mul3A_768 = arith.mulf %get3A_767, %broadcast_in_dim3A_757 : vector<16xf32>
          %swap3A_769 = arith.index_cast %add3A_716 : i32 to index
          %swap3A_770 = arith.constant 80 : index
          %swap3A_771 = tpu.vector_load %arg9[%swap3A_769, %swap3A_770] {strides = array<i32>} : memref<80x128xf32, #tpu.memory_space<vmem>>, vector<16xf32>,
          tpu.vector_store %arg9[%swap3A_769, %swap3A_770], %mul3A_768 {strides = array<i32>} : memref<80x128xf32, #tpu.memory_space<vmem>>, vector<16xf32>,
          %slice3A_772 = vector.extract_strided_slice %get3A_720 {offsets = [3], sizes = [1], strides = [1]} : vector<16xf32> to vector<1xf32>
          %squeeze3A_773 = vector.extract %slice3A_772[0] : f32 from vector<1xf32>
          %broadcast_in_dim3A_774 = vector.broadcast %squeeze3A_773 : f32 to vector<16xf32>
          %get3A_775 = arith.index_cast %add3A_716 : i32 to index
          %get3A_776 = arith.constant 96 : index
          %get3A_777 = tpu.vector_load %arg9[%get3A_775, %get3A_776] {strides = array<i32>} : memref<80x128xf32, #tpu.memory_space<vmem>>, vector<16xf32>,
          %mul3A_778 = arith.mulf %get3A_777, %broadcast_in_dim3A_774 : vector<16xf32>
          %swap3A_779 = arith.index_cast %add3A_716 : i32 to index
          %swap3A_780 = arith.constant 96 : index
          %swap3A_781 = tpu.vector_load %arg9[%swap3A_779, %swap3A_780] {strides = array<i32>} : memref<80x128xf32, #tpu.memory_space<vmem>>, vector<16xf32>,
          tpu.vector_store %arg9[%swap3A_779, %swap3A_780], %mul3A_778 {strides = array<i32>} : memref<80x128xf32, #tpu.memory_space<vmem>>, vector<16xf32>,
          %get3A_782 = arith.index_cast %add3A_716 : i32 to index
          %get3A_783 = arith.constant 112 : index
          %get3A_784 = tpu.vector_load %arg9[%get3A_782, %get3A_783] {strides = array<i32>} : memref<80x128xf32, #tpu.memory_space<vmem>>, vector<16xf32>,
          %mul3A_785 = arith.mulf %get3A_784, %broadcast_in_dim3A_774 : vector<16xf32>
          %swap3A_786 = arith.index_cast %add3A_716 : i32 to index
          %swap3A_787 = arith.constant 112 : index
          %swap3A_788 = tpu.vector_load %arg9[%swap3A_786, %swap3A_787] {strides = array<i32>} : memref<80x128xf32, #tpu.memory_space<vmem>>, vector<16xf32>,
          tpu.vector_store %arg9[%swap3A_786, %swap3A_787], %mul3A_785 {strides = array<i32>} : memref<80x128xf32, #tpu.memory_space<vmem>>, vector<16xf32>,
          %scan3A_789 = arith.constant 2 : i32
          %scan3A_790 = arith.addi %scan3A_638, %scan3A_789 : i32
          %mul3A_791 = arith.constant 1 : i32
          %mul3A_792 = arith.muli %scan3A_790, %mul3A_791 : i32
          %add3A_793 = arith.constant 0 : i32
          %add3A_794 = arith.addi %add3A_793, %mul3A_792 : i32
          %mul3A_795 = arith.constant 4 : i32
          %mul3A_796 = arith.muli %add3A_794, %mul3A_795 : i32
          %get3A_797 = arith.index_cast %mul3A_796 : i32 to index
          %get3A_798 = tpu.vector_load %arg13[%get3A_797] {strides = array<i32>} : memref<336xf32, #tpu.memory_space<vmem>>, vector<16xf32>,
          %slice3A_799 = vector.extract_strided_slice %get3A_798 {offsets = [0], sizes = [1], strides = [1]} : vector<16xf32> to vector<1xf32>
          %squeeze3A_800 = vector.extract %slice3A_799[0] : f32 from vector<1xf32>
          %broadcast_in_dim3A_801 = vector.broadcast %squeeze3A_800 : f32 to vector<16xf32>
          %get3A_802 = arith.index_cast %add3A_794 : i32 to index
          %get3A_803 = arith.constant 0 : index
          %get3A_804 = tpu.vector_load %arg9[%get3A_802, %get3A_803] {strides = array<i32>} : memref<80x128xf32, #tpu.memory_space<vmem>>, vector<16xf32>,
          %mul3A_805 = arith.mulf %get3A_804, %broadcast_in_dim3A_801 : vector<16xf32>
          %swap3A_806 = arith.index_cast %add3A_794 : i32 to index
          %swap3A_807 = arith.constant 0 : index
          %swap3A_808 = tpu.vector_load %arg9[%swap3A_806, %swap3A_807] {strides = array<i32>} : memref<80x128xf32, #tpu.memory_space<vmem>>, vector<16xf32>,
          tpu.vector_store %arg9[%swap3A_806, %swap3A_807], %mul3A_805 {strides = array<i32>} : memref<80x128xf32, #tpu.memory_space<vmem>>, vector<16xf32>,
          %get3A_809 = arith.index_cast %add3A_794 : i32 to index
          %get3A_810 = arith.constant 16 : index
          %get3A_811 = tpu.vector_load %arg9[%get3A_809, %get3A_810] {strides = array<i32>} : memref<80x128xf32, #tpu.memory_space<vmem>>, vector<16xf32>,
          %mul3A_812 = arith.mulf %get3A_811, %broadcast_in_dim3A_801 : vector<16xf32>
          %swap3A_813 = arith.index_cast %add3A_794 : i32 to index
          %swap3A_814 = arith.constant 16 : index
          %swap3A_815 = tpu.vector_load %arg9[%swap3A_813, %swap3A_814] {strides = array<i32>} : memref<80x128xf32, #tpu.memory_space<vmem>>, vector<16xf32>,
          tpu.vector_store %arg9[%swap3A_813, %swap3A_814], %mul3A_812 {strides = array<i32>} : memref<80x128xf32, #tpu.memory_space<vmem>>, vector<16xf32>,
          %slice3A_816 = vector.extract_strided_slice %get3A_798 {offsets = [1], sizes = [1], strides = [1]} : vector<16xf32> to vector<1xf32>
          %squeeze3A_817 = vector.extract %slice3A_816[0] : f32 from vector<1xf32>
          %broadcast_in_dim3A_818 = vector.broadcast %squeeze3A_817 : f32 to vector<16xf32>
          %get3A_819 = arith.index_cast %add3A_794 : i32 to index
          %get3A_820 = arith.constant 32 : index
          %get3A_821 = tpu.vector_load %arg9[%get3A_819, %get3A_820] {strides = array<i32>} : memref<80x128xf32, #tpu.memory_space<vmem>>, vector<16xf32>,
          %mul3A_822 = arith.mulf %get3A_821, %broadcast_in_dim3A_818 : vector<16xf32>
          %swap3A_823 = arith.index_cast %add3A_794 : i32 to index
          %swap3A_824 = arith.constant 32 : index
          %swap3A_825 = tpu.vector_load %arg9[%swap3A_823, %swap3A_824] {strides = array<i32>} : memref<80x128xf32, #tpu.memory_space<vmem>>, vector<16xf32>,
          tpu.vector_store %arg9[%swap3A_823, %swap3A_824], %mul3A_822 {strides = array<i32>} : memref<80x128xf32, #tpu.memory_space<vmem>>, vector<16xf32>,
          %get3A_826 = arith.index_cast %add3A_794 : i32 to index
          %get3A_827 = arith.constant 48 : index
          %get3A_828 = tpu.vector_load %arg9[%get3A_826, %get3A_827] {strides = array<i32>} : memref<80x128xf32, #tpu.memory_space<vmem>>, vector<16xf32>,
          %mul3A_829 = arith.mulf %get3A_828, %broadcast_in_dim3A_818 : vector<16xf32>
          %swap3A_830 = arith.index_cast %add3A_794 : i32 to index
          %swap3A_831 = arith.constant 48 : index
          %swap3A_832 = tpu.vector_load %arg9[%swap3A_830, %swap3A_831] {strides = array<i32>} : memref<80x128xf32, #tpu.memory_space<vmem>>, vector<16xf32>,
          tpu.vector_store %arg9[%swap3A_830, %swap3A_831], %mul3A_829 {strides = array<i32>} : memref<80x128xf32, #tpu.memory_space<vmem>>, vector<16xf32>,
          %slice3A_833 = vector.extract_strided_slice %get3A_798 {offsets = [2], sizes = [1], strides = [1]} : vector<16xf32> to vector<1xf32>
          %squeeze3A_834 = vector.extract %slice3A_833[0] : f32 from vector<1xf32>
          %broadcast_in_dim3A_835 = vector.broadcast %squeeze3A_834 : f32 to vector<16xf32>
          %get3A_836 = arith.index_cast %add3A_794 : i32 to index
          %get3A_837 = arith.constant 64 : index
          %get3A_838 = tpu.vector_load %arg9[%get3A_836, %get3A_837] {strides = array<i32>} : memref<80x128xf32, #tpu.memory_space<vmem>>, vector<16xf32>,
          %mul3A_839 = arith.mulf %get3A_838, %broadcast_in_dim3A_835 : vector<16xf32>
          %swap3A_840 = arith.index_cast %add3A_794 : i32 to index
          %swap3A_841 = arith.constant 64 : index
          %swap3A_842 = tpu.vector_load %arg9[%swap3A_840, %swap3A_841] {strides = array<i32>} : memref<80x128xf32, #tpu.memory_space<vmem>>, vector<16xf32>,
          tpu.vector_store %arg9[%swap3A_840, %swap3A_841], %mul3A_839 {strides = array<i32>} : memref<80x128xf32, #tpu.memory_space<vmem>>, vector<16xf32>,
          %get3A_843 = arith.index_cast %add3A_794 : i32 to index
          %get3A_844 = arith.constant 80 : index
          %get3A_845 = tpu.vector_load %arg9[%get3A_843, %get3A_844] {strides = array<i32>} : memref<80x128xf32, #tpu.memory_space<vmem>>, vector<16xf32>,
          %mul3A_846 = arith.mulf %get3A_845, %broadcast_in_dim3A_835 : vector<16xf32>
          %swap3A_847 = arith.index_cast %add3A_794 : i32 to index
          %swap3A_848 = arith.constant 80 : index
          %swap3A_849 = tpu.vector_load %arg9[%swap3A_847, %swap3A_848] {strides = array<i32>} : memref<80x128xf32, #tpu.memory_space<vmem>>, vector<16xf32>,
          tpu.vector_store %arg9[%swap3A_847, %swap3A_848], %mul3A_846 {strides = array<i32>} : memref<80x128xf32, #tpu.memory_space<vmem>>, vector<16xf32>,
          %slice3A_850 = vector.extract_strided_slice %get3A_798 {offsets = [3], sizes = [1], strides = [1]} : vector<16xf32> to vector<1xf32>
          %squeeze3A_851 = vector.extract %slice3A_850[0] : f32 from vector<1xf32>
          %broadcast_in_dim3A_852 = vector.broadcast %squeeze3A_851 : f32 to vector<16xf32>
          %get3A_853 = arith.index_cast %add3A_794 : i32 to index
          %get3A_854 = arith.constant 96 : index
          %get3A_855 = tpu.vector_load %arg9[%get3A_853, %get3A_854] {strides = array<i32>} : memref<80x128xf32, #tpu.memory_space<vmem>>, vector<16xf32>,
          %mul3A_856 = arith.mulf %get3A_855, %broadcast_in_dim3A_852 : vector<16xf32>
          %swap3A_857 = arith.index_cast %add3A_794 : i32 to index
          %swap3A_858 = arith.constant 96 : index
          %swap3A_859 = tpu.vector_load %arg9[%swap3A_857, %swap3A_858] {strides = array<i32>} : memref<80x128xf32, #tpu.memory_space<vmem>>, vector<16xf32>,
          tpu.vector_store %arg9[%swap3A_857, %swap3A_858], %mul3A_856 {strides = array<i32>} : memref<80x128xf32, #tpu.memory_space<vmem>>, vector<16xf32>,
          %get3A_860 = arith.index_cast %add3A_794 : i32 to index
          %get3A_861 = arith.constant 112 : index
          %get3A_862 = tpu.vector_load %arg9[%get3A_860, %get3A_861] {strides = array<i32>} : memref<80x128xf32, #tpu.memory_space<vmem>>, vector<16xf32>,
          %mul3A_863 = arith.mulf %get3A_862, %broadcast_in_dim3A_852 : vector<16xf32>
          %swap3A_864 = arith.index_cast %add3A_794 : i32 to index
          %swap3A_865 = arith.constant 112 : index
          %swap3A_866 = tpu.vector_load %arg9[%swap3A_864, %swap3A_865] {strides = array<i32>} : memref<80x128xf32, #tpu.memory_space<vmem>>, vector<16xf32>,
          tpu.vector_store %arg9[%swap3A_864, %swap3A_865], %mul3A_863 {strides = array<i32>} : memref<80x128xf32, #tpu.memory_space<vmem>>, vector<16xf32>,
          %scan3A_867 = arith.constant 3 : i32
          %scan3A_868 = arith.addi %scan3A_638, %scan3A_867 : i32
          %mul3A_869 = arith.constant 1 : i32
          %mul3A_870 = arith.muli %scan3A_868, %mul3A_869 : i32
          %add3A_871 = arith.constant 0 : i32
          %add3A_872 = arith.addi %add3A_871, %mul3A_870 : i32
          %mul3A_873 = arith.constant 4 : i32
          %mul3A_874 = arith.muli %add3A_872, %mul3A_873 : i32
          %get3A_875 = arith.index_cast %mul3A_874 : i32 to index
          %get3A_876 = tpu.vector_load %arg13[%get3A_875] {strides = array<i32>} : memref<336xf32, #tpu.memory_space<vmem>>, vector<16xf32>,
          %slice3A_877 = vector.extract_strided_slice %get3A_876 {offsets = [0], sizes = [1], strides = [1]} : vector<16xf32> to vector<1xf32>
          %squeeze3A_878 = vector.extract %slice3A_877[0] : f32 from vector<1xf32>
          %broadcast_in_dim3A_879 = vector.broadcast %squeeze3A_878 : f32 to vector<16xf32>
          %get3A_880 = arith.index_cast %add3A_872 : i32 to index
          %get3A_881 = arith.constant 0 : index
          %get3A_882 = tpu.vector_load %arg9[%get3A_880, %get3A_881] {strides = array<i32>} : memref<80x128xf32, #tpu.memory_space<vmem>>, vector<16xf32>,
          %mul3A_883 = arith.mulf %get3A_882, %broadcast_in_dim3A_879 : vector<16xf32>
          %swap3A_884 = arith.index_cast %add3A_872 : i32 to index
          %swap3A_885 = arith.constant 0 : index
          %swap3A_886 = tpu.vector_load %arg9[%swap3A_884, %swap3A_885] {strides = array<i32>} : memref<80x128xf32, #tpu.memory_space<vmem>>, vector<16xf32>,
          tpu.vector_store %arg9[%swap3A_884, %swap3A_885], %mul3A_883 {strides = array<i32>} : memref<80x128xf32, #tpu.memory_space<vmem>>, vector<16xf32>,
          %get3A_887 = arith.index_cast %add3A_872 : i32 to index
          %get3A_888 = arith.constant 16 : index
          %get3A_889 = tpu.vector_load %arg9[%get3A_887, %get3A_888] {strides = array<i32>} : memref<80x128xf32, #tpu.memory_space<vmem>>, vector<16xf32>,
          %mul3A_890 = arith.mulf %get3A_889, %broadcast_in_dim3A_879 : vector<16xf32>
          %swap3A_891 = arith.index_cast %add3A_872 : i32 to index
          %swap3A_892 = arith.constant 16 : index
          %swap3A_893 = tpu.vector_load %arg9[%swap3A_891, %swap3A_892] {strides = array<i32>} : memref<80x128xf32, #tpu.memory_space<vmem>>, vector<16xf32>,
          tpu.vector_store %arg9[%swap3A_891, %swap3A_892], %mul3A_890 {strides = array<i32>} : memref<80x128xf32, #tpu.memory_space<vmem>>, vector<16xf32>,
          %slice3A_894 = vector.extract_strided_slice %get3A_876 {offsets = [1], sizes = [1], strides = [1]} : vector<16xf32> to vector<1xf32>
          %squeeze3A_895 = vector.extract %slice3A_894[0] : f32 from vector<1xf32>
          %broadcast_in_dim3A_896 = vector.broadcast %squeeze3A_895 : f32 to vector<16xf32>
          %get3A_897 = arith.index_cast %add3A_872 : i32 to index
          %get3A_898 = arith.constant 32 : index
          %get3A_899 = tpu.vector_load %arg9[%get3A_897, %get3A_898] {strides = array<i32>} : memref<80x128xf32, #tpu.memory_space<vmem>>, vector<16xf32>,
          %mul3A_900 = arith.mulf %get3A_899, %broadcast_in_dim3A_896 : vector<16xf32>
          %swap3A_901 = arith.index_cast %add3A_872 : i32 to index
          %swap3A_902 = arith.constant 32 : index
          %swap3A_903 = tpu.vector_load %arg9[%swap3A_901, %swap3A_902] {strides = array<i32>} : memref<80x128xf32, #tpu.memory_space<vmem>>, vector<16xf32>,
          tpu.vector_store %arg9[%swap3A_901, %swap3A_902], %mul3A_900 {strides = array<i32>} : memref<80x128xf32, #tpu.memory_space<vmem>>, vector<16xf32>,
          %get3A_904 = arith.index_cast %add3A_872 : i32 to index
          %get3A_905 = arith.constant 48 : index
          %get3A_906 = tpu.vector_load %arg9[%get3A_904, %get3A_905] {strides = array<i32>} : memref<80x128xf32, #tpu.memory_space<vmem>>, vector<16xf32>,
          %mul3A_907 = arith.mulf %get3A_906, %broadcast_in_dim3A_896 : vector<16xf32>
          %swap3A_908 = arith.index_cast %add3A_872 : i32 to index
          %swap3A_909 = arith.constant 48 : index
          %swap3A_910 = tpu.vector_load %arg9[%swap3A_908, %swap3A_909] {strides = array<i32>} : memref<80x128xf32, #tpu.memory_space<vmem>>, vector<16xf32>,
          tpu.vector_store %arg9[%swap3A_908, %swap3A_909], %mul3A_907 {strides = array<i32>} : memref<80x128xf32, #tpu.memory_space<vmem>>, vector<16xf32>,
          %slice3A_911 = vector.extract_strided_slice %get3A_876 {offsets = [2], sizes = [1], strides = [1]} : vector<16xf32> to vector<1xf32>
          %squeeze3A_912 = vector.extract %slice3A_911[0] : f32 from vector<1xf32>
          %broadcast_in_dim3A_913 = vector.broadcast %squeeze3A_912 : f32 to vector<16xf32>
          %get3A_914 = arith.index_cast %add3A_872 : i32 to index
          %get3A_915 = arith.constant 64 : index
          %get3A_916 = tpu.vector_load %arg9[%get3A_914, %get3A_915] {strides = array<i32>} : memref<80x128xf32, #tpu.memory_space<vmem>>, vector<16xf32>,
          %mul3A_917 = arith.mulf %get3A_916, %broadcast_in_dim3A_913 : vector<16xf32>
          %swap3A_918 = arith.index_cast %add3A_872 : i32 to index
          %swap3A_919 = arith.constant 64 : index
          %swap3A_920 = tpu.vector_load %arg9[%swap3A_918, %swap3A_919] {strides = array<i32>} : memref<80x128xf32, #tpu.memory_space<vmem>>, vector<16xf32>,
          tpu.vector_store %arg9[%swap3A_918, %swap3A_919], %mul3A_917 {strides = array<i32>} : memref<80x128xf32, #tpu.memory_space<vmem>>, vector<16xf32>,
          %get3A_921 = arith.index_cast %add3A_872 : i32 to index
          %get3A_922 = arith.constant 80 : index
          %get3A_923 = tpu.vector_load %arg9[%get3A_921, %get3A_922] {strides = array<i32>} : memref<80x128xf32, #tpu.memory_space<vmem>>, vector<16xf32>,
          %mul3A_924 = arith.mulf %get3A_923, %broadcast_in_dim3A_913 : vector<16xf32>
          %swap3A_925 = arith.index_cast %add3A_872 : i32 to index
          %swap3A_926 = arith.constant 80 : index
          %swap3A_927 = tpu.vector_load %arg9[%swap3A_925, %swap3A_926] {strides = array<i32>} : memref<80x128xf32, #tpu.memory_space<vmem>>, vector<16xf32>,
          tpu.vector_store %arg9[%swap3A_925, %swap3A_926], %mul3A_924 {strides = array<i32>} : memref<80x128xf32, #tpu.memory_space<vmem>>, vector<16xf32>,
          %slice3A_928 = vector.extract_strided_slice %get3A_876 {offsets = [3], sizes = [1], strides = [1]} : vector<16xf32> to vector<1xf32>
          %squeeze3A_929 = vector.extract %slice3A_928[0] : f32 from vector<1xf32>
          %broadcast_in_dim3A_930 = vector.broadcast %squeeze3A_929 : f32 to vector<16xf32>
          %get3A_931 = arith.index_cast %add3A_872 : i32 to index
          %get3A_932 = arith.constant 96 : index
          %get3A_933 = tpu.vector_load %arg9[%get3A_931, %get3A_932] {strides = array<i32>} : memref<80x128xf32, #tpu.memory_space<vmem>>, vector<16xf32>,
          %mul3A_934 = arith.mulf %get3A_933, %broadcast_in_dim3A_930 : vector<16xf32>
          %swap3A_935 = arith.index_cast %add3A_872 : i32 to index
          %swap3A_936 = arith.constant 96 : index
          %swap3A_937 = tpu.vector_load %arg9[%swap3A_935, %swap3A_936] {strides = array<i32>} : memref<80x128xf32, #tpu.memory_space<vmem>>, vector<16xf32>,
          tpu.vector_store %arg9[%swap3A_935, %swap3A_936], %mul3A_934 {strides = array<i32>} : memref<80x128xf32, #tpu.memory_space<vmem>>, vector<16xf32>,
          %get3A_938 = arith.index_cast %add3A_872 : i32 to index
          %get3A_939 = arith.constant 112 : index
          %get3A_940 = tpu.vector_load %arg9[%get3A_938, %get3A_939] {strides = array<i32>} : memref<80x128xf32, #tpu.memory_space<vmem>>, vector<16xf32>,
          %mul3A_941 = arith.mulf %get3A_940, %broadcast_in_dim3A_930 : vector<16xf32>
          %swap3A_942 = arith.index_cast %add3A_872 : i32 to index
          %swap3A_943 = arith.constant 112 : index
          %swap3A_944 = tpu.vector_load %arg9[%swap3A_942, %swap3A_943] {strides = array<i32>} : memref<80x128xf32, #tpu.memory_space<vmem>>, vector<16xf32>,
          tpu.vector_store %arg9[%swap3A_942, %swap3A_943], %mul3A_941 {strides = array<i32>} : memref<80x128xf32, #tpu.memory_space<vmem>>, vector<16xf32>,
        }
        %scan3A_630 = arith.constant 80 : i32
        %dma_start3A_631 = arith.constant 1 : i32
        %dma_start3A_632 = arith.constant 0 : i32
        %dma_start3A_633 = tpu.memref_slice %arg17[%dma_start3A_631, %dma_start3A_632] : memref<2x80xi32, #tpu.memory_space<vmem>> -> memref<1x80xi32, #tpu.memory_space<vmem>>
        %dma_start3A_634 = tpu.memref_squeeze %dma_start3A_633 : memref<1x80xi32, #tpu.memory_space<vmem>> -> memref<80xi32, #tpu.memory_space<vmem>>
        %dma_start3A_635 = arith.constant 0 : i32
        %dma_start3A_636 = arith.constant 0 : i32
        %dma_start3A_637 = tpu.memref_slice %arg18[%dma_start3A_635, %dma_start3A_636] : memref<10240x128xf32, #tpu.memory_space<vmem_shared>> -> memref<10240x128xf32, #tpu.memory_space<vmem_shared>>
        tpu.enqueue_indirect_dma source(%arg9 : memref<80x128xf32, #tpu.memory_space<vmem>>) target(%dma_start3A_637 : memref<10240x128xf32, #tpu.memory_space<vmem_shared>>) offsets(%dma_start3A_634 : memref<80xi32, #tpu.memory_space<vmem>>) semaphore(%arg30 : memref<!tpu.dma_semaphore, #tpu.memory_space<semaphore_mem>>) {add = true}
      } else {
      }
    }
    %scan3A_272 = arith.constant 63 : i32
    %barrier3A_273 = arith.constant 0 : index
    tpu.barrier barrier_id(%barrier3A_273)
    %add3A_274 = arith.constant 0 : i32
    %add3A_275 = arith.addi %mul3A_7, %add3A_274 : i32
    "tpu.region"() ({
      %run_scoped3A = tpu.sem_alloc : memref<!tpu.dma_semaphore, #tpu.memory_space<semaphore_mem>>
      %dma_start3A_514 = arith.constant 0 : i32
      %dma_start3A_515 = arith.constant 0 : i32
      %dma_start3A_516 = tpu.memref_slice %arg6[%dma_start3A_514, %dma_start3A_515] : memref<80x128xf32, #tpu.memory_space<vmem>> -> memref<80x128xf32, #tpu.memory_space<vmem>>
      %dma_start3A_517 = arith.constant 0 : i32
      %dma_start3A_518 = tpu.memref_slice %arg18[%add3A_275, %dma_start3A_517] : memref<10240x128xf32, #tpu.memory_space<vmem_shared>> -> memref<80x128xf32, #tpu.memory_space<vmem_shared>>
      %dma_start3A_519 = arith.constant 0 : i32
      %dma_start3A_520 = arith.constant 0 : i32
      %dma_start3A_521 = tpu.memref_slice %arg6[%dma_start3A_519, %dma_start3A_520] : memref<80x128xf32, #tpu.memory_space<vmem>> -> memref<80x128xf32, #tpu.memory_space<vmem>>
      %dma_start3A_522 = arith.constant 0 : i32
      %dma_start3A_523 = tpu.memref_slice %arg18[%add3A_275, %dma_start3A_522] : memref<10240x128xf32, #tpu.memory_space<vmem_shared>> -> memref<80x128xf32, #tpu.memory_space<vmem_shared>>
      tpu.enqueue_dma source(%dma_start3A_523 : memref<80x128xf32, #tpu.memory_space<vmem_shared>>) target(%dma_start3A_521 : memref<80x128xf32, #tpu.memory_space<vmem>>) target_semaphore(%run_scoped3A : memref<!tpu.dma_semaphore, #tpu.memory_space<semaphore_mem>>)
      %dma_wait3A_524 = arith.constant 0 : i32
      %dma_wait3A_525 = arith.constant 0 : i32
      %dma_wait3A_526 = tpu.memref_slice %arg6[%dma_wait3A_524, %dma_wait3A_525] : memref<80x128xf32, #tpu.memory_space<vmem>> -> memref<80x128xf32, #tpu.memory_space<vmem>>
      %dma_wait3A_527 = arith.constant 0 : i32
      %dma_wait3A_528 = tpu.memref_slice %arg18[%add3A_275, %dma_wait3A_527] : memref<10240x128xf32, #tpu.memory_space<vmem_shared>> -> memref<80x128xf32, #tpu.memory_space<vmem_shared>>
      %dma_wait3A_529 = arith.constant 0 : i32
      %dma_wait3A_530 = arith.constant 0 : i32
      %dma_wait3A_531 = tpu.memref_slice %arg6[%dma_wait3A_529, %dma_wait3A_530] : memref<80x128xf32, #tpu.memory_space<vmem>> -> memref<80x128xf32, #tpu.memory_space<vmem>>
      %dma_wait3A_532 = arith.constant 0 : i32
      %dma_wait3A_533 = tpu.memref_slice %arg18[%add3A_275, %dma_wait3A_532] : memref<10240x128xf32, #tpu.memory_space<vmem_shared>> -> memref<80x128xf32, #tpu.memory_space<vmem_shared>>
      tpu.wait_dma2 semaphore(%run_scoped3A : memref<!tpu.dma_semaphore, #tpu.memory_space<semaphore_mem>>) src(%dma_wait3A_533 : memref<80x128xf32, #tpu.memory_space<vmem_shared>>) dst(%dma_wait3A_531 : memref<80x128xf32, #tpu.memory_space<vmem>>)
      tpu.yield
    }) : () -> ()
    %add3A_276 = arith.constant 0 : i32
    %add3A_277 = arith.addi %mul3A_7, %add3A_276 : i32
    %dma_start3A_278 = arith.constant 0 : i32
    %dma_start3A_279 = arith.constant 0 : i32
    %dma_start3A_280 = tpu.memref_slice %arg6[%dma_start3A_278, %dma_start3A_279] : memref<80x128xf32, #tpu.memory_space<vmem>> -> memref<80x128xf32, #tpu.memory_space<vmem>>
    %dma_start3A_281 = arith.constant 0 : i32
    %dma_start3A_282 = tpu.memref_slice %arg5[%arg0, %add3A_277, %dma_start3A_281] : memref<2x10240x128xf32, #tpu.memory_space<hbm>> -> memref<1x80x128xf32, #tpu.memory_space<hbm>>
    %dma_start3A_283 = tpu.memref_squeeze %dma_start3A_282 : memref<1x80x128xf32, #tpu.memory_space<hbm>> -> memref<80x128xf32, #tpu.memory_space<hbm>>
    %dma_start3A_284 = arith.constant 0 : i32
    %dma_start3A_285 = tpu.memref_slice %arg5[%arg0, %add3A_277, %dma_start3A_284] : memref<2x10240x128xf32, #tpu.memory_space<hbm>> -> memref<1x80x128xf32, #tpu.memory_space<hbm>>
    %dma_start3A_286 = tpu.memref_squeeze %dma_start3A_285 : memref<1x80x128xf32, #tpu.memory_space<hbm>> -> memref<80x128xf32, #tpu.memory_space<hbm>>
    %dma_start3A_287 = arith.constant 0 : i32
    %dma_start3A_288 = arith.constant 0 : i32
    %dma_start3A_289 = tpu.memref_slice %arg6[%dma_start3A_287, %dma_start3A_288] : memref<80x128xf32, #tpu.memory_space<vmem>> -> memref<80x128xf32, #tpu.memory_space<vmem>>
    tpu.enqueue_dma source(%dma_start3A_289 : memref<80x128xf32, #tpu.memory_space<vmem>>) target(%dma_start3A_286 : memref<80x128xf32, #tpu.memory_space<hbm>>) target_semaphore(%arg20 : memref<!tpu.dma_semaphore, #tpu.memory_space<semaphore_mem>>)
    %add3A_290 = arith.constant 80 : i32
    %add3A_291 = arith.addi %mul3A_7, %add3A_290 : i32
    "tpu.region"() ({
      %run_scoped3A = tpu.sem_alloc : memref<!tpu.dma_semaphore, #tpu.memory_space<semaphore_mem>>
      %dma_start3A_514 = arith.constant 0 : i32
      %dma_start3A_515 = arith.constant 0 : i32
      %dma_start3A_516 = tpu.memref_slice %arg7[%dma_start3A_514, %dma_start3A_515] : memref<80x128xf32, #tpu.memory_space<vmem>> -> memref<80x128xf32, #tpu.memory_space<vmem>>
      %dma_start3A_517 = arith.constant 0 : i32
      %dma_start3A_518 = tpu.memref_slice %arg18[%add3A_291, %dma_start3A_517] : memref<10240x128xf32, #tpu.memory_space<vmem_shared>> -> memref<80x128xf32, #tpu.memory_space<vmem_shared>>
      %dma_start3A_519 = arith.constant 0 : i32
      %dma_start3A_520 = arith.constant 0 : i32
      %dma_start3A_521 = tpu.memref_slice %arg7[%dma_start3A_519, %dma_start3A_520] : memref<80x128xf32, #tpu.memory_space<vmem>> -> memref<80x128xf32, #tpu.memory_space<vmem>>
      %dma_start3A_522 = arith.constant 0 : i32
      %dma_start3A_523 = tpu.memref_slice %arg18[%add3A_291, %dma_start3A_522] : memref<10240x128xf32, #tpu.memory_space<vmem_shared>> -> memref<80x128xf32, #tpu.memory_space<vmem_shared>>
      tpu.enqueue_dma source(%dma_start3A_523 : memref<80x128xf32, #tpu.memory_space<vmem_shared>>) target(%dma_start3A_521 : memref<80x128xf32, #tpu.memory_space<vmem>>) target_semaphore(%run_scoped3A : memref<!tpu.dma_semaphore, #tpu.memory_space<semaphore_mem>>)
      %dma_wait3A_524 = arith.constant 0 : i32
      %dma_wait3A_525 = arith.constant 0 : i32
      %dma_wait3A_526 = tpu.memref_slice %arg7[%dma_wait3A_524, %dma_wait3A_525] : memref<80x128xf32, #tpu.memory_space<vmem>> -> memref<80x128xf32, #tpu.memory_space<vmem>>
      %dma_wait3A_527 = arith.constant 0 : i32
      %dma_wait3A_528 = tpu.memref_slice %arg18[%add3A_291, %dma_wait3A_527] : memref<10240x128xf32, #tpu.memory_space<vmem_shared>> -> memref<80x128xf32, #tpu.memory_space<vmem_shared>>
      %dma_wait3A_529 = arith.constant 0 : i32
      %dma_wait3A_530 = arith.constant 0 : i32
      %dma_wait3A_531 = tpu.memref_slice %arg7[%dma_wait3A_529, %dma_wait3A_530] : memref<80x128xf32, #tpu.memory_space<vmem>> -> memref<80x128xf32, #tpu.memory_space<vmem>>
      %dma_wait3A_532 = arith.constant 0 : i32
      %dma_wait3A_533 = tpu.memref_slice %arg18[%add3A_291, %dma_wait3A_532] : memref<10240x128xf32, #tpu.memory_space<vmem_shared>> -> memref<80x128xf32, #tpu.memory_space<vmem_shared>>
      tpu.wait_dma2 semaphore(%run_scoped3A : memref<!tpu.dma_semaphore, #tpu.memory_space<semaphore_mem>>) src(%dma_wait3A_533 : memref<80x128xf32, #tpu.memory_space<vmem_shared>>) dst(%dma_wait3A_531 : memref<80x128xf32, #tpu.memory_space<vmem>>)
      tpu.yield
    }) : () -> ()
    %add3A_292 = arith.constant 80 : i32
    %add3A_293 = arith.addi %mul3A_7, %add3A_292 : i32
    %dma_start3A_294 = arith.constant 0 : i32
    %dma_start3A_295 = arith.constant 0 : i32
    %dma_start3A_296 = tpu.memref_slice %arg7[%dma_start3A_294, %dma_start3A_295] : memref<80x128xf32, #tpu.memory_space<vmem>> -> memref<80x128xf32, #tpu.memory_space<vmem>>
    %dma_start3A_297 = arith.constant 0 : i32
    %dma_start3A_298 = tpu.memref_slice %arg5[%arg0, %add3A_293, %dma_start3A_297] : memref<2x10240x128xf32, #tpu.memory_space<hbm>> -> memref<1x80x128xf32, #tpu.memory_space<hbm>>
    %dma_start3A_299 = tpu.memref_squeeze %dma_start3A_298 : memref<1x80x128xf32, #tpu.memory_space<hbm>> -> memref<80x128xf32, #tpu.memory_space<hbm>>
    %dma_start3A_300 = arith.constant 0 : i32
    %dma_start3A_301 = tpu.memref_slice %arg5[%arg0, %add3A_293, %dma_start3A_300] : memref<2x10240x128xf32, #tpu.memory_space<hbm>> -> memref<1x80x128xf32, #tpu.memory_space<hbm>>
    %dma_start3A_302 = tpu.memref_squeeze %dma_start3A_301 : memref<1x80x128xf32, #tpu.memory_space<hbm>> -> memref<80x128xf32, #tpu.memory_space<hbm>>
    %dma_start3A_303 = arith.constant 0 : i32
    %dma_start3A_304 = arith.constant 0 : i32
    %dma_start3A_305 = tpu.memref_slice %arg7[%dma_start3A_303, %dma_start3A_304] : memref<80x128xf32, #tpu.memory_space<vmem>> -> memref<80x128xf32, #tpu.memory_space<vmem>>
    tpu.enqueue_dma source(%dma_start3A_305 : memref<80x128xf32, #tpu.memory_space<vmem>>) target(%dma_start3A_302 : memref<80x128xf32, #tpu.memory_space<hbm>>) target_semaphore(%arg20 : memref<!tpu.dma_semaphore, #tpu.memory_space<semaphore_mem>>)
    %add3A_306 = arith.constant 0 : i32
    %add3A_307 = arith.addi %mul3A_7, %add3A_306 : i32
    %dma_wait3A_308 = arith.constant 0 : i32
    %dma_wait3A_309 = arith.constant 0 : i32
    %dma_wait3A_310 = tpu.memref_slice %arg6[%dma_wait3A_308, %dma_wait3A_309] : memref<80x128xf32, #tpu.memory_space<vmem>> -> memref<80x128xf32, #tpu.memory_space<vmem>>
    %dma_wait3A_311 = arith.constant 0 : i32
    %dma_wait3A_312 = tpu.memref_slice %arg5[%arg0, %add3A_307, %dma_wait3A_311] : memref<2x10240x128xf32, #tpu.memory_space<hbm>> -> memref<1x80x128xf32, #tpu.memory_space<hbm>>
    %dma_wait3A_313 = tpu.memref_squeeze %dma_wait3A_312 : memref<1x80x128xf32, #tpu.memory_space<hbm>> -> memref<80x128xf32, #tpu.memory_space<hbm>>
    %dma_wait3A_314 = arith.constant 0 : i32
    %dma_wait3A_315 = tpu.memref_slice %arg5[%arg0, %add3A_307, %dma_wait3A_314] : memref<2x10240x128xf32, #tpu.memory_space<hbm>> -> memref<1x80x128xf32, #tpu.memory_space<hbm>>
    %dma_wait3A_316 = tpu.memref_squeeze %dma_wait3A_315 : memref<1x80x128xf32, #tpu.memory_space<hbm>> -> memref<80x128xf32, #tpu.memory_space<hbm>>
    %dma_wait3A_317 = arith.constant 0 : i32
    %dma_wait3A_318 = arith.constant 0 : i32
    %dma_wait3A_319 = tpu.memref_slice %arg6[%dma_wait3A_317, %dma_wait3A_318] : memref<80x128xf32, #tpu.memory_space<vmem>> -> memref<80x128xf32, #tpu.memory_space<vmem>>
    tpu.wait_dma2 semaphore(%arg20 : memref<!tpu.dma_semaphore, #tpu.memory_space<semaphore_mem>>) src(%dma_wait3A_319 : memref<80x128xf32, #tpu.memory_space<vmem>>) dst(%dma_wait3A_316 : memref<80x128xf32, #tpu.memory_space<hbm>>)
    %add3A_320 = arith.constant 160 : i32
    %add3A_321 = arith.addi %mul3A_7, %add3A_320 : i32
    "tpu.region"() ({
      %run_scoped3A = tpu.sem_alloc : memref<!tpu.dma_semaphore, #tpu.memory_space<semaphore_mem>>
      %dma_start3A_514 = arith.constant 0 : i32
      %dma_start3A_515 = arith.constant 0 : i32
      %dma_start3A_516 = tpu.memref_slice %arg6[%dma_start3A_514, %dma_start3A_515] : memref<80x128xf32, #tpu.memory_space<vmem>> -> memref<80x128xf32, #tpu.memory_space<vmem>>
      %dma_start3A_517 = arith.constant 0 : i32
      %dma_start3A_518 = tpu.memref_slice %arg18[%add3A_321, %dma_start3A_517] : memref<10240x128xf32, #tpu.memory_space<vmem_shared>> -> memref<80x128xf32, #tpu.memory_space<vmem_shared>>
      %dma_start3A_519 = arith.constant 0 : i32
      %dma_start3A_520 = arith.constant 0 : i32
      %dma_start3A_521 = tpu.memref_slice %arg6[%dma_start3A_519, %dma_start3A_520] : memref<80x128xf32, #tpu.memory_space<vmem>> -> memref<80x128xf32, #tpu.memory_space<vmem>>
      %dma_start3A_522 = arith.constant 0 : i32
      %dma_start3A_523 = tpu.memref_slice %arg18[%add3A_321, %dma_start3A_522] : memref<10240x128xf32, #tpu.memory_space<vmem_shared>> -> memref<80x128xf32, #tpu.memory_space<vmem_shared>>
      tpu.enqueue_dma source(%dma_start3A_523 : memref<80x128xf32, #tpu.memory_space<vmem_shared>>) target(%dma_start3A_521 : memref<80x128xf32, #tpu.memory_space<vmem>>) target_semaphore(%run_scoped3A : memref<!tpu.dma_semaphore, #tpu.memory_space<semaphore_mem>>)
      %dma_wait3A_524 = arith.constant 0 : i32
      %dma_wait3A_525 = arith.constant 0 : i32
      %dma_wait3A_526 = tpu.memref_slice %arg6[%dma_wait3A_524, %dma_wait3A_525] : memref<80x128xf32, #tpu.memory_space<vmem>> -> memref<80x128xf32, #tpu.memory_space<vmem>>
      %dma_wait3A_527 = arith.constant 0 : i32
      %dma_wait3A_528 = tpu.memref_slice %arg18[%add3A_321, %dma_wait3A_527] : memref<10240x128xf32, #tpu.memory_space<vmem_shared>> -> memref<80x128xf32, #tpu.memory_space<vmem_shared>>
      %dma_wait3A_529 = arith.constant 0 : i32
      %dma_wait3A_530 = arith.constant 0 : i32
      %dma_wait3A_531 = tpu.memref_slice %arg6[%dma_wait3A_529, %dma_wait3A_530] : memref<80x128xf32, #tpu.memory_space<vmem>> -> memref<80x128xf32, #tpu.memory_space<vmem>>
      %dma_wait3A_532 = arith.constant 0 : i32
      %dma_wait3A_533 = tpu.memref_slice %arg18[%add3A_321, %dma_wait3A_532] : memref<10240x128xf32, #tpu.memory_space<vmem_shared>> -> memref<80x128xf32, #tpu.memory_space<vmem_shared>>
      tpu.wait_dma2 semaphore(%run_scoped3A : memref<!tpu.dma_semaphore, #tpu.memory_space<semaphore_mem>>) src(%dma_wait3A_533 : memref<80x128xf32, #tpu.memory_space<vmem_shared>>) dst(%dma_wait3A_531 : memref<80x128xf32, #tpu.memory_space<vmem>>)
      tpu.yield
    }) : () -> ()
    %add3A_322 = arith.constant 160 : i32
    %add3A_323 = arith.addi %mul3A_7, %add3A_322 : i32
    %dma_start3A_324 = arith.constant 0 : i32
    %dma_start3A_325 = arith.constant 0 : i32
    %dma_start3A_326 = tpu.memref_slice %arg6[%dma_start3A_324, %dma_start3A_325] : memref<80x128xf32, #tpu.memory_space<vmem>> -> memref<80x128xf32, #tpu.memory_space<vmem>>
    %dma_start3A_327 = arith.constant 0 : i32
    %dma_start3A_328 = tpu.memref_slice %arg5[%arg0, %add3A_323, %dma_start3A_327] : memref<2x10240x128xf32, #tpu.memory_space<hbm>> -> memref<1x80x128xf32, #tpu.memory_space<hbm>>
    %dma_start3A_329 = tpu.memref_squeeze %dma_start3A_328 : memref<1x80x128xf32, #tpu.memory_space<hbm>> -> memref<80x128xf32, #tpu.memory_space<hbm>>
    %dma_start3A_330 = arith.constant 0 : i32
    %dma_start3A_331 = tpu.memref_slice %arg5[%arg0, %add3A_323, %dma_start3A_330] : memref<2x10240x128xf32, #tpu.memory_space<hbm>> -> memref<1x80x128xf32, #tpu.memory_space<hbm>>
    %dma_start3A_332 = tpu.memref_squeeze %dma_start3A_331 : memref<1x80x128xf32, #tpu.memory_space<hbm>> -> memref<80x128xf32, #tpu.memory_space<hbm>>
    %dma_start3A_333 = arith.constant 0 : i32
    %dma_start3A_334 = arith.constant 0 : i32
    %dma_start3A_335 = tpu.memref_slice %arg6[%dma_start3A_333, %dma_start3A_334] : memref<80x128xf32, #tpu.memory_space<vmem>> -> memref<80x128xf32, #tpu.memory_space<vmem>>
    tpu.enqueue_dma source(%dma_start3A_335 : memref<80x128xf32, #tpu.memory_space<vmem>>) target(%dma_start3A_332 : memref<80x128xf32, #tpu.memory_space<hbm>>) target_semaphore(%arg20 : memref<!tpu.dma_semaphore, #tpu.memory_space<semaphore_mem>>)
    %add3A_336 = arith.constant 80 : i32
    %add3A_337 = arith.addi %mul3A_7, %add3A_336 : i32
    %dma_wait3A_338 = arith.constant 0 : i32
    %dma_wait3A_339 = arith.constant 0 : i32
    %dma_wait3A_340 = tpu.memref_slice %arg7[%dma_wait3A_338, %dma_wait3A_339] : memref<80x128xf32, #tpu.memory_space<vmem>> -> memref<80x128xf32, #tpu.memory_space<vmem>>
    %dma_wait3A_341 = arith.constant 0 : i32
    %dma_wait3A_342 = tpu.memref_slice %arg5[%arg0, %add3A_337, %dma_wait3A_341] : memref<2x10240x128xf32, #tpu.memory_space<hbm>> -> memref<1x80x128xf32, #tpu.memory_space<hbm>>
    %dma_wait3A_343 = tpu.memref_squeeze %dma_wait3A_342 : memref<1x80x128xf32, #tpu.memory_space<hbm>> -> memref<80x128xf32, #tpu.memory_space<hbm>>
    %dma_wait3A_344 = arith.constant 0 : i32
    %dma_wait3A_345 = tpu.memref_slice %arg5[%arg0, %add3A_337, %dma_wait3A_344] : memref<2x10240x128xf32, #tpu.memory_space<hbm>> -> memref<1x80x128xf32, #tpu.memory_space<hbm>>
    %dma_wait3A_346 = tpu.memref_squeeze %dma_wait3A_345 : memref<1x80x128xf32, #tpu.memory_space<hbm>> -> memref<80x128xf32, #tpu.memory_space<hbm>>
    %dma_wait3A_347 = arith.constant 0 : i32
    %dma_wait3A_348 = arith.constant 0 : i32
    %dma_wait3A_349 = tpu.memref_slice %arg7[%dma_wait3A_347, %dma_wait3A_348] : memref<80x128xf32, #tpu.memory_space<vmem>> -> memref<80x128xf32, #tpu.memory_space<vmem>>
    tpu.wait_dma2 semaphore(%arg20 : memref<!tpu.dma_semaphore, #tpu.memory_space<semaphore_mem>>) src(%dma_wait3A_349 : memref<80x128xf32, #tpu.memory_space<vmem>>) dst(%dma_wait3A_346 : memref<80x128xf32, #tpu.memory_space<hbm>>)
    %add3A_350 = arith.constant 240 : i32
    %add3A_351 = arith.addi %mul3A_7, %add3A_350 : i32
    "tpu.region"() ({
      %run_scoped3A = tpu.sem_alloc : memref<!tpu.dma_semaphore, #tpu.memory_space<semaphore_mem>>
      %dma_start3A_514 = arith.constant 0 : i32
      %dma_start3A_515 = arith.constant 0 : i32
      %dma_start3A_516 = tpu.memref_slice %arg7[%dma_start3A_514, %dma_start3A_515] : memref<80x128xf32, #tpu.memory_space<vmem>> -> memref<80x128xf32, #tpu.memory_space<vmem>>
      %dma_start3A_517 = arith.constant 0 : i32
      %dma_start3A_518 = tpu.memref_slice %arg18[%add3A_351, %dma_start3A_517] : memref<10240x128xf32, #tpu.memory_space<vmem_shared>> -> memref<80x128xf32, #tpu.memory_space<vmem_shared>>
      %dma_start3A_519 = arith.constant 0 : i32
      %dma_start3A_520 = arith.constant 0 : i32
      %dma_start3A_521 = tpu.memref_slice %arg7[%dma_start3A_519, %dma_start3A_520] : memref<80x128xf32, #tpu.memory_space<vmem>> -> memref<80x128xf32, #tpu.memory_space<vmem>>
      %dma_start3A_522 = arith.constant 0 : i32
      %dma_start3A_523 = tpu.memref_slice %arg18[%add3A_351, %dma_start3A_522] : memref<10240x128xf32, #tpu.memory_space<vmem_shared>> -> memref<80x128xf32, #tpu.memory_space<vmem_shared>>
      tpu.enqueue_dma source(%dma_start3A_523 : memref<80x128xf32, #tpu.memory_space<vmem_shared>>) target(%dma_start3A_521 : memref<80x128xf32, #tpu.memory_space<vmem>>) target_semaphore(%run_scoped3A : memref<!tpu.dma_semaphore, #tpu.memory_space<semaphore_mem>>)
      %dma_wait3A_524 = arith.constant 0 : i32
      %dma_wait3A_525 = arith.constant 0 : i32
      %dma_wait3A_526 = tpu.memref_slice %arg7[%dma_wait3A_524, %dma_wait3A_525] : memref<80x128xf32, #tpu.memory_space<vmem>> -> memref<80x128xf32, #tpu.memory_space<vmem>>
      %dma_wait3A_527 = arith.constant 0 : i32
      %dma_wait3A_528 = tpu.memref_slice %arg18[%add3A_351, %dma_wait3A_527] : memref<10240x128xf32, #tpu.memory_space<vmem_shared>> -> memref<80x128xf32, #tpu.memory_space<vmem_shared>>
      %dma_wait3A_529 = arith.constant 0 : i32
      %dma_wait3A_530 = arith.constant 0 : i32
      %dma_wait3A_531 = tpu.memref_slice %arg7[%dma_wait3A_529, %dma_wait3A_530] : memref<80x128xf32, #tpu.memory_space<vmem>> -> memref<80x128xf32, #tpu.memory_space<vmem>>
      %dma_wait3A_532 = arith.constant 0 : i32
      %dma_wait3A_533 = tpu.memref_slice %arg18[%add3A_351, %dma_wait3A_532] : memref<10240x128xf32, #tpu.memory_space<vmem_shared>> -> memref<80x128xf32, #tpu.memory_space<vmem_shared>>
      tpu.wait_dma2 semaphore(%run_scoped3A : memref<!tpu.dma_semaphore, #tpu.memory_space<semaphore_mem>>) src(%dma_wait3A_533 : memref<80x128xf32, #tpu.memory_space<vmem_shared>>) dst(%dma_wait3A_531 : memref<80x128xf32, #tpu.memory_space<vmem>>)
      tpu.yield
    }) : () -> ()
    %add3A_352 = arith.constant 240 : i32
    %add3A_353 = arith.addi %mul3A_7, %add3A_352 : i32
    %dma_start3A_354 = arith.constant 0 : i32
    %dma_start3A_355 = arith.constant 0 : i32
    %dma_start3A_356 = tpu.memref_slice %arg7[%dma_start3A_354, %dma_start3A_355] : memref<80x128xf32, #tpu.memory_space<vmem>> -> memref<80x128xf32, #tpu.memory_space<vmem>>
    %dma_start3A_357 = arith.constant 0 : i32
    %dma_start3A_358 = tpu.memref_slice %arg5[%arg0, %add3A_353, %dma_start3A_357] : memref<2x10240x128xf32, #tpu.memory_space<hbm>> -> memref<1x80x128xf32, #tpu.memory_space<hbm>>
    %dma_start3A_359 = tpu.memref_squeeze %dma_start3A_358 : memref<1x80x128xf32, #tpu.memory_space<hbm>> -> memref<80x128xf32, #tpu.memory_space<hbm>>
    %dma_start3A_360 = arith.constant 0 : i32
    %dma_start3A_361 = tpu.memref_slice %arg5[%arg0, %add3A_353, %dma_start3A_360] : memref<2x10240x128xf32, #tpu.memory_space<hbm>> -> memref<1x80x128xf32, #tpu.memory_space<hbm>>
    %dma_start3A_362 = tpu.memref_squeeze %dma_start3A_361 : memref<1x80x128xf32, #tpu.memory_space<hbm>> -> memref<80x128xf32, #tpu.memory_space<hbm>>
    %dma_start3A_363 = arith.constant 0 : i32
    %dma_start3A_364 = arith.constant 0 : i32
    %dma_start3A_365 = tpu.memref_slice %arg7[%dma_start3A_363, %dma_start3A_364] : memref<80x128xf32, #tpu.memory_space<vmem>> -> memref<80x128xf32, #tpu.memory_space<vmem>>
    tpu.enqueue_dma source(%dma_start3A_365 : memref<80x128xf32, #tpu.memory_space<vmem>>) target(%dma_start3A_362 : memref<80x128xf32, #tpu.memory_space<hbm>>) target_semaphore(%arg20 : memref<!tpu.dma_semaphore, #tpu.memory_space<semaphore_mem>>)
    %add3A_366 = arith.constant 160 : i32
    %add3A_367 = arith.addi %mul3A_7, %add3A_366 : i32
    %dma_wait3A_368 = arith.constant 0 : i32
    %dma_wait3A_369 = arith.constant 0 : i32
    %dma_wait3A_370 = tpu.memref_slice %arg6[%dma_wait3A_368, %dma_wait3A_369] : memref<80x128xf32, #tpu.memory_space<vmem>> -> memref<80x128xf32, #tpu.memory_space<vmem>>
    %dma_wait3A_371 = arith.constant 0 : i32
    %dma_wait3A_372 = tpu.memref_slice %arg5[%arg0, %add3A_367, %dma_wait3A_371] : memref<2x10240x128xf32, #tpu.memory_space<hbm>> -> memref<1x80x128xf32, #tpu.memory_space<hbm>>
    %dma_wait3A_373 = tpu.memref_squeeze %dma_wait3A_372 : memref<1x80x128xf32, #tpu.memory_space<hbm>> -> memref<80x128xf32, #tpu.memory_space<hbm>>
    %dma_wait3A_374 = arith.constant 0 : i32
    %dma_wait3A_375 = tpu.memref_slice %arg5[%arg0, %add3A_367, %dma_wait3A_374] : memref<2x10240x128xf32, #tpu.memory_space<hbm>> -> memref<1x80x128xf32, #tpu.memory_space<hbm>>
    %dma_wait3A_376 = tpu.memref_squeeze %dma_wait3A_375 : memref<1x80x128xf32, #tpu.memory_space<hbm>> -> memref<80x128xf32, #tpu.memory_space<hbm>>
    %dma_wait3A_377 = arith.constant 0 : i32
    %dma_wait3A_378 = arith.constant 0 : i32
    %dma_wait3A_379 = tpu.memref_slice %arg6[%dma_wait3A_377, %dma_wait3A_378] : memref<80x128xf32, #tpu.memory_space<vmem>> -> memref<80x128xf32, #tpu.memory_space<vmem>>
    tpu.wait_dma2 semaphore(%arg20 : memref<!tpu.dma_semaphore, #tpu.memory_space<semaphore_mem>>) src(%dma_wait3A_379 : memref<80x128xf32, #tpu.memory_space<vmem>>) dst(%dma_wait3A_376 : memref<80x128xf32, #tpu.memory_space<hbm>>)
    %add3A_380 = arith.constant 320 : i32
    %add3A_381 = arith.addi %mul3A_7, %add3A_380 : i32
    "tpu.region"() ({
      %run_scoped3A = tpu.sem_alloc : memref<!tpu.dma_semaphore, #tpu.memory_space<semaphore_mem>>
      %dma_start3A_514 = arith.constant 0 : i32
      %dma_start3A_515 = arith.constant 0 : i32
      %dma_start3A_516 = tpu.memref_slice %arg6[%dma_start3A_514, %dma_start3A_515] : memref<80x128xf32, #tpu.memory_space<vmem>> -> memref<80x128xf32, #tpu.memory_space<vmem>>
      %dma_start3A_517 = arith.constant 0 : i32
      %dma_start3A_518 = tpu.memref_slice %arg18[%add3A_381, %dma_start3A_517] : memref<10240x128xf32, #tpu.memory_space<vmem_shared>> -> memref<80x128xf32, #tpu.memory_space<vmem_shared>>
      %dma_start3A_519 = arith.constant 0 : i32
      %dma_start3A_520 = arith.constant 0 : i32
      %dma_start3A_521 = tpu.memref_slice %arg6[%dma_start3A_519, %dma_start3A_520] : memref<80x128xf32, #tpu.memory_space<vmem>> -> memref<80x128xf32, #tpu.memory_space<vmem>>
      %dma_start3A_522 = arith.constant 0 : i32
      %dma_start3A_523 = tpu.memref_slice %arg18[%add3A_381, %dma_start3A_522] : memref<10240x128xf32, #tpu.memory_space<vmem_shared>> -> memref<80x128xf32, #tpu.memory_space<vmem_shared>>
      tpu.enqueue_dma source(%dma_start3A_523 : memref<80x128xf32, #tpu.memory_space<vmem_shared>>) target(%dma_start3A_521 : memref<80x128xf32, #tpu.memory_space<vmem>>) target_semaphore(%run_scoped3A : memref<!tpu.dma_semaphore, #tpu.memory_space<semaphore_mem>>)
      %dma_wait3A_524 = arith.constant 0 : i32
      %dma_wait3A_525 = arith.constant 0 : i32
      %dma_wait3A_526 = tpu.memref_slice %arg6[%dma_wait3A_524, %dma_wait3A_525] : memref<80x128xf32, #tpu.memory_space<vmem>> -> memref<80x128xf32, #tpu.memory_space<vmem>>
      %dma_wait3A_527 = arith.constant 0 : i32
      %dma_wait3A_528 = tpu.memref_slice %arg18[%add3A_381, %dma_wait3A_527] : memref<10240x128xf32, #tpu.memory_space<vmem_shared>> -> memref<80x128xf32, #tpu.memory_space<vmem_shared>>
      %dma_wait3A_529 = arith.constant 0 : i32
      %dma_wait3A_530 = arith.constant 0 : i32
      %dma_wait3A_531 = tpu.memref_slice %arg6[%dma_wait3A_529, %dma_wait3A_530] : memref<80x128xf32, #tpu.memory_space<vmem>> -> memref<80x128xf32, #tpu.memory_space<vmem>>
      %dma_wait3A_532 = arith.constant 0 : i32
      %dma_wait3A_533 = tpu.memref_slice %arg18[%add3A_381, %dma_wait3A_532] : memref<10240x128xf32, #tpu.memory_space<vmem_shared>> -> memref<80x128xf32, #tpu.memory_space<vmem_shared>>
      tpu.wait_dma2 semaphore(%run_scoped3A : memref<!tpu.dma_semaphore, #tpu.memory_space<semaphore_mem>>) src(%dma_wait3A_533 : memref<80x128xf32, #tpu.memory_space<vmem_shared>>) dst(%dma_wait3A_531 : memref<80x128xf32, #tpu.memory_space<vmem>>)
      tpu.yield
    }) : () -> ()
    %add3A_382 = arith.constant 320 : i32
    %add3A_383 = arith.addi %mul3A_7, %add3A_382 : i32
    %dma_start3A_384 = arith.constant 0 : i32
    %dma_start3A_385 = arith.constant 0 : i32
    %dma_start3A_386 = tpu.memref_slice %arg6[%dma_start3A_384, %dma_start3A_385] : memref<80x128xf32, #tpu.memory_space<vmem>> -> memref<80x128xf32, #tpu.memory_space<vmem>>
    %dma_start3A_387 = arith.constant 0 : i32
    %dma_start3A_388 = tpu.memref_slice %arg5[%arg0, %add3A_383, %dma_start3A_387] : memref<2x10240x128xf32, #tpu.memory_space<hbm>> -> memref<1x80x128xf32, #tpu.memory_space<hbm>>
    %dma_start3A_389 = tpu.memref_squeeze %dma_start3A_388 : memref<1x80x128xf32, #tpu.memory_space<hbm>> -> memref<80x128xf32, #tpu.memory_space<hbm>>
    %dma_start3A_390 = arith.constant 0 : i32
    %dma_start3A_391 = tpu.memref_slice %arg5[%arg0, %add3A_383, %dma_start3A_390] : memref<2x10240x128xf32, #tpu.memory_space<hbm>> -> memref<1x80x128xf32, #tpu.memory_space<hbm>>
    %dma_start3A_392 = tpu.memref_squeeze %dma_start3A_391 : memref<1x80x128xf32, #tpu.memory_space<hbm>> -> memref<80x128xf32, #tpu.memory_space<hbm>>
    %dma_start3A_393 = arith.constant 0 : i32
    %dma_start3A_394 = arith.constant 0 : i32
    %dma_start3A_395 = tpu.memref_slice %arg6[%dma_start3A_393, %dma_start3A_394] : memref<80x128xf32, #tpu.memory_space<vmem>> -> memref<80x128xf32, #tpu.memory_space<vmem>>
    tpu.enqueue_dma source(%dma_start3A_395 : memref<80x128xf32, #tpu.memory_space<vmem>>) target(%dma_start3A_392 : memref<80x128xf32, #tpu.memory_space<hbm>>) target_semaphore(%arg20 : memref<!tpu.dma_semaphore, #tpu.memory_space<semaphore_mem>>)
    %add3A_396 = arith.constant 240 : i32
    %add3A_397 = arith.addi %mul3A_7, %add3A_396 : i32
    %dma_wait3A_398 = arith.constant 0 : i32
    %dma_wait3A_399 = arith.constant 0 : i32
    %dma_wait3A_400 = tpu.memref_slice %arg7[%dma_wait3A_398, %dma_wait3A_399] : memref<80x128xf32, #tpu.memory_space<vmem>> -> memref<80x128xf32, #tpu.memory_space<vmem>>
    %dma_wait3A_401 = arith.constant 0 : i32
    %dma_wait3A_402 = tpu.memref_slice %arg5[%arg0, %add3A_397, %dma_wait3A_401] : memref<2x10240x128xf32, #tpu.memory_space<hbm>> -> memref<1x80x128xf32, #tpu.memory_space<hbm>>
    %dma_wait3A_403 = tpu.memref_squeeze %dma_wait3A_402 : memref<1x80x128xf32, #tpu.memory_space<hbm>> -> memref<80x128xf32, #tpu.memory_space<hbm>>
    %dma_wait3A_404 = arith.constant 0 : i32
    %dma_wait3A_405 = tpu.memref_slice %arg5[%arg0, %add3A_397, %dma_wait3A_404] : memref<2x10240x128xf32, #tpu.memory_space<hbm>> -> memref<1x80x128xf32, #tpu.memory_space<hbm>>
    %dma_wait3A_406 = tpu.memref_squeeze %dma_wait3A_405 : memref<1x80x128xf32, #tpu.memory_space<hbm>> -> memref<80x128xf32, #tpu.memory_space<hbm>>
    %dma_wait3A_407 = arith.constant 0 : i32
    %dma_wait3A_408 = arith.constant 0 : i32
    %dma_wait3A_409 = tpu.memref_slice %arg7[%dma_wait3A_407, %dma_wait3A_408] : memref<80x128xf32, #tpu.memory_space<vmem>> -> memref<80x128xf32, #tpu.memory_space<vmem>>
    tpu.wait_dma2 semaphore(%arg20 : memref<!tpu.dma_semaphore, #tpu.memory_space<semaphore_mem>>) src(%dma_wait3A_409 : memref<80x128xf32, #tpu.memory_space<vmem>>) dst(%dma_wait3A_406 : memref<80x128xf32, #tpu.memory_space<hbm>>)
    %add3A_410 = arith.constant 400 : i32
    %add3A_411 = arith.addi %mul3A_7, %add3A_410 : i32
    "tpu.region"() ({
      %run_scoped3A = tpu.sem_alloc : memref<!tpu.dma_semaphore, #tpu.memory_space<semaphore_mem>>
      %dma_start3A_514 = arith.constant 0 : i32
      %dma_start3A_515 = arith.constant 0 : i32
      %dma_start3A_516 = tpu.memref_slice %arg7[%dma_start3A_514, %dma_start3A_515] : memref<80x128xf32, #tpu.memory_space<vmem>> -> memref<80x128xf32, #tpu.memory_space<vmem>>
      %dma_start3A_517 = arith.constant 0 : i32
      %dma_start3A_518 = tpu.memref_slice %arg18[%add3A_411, %dma_start3A_517] : memref<10240x128xf32, #tpu.memory_space<vmem_shared>> -> memref<80x128xf32, #tpu.memory_space<vmem_shared>>
      %dma_start3A_519 = arith.constant 0 : i32
      %dma_start3A_520 = arith.constant 0 : i32
      %dma_start3A_521 = tpu.memref_slice %arg7[%dma_start3A_519, %dma_start3A_520] : memref<80x128xf32, #tpu.memory_space<vmem>> -> memref<80x128xf32, #tpu.memory_space<vmem>>
      %dma_start3A_522 = arith.constant 0 : i32
      %dma_start3A_523 = tpu.memref_slice %arg18[%add3A_411, %dma_start3A_522] : memref<10240x128xf32, #tpu.memory_space<vmem_shared>> -> memref<80x128xf32, #tpu.memory_space<vmem_shared>>
      tpu.enqueue_dma source(%dma_start3A_523 : memref<80x128xf32, #tpu.memory_space<vmem_shared>>) target(%dma_start3A_521 : memref<80x128xf32, #tpu.memory_space<vmem>>) target_semaphore(%run_scoped3A : memref<!tpu.dma_semaphore, #tpu.memory_space<semaphore_mem>>)
      %dma_wait3A_524 = arith.constant 0 : i32
      %dma_wait3A_525 = arith.constant 0 : i32
      %dma_wait3A_526 = tpu.memref_slice %arg7[%dma_wait3A_524, %dma_wait3A_525] : memref<80x128xf32, #tpu.memory_space<vmem>> -> memref<80x128xf32, #tpu.memory_space<vmem>>
      %dma_wait3A_527 = arith.constant 0 : i32
      %dma_wait3A_528 = tpu.memref_slice %arg18[%add3A_411, %dma_wait3A_527] : memref<10240x128xf32, #tpu.memory_space<vmem_shared>> -> memref<80x128xf32, #tpu.memory_space<vmem_shared>>
      %dma_wait3A_529 = arith.constant 0 : i32
      %dma_wait3A_530 = arith.constant 0 : i32
      %dma_wait3A_531 = tpu.memref_slice %arg7[%dma_wait3A_529, %dma_wait3A_530] : memref<80x128xf32, #tpu.memory_space<vmem>> -> memref<80x128xf32, #tpu.memory_space<vmem>>
      %dma_wait3A_532 = arith.constant 0 : i32
      %dma_wait3A_533 = tpu.memref_slice %arg18[%add3A_411, %dma_wait3A_532] : memref<10240x128xf32, #tpu.memory_space<vmem_shared>> -> memref<80x128xf32, #tpu.memory_space<vmem_shared>>
      tpu.wait_dma2 semaphore(%run_scoped3A : memref<!tpu.dma_semaphore, #tpu.memory_space<semaphore_mem>>) src(%dma_wait3A_533 : memref<80x128xf32, #tpu.memory_space<vmem_shared>>) dst(%dma_wait3A_531 : memref<80x128xf32, #tpu.memory_space<vmem>>)
      tpu.yield
    }) : () -> ()
    %add3A_412 = arith.constant 400 : i32
    %add3A_413 = arith.addi %mul3A_7, %add3A_412 : i32
    %dma_start3A_414 = arith.constant 0 : i32
    %dma_start3A_415 = arith.constant 0 : i32
    %dma_start3A_416 = tpu.memref_slice %arg7[%dma_start3A_414, %dma_start3A_415] : memref<80x128xf32, #tpu.memory_space<vmem>> -> memref<80x128xf32, #tpu.memory_space<vmem>>
    %dma_start3A_417 = arith.constant 0 : i32
    %dma_start3A_418 = tpu.memref_slice %arg5[%arg0, %add3A_413, %dma_start3A_417] : memref<2x10240x128xf32, #tpu.memory_space<hbm>> -> memref<1x80x128xf32, #tpu.memory_space<hbm>>
    %dma_start3A_419 = tpu.memref_squeeze %dma_start3A_418 : memref<1x80x128xf32, #tpu.memory_space<hbm>> -> memref<80x128xf32, #tpu.memory_space<hbm>>
    %dma_start3A_420 = arith.constant 0 : i32
    %dma_start3A_421 = tpu.memref_slice %arg5[%arg0, %add3A_413, %dma_start3A_420] : memref<2x10240x128xf32, #tpu.memory_space<hbm>> -> memref<1x80x128xf32, #tpu.memory_space<hbm>>
    %dma_start3A_422 = tpu.memref_squeeze %dma_start3A_421 : memref<1x80x128xf32, #tpu.memory_space<hbm>> -> memref<80x128xf32, #tpu.memory_space<hbm>>
    %dma_start3A_423 = arith.constant 0 : i32
    %dma_start3A_424 = arith.constant 0 : i32
    %dma_start3A_425 = tpu.memref_slice %arg7[%dma_start3A_423, %dma_start3A_424] : memref<80x128xf32, #tpu.memory_space<vmem>> -> memref<80x128xf32, #tpu.memory_space<vmem>>
    tpu.enqueue_dma source(%dma_start3A_425 : memref<80x128xf32, #tpu.memory_space<vmem>>) target(%dma_start3A_422 : memref<80x128xf32, #tpu.memory_space<hbm>>) target_semaphore(%arg20 : memref<!tpu.dma_semaphore, #tpu.memory_space<semaphore_mem>>)
    %add3A_426 = arith.constant 320 : i32
    %add3A_427 = arith.addi %mul3A_7, %add3A_426 : i32
    %dma_wait3A_428 = arith.constant 0 : i32
    %dma_wait3A_429 = arith.constant 0 : i32
    %dma_wait3A_430 = tpu.memref_slice %arg6[%dma_wait3A_428, %dma_wait3A_429] : memref<80x128xf32, #tpu.memory_space<vmem>> -> memref<80x128xf32, #tpu.memory_space<vmem>>
    %dma_wait3A_431 = arith.constant 0 : i32
    %dma_wait3A_432 = tpu.memref_slice %arg5[%arg0, %add3A_427, %dma_wait3A_431] : memref<2x10240x128xf32, #tpu.memory_space<hbm>> -> memref<1x80x128xf32, #tpu.memory_space<hbm>>
    %dma_wait3A_433 = tpu.memref_squeeze %dma_wait3A_432 : memref<1x80x128xf32, #tpu.memory_space<hbm>> -> memref<80x128xf32, #tpu.memory_space<hbm>>
    %dma_wait3A_434 = arith.constant 0 : i32
    %dma_wait3A_435 = tpu.memref_slice %arg5[%arg0, %add3A_427, %dma_wait3A_434] : memref<2x10240x128xf32, #tpu.memory_space<hbm>> -> memref<1x80x128xf32, #tpu.memory_space<hbm>>
    %dma_wait3A_436 = tpu.memref_squeeze %dma_wait3A_435 : memref<1x80x128xf32, #tpu.memory_space<hbm>> -> memref<80x128xf32, #tpu.memory_space<hbm>>
    %dma_wait3A_437 = arith.constant 0 : i32
    %dma_wait3A_438 = arith.constant 0 : i32
    %dma_wait3A_439 = tpu.memref_slice %arg6[%dma_wait3A_437, %dma_wait3A_438] : memref<80x128xf32, #tpu.memory_space<vmem>> -> memref<80x128xf32, #tpu.memory_space<vmem>>
    tpu.wait_dma2 semaphore(%arg20 : memref<!tpu.dma_semaphore, #tpu.memory_space<semaphore_mem>>) src(%dma_wait3A_439 : memref<80x128xf32, #tpu.memory_space<vmem>>) dst(%dma_wait3A_436 : memref<80x128xf32, #tpu.memory_space<hbm>>)
    %add3A_440 = arith.constant 480 : i32
    %add3A_441 = arith.addi %mul3A_7, %add3A_440 : i32
    "tpu.region"() ({
      %run_scoped3A = tpu.sem_alloc : memref<!tpu.dma_semaphore, #tpu.memory_space<semaphore_mem>>
      %dma_start3A_514 = arith.constant 0 : i32
      %dma_start3A_515 = arith.constant 0 : i32
      %dma_start3A_516 = tpu.memref_slice %arg6[%dma_start3A_514, %dma_start3A_515] : memref<80x128xf32, #tpu.memory_space<vmem>> -> memref<80x128xf32, #tpu.memory_space<vmem>>
      %dma_start3A_517 = arith.constant 0 : i32
      %dma_start3A_518 = tpu.memref_slice %arg18[%add3A_441, %dma_start3A_517] : memref<10240x128xf32, #tpu.memory_space<vmem_shared>> -> memref<80x128xf32, #tpu.memory_space<vmem_shared>>
      %dma_start3A_519 = arith.constant 0 : i32
      %dma_start3A_520 = arith.constant 0 : i32
      %dma_start3A_521 = tpu.memref_slice %arg6[%dma_start3A_519, %dma_start3A_520] : memref<80x128xf32, #tpu.memory_space<vmem>> -> memref<80x128xf32, #tpu.memory_space<vmem>>
      %dma_start3A_522 = arith.constant 0 : i32
      %dma_start3A_523 = tpu.memref_slice %arg18[%add3A_441, %dma_start3A_522] : memref<10240x128xf32, #tpu.memory_space<vmem_shared>> -> memref<80x128xf32, #tpu.memory_space<vmem_shared>>
      tpu.enqueue_dma source(%dma_start3A_523 : memref<80x128xf32, #tpu.memory_space<vmem_shared>>) target(%dma_start3A_521 : memref<80x128xf32, #tpu.memory_space<vmem>>) target_semaphore(%run_scoped3A : memref<!tpu.dma_semaphore, #tpu.memory_space<semaphore_mem>>)
      %dma_wait3A_524 = arith.constant 0 : i32
      %dma_wait3A_525 = arith.constant 0 : i32
      %dma_wait3A_526 = tpu.memref_slice %arg6[%dma_wait3A_524, %dma_wait3A_525] : memref<80x128xf32, #tpu.memory_space<vmem>> -> memref<80x128xf32, #tpu.memory_space<vmem>>
      %dma_wait3A_527 = arith.constant 0 : i32
      %dma_wait3A_528 = tpu.memref_slice %arg18[%add3A_441, %dma_wait3A_527] : memref<10240x128xf32, #tpu.memory_space<vmem_shared>> -> memref<80x128xf32, #tpu.memory_space<vmem_shared>>
      %dma_wait3A_529 = arith.constant 0 : i32
      %dma_wait3A_530 = arith.constant 0 : i32
      %dma_wait3A_531 = tpu.memref_slice %arg6[%dma_wait3A_529, %dma_wait3A_530] : memref<80x128xf32, #tpu.memory_space<vmem>> -> memref<80x128xf32, #tpu.memory_space<vmem>>
      %dma_wait3A_532 = arith.constant 0 : i32
      %dma_wait3A_533 = tpu.memref_slice %arg18[%add3A_441, %dma_wait3A_532] : memref<10240x128xf32, #tpu.memory_space<vmem_shared>> -> memref<80x128xf32, #tpu.memory_space<vmem_shared>>
      tpu.wait_dma2 semaphore(%run_scoped3A : memref<!tpu.dma_semaphore, #tpu.memory_space<semaphore_mem>>) src(%dma_wait3A_533 : memref<80x128xf32, #tpu.memory_space<vmem_shared>>) dst(%dma_wait3A_531 : memref<80x128xf32, #tpu.memory_space<vmem>>)
      tpu.yield
    }) : () -> ()
    %add3A_442 = arith.constant 480 : i32
    %add3A_443 = arith.addi %mul3A_7, %add3A_442 : i32
    %dma_start3A_444 = arith.constant 0 : i32
    %dma_start3A_445 = arith.constant 0 : i32
    %dma_start3A_446 = tpu.memref_slice %arg6[%dma_start3A_444, %dma_start3A_445] : memref<80x128xf32, #tpu.memory_space<vmem>> -> memref<80x128xf32, #tpu.memory_space<vmem>>
    %dma_start3A_447 = arith.constant 0 : i32
    %dma_start3A_448 = tpu.memref_slice %arg5[%arg0, %add3A_443, %dma_start3A_447] : memref<2x10240x128xf32, #tpu.memory_space<hbm>> -> memref<1x80x128xf32, #tpu.memory_space<hbm>>
    %dma_start3A_449 = tpu.memref_squeeze %dma_start3A_448 : memref<1x80x128xf32, #tpu.memory_space<hbm>> -> memref<80x128xf32, #tpu.memory_space<hbm>>
    %dma_start3A_450 = arith.constant 0 : i32
    %dma_start3A_451 = tpu.memref_slice %arg5[%arg0, %add3A_443, %dma_start3A_450] : memref<2x10240x128xf32, #tpu.memory_space<hbm>> -> memref<1x80x128xf32, #tpu.memory_space<hbm>>
    %dma_start3A_452 = tpu.memref_squeeze %dma_start3A_451 : memref<1x80x128xf32, #tpu.memory_space<hbm>> -> memref<80x128xf32, #tpu.memory_space<hbm>>
    %dma_start3A_453 = arith.constant 0 : i32
    %dma_start3A_454 = arith.constant 0 : i32
    %dma_start3A_455 = tpu.memref_slice %arg6[%dma_start3A_453, %dma_start3A_454] : memref<80x128xf32, #tpu.memory_space<vmem>> -> memref<80x128xf32, #tpu.memory_space<vmem>>
    tpu.enqueue_dma source(%dma_start3A_455 : memref<80x128xf32, #tpu.memory_space<vmem>>) target(%dma_start3A_452 : memref<80x128xf32, #tpu.memory_space<hbm>>) target_semaphore(%arg20 : memref<!tpu.dma_semaphore, #tpu.memory_space<semaphore_mem>>)
    %add3A_456 = arith.constant 400 : i32
    %add3A_457 = arith.addi %mul3A_7, %add3A_456 : i32
    %dma_wait3A_458 = arith.constant 0 : i32
    %dma_wait3A_459 = arith.constant 0 : i32
    %dma_wait3A_460 = tpu.memref_slice %arg7[%dma_wait3A_458, %dma_wait3A_459] : memref<80x128xf32, #tpu.memory_space<vmem>> -> memref<80x128xf32, #tpu.memory_space<vmem>>
    %dma_wait3A_461 = arith.constant 0 : i32
    %dma_wait3A_462 = tpu.memref_slice %arg5[%arg0, %add3A_457, %dma_wait3A_461] : memref<2x10240x128xf32, #tpu.memory_space<hbm>> -> memref<1x80x128xf32, #tpu.memory_space<hbm>>
    %dma_wait3A_463 = tpu.memref_squeeze %dma_wait3A_462 : memref<1x80x128xf32, #tpu.memory_space<hbm>> -> memref<80x128xf32, #tpu.memory_space<hbm>>
    %dma_wait3A_464 = arith.constant 0 : i32
    %dma_wait3A_465 = tpu.memref_slice %arg5[%arg0, %add3A_457, %dma_wait3A_464] : memref<2x10240x128xf32, #tpu.memory_space<hbm>> -> memref<1x80x128xf32, #tpu.memory_space<hbm>>
    %dma_wait3A_466 = tpu.memref_squeeze %dma_wait3A_465 : memref<1x80x128xf32, #tpu.memory_space<hbm>> -> memref<80x128xf32, #tpu.memory_space<hbm>>
    %dma_wait3A_467 = arith.constant 0 : i32
    %dma_wait3A_468 = arith.constant 0 : i32
    %dma_wait3A_469 = tpu.memref_slice %arg7[%dma_wait3A_467, %dma_wait3A_468] : memref<80x128xf32, #tpu.memory_space<vmem>> -> memref<80x128xf32, #tpu.memory_space<vmem>>
    tpu.wait_dma2 semaphore(%arg20 : memref<!tpu.dma_semaphore, #tpu.memory_space<semaphore_mem>>) src(%dma_wait3A_469 : memref<80x128xf32, #tpu.memory_space<vmem>>) dst(%dma_wait3A_466 : memref<80x128xf32, #tpu.memory_space<hbm>>)
    %add3A_470 = arith.constant 560 : i32
    %add3A_471 = arith.addi %mul3A_7, %add3A_470 : i32
    "tpu.region"() ({
      %run_scoped3A = tpu.sem_alloc : memref<!tpu.dma_semaphore, #tpu.memory_space<semaphore_mem>>
      %dma_start3A_514 = arith.constant 0 : i32
      %dma_start3A_515 = arith.constant 0 : i32
      %dma_start3A_516 = tpu.memref_slice %arg7[%dma_start3A_514, %dma_start3A_515] : memref<80x128xf32, #tpu.memory_space<vmem>> -> memref<80x128xf32, #tpu.memory_space<vmem>>
      %dma_start3A_517 = arith.constant 0 : i32
      %dma_start3A_518 = tpu.memref_slice %arg18[%add3A_471, %dma_start3A_517] : memref<10240x128xf32, #tpu.memory_space<vmem_shared>> -> memref<80x128xf32, #tpu.memory_space<vmem_shared>>
      %dma_start3A_519 = arith.constant 0 : i32
      %dma_start3A_520 = arith.constant 0 : i32
      %dma_start3A_521 = tpu.memref_slice %arg7[%dma_start3A_519, %dma_start3A_520] : memref<80x128xf32, #tpu.memory_space<vmem>> -> memref<80x128xf32, #tpu.memory_space<vmem>>
      %dma_start3A_522 = arith.constant 0 : i32
      %dma_start3A_523 = tpu.memref_slice %arg18[%add3A_471, %dma_start3A_522] : memref<10240x128xf32, #tpu.memory_space<vmem_shared>> -> memref<80x128xf32, #tpu.memory_space<vmem_shared>>
      tpu.enqueue_dma source(%dma_start3A_523 : memref<80x128xf32, #tpu.memory_space<vmem_shared>>) target(%dma_start3A_521 : memref<80x128xf32, #tpu.memory_space<vmem>>) target_semaphore(%run_scoped3A : memref<!tpu.dma_semaphore, #tpu.memory_space<semaphore_mem>>)
      %dma_wait3A_524 = arith.constant 0 : i32
      %dma_wait3A_525 = arith.constant 0 : i32
      %dma_wait3A_526 = tpu.memref_slice %arg7[%dma_wait3A_524, %dma_wait3A_525] : memref<80x128xf32, #tpu.memory_space<vmem>> -> memref<80x128xf32, #tpu.memory_space<vmem>>
      %dma_wait3A_527 = arith.constant 0 : i32
      %dma_wait3A_528 = tpu.memref_slice %arg18[%add3A_471, %dma_wait3A_527] : memref<10240x128xf32, #tpu.memory_space<vmem_shared>> -> memref<80x128xf32, #tpu.memory_space<vmem_shared>>
      %dma_wait3A_529 = arith.constant 0 : i32
      %dma_wait3A_530 = arith.constant 0 : i32
      %dma_wait3A_531 = tpu.memref_slice %arg7[%dma_wait3A_529, %dma_wait3A_530] : memref<80x128xf32, #tpu.memory_space<vmem>> -> memref<80x128xf32, #tpu.memory_space<vmem>>
      %dma_wait3A_532 = arith.constant 0 : i32
      %dma_wait3A_533 = tpu.memref_slice %arg18[%add3A_471, %dma_wait3A_532] : memref<10240x128xf32, #tpu.memory_space<vmem_shared>> -> memref<80x128xf32, #tpu.memory_space<vmem_shared>>
      tpu.wait_dma2 semaphore(%run_scoped3A : memref<!tpu.dma_semaphore, #tpu.memory_space<semaphore_mem>>) src(%dma_wait3A_533 : memref<80x128xf32, #tpu.memory_space<vmem_shared>>) dst(%dma_wait3A_531 : memref<80x128xf32, #tpu.memory_space<vmem>>)
      tpu.yield
    }) : () -> ()
    %add3A_472 = arith.constant 560 : i32
    %add3A_473 = arith.addi %mul3A_7, %add3A_472 : i32
    %dma_start3A_474 = arith.constant 0 : i32
    %dma_start3A_475 = arith.constant 0 : i32
    %dma_start3A_476 = tpu.memref_slice %arg7[%dma_start3A_474, %dma_start3A_475] : memref<80x128xf32, #tpu.memory_space<vmem>> -> memref<80x128xf32, #tpu.memory_space<vmem>>
    %dma_start3A_477 = arith.constant 0 : i32
    %dma_start3A_478 = tpu.memref_slice %arg5[%arg0, %add3A_473, %dma_start3A_477] : memref<2x10240x128xf32, #tpu.memory_space<hbm>> -> memref<1x80x128xf32, #tpu.memory_space<hbm>>
    %dma_start3A_479 = tpu.memref_squeeze %dma_start3A_478 : memref<1x80x128xf32, #tpu.memory_space<hbm>> -> memref<80x128xf32, #tpu.memory_space<hbm>>
    %dma_start3A_480 = arith.constant 0 : i32
    %dma_start3A_481 = tpu.memref_slice %arg5[%arg0, %add3A_473, %dma_start3A_480] : memref<2x10240x128xf32, #tpu.memory_space<hbm>> -> memref<1x80x128xf32, #tpu.memory_space<hbm>>
    %dma_start3A_482 = tpu.memref_squeeze %dma_start3A_481 : memref<1x80x128xf32, #tpu.memory_space<hbm>> -> memref<80x128xf32, #tpu.memory_space<hbm>>
    %dma_start3A_483 = arith.constant 0 : i32
    %dma_start3A_484 = arith.constant 0 : i32
    %dma_start3A_485 = tpu.memref_slice %arg7[%dma_start3A_483, %dma_start3A_484] : memref<80x128xf32, #tpu.memory_space<vmem>> -> memref<80x128xf32, #tpu.memory_space<vmem>>
    tpu.enqueue_dma source(%dma_start3A_485 : memref<80x128xf32, #tpu.memory_space<vmem>>) target(%dma_start3A_482 : memref<80x128xf32, #tpu.memory_space<hbm>>) target_semaphore(%arg20 : memref<!tpu.dma_semaphore, #tpu.memory_space<semaphore_mem>>)
    %add3A_486 = arith.constant 480 : i32
    %add3A_487 = arith.addi %mul3A_7, %add3A_486 : i32
    %dma_wait3A_488 = arith.constant 0 : i32
    %dma_wait3A_489 = arith.constant 0 : i32
    %dma_wait3A_490 = tpu.memref_slice %arg6[%dma_wait3A_488, %dma_wait3A_489] : memref<80x128xf32, #tpu.memory_space<vmem>> -> memref<80x128xf32, #tpu.memory_space<vmem>>
    %dma_wait3A_491 = arith.constant 0 : i32
    %dma_wait3A_492 = tpu.memref_slice %arg5[%arg0, %add3A_487, %dma_wait3A_491] : memref<2x10240x128xf32, #tpu.memory_space<hbm>> -> memref<1x80x128xf32, #tpu.memory_space<hbm>>
    %dma_wait3A_493 = tpu.memref_squeeze %dma_wait3A_492 : memref<1x80x128xf32, #tpu.memory_space<hbm>> -> memref<80x128xf32, #tpu.memory_space<hbm>>
    %dma_wait3A_494 = arith.constant 0 : i32
    %dma_wait3A_495 = tpu.memref_slice %arg5[%arg0, %add3A_487, %dma_wait3A_494] : memref<2x10240x128xf32, #tpu.memory_space<hbm>> -> memref<1x80x128xf32, #tpu.memory_space<hbm>>
    %dma_wait3A_496 = tpu.memref_squeeze %dma_wait3A_495 : memref<1x80x128xf32, #tpu.memory_space<hbm>> -> memref<80x128xf32, #tpu.memory_space<hbm>>
    %dma_wait3A_497 = arith.constant 0 : i32
    %dma_wait3A_498 = arith.constant 0 : i32
    %dma_wait3A_499 = tpu.memref_slice %arg6[%dma_wait3A_497, %dma_wait3A_498] : memref<80x128xf32, #tpu.memory_space<vmem>> -> memref<80x128xf32, #tpu.memory_space<vmem>>
    tpu.wait_dma2 semaphore(%arg20 : memref<!tpu.dma_semaphore, #tpu.memory_space<semaphore_mem>>) src(%dma_wait3A_499 : memref<80x128xf32, #tpu.memory_space<vmem>>) dst(%dma_wait3A_496 : memref<80x128xf32, #tpu.memory_space<hbm>>)
    %add3A_500 = arith.constant 560 : i32
    %add3A_501 = arith.addi %mul3A_7, %add3A_500 : i32
    %dma_wait3A_502 = arith.constant 0 : i32
    %dma_wait3A_503 = arith.constant 0 : i32
    %dma_wait3A_504 = tpu.memref_slice %arg7[%dma_wait3A_502, %dma_wait3A_503] : memref<80x128xf32, #tpu.memory_space<vmem>> -> memref<80x128xf32, #tpu.memory_space<vmem>>
    %dma_wait3A_505 = arith.constant 0 : i32
    %dma_wait3A_506 = tpu.memref_slice %arg5[%arg0, %add3A_501, %dma_wait3A_505] : memref<2x10240x128xf32, #tpu.memory_space<hbm>> -> memref<1x80x128xf32, #tpu.memory_space<hbm>>
    %dma_wait3A_507 = tpu.memref_squeeze %dma_wait3A_506 : memref<1x80x128xf32, #tpu.memory_space<hbm>> -> memref<80x128xf32, #tpu.memory_space<hbm>>
    %dma_wait3A_508 = arith.constant 0 : i32
    %dma_wait3A_509 = tpu.memref_slice %arg5[%arg0, %add3A_501, %dma_wait3A_508] : memref<2x10240x128xf32, #tpu.memory_space<hbm>> -> memref<1x80x128xf32, #tpu.memory_space<hbm>>
    %dma_wait3A_510 = tpu.memref_squeeze %dma_wait3A_509 : memref<1x80x128xf32, #tpu.memory_space<hbm>> -> memref<80x128xf32, #tpu.memory_space<hbm>>
    %dma_wait3A_511 = arith.constant 0 : i32
    %dma_wait3A_512 = arith.constant 0 : i32
    %dma_wait3A_513 = tpu.memref_slice %arg7[%dma_wait3A_511, %dma_wait3A_512] : memref<80x128xf32, #tpu.memory_space<vmem>> -> memref<80x128xf32, #tpu.memory_space<vmem>>
    tpu.wait_dma2 semaphore(%arg20 : memref<!tpu.dma_semaphore, #tpu.memory_space<semaphore_mem>>) src(%dma_wait3A_513 : memref<80x128xf32, #tpu.memory_space<vmem>>) dst(%dma_wait3A_510 : memref<80x128xf32, #tpu.memory_space<hbm>>)
    return
  }
}

#map = affine_map<(d0, d1) -> (0, 0)>
#map1 = affine_map<(d0, d1) -> (0)>
module attributes {stable_mosaic.version = 14 : i64} {
  func.func @_sc_phase1_body(%arg0: i32, %arg1: i32, %arg2: memref<4x10240xf32, #tpu.memory_space<hbm>>, %arg3: memref<4x10240xf32, #tpu.memory_space<hbm>>, %arg4: memref<640000xi32, #tpu.memory_space<hbm>>, %arg5: memref<640000xi32, #tpu.memory_space<hbm>>, %arg6: memref<2560000xf32, #tpu.memory_space<hbm>>, %arg7: memref<32x40960xf32, #tpu.memory_space<hbm>>, %arg8: memref<40960xf32, #tpu.memory_space<vmem>>, %arg9: memref<40960xf32, #tpu.memory_space<vmem>>, %arg10: memref<40960xf32, #tpu.memory_space<vmem>>, %arg11: memref<400xi32, #tpu.memory_space<vmem>>, %arg12: memref<400xi32, #tpu.memory_space<vmem>>, %arg13: memref<400xi32, #tpu.memory_space<vmem>>, %arg14: memref<400xi32, #tpu.memory_space<vmem>>, %arg15: memref<1600xf32, #tpu.memory_space<vmem>>, %arg16: memref<1600xf32, #tpu.memory_space<vmem>>, %arg17: memref<!tpu.dma_semaphore, #tpu.memory_space<semaphore_mem>>, %arg18: memref<!tpu.dma_semaphore, #tpu.memory_space<semaphore_mem>>, %arg19: memref<!tpu.dma_semaphore, #tpu.memory_space<semaphore_mem>>, %arg20: memref<!tpu.dma_semaphore, #tpu.memory_space<semaphore_mem>>) attributes {dimension_semantics = [#tpu.dimension_semantics<core_parallel>, #tpu.dimension_semantics<subcore_parallel>], iteration_bounds = array<i64: 2, 16>, scalar_prefetch = 0 : i64, scratch_operands = 13 : i64, tpu.core_type = #tpu.core_type<sc_vector_subcore>, window_params = [{transform_indices = #map}, {transform_indices = #map}, {transform_indices = #map1}, {transform_indices = #map1}, {transform_indices = #map1}, {transform_indices = #map}]} {
    %mul3A = arith.constant 2 : i32
    %mul3A_0 = arith.muli %arg1, %mul3A : i32
    %add3A = arith.addi %mul3A_0, %arg0 : i32
    %dma_start3A = arith.constant 0 : i32
    %dma_start3A_1 = arith.constant 0 : i32
    %dma_start3A_2 = tpu.memref_slice %arg8[%dma_start3A_1] : memref<40960xf32, #tpu.memory_space<vmem>> -> memref<10240xf32, #tpu.memory_space<vmem>>
    %dma_start3A_3 = arith.constant 0 : i32
    %dma_start3A_4 = tpu.memref_slice %arg2[%dma_start3A, %dma_start3A_3] : memref<4x10240xf32, #tpu.memory_space<hbm>> -> memref<1x10240xf32, #tpu.memory_space<hbm>>
    %dma_start3A_5 = tpu.memref_squeeze %dma_start3A_4 : memref<1x10240xf32, #tpu.memory_space<hbm>> -> memref<10240xf32, #tpu.memory_space<hbm>>
    %dma_start3A_6 = arith.constant 0 : i32
    %dma_start3A_7 = tpu.memref_slice %arg8[%dma_start3A_6] : memref<40960xf32, #tpu.memory_space<vmem>> -> memref<10240xf32, #tpu.memory_space<vmem>>
    %dma_start3A_8 = arith.constant 0 : i32
    %dma_start3A_9 = tpu.memref_slice %arg2[%dma_start3A, %dma_start3A_8] : memref<4x10240xf32, #tpu.memory_space<hbm>> -> memref<1x10240xf32, #tpu.memory_space<hbm>>
    %dma_start3A_10 = tpu.memref_squeeze %dma_start3A_9 : memref<1x10240xf32, #tpu.memory_space<hbm>> -> memref<10240xf32, #tpu.memory_space<hbm>>
    tpu.enqueue_dma source(%dma_start3A_10 : memref<10240xf32, #tpu.memory_space<hbm>>) target(%dma_start3A_7 : memref<10240xf32, #tpu.memory_space<vmem>>) target_semaphore(%arg17 : memref<!tpu.dma_semaphore, #tpu.memory_space<semaphore_mem>>)
    %dma_start3A_11 = arith.constant 0 : i32
    %dma_start3A_12 = arith.constant 0 : i32
    %dma_start3A_13 = tpu.memref_slice %arg9[%dma_start3A_12] : memref<40960xf32, #tpu.memory_space<vmem>> -> memref<10240xf32, #tpu.memory_space<vmem>>
    %dma_start3A_14 = arith.constant 0 : i32
    %dma_start3A_15 = tpu.memref_slice %arg3[%dma_start3A_11, %dma_start3A_14] : memref<4x10240xf32, #tpu.memory_space<hbm>> -> memref<1x10240xf32, #tpu.memory_space<hbm>>
    %dma_start3A_16 = tpu.memref_squeeze %dma_start3A_15 : memref<1x10240xf32, #tpu.memory_space<hbm>> -> memref<10240xf32, #tpu.memory_space<hbm>>
    %dma_start3A_17 = arith.constant 0 : i32
    %dma_start3A_18 = tpu.memref_slice %arg9[%dma_start3A_17] : memref<40960xf32, #tpu.memory_space<vmem>> -> memref<10240xf32, #tpu.memory_space<vmem>>
    %dma_start3A_19 = arith.constant 0 : i32
    %dma_start3A_20 = tpu.memref_slice %arg3[%dma_start3A_11, %dma_start3A_19] : memref<4x10240xf32, #tpu.memory_space<hbm>> -> memref<1x10240xf32, #tpu.memory_space<hbm>>
    %dma_start3A_21 = tpu.memref_squeeze %dma_start3A_20 : memref<1x10240xf32, #tpu.memory_space<hbm>> -> memref<10240xf32, #tpu.memory_space<hbm>>
    tpu.enqueue_dma source(%dma_start3A_21 : memref<10240xf32, #tpu.memory_space<hbm>>) target(%dma_start3A_18 : memref<10240xf32, #tpu.memory_space<vmem>>) target_semaphore(%arg17 : memref<!tpu.dma_semaphore, #tpu.memory_space<semaphore_mem>>)
    %dma_start3A_22 = arith.constant 1 : i32
    %dma_start3A_23 = arith.constant 10240 : i32
    %dma_start3A_24 = tpu.memref_slice %arg8[%dma_start3A_23] : memref<40960xf32, #tpu.memory_space<vmem>> -> memref<10240xf32, #tpu.memory_space<vmem>>
    %dma_start3A_25 = arith.constant 0 : i32
    %dma_start3A_26 = tpu.memref_slice %arg2[%dma_start3A_22, %dma_start3A_25] : memref<4x10240xf32, #tpu.memory_space<hbm>> -> memref<1x10240xf32, #tpu.memory_space<hbm>>
    %dma_start3A_27 = tpu.memref_squeeze %dma_start3A_26 : memref<1x10240xf32, #tpu.memory_space<hbm>> -> memref<10240xf32, #tpu.memory_space<hbm>>
    %dma_start3A_28 = arith.constant 10240 : i32
    %dma_start3A_29 = tpu.memref_slice %arg8[%dma_start3A_28] : memref<40960xf32, #tpu.memory_space<vmem>> -> memref<10240xf32, #tpu.memory_space<vmem>>
    %dma_start3A_30 = arith.constant 0 : i32
    %dma_start3A_31 = tpu.memref_slice %arg2[%dma_start3A_22, %dma_start3A_30] : memref<4x10240xf32, #tpu.memory_space<hbm>> -> memref<1x10240xf32, #tpu.memory_space<hbm>>
    %dma_start3A_32 = tpu.memref_squeeze %dma_start3A_31 : memref<1x10240xf32, #tpu.memory_space<hbm>> -> memref<10240xf32, #tpu.memory_space<hbm>>
    tpu.enqueue_dma source(%dma_start3A_32 : memref<10240xf32, #tpu.memory_space<hbm>>) target(%dma_start3A_29 : memref<10240xf32, #tpu.memory_space<vmem>>) target_semaphore(%arg17 : memref<!tpu.dma_semaphore, #tpu.memory_space<semaphore_mem>>)
    %dma_start3A_33 = arith.constant 1 : i32
    %dma_start3A_34 = arith.constant 10240 : i32
    %dma_start3A_35 = tpu.memref_slice %arg9[%dma_start3A_34] : memref<40960xf32, #tpu.memory_space<vmem>> -> memref<10240xf32, #tpu.memory_space<vmem>>
    %dma_start3A_36 = arith.constant 0 : i32
    %dma_start3A_37 = tpu.memref_slice %arg3[%dma_start3A_33, %dma_start3A_36] : memref<4x10240xf32, #tpu.memory_space<hbm>> -> memref<1x10240xf32, #tpu.memory_space<hbm>>
    %dma_start3A_38 = tpu.memref_squeeze %dma_start3A_37 : memref<1x10240xf32, #tpu.memory_space<hbm>> -> memref<10240xf32, #tpu.memory_space<hbm>>
    %dma_start3A_39 = arith.constant 10240 : i32
    %dma_start3A_40 = tpu.memref_slice %arg9[%dma_start3A_39] : memref<40960xf32, #tpu.memory_space<vmem>> -> memref<10240xf32, #tpu.memory_space<vmem>>
    %dma_start3A_41 = arith.constant 0 : i32
    %dma_start3A_42 = tpu.memref_slice %arg3[%dma_start3A_33, %dma_start3A_41] : memref<4x10240xf32, #tpu.memory_space<hbm>> -> memref<1x10240xf32, #tpu.memory_space<hbm>>
    %dma_start3A_43 = tpu.memref_squeeze %dma_start3A_42 : memref<1x10240xf32, #tpu.memory_space<hbm>> -> memref<10240xf32, #tpu.memory_space<hbm>>
    tpu.enqueue_dma source(%dma_start3A_43 : memref<10240xf32, #tpu.memory_space<hbm>>) target(%dma_start3A_40 : memref<10240xf32, #tpu.memory_space<vmem>>) target_semaphore(%arg17 : memref<!tpu.dma_semaphore, #tpu.memory_space<semaphore_mem>>)
    %dma_start3A_44 = arith.constant 2 : i32
    %dma_start3A_45 = arith.constant 20480 : i32
    %dma_start3A_46 = tpu.memref_slice %arg8[%dma_start3A_45] : memref<40960xf32, #tpu.memory_space<vmem>> -> memref<10240xf32, #tpu.memory_space<vmem>>
    %dma_start3A_47 = arith.constant 0 : i32
    %dma_start3A_48 = tpu.memref_slice %arg2[%dma_start3A_44, %dma_start3A_47] : memref<4x10240xf32, #tpu.memory_space<hbm>> -> memref<1x10240xf32, #tpu.memory_space<hbm>>
    %dma_start3A_49 = tpu.memref_squeeze %dma_start3A_48 : memref<1x10240xf32, #tpu.memory_space<hbm>> -> memref<10240xf32, #tpu.memory_space<hbm>>
    %dma_start3A_50 = arith.constant 20480 : i32
    %dma_start3A_51 = tpu.memref_slice %arg8[%dma_start3A_50] : memref<40960xf32, #tpu.memory_space<vmem>> -> memref<10240xf32, #tpu.memory_space<vmem>>
    %dma_start3A_52 = arith.constant 0 : i32
    %dma_start3A_53 = tpu.memref_slice %arg2[%dma_start3A_44, %dma_start3A_52] : memref<4x10240xf32, #tpu.memory_space<hbm>> -> memref<1x10240xf32, #tpu.memory_space<hbm>>
    %dma_start3A_54 = tpu.memref_squeeze %dma_start3A_53 : memref<1x10240xf32, #tpu.memory_space<hbm>> -> memref<10240xf32, #tpu.memory_space<hbm>>
    tpu.enqueue_dma source(%dma_start3A_54 : memref<10240xf32, #tpu.memory_space<hbm>>) target(%dma_start3A_51 : memref<10240xf32, #tpu.memory_space<vmem>>) target_semaphore(%arg17 : memref<!tpu.dma_semaphore, #tpu.memory_space<semaphore_mem>>)
    %dma_start3A_55 = arith.constant 2 : i32
    %dma_start3A_56 = arith.constant 20480 : i32
    %dma_start3A_57 = tpu.memref_slice %arg9[%dma_start3A_56] : memref<40960xf32, #tpu.memory_space<vmem>> -> memref<10240xf32, #tpu.memory_space<vmem>>
    %dma_start3A_58 = arith.constant 0 : i32
    %dma_start3A_59 = tpu.memref_slice %arg3[%dma_start3A_55, %dma_start3A_58] : memref<4x10240xf32, #tpu.memory_space<hbm>> -> memref<1x10240xf32, #tpu.memory_space<hbm>>
    %dma_start3A_60 = tpu.memref_squeeze %dma_start3A_59 : memref<1x10240xf32, #tpu.memory_space<hbm>> -> memref<10240xf32, #tpu.memory_space<hbm>>
    %dma_start3A_61 = arith.constant 20480 : i32
    %dma_start3A_62 = tpu.memref_slice %arg9[%dma_start3A_61] : memref<40960xf32, #tpu.memory_space<vmem>> -> memref<10240xf32, #tpu.memory_space<vmem>>
    %dma_start3A_63 = arith.constant 0 : i32
    %dma_start3A_64 = tpu.memref_slice %arg3[%dma_start3A_55, %dma_start3A_63] : memref<4x10240xf32, #tpu.memory_space<hbm>> -> memref<1x10240xf32, #tpu.memory_space<hbm>>
    %dma_start3A_65 = tpu.memref_squeeze %dma_start3A_64 : memref<1x10240xf32, #tpu.memory_space<hbm>> -> memref<10240xf32, #tpu.memory_space<hbm>>
    tpu.enqueue_dma source(%dma_start3A_65 : memref<10240xf32, #tpu.memory_space<hbm>>) target(%dma_start3A_62 : memref<10240xf32, #tpu.memory_space<vmem>>) target_semaphore(%arg17 : memref<!tpu.dma_semaphore, #tpu.memory_space<semaphore_mem>>)
    %dma_start3A_66 = arith.constant 3 : i32
    %dma_start3A_67 = arith.constant 30720 : i32
    %dma_start3A_68 = tpu.memref_slice %arg8[%dma_start3A_67] : memref<40960xf32, #tpu.memory_space<vmem>> -> memref<10240xf32, #tpu.memory_space<vmem>>
    %dma_start3A_69 = arith.constant 0 : i32
    %dma_start3A_70 = tpu.memref_slice %arg2[%dma_start3A_66, %dma_start3A_69] : memref<4x10240xf32, #tpu.memory_space<hbm>> -> memref<1x10240xf32, #tpu.memory_space<hbm>>
    %dma_start3A_71 = tpu.memref_squeeze %dma_start3A_70 : memref<1x10240xf32, #tpu.memory_space<hbm>> -> memref<10240xf32, #tpu.memory_space<hbm>>
    %dma_start3A_72 = arith.constant 30720 : i32
    %dma_start3A_73 = tpu.memref_slice %arg8[%dma_start3A_72] : memref<40960xf32, #tpu.memory_space<vmem>> -> memref<10240xf32, #tpu.memory_space<vmem>>
    %dma_start3A_74 = arith.constant 0 : i32
    %dma_start3A_75 = tpu.memref_slice %arg2[%dma_start3A_66, %dma_start3A_74] : memref<4x10240xf32, #tpu.memory_space<hbm>> -> memref<1x10240xf32, #tpu.memory_space<hbm>>
    %dma_start3A_76 = tpu.memref_squeeze %dma_start3A_75 : memref<1x10240xf32, #tpu.memory_space<hbm>> -> memref<10240xf32, #tpu.memory_space<hbm>>
    tpu.enqueue_dma source(%dma_start3A_76 : memref<10240xf32, #tpu.memory_space<hbm>>) target(%dma_start3A_73 : memref<10240xf32, #tpu.memory_space<vmem>>) target_semaphore(%arg17 : memref<!tpu.dma_semaphore, #tpu.memory_space<semaphore_mem>>)
    %dma_start3A_77 = arith.constant 3 : i32
    %dma_start3A_78 = arith.constant 30720 : i32
    %dma_start3A_79 = tpu.memref_slice %arg9[%dma_start3A_78] : memref<40960xf32, #tpu.memory_space<vmem>> -> memref<10240xf32, #tpu.memory_space<vmem>>
    %dma_start3A_80 = arith.constant 0 : i32
    %dma_start3A_81 = tpu.memref_slice %arg3[%dma_start3A_77, %dma_start3A_80] : memref<4x10240xf32, #tpu.memory_space<hbm>> -> memref<1x10240xf32, #tpu.memory_space<hbm>>
    %dma_start3A_82 = tpu.memref_squeeze %dma_start3A_81 : memref<1x10240xf32, #tpu.memory_space<hbm>> -> memref<10240xf32, #tpu.memory_space<hbm>>
    %dma_start3A_83 = arith.constant 30720 : i32
    %dma_start3A_84 = tpu.memref_slice %arg9[%dma_start3A_83] : memref<40960xf32, #tpu.memory_space<vmem>> -> memref<10240xf32, #tpu.memory_space<vmem>>
    %dma_start3A_85 = arith.constant 0 : i32
    %dma_start3A_86 = tpu.memref_slice %arg3[%dma_start3A_77, %dma_start3A_85] : memref<4x10240xf32, #tpu.memory_space<hbm>> -> memref<1x10240xf32, #tpu.memory_space<hbm>>
    %dma_start3A_87 = tpu.memref_squeeze %dma_start3A_86 : memref<1x10240xf32, #tpu.memory_space<hbm>> -> memref<10240xf32, #tpu.memory_space<hbm>>
    tpu.enqueue_dma source(%dma_start3A_87 : memref<10240xf32, #tpu.memory_space<hbm>>) target(%dma_start3A_84 : memref<10240xf32, #tpu.memory_space<vmem>>) target_semaphore(%arg17 : memref<!tpu.dma_semaphore, #tpu.memory_space<semaphore_mem>>)
    %dma_wait3A = arith.constant 0 : i32
    %dma_wait3A_88 = arith.constant 0 : i32
    %dma_wait3A_89 = tpu.memref_slice %arg8[%dma_wait3A_88] : memref<40960xf32, #tpu.memory_space<vmem>> -> memref<10240xf32, #tpu.memory_space<vmem>>
    %dma_wait3A_90 = arith.constant 0 : i32
    %dma_wait3A_91 = tpu.memref_slice %arg2[%dma_wait3A, %dma_wait3A_90] : memref<4x10240xf32, #tpu.memory_space<hbm>> -> memref<1x10240xf32, #tpu.memory_space<hbm>>
    %dma_wait3A_92 = tpu.memref_squeeze %dma_wait3A_91 : memref<1x10240xf32, #tpu.memory_space<hbm>> -> memref<10240xf32, #tpu.memory_space<hbm>>
    %dma_wait3A_93 = arith.constant 0 : i32
    %dma_wait3A_94 = tpu.memref_slice %arg8[%dma_wait3A_93] : memref<40960xf32, #tpu.memory_space<vmem>> -> memref<10240xf32, #tpu.memory_space<vmem>>
    %dma_wait3A_95 = arith.constant 0 : i32
    %dma_wait3A_96 = tpu.memref_slice %arg2[%dma_wait3A, %dma_wait3A_95] : memref<4x10240xf32, #tpu.memory_space<hbm>> -> memref<1x10240xf32, #tpu.memory_space<hbm>>
    %dma_wait3A_97 = tpu.memref_squeeze %dma_wait3A_96 : memref<1x10240xf32, #tpu.memory_space<hbm>> -> memref<10240xf32, #tpu.memory_space<hbm>>
    tpu.wait_dma2 semaphore(%arg17 : memref<!tpu.dma_semaphore, #tpu.memory_space<semaphore_mem>>) src(%dma_wait3A_97 : memref<10240xf32, #tpu.memory_space<hbm>>) dst(%dma_wait3A_94 : memref<10240xf32, #tpu.memory_space<vmem>>)
    %dma_wait3A_98 = arith.constant 0 : i32
    %dma_wait3A_99 = arith.constant 0 : i32
    %dma_wait3A_100 = tpu.memref_slice %arg9[%dma_wait3A_99] : memref<40960xf32, #tpu.memory_space<vmem>> -> memref<10240xf32, #tpu.memory_space<vmem>>
    %dma_wait3A_101 = arith.constant 0 : i32
    %dma_wait3A_102 = tpu.memref_slice %arg3[%dma_wait3A_98, %dma_wait3A_101] : memref<4x10240xf32, #tpu.memory_space<hbm>> -> memref<1x10240xf32, #tpu.memory_space<hbm>>
    %dma_wait3A_103 = tpu.memref_squeeze %dma_wait3A_102 : memref<1x10240xf32, #tpu.memory_space<hbm>> -> memref<10240xf32, #tpu.memory_space<hbm>>
    %dma_wait3A_104 = arith.constant 0 : i32
    %dma_wait3A_105 = tpu.memref_slice %arg9[%dma_wait3A_104] : memref<40960xf32, #tpu.memory_space<vmem>> -> memref<10240xf32, #tpu.memory_space<vmem>>
    %dma_wait3A_106 = arith.constant 0 : i32
    %dma_wait3A_107 = tpu.memref_slice %arg3[%dma_wait3A_98, %dma_wait3A_106] : memref<4x10240xf32, #tpu.memory_space<hbm>> -> memref<1x10240xf32, #tpu.memory_space<hbm>>
    %dma_wait3A_108 = tpu.memref_squeeze %dma_wait3A_107 : memref<1x10240xf32, #tpu.memory_space<hbm>> -> memref<10240xf32, #tpu.memory_space<hbm>>
    tpu.wait_dma2 semaphore(%arg17 : memref<!tpu.dma_semaphore, #tpu.memory_space<semaphore_mem>>) src(%dma_wait3A_108 : memref<10240xf32, #tpu.memory_space<hbm>>) dst(%dma_wait3A_105 : memref<10240xf32, #tpu.memory_space<vmem>>)
    %dma_wait3A_109 = arith.constant 1 : i32
    %dma_wait3A_110 = arith.constant 10240 : i32
    %dma_wait3A_111 = tpu.memref_slice %arg8[%dma_wait3A_110] : memref<40960xf32, #tpu.memory_space<vmem>> -> memref<10240xf32, #tpu.memory_space<vmem>>
    %dma_wait3A_112 = arith.constant 0 : i32
    %dma_wait3A_113 = tpu.memref_slice %arg2[%dma_wait3A_109, %dma_wait3A_112] : memref<4x10240xf32, #tpu.memory_space<hbm>> -> memref<1x10240xf32, #tpu.memory_space<hbm>>
    %dma_wait3A_114 = tpu.memref_squeeze %dma_wait3A_113 : memref<1x10240xf32, #tpu.memory_space<hbm>> -> memref<10240xf32, #tpu.memory_space<hbm>>
    %dma_wait3A_115 = arith.constant 10240 : i32
    %dma_wait3A_116 = tpu.memref_slice %arg8[%dma_wait3A_115] : memref<40960xf32, #tpu.memory_space<vmem>> -> memref<10240xf32, #tpu.memory_space<vmem>>
    %dma_wait3A_117 = arith.constant 0 : i32
    %dma_wait3A_118 = tpu.memref_slice %arg2[%dma_wait3A_109, %dma_wait3A_117] : memref<4x10240xf32, #tpu.memory_space<hbm>> -> memref<1x10240xf32, #tpu.memory_space<hbm>>
    %dma_wait3A_119 = tpu.memref_squeeze %dma_wait3A_118 : memref<1x10240xf32, #tpu.memory_space<hbm>> -> memref<10240xf32, #tpu.memory_space<hbm>>
    tpu.wait_dma2 semaphore(%arg17 : memref<!tpu.dma_semaphore, #tpu.memory_space<semaphore_mem>>) src(%dma_wait3A_119 : memref<10240xf32, #tpu.memory_space<hbm>>) dst(%dma_wait3A_116 : memref<10240xf32, #tpu.memory_space<vmem>>)
    %dma_wait3A_120 = arith.constant 1 : i32
    %dma_wait3A_121 = arith.constant 10240 : i32
    %dma_wait3A_122 = tpu.memref_slice %arg9[%dma_wait3A_121] : memref<40960xf32, #tpu.memory_space<vmem>> -> memref<10240xf32, #tpu.memory_space<vmem>>
    %dma_wait3A_123 = arith.constant 0 : i32
    %dma_wait3A_124 = tpu.memref_slice %arg3[%dma_wait3A_120, %dma_wait3A_123] : memref<4x10240xf32, #tpu.memory_space<hbm>> -> memref<1x10240xf32, #tpu.memory_space<hbm>>
    %dma_wait3A_125 = tpu.memref_squeeze %dma_wait3A_124 : memref<1x10240xf32, #tpu.memory_space<hbm>> -> memref<10240xf32, #tpu.memory_space<hbm>>
    %dma_wait3A_126 = arith.constant 10240 : i32
    %dma_wait3A_127 = tpu.memref_slice %arg9[%dma_wait3A_126] : memref<40960xf32, #tpu.memory_space<vmem>> -> memref<10240xf32, #tpu.memory_space<vmem>>
    %dma_wait3A_128 = arith.constant 0 : i32
    %dma_wait3A_129 = tpu.memref_slice %arg3[%dma_wait3A_120, %dma_wait3A_128] : memref<4x10240xf32, #tpu.memory_space<hbm>> -> memref<1x10240xf32, #tpu.memory_space<hbm>>
    %dma_wait3A_130 = tpu.memref_squeeze %dma_wait3A_129 : memref<1x10240xf32, #tpu.memory_space<hbm>> -> memref<10240xf32, #tpu.memory_space<hbm>>
    tpu.wait_dma2 semaphore(%arg17 : memref<!tpu.dma_semaphore, #tpu.memory_space<semaphore_mem>>) src(%dma_wait3A_130 : memref<10240xf32, #tpu.memory_space<hbm>>) dst(%dma_wait3A_127 : memref<10240xf32, #tpu.memory_space<vmem>>)
    %dma_wait3A_131 = arith.constant 2 : i32
    %dma_wait3A_132 = arith.constant 20480 : i32
    %dma_wait3A_133 = tpu.memref_slice %arg8[%dma_wait3A_132] : memref<40960xf32, #tpu.memory_space<vmem>> -> memref<10240xf32, #tpu.memory_space<vmem>>
    %dma_wait3A_134 = arith.constant 0 : i32
    %dma_wait3A_135 = tpu.memref_slice %arg2[%dma_wait3A_131, %dma_wait3A_134] : memref<4x10240xf32, #tpu.memory_space<hbm>> -> memref<1x10240xf32, #tpu.memory_space<hbm>>
    %dma_wait3A_136 = tpu.memref_squeeze %dma_wait3A_135 : memref<1x10240xf32, #tpu.memory_space<hbm>> -> memref<10240xf32, #tpu.memory_space<hbm>>
    %dma_wait3A_137 = arith.constant 20480 : i32
    %dma_wait3A_138 = tpu.memref_slice %arg8[%dma_wait3A_137] : memref<40960xf32, #tpu.memory_space<vmem>> -> memref<10240xf32, #tpu.memory_space<vmem>>
    %dma_wait3A_139 = arith.constant 0 : i32
    %dma_wait3A_140 = tpu.memref_slice %arg2[%dma_wait3A_131, %dma_wait3A_139] : memref<4x10240xf32, #tpu.memory_space<hbm>> -> memref<1x10240xf32, #tpu.memory_space<hbm>>
    %dma_wait3A_141 = tpu.memref_squeeze %dma_wait3A_140 : memref<1x10240xf32, #tpu.memory_space<hbm>> -> memref<10240xf32, #tpu.memory_space<hbm>>
    tpu.wait_dma2 semaphore(%arg17 : memref<!tpu.dma_semaphore, #tpu.memory_space<semaphore_mem>>) src(%dma_wait3A_141 : memref<10240xf32, #tpu.memory_space<hbm>>) dst(%dma_wait3A_138 : memref<10240xf32, #tpu.memory_space<vmem>>)
    %dma_wait3A_142 = arith.constant 2 : i32
    %dma_wait3A_143 = arith.constant 20480 : i32
    %dma_wait3A_144 = tpu.memref_slice %arg9[%dma_wait3A_143] : memref<40960xf32, #tpu.memory_space<vmem>> -> memref<10240xf32, #tpu.memory_space<vmem>>
    %dma_wait3A_145 = arith.constant 0 : i32
    %dma_wait3A_146 = tpu.memref_slice %arg3[%dma_wait3A_142, %dma_wait3A_145] : memref<4x10240xf32, #tpu.memory_space<hbm>> -> memref<1x10240xf32, #tpu.memory_space<hbm>>
    %dma_wait3A_147 = tpu.memref_squeeze %dma_wait3A_146 : memref<1x10240xf32, #tpu.memory_space<hbm>> -> memref<10240xf32, #tpu.memory_space<hbm>>
    %dma_wait3A_148 = arith.constant 20480 : i32
    %dma_wait3A_149 = tpu.memref_slice %arg9[%dma_wait3A_148] : memref<40960xf32, #tpu.memory_space<vmem>> -> memref<10240xf32, #tpu.memory_space<vmem>>
    %dma_wait3A_150 = arith.constant 0 : i32
    %dma_wait3A_151 = tpu.memref_slice %arg3[%dma_wait3A_142, %dma_wait3A_150] : memref<4x10240xf32, #tpu.memory_space<hbm>> -> memref<1x10240xf32, #tpu.memory_space<hbm>>
    %dma_wait3A_152 = tpu.memref_squeeze %dma_wait3A_151 : memref<1x10240xf32, #tpu.memory_space<hbm>> -> memref<10240xf32, #tpu.memory_space<hbm>>
    tpu.wait_dma2 semaphore(%arg17 : memref<!tpu.dma_semaphore, #tpu.memory_space<semaphore_mem>>) src(%dma_wait3A_152 : memref<10240xf32, #tpu.memory_space<hbm>>) dst(%dma_wait3A_149 : memref<10240xf32, #tpu.memory_space<vmem>>)
    %dma_wait3A_153 = arith.constant 3 : i32
    %dma_wait3A_154 = arith.constant 30720 : i32
    %dma_wait3A_155 = tpu.memref_slice %arg8[%dma_wait3A_154] : memref<40960xf32, #tpu.memory_space<vmem>> -> memref<10240xf32, #tpu.memory_space<vmem>>
    %dma_wait3A_156 = arith.constant 0 : i32
    %dma_wait3A_157 = tpu.memref_slice %arg2[%dma_wait3A_153, %dma_wait3A_156] : memref<4x10240xf32, #tpu.memory_space<hbm>> -> memref<1x10240xf32, #tpu.memory_space<hbm>>
    %dma_wait3A_158 = tpu.memref_squeeze %dma_wait3A_157 : memref<1x10240xf32, #tpu.memory_space<hbm>> -> memref<10240xf32, #tpu.memory_space<hbm>>
    %dma_wait3A_159 = arith.constant 30720 : i32
    %dma_wait3A_160 = tpu.memref_slice %arg8[%dma_wait3A_159] : memref<40960xf32, #tpu.memory_space<vmem>> -> memref<10240xf32, #tpu.memory_space<vmem>>
    %dma_wait3A_161 = arith.constant 0 : i32
    %dma_wait3A_162 = tpu.memref_slice %arg2[%dma_wait3A_153, %dma_wait3A_161] : memref<4x10240xf32, #tpu.memory_space<hbm>> -> memref<1x10240xf32, #tpu.memory_space<hbm>>
    %dma_wait3A_163 = tpu.memref_squeeze %dma_wait3A_162 : memref<1x10240xf32, #tpu.memory_space<hbm>> -> memref<10240xf32, #tpu.memory_space<hbm>>
    tpu.wait_dma2 semaphore(%arg17 : memref<!tpu.dma_semaphore, #tpu.memory_space<semaphore_mem>>) src(%dma_wait3A_163 : memref<10240xf32, #tpu.memory_space<hbm>>) dst(%dma_wait3A_160 : memref<10240xf32, #tpu.memory_space<vmem>>)
    %dma_wait3A_164 = arith.constant 3 : i32
    %dma_wait3A_165 = arith.constant 30720 : i32
    %dma_wait3A_166 = tpu.memref_slice %arg9[%dma_wait3A_165] : memref<40960xf32, #tpu.memory_space<vmem>> -> memref<10240xf32, #tpu.memory_space<vmem>>
    %dma_wait3A_167 = arith.constant 0 : i32
    %dma_wait3A_168 = tpu.memref_slice %arg3[%dma_wait3A_164, %dma_wait3A_167] : memref<4x10240xf32, #tpu.memory_space<hbm>> -> memref<1x10240xf32, #tpu.memory_space<hbm>>
    %dma_wait3A_169 = tpu.memref_squeeze %dma_wait3A_168 : memref<1x10240xf32, #tpu.memory_space<hbm>> -> memref<10240xf32, #tpu.memory_space<hbm>>
    %dma_wait3A_170 = arith.constant 30720 : i32
    %dma_wait3A_171 = tpu.memref_slice %arg9[%dma_wait3A_170] : memref<40960xf32, #tpu.memory_space<vmem>> -> memref<10240xf32, #tpu.memory_space<vmem>>
    %dma_wait3A_172 = arith.constant 0 : i32
    %dma_wait3A_173 = tpu.memref_slice %arg3[%dma_wait3A_164, %dma_wait3A_172] : memref<4x10240xf32, #tpu.memory_space<hbm>> -> memref<1x10240xf32, #tpu.memory_space<hbm>>
    %dma_wait3A_174 = tpu.memref_squeeze %dma_wait3A_173 : memref<1x10240xf32, #tpu.memory_space<hbm>> -> memref<10240xf32, #tpu.memory_space<hbm>>
    tpu.wait_dma2 semaphore(%arg17 : memref<!tpu.dma_semaphore, #tpu.memory_space<semaphore_mem>>) src(%dma_wait3A_174 : memref<10240xf32, #tpu.memory_space<hbm>>) dst(%dma_wait3A_171 : memref<10240xf32, #tpu.memory_space<vmem>>)
    %broadcast_in_dim3A = arith.constant 0.000000e+00 : f32
    %broadcast_in_dim3A_175 = vector.broadcast %broadcast_in_dim3A : f32 to vector<16xf32>
    %scan3A = arith.constant 0 : i32
    %scan3A_176 = arith.constant 2560 : i32
    %scan3A_177 = arith.addi %scan3A, %scan3A_176 : i32
    %scan3A_178 = arith.constant 1 : i32
    scf.for %scan3A_209 = %scan3A to %scan3A_177 step %scan3A_178  : i32 {
      %mul3A_210 = arith.constant 1 : i32
      %mul3A_211 = arith.muli %scan3A_209, %mul3A_210 : i32
      %add3A_212 = arith.constant 0 : i32
      %add3A_213 = arith.addi %add3A_212, %mul3A_211 : i32
      %mul3A_214 = arith.constant 16 : i32
      %mul3A_215 = arith.muli %add3A_213, %mul3A_214 : i32
      %swap3A = arith.index_cast %mul3A_215 : i32 to index
      %swap3A_216 = tpu.vector_load %arg10[%swap3A] {strides = array<i32>} : memref<40960xf32, #tpu.memory_space<vmem>>, vector<16xf32>,
      tpu.vector_store %arg10[%swap3A], %broadcast_in_dim3A_175 {strides = array<i32>} : memref<40960xf32, #tpu.memory_space<vmem>>, vector<16xf32>,
    }
    %scan3A_179 = arith.constant 2560 : i32
    %iota3A = tpu.iota {dimensions = array<i32: 0>} : vector<16xi32>
    %mul3A_180 = arith.constant 20000 : i32
    %mul3A_181 = arith.muli %add3A, %mul3A_180 : i32
    %add3A_182 = arith.constant 0 : i32
    %add3A_183 = arith.addi %mul3A_181, %add3A_182 : i32
    %dma_start3A_184 = tpu.memref_slice %arg4[%add3A_183] : memref<640000xi32, #tpu.memory_space<hbm>> -> memref<400xi32, #tpu.memory_space<hbm>>
    %dma_start3A_185 = tpu.memref_slice %arg4[%add3A_183] : memref<640000xi32, #tpu.memory_space<hbm>> -> memref<400xi32, #tpu.memory_space<hbm>>
    tpu.enqueue_dma source(%dma_start3A_185 : memref<400xi32, #tpu.memory_space<hbm>>) target(%arg11 : memref<400xi32, #tpu.memory_space<vmem>>) target_semaphore(%arg17 : memref<!tpu.dma_semaphore, #tpu.memory_space<semaphore_mem>>)
    %dma_start3A_186 = tpu.memref_slice %arg5[%add3A_183] : memref<640000xi32, #tpu.memory_space<hbm>> -> memref<400xi32, #tpu.memory_space<hbm>>
    %dma_start3A_187 = tpu.memref_slice %arg5[%add3A_183] : memref<640000xi32, #tpu.memory_space<hbm>> -> memref<400xi32, #tpu.memory_space<hbm>>
    tpu.enqueue_dma source(%dma_start3A_187 : memref<400xi32, #tpu.memory_space<hbm>>) target(%arg13 : memref<400xi32, #tpu.memory_space<vmem>>) target_semaphore(%arg17 : memref<!tpu.dma_semaphore, #tpu.memory_space<semaphore_mem>>)
    %scan3A_188 = arith.constant 0 : i32
    %scan3A_189 = arith.constant 25 : i32
    %scan3A_190 = arith.addi %scan3A_188, %scan3A_189 : i32
    %scan3A_191 = arith.constant 1 : i32
    scf.for %scan3A_209 = %scan3A_188 to %scan3A_190 step %scan3A_191  : i32 {
      %mul3A_210 = arith.constant 2 : i32
      %mul3A_211 = arith.muli %scan3A_209, %mul3A_210 : i32
      %add3A_212 = arith.constant 0 : i32
      %add3A_213 = arith.addi %add3A_212, %mul3A_211 : i32
      %add3A_214 = arith.constant 0 : i32
      %add3A_215 = arith.addi %add3A_213, %add3A_214 : i32
      %add3A_216 = arith.constant 1 : i32
      %add3A_217 = arith.addi %add3A_215, %add3A_216 : i32
      %lt3A = arith.constant 50 : i32
      %lt3A_218 = arith.cmpi slt, %add3A_217, %lt3A : i32
      %convert_element_type3A = arith.extui %lt3A_218 : i1 to i32
      %cond3A = arith.constant 0 : i32
      %cond3A_219 = arith.cmpi ne, %convert_element_type3A, %cond3A : i32
      scf.if %cond3A_219 {
        %add3A_548 = arith.constant 1 : i32
        %add3A_549 = arith.addi %add3A_215, %add3A_548 : i32
        %mul3A_550 = arith.constant 20000 : i32
        %mul3A_551 = arith.muli %add3A, %mul3A_550 : i32
        %mul3A_552 = arith.constant 400 : i32
        %mul3A_553 = arith.muli %add3A_549, %mul3A_552 : i32
        %add3A_554 = arith.addi %mul3A_551, %mul3A_553 : i32
        %dma_start3A_555 = tpu.memref_slice %arg4[%add3A_554] : memref<640000xi32, #tpu.memory_space<hbm>> -> memref<400xi32, #tpu.memory_space<hbm>>
        %dma_start3A_556 = tpu.memref_slice %arg4[%add3A_554] : memref<640000xi32, #tpu.memory_space<hbm>> -> memref<400xi32, #tpu.memory_space<hbm>>
        tpu.enqueue_dma source(%dma_start3A_556 : memref<400xi32, #tpu.memory_space<hbm>>) target(%arg12 : memref<400xi32, #tpu.memory_space<vmem>>) target_semaphore(%arg18 : memref<!tpu.dma_semaphore, #tpu.memory_space<semaphore_mem>>)
        %dma_start3A_557 = tpu.memref_slice %arg5[%add3A_554] : memref<640000xi32, #tpu.memory_space<hbm>> -> memref<400xi32, #tpu.memory_space<hbm>>
        %dma_start3A_558 = tpu.memref_slice %arg5[%add3A_554] : memref<640000xi32, #tpu.memory_space<hbm>> -> memref<400xi32, #tpu.memory_space<hbm>>
        tpu.enqueue_dma source(%dma_start3A_558 : memref<400xi32, #tpu.memory_space<hbm>>) target(%arg14 : memref<400xi32, #tpu.memory_space<vmem>>) target_semaphore(%arg18 : memref<!tpu.dma_semaphore, #tpu.memory_space<semaphore_mem>>)
      } else {
      }
      %ge3A = arith.constant 2 : i32
      %ge3A_220 = arith.cmpi sge, %add3A_215, %ge3A : i32
      %convert_element_type3A_221 = arith.extui %ge3A_220 : i1 to i32
      %cond3A_222 = arith.constant 0 : i32
      %cond3A_223 = arith.cmpi ne, %convert_element_type3A_221, %cond3A_222 : i32
      scf.if %cond3A_223 {
        %sub3A = arith.constant 2 : i32
        %sub3A_548 = arith.subi %add3A_215, %sub3A : i32
        %mul3A_549 = arith.constant 20000 : i32
        %mul3A_550 = arith.muli %add3A, %mul3A_549 : i32
        %mul3A_551 = arith.constant 400 : i32
        %mul3A_552 = arith.muli %sub3A_548, %mul3A_551 : i32
        %add3A_553 = arith.addi %mul3A_550, %mul3A_552 : i32
        %mul3A_554 = arith.constant 4 : i32
        %mul3A_555 = arith.muli %add3A_553, %mul3A_554 : i32
        %dma_wait3A_556 = tpu.memref_slice %arg6[%mul3A_555] : memref<2560000xf32, #tpu.memory_space<hbm>> -> memref<1600xf32, #tpu.memory_space<hbm>>
        %dma_wait3A_557 = tpu.memref_slice %arg6[%mul3A_555] : memref<2560000xf32, #tpu.memory_space<hbm>> -> memref<1600xf32, #tpu.memory_space<hbm>>
        tpu.wait_dma2 semaphore(%arg19 : memref<!tpu.dma_semaphore, #tpu.memory_space<semaphore_mem>>) src(%arg15 : memref<1600xf32, #tpu.memory_space<vmem>>) dst(%dma_wait3A_557 : memref<1600xf32, #tpu.memory_space<hbm>>)
      } else {
      }
      %mul3A_224 = arith.constant 20000 : i32
      %mul3A_225 = arith.muli %add3A, %mul3A_224 : i32
      %mul3A_226 = arith.constant 400 : i32
      %mul3A_227 = arith.muli %add3A_215, %mul3A_226 : i32
      %add3A_228 = arith.addi %mul3A_225, %mul3A_227 : i32
      %dma_wait3A_229 = tpu.memref_slice %arg4[%add3A_228] : memref<640000xi32, #tpu.memory_space<hbm>> -> memref<400xi32, #tpu.memory_space<hbm>>
      %dma_wait3A_230 = tpu.memref_slice %arg4[%add3A_228] : memref<640000xi32, #tpu.memory_space<hbm>> -> memref<400xi32, #tpu.memory_space<hbm>>
      tpu.wait_dma2 semaphore(%arg17 : memref<!tpu.dma_semaphore, #tpu.memory_space<semaphore_mem>>) src(%dma_wait3A_230 : memref<400xi32, #tpu.memory_space<hbm>>) dst(%arg11 : memref<400xi32, #tpu.memory_space<vmem>>)
      %dma_wait3A_231 = tpu.memref_slice %arg5[%add3A_228] : memref<640000xi32, #tpu.memory_space<hbm>> -> memref<400xi32, #tpu.memory_space<hbm>>
      %dma_wait3A_232 = tpu.memref_slice %arg5[%add3A_228] : memref<640000xi32, #tpu.memory_space<hbm>> -> memref<400xi32, #tpu.memory_space<hbm>>
      tpu.wait_dma2 semaphore(%arg17 : memref<!tpu.dma_semaphore, #tpu.memory_space<semaphore_mem>>) src(%dma_wait3A_232 : memref<400xi32, #tpu.memory_space<hbm>>) dst(%arg13 : memref<400xi32, #tpu.memory_space<vmem>>)
      %scan3A_233 = arith.constant 0 : i32
      %scan3A_234 = arith.constant 24 : i32
      %scan3A_235 = arith.addi %scan3A_233, %scan3A_234 : i32
      %scan3A_236 = arith.constant 2 : i32
      scf.for %scan3A_548 = %scan3A_233 to %scan3A_235 step %scan3A_236  : i32 {
        %mul3A_549 = arith.constant 1 : i32
        %mul3A_550 = arith.muli %scan3A_548, %mul3A_549 : i32
        %add3A_551 = arith.constant 0 : i32
        %add3A_552 = arith.addi %add3A_551, %mul3A_550 : i32
        %mul3A_553 = arith.constant 16 : i32
        %mul3A_554 = arith.muli %add3A_552, %mul3A_553 : i32
        %get3A_555 = arith.index_cast %mul3A_554 : i32 to index
        %get3A_556 = tpu.vector_load %arg11[%get3A_555] {strides = array<i32>} : memref<400xi32, #tpu.memory_space<vmem>>, vector<16xi32>,
        %mul3A_557 = arith.constant 16 : i32
        %mul3A_558 = arith.muli %add3A_552, %mul3A_557 : i32
        %get3A_559 = arith.index_cast %mul3A_558 : i32 to index
        %get3A_560 = tpu.vector_load %arg13[%get3A_559] {strides = array<i32>} : memref<400xi32, #tpu.memory_space<vmem>>, vector<16xi32>,
        %mul3A_561 = arith.constant 16 : i32
        %mul3A_562 = arith.muli %add3A_552, %mul3A_561 : i32
        %add3A_563 = vector.broadcast %mul3A_562 : i32 to vector<16xi32>
        %add3A_564 = arith.addi %add3A_563, %iota3A : vector<16xi32>
        %add3A_565 = arith.constant 0 : i32
        %add3A_566 = vector.broadcast %add3A_565 : i32 to vector<16xi32>
        %add3A_567 = arith.addi %get3A_556, %add3A_566 : vector<16xi32>
        %gather3A_568 = tpu.vector_load_idx %arg8[%add3A_567] : memref<40960xf32, #tpu.memory_space<vmem>>[vector<16xi32>], vector<16xf32>,
        %add3A_569 = arith.constant 0 : i32
        %add3A_570 = vector.broadcast %add3A_569 : i32 to vector<16xi32>
        %add3A_571 = arith.addi %get3A_560, %add3A_570 : vector<16xi32>
        %gather3A_572 = tpu.vector_load_idx %arg9[%add3A_571] : memref<40960xf32, #tpu.memory_space<vmem>>[vector<16xi32>], vector<16xf32>,
        %add3A_573 = arith.addf %gather3A_568, %gather3A_572 : vector<16xf32>
        %ge3A_574 = arith.constant 0.000000e+00 : f32
        %ge3A_575 = vector.broadcast %ge3A_574 : f32 to vector<16xf32>
        %ge3A_576 = arith.cmpf oge, %add3A_573, %ge3A_575 : vector<16xf32>
        %mul3A_577 = arith.constant 2.000000e-01 : f32
        %mul3A_578 = vector.broadcast %mul3A_577 : f32 to vector<16xf32>
        %mul3A_579 = arith.mulf %add3A_573, %mul3A_578 : vector<16xf32>
        %select_n3A_580 = arith.select %ge3A_576, %add3A_573, %mul3A_579 : vector<16xi1>, vector<16xf32>
        %exp3A_581 = math.exp %select_n3A_580 : vector<16xf32>
        %mul3A_582 = arith.constant 4 : i32
        %mul3A_583 = vector.broadcast %mul3A_582 : i32 to vector<16xi32>
        %mul3A_584 = arith.muli %get3A_560, %mul3A_583 : vector<16xi32>
        %add3A_585 = arith.constant 0 : i32
        %add3A_586 = vector.broadcast %add3A_585 : i32 to vector<16xi32>
        %add3A_587 = arith.addi %mul3A_584, %add3A_586 : vector<16xi32>
        tpu.vector_store_idx %arg10[%add3A_587], %exp3A_581 {add = true} : memref<40960xf32, #tpu.memory_space<vmem>>[vector<16xi32>], vector<16xf32>,
        %mul3A_588 = arith.constant 4 : i32
        %mul3A_589 = vector.broadcast %mul3A_588 : i32 to vector<16xi32>
        %mul3A_590 = arith.muli %add3A_564, %mul3A_589 : vector<16xi32>
        %add3A_591 = arith.constant 0 : i32
        %add3A_592 = vector.broadcast %add3A_591 : i32 to vector<16xi32>
        %add3A_593 = arith.addi %mul3A_590, %add3A_592 : vector<16xi32>
        tpu.vector_store_idx %arg15[%add3A_593], %exp3A_581 : memref<1600xf32, #tpu.memory_space<vmem>>[vector<16xi32>], vector<16xf32>,
        %add3A_594 = arith.constant 10240 : i32
        %add3A_595 = vector.broadcast %add3A_594 : i32 to vector<16xi32>
        %add3A_596 = arith.addi %get3A_556, %add3A_595 : vector<16xi32>
        %gather3A_597 = tpu.vector_load_idx %arg8[%add3A_596] : memref<40960xf32, #tpu.memory_space<vmem>>[vector<16xi32>], vector<16xf32>,
        %add3A_598 = arith.constant 10240 : i32
        %add3A_599 = vector.broadcast %add3A_598 : i32 to vector<16xi32>
        %add3A_600 = arith.addi %get3A_560, %add3A_599 : vector<16xi32>
        %gather3A_601 = tpu.vector_load_idx %arg9[%add3A_600] : memref<40960xf32, #tpu.memory_space<vmem>>[vector<16xi32>], vector<16xf32>,
        %add3A_602 = arith.addf %gather3A_597, %gather3A_601 : vector<16xf32>
        %ge3A_603 = arith.constant 0.000000e+00 : f32
        %ge3A_604 = vector.broadcast %ge3A_603 : f32 to vector<16xf32>
        %ge3A_605 = arith.cmpf oge, %add3A_602, %ge3A_604 : vector<16xf32>
        %mul3A_606 = arith.constant 2.000000e-01 : f32
        %mul3A_607 = vector.broadcast %mul3A_606 : f32 to vector<16xf32>
        %mul3A_608 = arith.mulf %add3A_602, %mul3A_607 : vector<16xf32>
        %select_n3A_609 = arith.select %ge3A_605, %add3A_602, %mul3A_608 : vector<16xi1>, vector<16xf32>
        %exp3A_610 = math.exp %select_n3A_609 : vector<16xf32>
        %mul3A_611 = arith.constant 4 : i32
        %mul3A_612 = vector.broadcast %mul3A_611 : i32 to vector<16xi32>
        %mul3A_613 = arith.muli %get3A_560, %mul3A_612 : vector<16xi32>
        %add3A_614 = arith.constant 1 : i32
        %add3A_615 = vector.broadcast %add3A_614 : i32 to vector<16xi32>
        %add3A_616 = arith.addi %mul3A_613, %add3A_615 : vector<16xi32>
        tpu.vector_store_idx %arg10[%add3A_616], %exp3A_610 {add = true} : memref<40960xf32, #tpu.memory_space<vmem>>[vector<16xi32>], vector<16xf32>,
        %mul3A_617 = arith.constant 4 : i32
        %mul3A_618 = vector.broadcast %mul3A_617 : i32 to vector<16xi32>
        %mul3A_619 = arith.muli %add3A_564, %mul3A_618 : vector<16xi32>
        %add3A_620 = arith.constant 1 : i32
        %add3A_621 = vector.broadcast %add3A_620 : i32 to vector<16xi32>
        %add3A_622 = arith.addi %mul3A_619, %add3A_621 : vector<16xi32>
        tpu.vector_store_idx %arg15[%add3A_622], %exp3A_610 : memref<1600xf32, #tpu.memory_space<vmem>>[vector<16xi32>], vector<16xf32>,
        %add3A_623 = arith.constant 20480 : i32
        %add3A_624 = vector.broadcast %add3A_623 : i32 to vector<16xi32>
        %add3A_625 = arith.addi %get3A_556, %add3A_624 : vector<16xi32>
        %gather3A_626 = tpu.vector_load_idx %arg8[%add3A_625] : memref<40960xf32, #tpu.memory_space<vmem>>[vector<16xi32>], vector<16xf32>,
        %add3A_627 = arith.constant 20480 : i32
        %add3A_628 = vector.broadcast %add3A_627 : i32 to vector<16xi32>
        %add3A_629 = arith.addi %get3A_560, %add3A_628 : vector<16xi32>
        %gather3A_630 = tpu.vector_load_idx %arg9[%add3A_629] : memref<40960xf32, #tpu.memory_space<vmem>>[vector<16xi32>], vector<16xf32>,
        %add3A_631 = arith.addf %gather3A_626, %gather3A_630 : vector<16xf32>
        %ge3A_632 = arith.constant 0.000000e+00 : f32
        %ge3A_633 = vector.broadcast %ge3A_632 : f32 to vector<16xf32>
        %ge3A_634 = arith.cmpf oge, %add3A_631, %ge3A_633 : vector<16xf32>
        %mul3A_635 = arith.constant 2.000000e-01 : f32
        %mul3A_636 = vector.broadcast %mul3A_635 : f32 to vector<16xf32>
        %mul3A_637 = arith.mulf %add3A_631, %mul3A_636 : vector<16xf32>
        %select_n3A_638 = arith.select %ge3A_634, %add3A_631, %mul3A_637 : vector<16xi1>, vector<16xf32>
        %exp3A_639 = math.exp %select_n3A_638 : vector<16xf32>
        %mul3A_640 = arith.constant 4 : i32
        %mul3A_641 = vector.broadcast %mul3A_640 : i32 to vector<16xi32>
        %mul3A_642 = arith.muli %get3A_560, %mul3A_641 : vector<16xi32>
        %add3A_643 = arith.constant 2 : i32
        %add3A_644 = vector.broadcast %add3A_643 : i32 to vector<16xi32>
        %add3A_645 = arith.addi %mul3A_642, %add3A_644 : vector<16xi32>
        tpu.vector_store_idx %arg10[%add3A_645], %exp3A_639 {add = true} : memref<40960xf32, #tpu.memory_space<vmem>>[vector<16xi32>], vector<16xf32>,
        %mul3A_646 = arith.constant 4 : i32
        %mul3A_647 = vector.broadcast %mul3A_646 : i32 to vector<16xi32>
        %mul3A_648 = arith.muli %add3A_564, %mul3A_647 : vector<16xi32>
        %add3A_649 = arith.constant 2 : i32
        %add3A_650 = vector.broadcast %add3A_649 : i32 to vector<16xi32>
        %add3A_651 = arith.addi %mul3A_648, %add3A_650 : vector<16xi32>
        tpu.vector_store_idx %arg15[%add3A_651], %exp3A_639 : memref<1600xf32, #tpu.memory_space<vmem>>[vector<16xi32>], vector<16xf32>,
        %add3A_652 = arith.constant 30720 : i32
        %add3A_653 = vector.broadcast %add3A_652 : i32 to vector<16xi32>
        %add3A_654 = arith.addi %get3A_556, %add3A_653 : vector<16xi32>
        %gather3A_655 = tpu.vector_load_idx %arg8[%add3A_654] : memref<40960xf32, #tpu.memory_space<vmem>>[vector<16xi32>], vector<16xf32>,
        %add3A_656 = arith.constant 30720 : i32
        %add3A_657 = vector.broadcast %add3A_656 : i32 to vector<16xi32>
        %add3A_658 = arith.addi %get3A_560, %add3A_657 : vector<16xi32>
        %gather3A_659 = tpu.vector_load_idx %arg9[%add3A_658] : memref<40960xf32, #tpu.memory_space<vmem>>[vector<16xi32>], vector<16xf32>,
        %add3A_660 = arith.addf %gather3A_655, %gather3A_659 : vector<16xf32>
        %ge3A_661 = arith.constant 0.000000e+00 : f32
        %ge3A_662 = vector.broadcast %ge3A_661 : f32 to vector<16xf32>
        %ge3A_663 = arith.cmpf oge, %add3A_660, %ge3A_662 : vector<16xf32>
        %mul3A_664 = arith.constant 2.000000e-01 : f32
        %mul3A_665 = vector.broadcast %mul3A_664 : f32 to vector<16xf32>
        %mul3A_666 = arith.mulf %add3A_660, %mul3A_665 : vector<16xf32>
        %select_n3A_667 = arith.select %ge3A_663, %add3A_660, %mul3A_666 : vector<16xi1>, vector<16xf32>
        %exp3A_668 = math.exp %select_n3A_667 : vector<16xf32>
        %mul3A_669 = arith.constant 4 : i32
        %mul3A_670 = vector.broadcast %mul3A_669 : i32 to vector<16xi32>
        %mul3A_671 = arith.muli %get3A_560, %mul3A_670 : vector<16xi32>
        %add3A_672 = arith.constant 3 : i32
        %add3A_673 = vector.broadcast %add3A_672 : i32 to vector<16xi32>
        %add3A_674 = arith.addi %mul3A_671, %add3A_673 : vector<16xi32>
        tpu.vector_store_idx %arg10[%add3A_674], %exp3A_668 {add = true} : memref<40960xf32, #tpu.memory_space<vmem>>[vector<16xi32>], vector<16xf32>,
        %mul3A_675 = arith.constant 4 : i32
        %mul3A_676 = vector.broadcast %mul3A_675 : i32 to vector<16xi32>
        %mul3A_677 = arith.muli %add3A_564, %mul3A_676 : vector<16xi32>
        %add3A_678 = arith.constant 3 : i32
        %add3A_679 = vector.broadcast %add3A_678 : i32 to vector<16xi32>
        %add3A_680 = arith.addi %mul3A_677, %add3A_679 : vector<16xi32>
        tpu.vector_store_idx %arg15[%add3A_680], %exp3A_668 : memref<1600xf32, #tpu.memory_space<vmem>>[vector<16xi32>], vector<16xf32>,
        %scan3A_681 = arith.constant 1 : i32
        %scan3A_682 = arith.addi %scan3A_548, %scan3A_681 : i32
        %mul3A_683 = arith.constant 1 : i32
        %mul3A_684 = arith.muli %scan3A_682, %mul3A_683 : i32
        %add3A_685 = arith.constant 0 : i32
        %add3A_686 = arith.addi %add3A_685, %mul3A_684 : i32
        %mul3A_687 = arith.constant 16 : i32
        %mul3A_688 = arith.muli %add3A_686, %mul3A_687 : i32
        %get3A_689 = arith.index_cast %mul3A_688 : i32 to index
        %get3A_690 = tpu.vector_load %arg11[%get3A_689] {strides = array<i32>} : memref<400xi32, #tpu.memory_space<vmem>>, vector<16xi32>,
        %mul3A_691 = arith.constant 16 : i32
        %mul3A_692 = arith.muli %add3A_686, %mul3A_691 : i32
        %get3A_693 = arith.index_cast %mul3A_692 : i32 to index
        %get3A_694 = tpu.vector_load %arg13[%get3A_693] {strides = array<i32>} : memref<400xi32, #tpu.memory_space<vmem>>, vector<16xi32>,
        %mul3A_695 = arith.constant 16 : i32
        %mul3A_696 = arith.muli %add3A_686, %mul3A_695 : i32
        %add3A_697 = vector.broadcast %mul3A_696 : i32 to vector<16xi32>
        %add3A_698 = arith.addi %add3A_697, %iota3A : vector<16xi32>
        %add3A_699 = arith.constant 0 : i32
        %add3A_700 = vector.broadcast %add3A_699 : i32 to vector<16xi32>
        %add3A_701 = arith.addi %get3A_690, %add3A_700 : vector<16xi32>
        %gather3A_702 = tpu.vector_load_idx %arg8[%add3A_701] : memref<40960xf32, #tpu.memory_space<vmem>>[vector<16xi32>], vector<16xf32>,
        %add3A_703 = arith.constant 0 : i32
        %add3A_704 = vector.broadcast %add3A_703 : i32 to vector<16xi32>
        %add3A_705 = arith.addi %get3A_694, %add3A_704 : vector<16xi32>
        %gather3A_706 = tpu.vector_load_idx %arg9[%add3A_705] : memref<40960xf32, #tpu.memory_space<vmem>>[vector<16xi32>], vector<16xf32>,
        %add3A_707 = arith.addf %gather3A_702, %gather3A_706 : vector<16xf32>
        %ge3A_708 = arith.constant 0.000000e+00 : f32
        %ge3A_709 = vector.broadcast %ge3A_708 : f32 to vector<16xf32>
        %ge3A_710 = arith.cmpf oge, %add3A_707, %ge3A_709 : vector<16xf32>
        %mul3A_711 = arith.constant 2.000000e-01 : f32
        %mul3A_712 = vector.broadcast %mul3A_711 : f32 to vector<16xf32>
        %mul3A_713 = arith.mulf %add3A_707, %mul3A_712 : vector<16xf32>
        %select_n3A_714 = arith.select %ge3A_710, %add3A_707, %mul3A_713 : vector<16xi1>, vector<16xf32>
        %exp3A_715 = math.exp %select_n3A_714 : vector<16xf32>
        %mul3A_716 = arith.constant 4 : i32
        %mul3A_717 = vector.broadcast %mul3A_716 : i32 to vector<16xi32>
        %mul3A_718 = arith.muli %get3A_694, %mul3A_717 : vector<16xi32>
        %add3A_719 = arith.constant 0 : i32
        %add3A_720 = vector.broadcast %add3A_719 : i32 to vector<16xi32>
        %add3A_721 = arith.addi %mul3A_718, %add3A_720 : vector<16xi32>
        tpu.vector_store_idx %arg10[%add3A_721], %exp3A_715 {add = true} : memref<40960xf32, #tpu.memory_space<vmem>>[vector<16xi32>], vector<16xf32>,
        %mul3A_722 = arith.constant 4 : i32
        %mul3A_723 = vector.broadcast %mul3A_722 : i32 to vector<16xi32>
        %mul3A_724 = arith.muli %add3A_698, %mul3A_723 : vector<16xi32>
        %add3A_725 = arith.constant 0 : i32
        %add3A_726 = vector.broadcast %add3A_725 : i32 to vector<16xi32>
        %add3A_727 = arith.addi %mul3A_724, %add3A_726 : vector<16xi32>
        tpu.vector_store_idx %arg15[%add3A_727], %exp3A_715 : memref<1600xf32, #tpu.memory_space<vmem>>[vector<16xi32>], vector<16xf32>,
        %add3A_728 = arith.constant 10240 : i32
        %add3A_729 = vector.broadcast %add3A_728 : i32 to vector<16xi32>
        %add3A_730 = arith.addi %get3A_690, %add3A_729 : vector<16xi32>
        %gather3A_731 = tpu.vector_load_idx %arg8[%add3A_730] : memref<40960xf32, #tpu.memory_space<vmem>>[vector<16xi32>], vector<16xf32>,
        %add3A_732 = arith.constant 10240 : i32
        %add3A_733 = vector.broadcast %add3A_732 : i32 to vector<16xi32>
        %add3A_734 = arith.addi %get3A_694, %add3A_733 : vector<16xi32>
        %gather3A_735 = tpu.vector_load_idx %arg9[%add3A_734] : memref<40960xf32, #tpu.memory_space<vmem>>[vector<16xi32>], vector<16xf32>,
        %add3A_736 = arith.addf %gather3A_731, %gather3A_735 : vector<16xf32>
        %ge3A_737 = arith.constant 0.000000e+00 : f32
        %ge3A_738 = vector.broadcast %ge3A_737 : f32 to vector<16xf32>
        %ge3A_739 = arith.cmpf oge, %add3A_736, %ge3A_738 : vector<16xf32>
        %mul3A_740 = arith.constant 2.000000e-01 : f32
        %mul3A_741 = vector.broadcast %mul3A_740 : f32 to vector<16xf32>
        %mul3A_742 = arith.mulf %add3A_736, %mul3A_741 : vector<16xf32>
        %select_n3A_743 = arith.select %ge3A_739, %add3A_736, %mul3A_742 : vector<16xi1>, vector<16xf32>
        %exp3A_744 = math.exp %select_n3A_743 : vector<16xf32>
        %mul3A_745 = arith.constant 4 : i32
        %mul3A_746 = vector.broadcast %mul3A_745 : i32 to vector<16xi32>
        %mul3A_747 = arith.muli %get3A_694, %mul3A_746 : vector<16xi32>
        %add3A_748 = arith.constant 1 : i32
        %add3A_749 = vector.broadcast %add3A_748 : i32 to vector<16xi32>
        %add3A_750 = arith.addi %mul3A_747, %add3A_749 : vector<16xi32>
        tpu.vector_store_idx %arg10[%add3A_750], %exp3A_744 {add = true} : memref<40960xf32, #tpu.memory_space<vmem>>[vector<16xi32>], vector<16xf32>,
        %mul3A_751 = arith.constant 4 : i32
        %mul3A_752 = vector.broadcast %mul3A_751 : i32 to vector<16xi32>
        %mul3A_753 = arith.muli %add3A_698, %mul3A_752 : vector<16xi32>
        %add3A_754 = arith.constant 1 : i32
        %add3A_755 = vector.broadcast %add3A_754 : i32 to vector<16xi32>
        %add3A_756 = arith.addi %mul3A_753, %add3A_755 : vector<16xi32>
        tpu.vector_store_idx %arg15[%add3A_756], %exp3A_744 : memref<1600xf32, #tpu.memory_space<vmem>>[vector<16xi32>], vector<16xf32>,
        %add3A_757 = arith.constant 20480 : i32
        %add3A_758 = vector.broadcast %add3A_757 : i32 to vector<16xi32>
        %add3A_759 = arith.addi %get3A_690, %add3A_758 : vector<16xi32>
        %gather3A_760 = tpu.vector_load_idx %arg8[%add3A_759] : memref<40960xf32, #tpu.memory_space<vmem>>[vector<16xi32>], vector<16xf32>,
        %add3A_761 = arith.constant 20480 : i32
        %add3A_762 = vector.broadcast %add3A_761 : i32 to vector<16xi32>
        %add3A_763 = arith.addi %get3A_694, %add3A_762 : vector<16xi32>
        %gather3A_764 = tpu.vector_load_idx %arg9[%add3A_763] : memref<40960xf32, #tpu.memory_space<vmem>>[vector<16xi32>], vector<16xf32>,
        %add3A_765 = arith.addf %gather3A_760, %gather3A_764 : vector<16xf32>
        %ge3A_766 = arith.constant 0.000000e+00 : f32
        %ge3A_767 = vector.broadcast %ge3A_766 : f32 to vector<16xf32>
        %ge3A_768 = arith.cmpf oge, %add3A_765, %ge3A_767 : vector<16xf32>
        %mul3A_769 = arith.constant 2.000000e-01 : f32
        %mul3A_770 = vector.broadcast %mul3A_769 : f32 to vector<16xf32>
        %mul3A_771 = arith.mulf %add3A_765, %mul3A_770 : vector<16xf32>
        %select_n3A_772 = arith.select %ge3A_768, %add3A_765, %mul3A_771 : vector<16xi1>, vector<16xf32>
        %exp3A_773 = math.exp %select_n3A_772 : vector<16xf32>
        %mul3A_774 = arith.constant 4 : i32
        %mul3A_775 = vector.broadcast %mul3A_774 : i32 to vector<16xi32>
        %mul3A_776 = arith.muli %get3A_694, %mul3A_775 : vector<16xi32>
        %add3A_777 = arith.constant 2 : i32
        %add3A_778 = vector.broadcast %add3A_777 : i32 to vector<16xi32>
        %add3A_779 = arith.addi %mul3A_776, %add3A_778 : vector<16xi32>
        tpu.vector_store_idx %arg10[%add3A_779], %exp3A_773 {add = true} : memref<40960xf32, #tpu.memory_space<vmem>>[vector<16xi32>], vector<16xf32>,
        %mul3A_780 = arith.constant 4 : i32
        %mul3A_781 = vector.broadcast %mul3A_780 : i32 to vector<16xi32>
        %mul3A_782 = arith.muli %add3A_698, %mul3A_781 : vector<16xi32>
        %add3A_783 = arith.constant 2 : i32
        %add3A_784 = vector.broadcast %add3A_783 : i32 to vector<16xi32>
        %add3A_785 = arith.addi %mul3A_782, %add3A_784 : vector<16xi32>
        tpu.vector_store_idx %arg15[%add3A_785], %exp3A_773 : memref<1600xf32, #tpu.memory_space<vmem>>[vector<16xi32>], vector<16xf32>,
        %add3A_786 = arith.constant 30720 : i32
        %add3A_787 = vector.broadcast %add3A_786 : i32 to vector<16xi32>
        %add3A_788 = arith.addi %get3A_690, %add3A_787 : vector<16xi32>
        %gather3A_789 = tpu.vector_load_idx %arg8[%add3A_788] : memref<40960xf32, #tpu.memory_space<vmem>>[vector<16xi32>], vector<16xf32>,
        %add3A_790 = arith.constant 30720 : i32
        %add3A_791 = vector.broadcast %add3A_790 : i32 to vector<16xi32>
        %add3A_792 = arith.addi %get3A_694, %add3A_791 : vector<16xi32>
        %gather3A_793 = tpu.vector_load_idx %arg9[%add3A_792] : memref<40960xf32, #tpu.memory_space<vmem>>[vector<16xi32>], vector<16xf32>,
        %add3A_794 = arith.addf %gather3A_789, %gather3A_793 : vector<16xf32>
        %ge3A_795 = arith.constant 0.000000e+00 : f32
        %ge3A_796 = vector.broadcast %ge3A_795 : f32 to vector<16xf32>
        %ge3A_797 = arith.cmpf oge, %add3A_794, %ge3A_796 : vector<16xf32>
        %mul3A_798 = arith.constant 2.000000e-01 : f32
        %mul3A_799 = vector.broadcast %mul3A_798 : f32 to vector<16xf32>
        %mul3A_800 = arith.mulf %add3A_794, %mul3A_799 : vector<16xf32>
        %select_n3A_801 = arith.select %ge3A_797, %add3A_794, %mul3A_800 : vector<16xi1>, vector<16xf32>
        %exp3A_802 = math.exp %select_n3A_801 : vector<16xf32>
        %mul3A_803 = arith.constant 4 : i32
        %mul3A_804 = vector.broadcast %mul3A_803 : i32 to vector<16xi32>
        %mul3A_805 = arith.muli %get3A_694, %mul3A_804 : vector<16xi32>
        %add3A_806 = arith.constant 3 : i32
        %add3A_807 = vector.broadcast %add3A_806 : i32 to vector<16xi32>
        %add3A_808 = arith.addi %mul3A_805, %add3A_807 : vector<16xi32>
        tpu.vector_store_idx %arg10[%add3A_808], %exp3A_802 {add = true} : memref<40960xf32, #tpu.memory_space<vmem>>[vector<16xi32>], vector<16xf32>,
        %mul3A_809 = arith.constant 4 : i32
        %mul3A_810 = vector.broadcast %mul3A_809 : i32 to vector<16xi32>
        %mul3A_811 = arith.muli %add3A_698, %mul3A_810 : vector<16xi32>
        %add3A_812 = arith.constant 3 : i32
        %add3A_813 = vector.broadcast %add3A_812 : i32 to vector<16xi32>
        %add3A_814 = arith.addi %mul3A_811, %add3A_813 : vector<16xi32>
        tpu.vector_store_idx %arg15[%add3A_814], %exp3A_802 : memref<1600xf32, #tpu.memory_space<vmem>>[vector<16xi32>], vector<16xf32>,
      }
      %scan3A_237 = arith.constant 24 : i32
      %scan3A_238 = arith.addi %scan3A_233, %scan3A_237 : i32
      %mul3A_239 = arith.constant 1 : i32
      %mul3A_240 = arith.muli %scan3A_238, %mul3A_239 : i32
      %add3A_241 = arith.constant 0 : i32
      %add3A_242 = arith.addi %add3A_241, %mul3A_240 : i32
      %mul3A_243 = arith.constant 16 : i32
      %mul3A_244 = arith.muli %add3A_242, %mul3A_243 : i32
      %get3A = arith.index_cast %mul3A_244 : i32 to index
      %get3A_245 = tpu.vector_load %arg11[%get3A] {strides = array<i32>} : memref<400xi32, #tpu.memory_space<vmem>>, vector<16xi32>,
      %mul3A_246 = arith.constant 16 : i32
      %mul3A_247 = arith.muli %add3A_242, %mul3A_246 : i32
      %get3A_248 = arith.index_cast %mul3A_247 : i32 to index
      %get3A_249 = tpu.vector_load %arg13[%get3A_248] {strides = array<i32>} : memref<400xi32, #tpu.memory_space<vmem>>, vector<16xi32>,
      %mul3A_250 = arith.constant 16 : i32
      %mul3A_251 = arith.muli %add3A_242, %mul3A_250 : i32
      %add3A_252 = vector.broadcast %mul3A_251 : i32 to vector<16xi32>
      %add3A_253 = arith.addi %add3A_252, %iota3A : vector<16xi32>
      %add3A_254 = arith.constant 0 : i32
      %add3A_255 = vector.broadcast %add3A_254 : i32 to vector<16xi32>
      %add3A_256 = arith.addi %get3A_245, %add3A_255 : vector<16xi32>
      %gather3A = tpu.vector_load_idx %arg8[%add3A_256] : memref<40960xf32, #tpu.memory_space<vmem>>[vector<16xi32>], vector<16xf32>,
      %add3A_257 = arith.constant 0 : i32
      %add3A_258 = vector.broadcast %add3A_257 : i32 to vector<16xi32>
      %add3A_259 = arith.addi %get3A_249, %add3A_258 : vector<16xi32>
      %gather3A_260 = tpu.vector_load_idx %arg9[%add3A_259] : memref<40960xf32, #tpu.memory_space<vmem>>[vector<16xi32>], vector<16xf32>,
      %add3A_261 = arith.addf %gather3A, %gather3A_260 : vector<16xf32>
      %ge3A_262 = arith.constant 0.000000e+00 : f32
      %ge3A_263 = vector.broadcast %ge3A_262 : f32 to vector<16xf32>
      %ge3A_264 = arith.cmpf oge, %add3A_261, %ge3A_263 : vector<16xf32>
      %mul3A_265 = arith.constant 2.000000e-01 : f32
      %mul3A_266 = vector.broadcast %mul3A_265 : f32 to vector<16xf32>
      %mul3A_267 = arith.mulf %add3A_261, %mul3A_266 : vector<16xf32>
      %select_n3A = arith.select %ge3A_264, %add3A_261, %mul3A_267 : vector<16xi1>, vector<16xf32>
      %exp3A = math.exp %select_n3A : vector<16xf32>
      %mul3A_268 = arith.constant 4 : i32
      %mul3A_269 = vector.broadcast %mul3A_268 : i32 to vector<16xi32>
      %mul3A_270 = arith.muli %get3A_249, %mul3A_269 : vector<16xi32>
      %add3A_271 = arith.constant 0 : i32
      %add3A_272 = vector.broadcast %add3A_271 : i32 to vector<16xi32>
      %add3A_273 = arith.addi %mul3A_270, %add3A_272 : vector<16xi32>
      tpu.vector_store_idx %arg10[%add3A_273], %exp3A {add = true} : memref<40960xf32, #tpu.memory_space<vmem>>[vector<16xi32>], vector<16xf32>,
      %mul3A_274 = arith.constant 4 : i32
      %mul3A_275 = vector.broadcast %mul3A_274 : i32 to vector<16xi32>
      %mul3A_276 = arith.muli %add3A_253, %mul3A_275 : vector<16xi32>
      %add3A_277 = arith.constant 0 : i32
      %add3A_278 = vector.broadcast %add3A_277 : i32 to vector<16xi32>
      %add3A_279 = arith.addi %mul3A_276, %add3A_278 : vector<16xi32>
      tpu.vector_store_idx %arg15[%add3A_279], %exp3A : memref<1600xf32, #tpu.memory_space<vmem>>[vector<16xi32>], vector<16xf32>,
      %add3A_280 = arith.constant 10240 : i32
      %add3A_281 = vector.broadcast %add3A_280 : i32 to vector<16xi32>
      %add3A_282 = arith.addi %get3A_245, %add3A_281 : vector<16xi32>
      %gather3A_283 = tpu.vector_load_idx %arg8[%add3A_282] : memref<40960xf32, #tpu.memory_space<vmem>>[vector<16xi32>], vector<16xf32>,
      %add3A_284 = arith.constant 10240 : i32
      %add3A_285 = vector.broadcast %add3A_284 : i32 to vector<16xi32>
      %add3A_286 = arith.addi %get3A_249, %add3A_285 : vector<16xi32>
      %gather3A_287 = tpu.vector_load_idx %arg9[%add3A_286] : memref<40960xf32, #tpu.memory_space<vmem>>[vector<16xi32>], vector<16xf32>,
      %add3A_288 = arith.addf %gather3A_283, %gather3A_287 : vector<16xf32>
      %ge3A_289 = arith.constant 0.000000e+00 : f32
      %ge3A_290 = vector.broadcast %ge3A_289 : f32 to vector<16xf32>
      %ge3A_291 = arith.cmpf oge, %add3A_288, %ge3A_290 : vector<16xf32>
      %mul3A_292 = arith.constant 2.000000e-01 : f32
      %mul3A_293 = vector.broadcast %mul3A_292 : f32 to vector<16xf32>
      %mul3A_294 = arith.mulf %add3A_288, %mul3A_293 : vector<16xf32>
      %select_n3A_295 = arith.select %ge3A_291, %add3A_288, %mul3A_294 : vector<16xi1>, vector<16xf32>
      %exp3A_296 = math.exp %select_n3A_295 : vector<16xf32>
      %mul3A_297 = arith.constant 4 : i32
      %mul3A_298 = vector.broadcast %mul3A_297 : i32 to vector<16xi32>
      %mul3A_299 = arith.muli %get3A_249, %mul3A_298 : vector<16xi32>
      %add3A_300 = arith.constant 1 : i32
      %add3A_301 = vector.broadcast %add3A_300 : i32 to vector<16xi32>
      %add3A_302 = arith.addi %mul3A_299, %add3A_301 : vector<16xi32>
      tpu.vector_store_idx %arg10[%add3A_302], %exp3A_296 {add = true} : memref<40960xf32, #tpu.memory_space<vmem>>[vector<16xi32>], vector<16xf32>,
      %mul3A_303 = arith.constant 4 : i32
      %mul3A_304 = vector.broadcast %mul3A_303 : i32 to vector<16xi32>
      %mul3A_305 = arith.muli %add3A_253, %mul3A_304 : vector<16xi32>
      %add3A_306 = arith.constant 1 : i32
      %add3A_307 = vector.broadcast %add3A_306 : i32 to vector<16xi32>
      %add3A_308 = arith.addi %mul3A_305, %add3A_307 : vector<16xi32>
      tpu.vector_store_idx %arg15[%add3A_308], %exp3A_296 : memref<1600xf32, #tpu.memory_space<vmem>>[vector<16xi32>], vector<16xf32>,
      %add3A_309 = arith.constant 20480 : i32
      %add3A_310 = vector.broadcast %add3A_309 : i32 to vector<16xi32>
      %add3A_311 = arith.addi %get3A_245, %add3A_310 : vector<16xi32>
      %gather3A_312 = tpu.vector_load_idx %arg8[%add3A_311] : memref<40960xf32, #tpu.memory_space<vmem>>[vector<16xi32>], vector<16xf32>,
      %add3A_313 = arith.constant 20480 : i32
      %add3A_314 = vector.broadcast %add3A_313 : i32 to vector<16xi32>
      %add3A_315 = arith.addi %get3A_249, %add3A_314 : vector<16xi32>
      %gather3A_316 = tpu.vector_load_idx %arg9[%add3A_315] : memref<40960xf32, #tpu.memory_space<vmem>>[vector<16xi32>], vector<16xf32>,
      %add3A_317 = arith.addf %gather3A_312, %gather3A_316 : vector<16xf32>
      %ge3A_318 = arith.constant 0.000000e+00 : f32
      %ge3A_319 = vector.broadcast %ge3A_318 : f32 to vector<16xf32>
      %ge3A_320 = arith.cmpf oge, %add3A_317, %ge3A_319 : vector<16xf32>
      %mul3A_321 = arith.constant 2.000000e-01 : f32
      %mul3A_322 = vector.broadcast %mul3A_321 : f32 to vector<16xf32>
      %mul3A_323 = arith.mulf %add3A_317, %mul3A_322 : vector<16xf32>
      %select_n3A_324 = arith.select %ge3A_320, %add3A_317, %mul3A_323 : vector<16xi1>, vector<16xf32>
      %exp3A_325 = math.exp %select_n3A_324 : vector<16xf32>
      %mul3A_326 = arith.constant 4 : i32
      %mul3A_327 = vector.broadcast %mul3A_326 : i32 to vector<16xi32>
      %mul3A_328 = arith.muli %get3A_249, %mul3A_327 : vector<16xi32>
      %add3A_329 = arith.constant 2 : i32
      %add3A_330 = vector.broadcast %add3A_329 : i32 to vector<16xi32>
      %add3A_331 = arith.addi %mul3A_328, %add3A_330 : vector<16xi32>
      tpu.vector_store_idx %arg10[%add3A_331], %exp3A_325 {add = true} : memref<40960xf32, #tpu.memory_space<vmem>>[vector<16xi32>], vector<16xf32>,
      %mul3A_332 = arith.constant 4 : i32
      %mul3A_333 = vector.broadcast %mul3A_332 : i32 to vector<16xi32>
      %mul3A_334 = arith.muli %add3A_253, %mul3A_333 : vector<16xi32>
      %add3A_335 = arith.constant 2 : i32
      %add3A_336 = vector.broadcast %add3A_335 : i32 to vector<16xi32>
      %add3A_337 = arith.addi %mul3A_334, %add3A_336 : vector<16xi32>
      tpu.vector_store_idx %arg15[%add3A_337], %exp3A_325 : memref<1600xf32, #tpu.memory_space<vmem>>[vector<16xi32>], vector<16xf32>,
      %add3A_338 = arith.constant 30720 : i32
      %add3A_339 = vector.broadcast %add3A_338 : i32 to vector<16xi32>
      %add3A_340 = arith.addi %get3A_245, %add3A_339 : vector<16xi32>
      %gather3A_341 = tpu.vector_load_idx %arg8[%add3A_340] : memref<40960xf32, #tpu.memory_space<vmem>>[vector<16xi32>], vector<16xf32>,
      %add3A_342 = arith.constant 30720 : i32
      %add3A_343 = vector.broadcast %add3A_342 : i32 to vector<16xi32>
      %add3A_344 = arith.addi %get3A_249, %add3A_343 : vector<16xi32>
      %gather3A_345 = tpu.vector_load_idx %arg9[%add3A_344] : memref<40960xf32, #tpu.memory_space<vmem>>[vector<16xi32>], vector<16xf32>,
      %add3A_346 = arith.addf %gather3A_341, %gather3A_345 : vector<16xf32>
      %ge3A_347 = arith.constant 0.000000e+00 : f32
      %ge3A_348 = vector.broadcast %ge3A_347 : f32 to vector<16xf32>
      %ge3A_349 = arith.cmpf oge, %add3A_346, %ge3A_348 : vector<16xf32>
      %mul3A_350 = arith.constant 2.000000e-01 : f32
      %mul3A_351 = vector.broadcast %mul3A_350 : f32 to vector<16xf32>
      %mul3A_352 = arith.mulf %add3A_346, %mul3A_351 : vector<16xf32>
      %select_n3A_353 = arith.select %ge3A_349, %add3A_346, %mul3A_352 : vector<16xi1>, vector<16xf32>
      %exp3A_354 = math.exp %select_n3A_353 : vector<16xf32>
      %mul3A_355 = arith.constant 4 : i32
      %mul3A_356 = vector.broadcast %mul3A_355 : i32 to vector<16xi32>
      %mul3A_357 = arith.muli %get3A_249, %mul3A_356 : vector<16xi32>
      %add3A_358 = arith.constant 3 : i32
      %add3A_359 = vector.broadcast %add3A_358 : i32 to vector<16xi32>
      %add3A_360 = arith.addi %mul3A_357, %add3A_359 : vector<16xi32>
      tpu.vector_store_idx %arg10[%add3A_360], %exp3A_354 {add = true} : memref<40960xf32, #tpu.memory_space<vmem>>[vector<16xi32>], vector<16xf32>,
      %mul3A_361 = arith.constant 4 : i32
      %mul3A_362 = vector.broadcast %mul3A_361 : i32 to vector<16xi32>
      %mul3A_363 = arith.muli %add3A_253, %mul3A_362 : vector<16xi32>
      %add3A_364 = arith.constant 3 : i32
      %add3A_365 = vector.broadcast %add3A_364 : i32 to vector<16xi32>
      %add3A_366 = arith.addi %mul3A_363, %add3A_365 : vector<16xi32>
      tpu.vector_store_idx %arg15[%add3A_366], %exp3A_354 : memref<1600xf32, #tpu.memory_space<vmem>>[vector<16xi32>], vector<16xf32>,
      %scan3A_367 = arith.constant 25 : i32
      %mul3A_368 = arith.constant 20000 : i32
      %mul3A_369 = arith.muli %add3A, %mul3A_368 : i32
      %mul3A_370 = arith.constant 400 : i32
      %mul3A_371 = arith.muli %add3A_215, %mul3A_370 : i32
      %add3A_372 = arith.addi %mul3A_369, %mul3A_371 : i32
      %mul3A_373 = arith.constant 4 : i32
      %mul3A_374 = arith.muli %add3A_372, %mul3A_373 : i32
      %dma_start3A_375 = tpu.memref_slice %arg6[%mul3A_374] : memref<2560000xf32, #tpu.memory_space<hbm>> -> memref<1600xf32, #tpu.memory_space<hbm>>
      %dma_start3A_376 = tpu.memref_slice %arg6[%mul3A_374] : memref<2560000xf32, #tpu.memory_space<hbm>> -> memref<1600xf32, #tpu.memory_space<hbm>>
      tpu.enqueue_dma source(%arg15 : memref<1600xf32, #tpu.memory_space<vmem>>) target(%dma_start3A_376 : memref<1600xf32, #tpu.memory_space<hbm>>) target_semaphore(%arg19 : memref<!tpu.dma_semaphore, #tpu.memory_space<semaphore_mem>>)
      %add3A_377 = arith.constant 1 : i32
      %add3A_378 = arith.addi %add3A_213, %add3A_377 : i32
      %add3A_379 = arith.constant 1 : i32
      %add3A_380 = arith.addi %add3A_378, %add3A_379 : i32
      %lt3A_381 = arith.constant 50 : i32
      %lt3A_382 = arith.cmpi slt, %add3A_380, %lt3A_381 : i32
      %convert_element_type3A_383 = arith.extui %lt3A_382 : i1 to i32
      %cond3A_384 = arith.constant 0 : i32
      %cond3A_385 = arith.cmpi ne, %convert_element_type3A_383, %cond3A_384 : i32
      scf.if %cond3A_385 {
        %add3A_548 = arith.constant 1 : i32
        %add3A_549 = arith.addi %add3A_378, %add3A_548 : i32
        %mul3A_550 = arith.constant 20000 : i32
        %mul3A_551 = arith.muli %add3A, %mul3A_550 : i32
        %mul3A_552 = arith.constant 400 : i32
        %mul3A_553 = arith.muli %add3A_549, %mul3A_552 : i32
        %add3A_554 = arith.addi %mul3A_551, %mul3A_553 : i32
        %dma_start3A_555 = tpu.memref_slice %arg4[%add3A_554] : memref<640000xi32, #tpu.memory_space<hbm>> -> memref<400xi32, #tpu.memory_space<hbm>>
        %dma_start3A_556 = tpu.memref_slice %arg4[%add3A_554] : memref<640000xi32, #tpu.memory_space<hbm>> -> memref<400xi32, #tpu.memory_space<hbm>>
        tpu.enqueue_dma source(%dma_start3A_556 : memref<400xi32, #tpu.memory_space<hbm>>) target(%arg11 : memref<400xi32, #tpu.memory_space<vmem>>) target_semaphore(%arg17 : memref<!tpu.dma_semaphore, #tpu.memory_space<semaphore_mem>>)
        %dma_start3A_557 = tpu.memref_slice %arg5[%add3A_554] : memref<640000xi32, #tpu.memory_space<hbm>> -> memref<400xi32, #tpu.memory_space<hbm>>
        %dma_start3A_558 = tpu.memref_slice %arg5[%add3A_554] : memref<640000xi32, #tpu.memory_space<hbm>> -> memref<400xi32, #tpu.memory_space<hbm>>
        tpu.enqueue_dma source(%dma_start3A_558 : memref<400xi32, #tpu.memory_space<hbm>>) target(%arg13 : memref<400xi32, #tpu.memory_space<vmem>>) target_semaphore(%arg17 : memref<!tpu.dma_semaphore, #tpu.memory_space<semaphore_mem>>)
      } else {
      }
      %ge3A_386 = arith.constant 2 : i32
      %ge3A_387 = arith.cmpi sge, %add3A_378, %ge3A_386 : i32
      %convert_element_type3A_388 = arith.extui %ge3A_387 : i1 to i32
      %cond3A_389 = arith.constant 0 : i32
      %cond3A_390 = arith.cmpi ne, %convert_element_type3A_388, %cond3A_389 : i32
      scf.if %cond3A_390 {
        %sub3A = arith.constant 2 : i32
        %sub3A_548 = arith.subi %add3A_378, %sub3A : i32
        %mul3A_549 = arith.constant 20000 : i32
        %mul3A_550 = arith.muli %add3A, %mul3A_549 : i32
        %mul3A_551 = arith.constant 400 : i32
        %mul3A_552 = arith.muli %sub3A_548, %mul3A_551 : i32
        %add3A_553 = arith.addi %mul3A_550, %mul3A_552 : i32
        %mul3A_554 = arith.constant 4 : i32
        %mul3A_555 = arith.muli %add3A_553, %mul3A_554 : i32
        %dma_wait3A_556 = tpu.memref_slice %arg6[%mul3A_555] : memref<2560000xf32, #tpu.memory_space<hbm>> -> memref<1600xf32, #tpu.memory_space<hbm>>
        %dma_wait3A_557 = tpu.memref_slice %arg6[%mul3A_555] : memref<2560000xf32, #tpu.memory_space<hbm>> -> memref<1600xf32, #tpu.memory_space<hbm>>
        tpu.wait_dma2 semaphore(%arg20 : memref<!tpu.dma_semaphore, #tpu.memory_space<semaphore_mem>>) src(%arg16 : memref<1600xf32, #tpu.memory_space<vmem>>) dst(%dma_wait3A_557 : memref<1600xf32, #tpu.memory_space<hbm>>)
      } else {
      }
      %mul3A_391 = arith.constant 20000 : i32
      %mul3A_392 = arith.muli %add3A, %mul3A_391 : i32
      %mul3A_393 = arith.constant 400 : i32
      %mul3A_394 = arith.muli %add3A_378, %mul3A_393 : i32
      %add3A_395 = arith.addi %mul3A_392, %mul3A_394 : i32
      %dma_wait3A_396 = tpu.memref_slice %arg4[%add3A_395] : memref<640000xi32, #tpu.memory_space<hbm>> -> memref<400xi32, #tpu.memory_space<hbm>>
      %dma_wait3A_397 = tpu.memref_slice %arg4[%add3A_395] : memref<640000xi32, #tpu.memory_space<hbm>> -> memref<400xi32, #tpu.memory_space<hbm>>
      tpu.wait_dma2 semaphore(%arg18 : memref<!tpu.dma_semaphore, #tpu.memory_space<semaphore_mem>>) src(%dma_wait3A_397 : memref<400xi32, #tpu.memory_space<hbm>>) dst(%arg12 : memref<400xi32, #tpu.memory_space<vmem>>)
      %dma_wait3A_398 = tpu.memref_slice %arg5[%add3A_395] : memref<640000xi32, #tpu.memory_space<hbm>> -> memref<400xi32, #tpu.memory_space<hbm>>
      %dma_wait3A_399 = tpu.memref_slice %arg5[%add3A_395] : memref<640000xi32, #tpu.memory_space<hbm>> -> memref<400xi32, #tpu.memory_space<hbm>>
      tpu.wait_dma2 semaphore(%arg18 : memref<!tpu.dma_semaphore, #tpu.memory_space<semaphore_mem>>) src(%dma_wait3A_399 : memref<400xi32, #tpu.memory_space<hbm>>) dst(%arg14 : memref<400xi32, #tpu.memory_space<vmem>>)
      %scan3A_400 = arith.constant 0 : i32
      %scan3A_401 = arith.constant 24 : i32
      %scan3A_402 = arith.addi %scan3A_400, %scan3A_401 : i32
      %scan3A_403 = arith.constant 2 : i32
      scf.for %scan3A_548 = %scan3A_400 to %scan3A_402 step %scan3A_403  : i32 {
        %mul3A_549 = arith.constant 1 : i32
        %mul3A_550 = arith.muli %scan3A_548, %mul3A_549 : i32
        %add3A_551 = arith.constant 0 : i32
        %add3A_552 = arith.addi %add3A_551, %mul3A_550 : i32
        %mul3A_553 = arith.constant 16 : i32
        %mul3A_554 = arith.muli %add3A_552, %mul3A_553 : i32
        %get3A_555 = arith.index_cast %mul3A_554 : i32 to index
        %get3A_556 = tpu.vector_load %arg12[%get3A_555] {strides = array<i32>} : memref<400xi32, #tpu.memory_space<vmem>>, vector<16xi32>,
        %mul3A_557 = arith.constant 16 : i32
        %mul3A_558 = arith.muli %add3A_552, %mul3A_557 : i32
        %get3A_559 = arith.index_cast %mul3A_558 : i32 to index
        %get3A_560 = tpu.vector_load %arg14[%get3A_559] {strides = array<i32>} : memref<400xi32, #tpu.memory_space<vmem>>, vector<16xi32>,
        %mul3A_561 = arith.constant 16 : i32
        %mul3A_562 = arith.muli %add3A_552, %mul3A_561 : i32
        %add3A_563 = vector.broadcast %mul3A_562 : i32 to vector<16xi32>
        %add3A_564 = arith.addi %add3A_563, %iota3A : vector<16xi32>
        %add3A_565 = arith.constant 0 : i32
        %add3A_566 = vector.broadcast %add3A_565 : i32 to vector<16xi32>
        %add3A_567 = arith.addi %get3A_556, %add3A_566 : vector<16xi32>
        %gather3A_568 = tpu.vector_load_idx %arg8[%add3A_567] : memref<40960xf32, #tpu.memory_space<vmem>>[vector<16xi32>], vector<16xf32>,
        %add3A_569 = arith.constant 0 : i32
        %add3A_570 = vector.broadcast %add3A_569 : i32 to vector<16xi32>
        %add3A_571 = arith.addi %get3A_560, %add3A_570 : vector<16xi32>
        %gather3A_572 = tpu.vector_load_idx %arg9[%add3A_571] : memref<40960xf32, #tpu.memory_space<vmem>>[vector<16xi32>], vector<16xf32>,
        %add3A_573 = arith.addf %gather3A_568, %gather3A_572 : vector<16xf32>
        %ge3A_574 = arith.constant 0.000000e+00 : f32
        %ge3A_575 = vector.broadcast %ge3A_574 : f32 to vector<16xf32>
        %ge3A_576 = arith.cmpf oge, %add3A_573, %ge3A_575 : vector<16xf32>
        %mul3A_577 = arith.constant 2.000000e-01 : f32
        %mul3A_578 = vector.broadcast %mul3A_577 : f32 to vector<16xf32>
        %mul3A_579 = arith.mulf %add3A_573, %mul3A_578 : vector<16xf32>
        %select_n3A_580 = arith.select %ge3A_576, %add3A_573, %mul3A_579 : vector<16xi1>, vector<16xf32>
        %exp3A_581 = math.exp %select_n3A_580 : vector<16xf32>
        %mul3A_582 = arith.constant 4 : i32
        %mul3A_583 = vector.broadcast %mul3A_582 : i32 to vector<16xi32>
        %mul3A_584 = arith.muli %get3A_560, %mul3A_583 : vector<16xi32>
        %add3A_585 = arith.constant 0 : i32
        %add3A_586 = vector.broadcast %add3A_585 : i32 to vector<16xi32>
        %add3A_587 = arith.addi %mul3A_584, %add3A_586 : vector<16xi32>
        tpu.vector_store_idx %arg10[%add3A_587], %exp3A_581 {add = true} : memref<40960xf32, #tpu.memory_space<vmem>>[vector<16xi32>], vector<16xf32>,
        %mul3A_588 = arith.constant 4 : i32
        %mul3A_589 = vector.broadcast %mul3A_588 : i32 to vector<16xi32>
        %mul3A_590 = arith.muli %add3A_564, %mul3A_589 : vector<16xi32>
        %add3A_591 = arith.constant 0 : i32
        %add3A_592 = vector.broadcast %add3A_591 : i32 to vector<16xi32>
        %add3A_593 = arith.addi %mul3A_590, %add3A_592 : vector<16xi32>
        tpu.vector_store_idx %arg16[%add3A_593], %exp3A_581 : memref<1600xf32, #tpu.memory_space<vmem>>[vector<16xi32>], vector<16xf32>,
        %add3A_594 = arith.constant 10240 : i32
        %add3A_595 = vector.broadcast %add3A_594 : i32 to vector<16xi32>
        %add3A_596 = arith.addi %get3A_556, %add3A_595 : vector<16xi32>
        %gather3A_597 = tpu.vector_load_idx %arg8[%add3A_596] : memref<40960xf32, #tpu.memory_space<vmem>>[vector<16xi32>], vector<16xf32>,
        %add3A_598 = arith.constant 10240 : i32
        %add3A_599 = vector.broadcast %add3A_598 : i32 to vector<16xi32>
        %add3A_600 = arith.addi %get3A_560, %add3A_599 : vector<16xi32>
        %gather3A_601 = tpu.vector_load_idx %arg9[%add3A_600] : memref<40960xf32, #tpu.memory_space<vmem>>[vector<16xi32>], vector<16xf32>,
        %add3A_602 = arith.addf %gather3A_597, %gather3A_601 : vector<16xf32>
        %ge3A_603 = arith.constant 0.000000e+00 : f32
        %ge3A_604 = vector.broadcast %ge3A_603 : f32 to vector<16xf32>
        %ge3A_605 = arith.cmpf oge, %add3A_602, %ge3A_604 : vector<16xf32>
        %mul3A_606 = arith.constant 2.000000e-01 : f32
        %mul3A_607 = vector.broadcast %mul3A_606 : f32 to vector<16xf32>
        %mul3A_608 = arith.mulf %add3A_602, %mul3A_607 : vector<16xf32>
        %select_n3A_609 = arith.select %ge3A_605, %add3A_602, %mul3A_608 : vector<16xi1>, vector<16xf32>
        %exp3A_610 = math.exp %select_n3A_609 : vector<16xf32>
        %mul3A_611 = arith.constant 4 : i32
        %mul3A_612 = vector.broadcast %mul3A_611 : i32 to vector<16xi32>
        %mul3A_613 = arith.muli %get3A_560, %mul3A_612 : vector<16xi32>
        %add3A_614 = arith.constant 1 : i32
        %add3A_615 = vector.broadcast %add3A_614 : i32 to vector<16xi32>
        %add3A_616 = arith.addi %mul3A_613, %add3A_615 : vector<16xi32>
        tpu.vector_store_idx %arg10[%add3A_616], %exp3A_610 {add = true} : memref<40960xf32, #tpu.memory_space<vmem>>[vector<16xi32>], vector<16xf32>,
        %mul3A_617 = arith.constant 4 : i32
        %mul3A_618 = vector.broadcast %mul3A_617 : i32 to vector<16xi32>
        %mul3A_619 = arith.muli %add3A_564, %mul3A_618 : vector<16xi32>
        %add3A_620 = arith.constant 1 : i32
        %add3A_621 = vector.broadcast %add3A_620 : i32 to vector<16xi32>
        %add3A_622 = arith.addi %mul3A_619, %add3A_621 : vector<16xi32>
        tpu.vector_store_idx %arg16[%add3A_622], %exp3A_610 : memref<1600xf32, #tpu.memory_space<vmem>>[vector<16xi32>], vector<16xf32>,
        %add3A_623 = arith.constant 20480 : i32
        %add3A_624 = vector.broadcast %add3A_623 : i32 to vector<16xi32>
        %add3A_625 = arith.addi %get3A_556, %add3A_624 : vector<16xi32>
        %gather3A_626 = tpu.vector_load_idx %arg8[%add3A_625] : memref<40960xf32, #tpu.memory_space<vmem>>[vector<16xi32>], vector<16xf32>,
        %add3A_627 = arith.constant 20480 : i32
        %add3A_628 = vector.broadcast %add3A_627 : i32 to vector<16xi32>
        %add3A_629 = arith.addi %get3A_560, %add3A_628 : vector<16xi32>
        %gather3A_630 = tpu.vector_load_idx %arg9[%add3A_629] : memref<40960xf32, #tpu.memory_space<vmem>>[vector<16xi32>], vector<16xf32>,
        %add3A_631 = arith.addf %gather3A_626, %gather3A_630 : vector<16xf32>
        %ge3A_632 = arith.constant 0.000000e+00 : f32
        %ge3A_633 = vector.broadcast %ge3A_632 : f32 to vector<16xf32>
        %ge3A_634 = arith.cmpf oge, %add3A_631, %ge3A_633 : vector<16xf32>
        %mul3A_635 = arith.constant 2.000000e-01 : f32
        %mul3A_636 = vector.broadcast %mul3A_635 : f32 to vector<16xf32>
        %mul3A_637 = arith.mulf %add3A_631, %mul3A_636 : vector<16xf32>
        %select_n3A_638 = arith.select %ge3A_634, %add3A_631, %mul3A_637 : vector<16xi1>, vector<16xf32>
        %exp3A_639 = math.exp %select_n3A_638 : vector<16xf32>
        %mul3A_640 = arith.constant 4 : i32
        %mul3A_641 = vector.broadcast %mul3A_640 : i32 to vector<16xi32>
        %mul3A_642 = arith.muli %get3A_560, %mul3A_641 : vector<16xi32>
        %add3A_643 = arith.constant 2 : i32
        %add3A_644 = vector.broadcast %add3A_643 : i32 to vector<16xi32>
        %add3A_645 = arith.addi %mul3A_642, %add3A_644 : vector<16xi32>
        tpu.vector_store_idx %arg10[%add3A_645], %exp3A_639 {add = true} : memref<40960xf32, #tpu.memory_space<vmem>>[vector<16xi32>], vector<16xf32>,
        %mul3A_646 = arith.constant 4 : i32
        %mul3A_647 = vector.broadcast %mul3A_646 : i32 to vector<16xi32>
        %mul3A_648 = arith.muli %add3A_564, %mul3A_647 : vector<16xi32>
        %add3A_649 = arith.constant 2 : i32
        %add3A_650 = vector.broadcast %add3A_649 : i32 to vector<16xi32>
        %add3A_651 = arith.addi %mul3A_648, %add3A_650 : vector<16xi32>
        tpu.vector_store_idx %arg16[%add3A_651], %exp3A_639 : memref<1600xf32, #tpu.memory_space<vmem>>[vector<16xi32>], vector<16xf32>,
        %add3A_652 = arith.constant 30720 : i32
        %add3A_653 = vector.broadcast %add3A_652 : i32 to vector<16xi32>
        %add3A_654 = arith.addi %get3A_556, %add3A_653 : vector<16xi32>
        %gather3A_655 = tpu.vector_load_idx %arg8[%add3A_654] : memref<40960xf32, #tpu.memory_space<vmem>>[vector<16xi32>], vector<16xf32>,
        %add3A_656 = arith.constant 30720 : i32
        %add3A_657 = vector.broadcast %add3A_656 : i32 to vector<16xi32>
        %add3A_658 = arith.addi %get3A_560, %add3A_657 : vector<16xi32>
        %gather3A_659 = tpu.vector_load_idx %arg9[%add3A_658] : memref<40960xf32, #tpu.memory_space<vmem>>[vector<16xi32>], vector<16xf32>,
        %add3A_660 = arith.addf %gather3A_655, %gather3A_659 : vector<16xf32>
        %ge3A_661 = arith.constant 0.000000e+00 : f32
        %ge3A_662 = vector.broadcast %ge3A_661 : f32 to vector<16xf32>
        %ge3A_663 = arith.cmpf oge, %add3A_660, %ge3A_662 : vector<16xf32>
        %mul3A_664 = arith.constant 2.000000e-01 : f32
        %mul3A_665 = vector.broadcast %mul3A_664 : f32 to vector<16xf32>
        %mul3A_666 = arith.mulf %add3A_660, %mul3A_665 : vector<16xf32>
        %select_n3A_667 = arith.select %ge3A_663, %add3A_660, %mul3A_666 : vector<16xi1>, vector<16xf32>
        %exp3A_668 = math.exp %select_n3A_667 : vector<16xf32>
        %mul3A_669 = arith.constant 4 : i32
        %mul3A_670 = vector.broadcast %mul3A_669 : i32 to vector<16xi32>
        %mul3A_671 = arith.muli %get3A_560, %mul3A_670 : vector<16xi32>
        %add3A_672 = arith.constant 3 : i32
        %add3A_673 = vector.broadcast %add3A_672 : i32 to vector<16xi32>
        %add3A_674 = arith.addi %mul3A_671, %add3A_673 : vector<16xi32>
        tpu.vector_store_idx %arg10[%add3A_674], %exp3A_668 {add = true} : memref<40960xf32, #tpu.memory_space<vmem>>[vector<16xi32>], vector<16xf32>,
        %mul3A_675 = arith.constant 4 : i32
        %mul3A_676 = vector.broadcast %mul3A_675 : i32 to vector<16xi32>
        %mul3A_677 = arith.muli %add3A_564, %mul3A_676 : vector<16xi32>
        %add3A_678 = arith.constant 3 : i32
        %add3A_679 = vector.broadcast %add3A_678 : i32 to vector<16xi32>
        %add3A_680 = arith.addi %mul3A_677, %add3A_679 : vector<16xi32>
        tpu.vector_store_idx %arg16[%add3A_680], %exp3A_668 : memref<1600xf32, #tpu.memory_space<vmem>>[vector<16xi32>], vector<16xf32>,
        %scan3A_681 = arith.constant 1 : i32
        %scan3A_682 = arith.addi %scan3A_548, %scan3A_681 : i32
        %mul3A_683 = arith.constant 1 : i32
        %mul3A_684 = arith.muli %scan3A_682, %mul3A_683 : i32
        %add3A_685 = arith.constant 0 : i32
        %add3A_686 = arith.addi %add3A_685, %mul3A_684 : i32
        %mul3A_687 = arith.constant 16 : i32
        %mul3A_688 = arith.muli %add3A_686, %mul3A_687 : i32
        %get3A_689 = arith.index_cast %mul3A_688 : i32 to index
        %get3A_690 = tpu.vector_load %arg12[%get3A_689] {strides = array<i32>} : memref<400xi32, #tpu.memory_space<vmem>>, vector<16xi32>,
        %mul3A_691 = arith.constant 16 : i32
        %mul3A_692 = arith.muli %add3A_686, %mul3A_691 : i32
        %get3A_693 = arith.index_cast %mul3A_692 : i32 to index
        %get3A_694 = tpu.vector_load %arg14[%get3A_693] {strides = array<i32>} : memref<400xi32, #tpu.memory_space<vmem>>, vector<16xi32>,
        %mul3A_695 = arith.constant 16 : i32
        %mul3A_696 = arith.muli %add3A_686, %mul3A_695 : i32
        %add3A_697 = vector.broadcast %mul3A_696 : i32 to vector<16xi32>
        %add3A_698 = arith.addi %add3A_697, %iota3A : vector<16xi32>
        %add3A_699 = arith.constant 0 : i32
        %add3A_700 = vector.broadcast %add3A_699 : i32 to vector<16xi32>
        %add3A_701 = arith.addi %get3A_690, %add3A_700 : vector<16xi32>
        %gather3A_702 = tpu.vector_load_idx %arg8[%add3A_701] : memref<40960xf32, #tpu.memory_space<vmem>>[vector<16xi32>], vector<16xf32>,
        %add3A_703 = arith.constant 0 : i32
        %add3A_704 = vector.broadcast %add3A_703 : i32 to vector<16xi32>
        %add3A_705 = arith.addi %get3A_694, %add3A_704 : vector<16xi32>
        %gather3A_706 = tpu.vector_load_idx %arg9[%add3A_705] : memref<40960xf32, #tpu.memory_space<vmem>>[vector<16xi32>], vector<16xf32>,
        %add3A_707 = arith.addf %gather3A_702, %gather3A_706 : vector<16xf32>
        %ge3A_708 = arith.constant 0.000000e+00 : f32
        %ge3A_709 = vector.broadcast %ge3A_708 : f32 to vector<16xf32>
        %ge3A_710 = arith.cmpf oge, %add3A_707, %ge3A_709 : vector<16xf32>
        %mul3A_711 = arith.constant 2.000000e-01 : f32
        %mul3A_712 = vector.broadcast %mul3A_711 : f32 to vector<16xf32>
        %mul3A_713 = arith.mulf %add3A_707, %mul3A_712 : vector<16xf32>
        %select_n3A_714 = arith.select %ge3A_710, %add3A_707, %mul3A_713 : vector<16xi1>, vector<16xf32>
        %exp3A_715 = math.exp %select_n3A_714 : vector<16xf32>
        %mul3A_716 = arith.constant 4 : i32
        %mul3A_717 = vector.broadcast %mul3A_716 : i32 to vector<16xi32>
        %mul3A_718 = arith.muli %get3A_694, %mul3A_717 : vector<16xi32>
        %add3A_719 = arith.constant 0 : i32
        %add3A_720 = vector.broadcast %add3A_719 : i32 to vector<16xi32>
        %add3A_721 = arith.addi %mul3A_718, %add3A_720 : vector<16xi32>
        tpu.vector_store_idx %arg10[%add3A_721], %exp3A_715 {add = true} : memref<40960xf32, #tpu.memory_space<vmem>>[vector<16xi32>], vector<16xf32>,
        %mul3A_722 = arith.constant 4 : i32
        %mul3A_723 = vector.broadcast %mul3A_722 : i32 to vector<16xi32>
        %mul3A_724 = arith.muli %add3A_698, %mul3A_723 : vector<16xi32>
        %add3A_725 = arith.constant 0 : i32
        %add3A_726 = vector.broadcast %add3A_725 : i32 to vector<16xi32>
        %add3A_727 = arith.addi %mul3A_724, %add3A_726 : vector<16xi32>
        tpu.vector_store_idx %arg16[%add3A_727], %exp3A_715 : memref<1600xf32, #tpu.memory_space<vmem>>[vector<16xi32>], vector<16xf32>,
        %add3A_728 = arith.constant 10240 : i32
        %add3A_729 = vector.broadcast %add3A_728 : i32 to vector<16xi32>
        %add3A_730 = arith.addi %get3A_690, %add3A_729 : vector<16xi32>
        %gather3A_731 = tpu.vector_load_idx %arg8[%add3A_730] : memref<40960xf32, #tpu.memory_space<vmem>>[vector<16xi32>], vector<16xf32>,
        %add3A_732 = arith.constant 10240 : i32
        %add3A_733 = vector.broadcast %add3A_732 : i32 to vector<16xi32>
        %add3A_734 = arith.addi %get3A_694, %add3A_733 : vector<16xi32>
        %gather3A_735 = tpu.vector_load_idx %arg9[%add3A_734] : memref<40960xf32, #tpu.memory_space<vmem>>[vector<16xi32>], vector<16xf32>,
        %add3A_736 = arith.addf %gather3A_731, %gather3A_735 : vector<16xf32>
        %ge3A_737 = arith.constant 0.000000e+00 : f32
        %ge3A_738 = vector.broadcast %ge3A_737 : f32 to vector<16xf32>
        %ge3A_739 = arith.cmpf oge, %add3A_736, %ge3A_738 : vector<16xf32>
        %mul3A_740 = arith.constant 2.000000e-01 : f32
        %mul3A_741 = vector.broadcast %mul3A_740 : f32 to vector<16xf32>
        %mul3A_742 = arith.mulf %add3A_736, %mul3A_741 : vector<16xf32>
        %select_n3A_743 = arith.select %ge3A_739, %add3A_736, %mul3A_742 : vector<16xi1>, vector<16xf32>
        %exp3A_744 = math.exp %select_n3A_743 : vector<16xf32>
        %mul3A_745 = arith.constant 4 : i32
        %mul3A_746 = vector.broadcast %mul3A_745 : i32 to vector<16xi32>
        %mul3A_747 = arith.muli %get3A_694, %mul3A_746 : vector<16xi32>
        %add3A_748 = arith.constant 1 : i32
        %add3A_749 = vector.broadcast %add3A_748 : i32 to vector<16xi32>
        %add3A_750 = arith.addi %mul3A_747, %add3A_749 : vector<16xi32>
        tpu.vector_store_idx %arg10[%add3A_750], %exp3A_744 {add = true} : memref<40960xf32, #tpu.memory_space<vmem>>[vector<16xi32>], vector<16xf32>,
        %mul3A_751 = arith.constant 4 : i32
        %mul3A_752 = vector.broadcast %mul3A_751 : i32 to vector<16xi32>
        %mul3A_753 = arith.muli %add3A_698, %mul3A_752 : vector<16xi32>
        %add3A_754 = arith.constant 1 : i32
        %add3A_755 = vector.broadcast %add3A_754 : i32 to vector<16xi32>
        %add3A_756 = arith.addi %mul3A_753, %add3A_755 : vector<16xi32>
        tpu.vector_store_idx %arg16[%add3A_756], %exp3A_744 : memref<1600xf32, #tpu.memory_space<vmem>>[vector<16xi32>], vector<16xf32>,
        %add3A_757 = arith.constant 20480 : i32
        %add3A_758 = vector.broadcast %add3A_757 : i32 to vector<16xi32>
        %add3A_759 = arith.addi %get3A_690, %add3A_758 : vector<16xi32>
        %gather3A_760 = tpu.vector_load_idx %arg8[%add3A_759] : memref<40960xf32, #tpu.memory_space<vmem>>[vector<16xi32>], vector<16xf32>,
        %add3A_761 = arith.constant 20480 : i32
        %add3A_762 = vector.broadcast %add3A_761 : i32 to vector<16xi32>
        %add3A_763 = arith.addi %get3A_694, %add3A_762 : vector<16xi32>
        %gather3A_764 = tpu.vector_load_idx %arg9[%add3A_763] : memref<40960xf32, #tpu.memory_space<vmem>>[vector<16xi32>], vector<16xf32>,
        %add3A_765 = arith.addf %gather3A_760, %gather3A_764 : vector<16xf32>
        %ge3A_766 = arith.constant 0.000000e+00 : f32
        %ge3A_767 = vector.broadcast %ge3A_766 : f32 to vector<16xf32>
        %ge3A_768 = arith.cmpf oge, %add3A_765, %ge3A_767 : vector<16xf32>
        %mul3A_769 = arith.constant 2.000000e-01 : f32
        %mul3A_770 = vector.broadcast %mul3A_769 : f32 to vector<16xf32>
        %mul3A_771 = arith.mulf %add3A_765, %mul3A_770 : vector<16xf32>
        %select_n3A_772 = arith.select %ge3A_768, %add3A_765, %mul3A_771 : vector<16xi1>, vector<16xf32>
        %exp3A_773 = math.exp %select_n3A_772 : vector<16xf32>
        %mul3A_774 = arith.constant 4 : i32
        %mul3A_775 = vector.broadcast %mul3A_774 : i32 to vector<16xi32>
        %mul3A_776 = arith.muli %get3A_694, %mul3A_775 : vector<16xi32>
        %add3A_777 = arith.constant 2 : i32
        %add3A_778 = vector.broadcast %add3A_777 : i32 to vector<16xi32>
        %add3A_779 = arith.addi %mul3A_776, %add3A_778 : vector<16xi32>
        tpu.vector_store_idx %arg10[%add3A_779], %exp3A_773 {add = true} : memref<40960xf32, #tpu.memory_space<vmem>>[vector<16xi32>], vector<16xf32>,
        %mul3A_780 = arith.constant 4 : i32
        %mul3A_781 = vector.broadcast %mul3A_780 : i32 to vector<16xi32>
        %mul3A_782 = arith.muli %add3A_698, %mul3A_781 : vector<16xi32>
        %add3A_783 = arith.constant 2 : i32
        %add3A_784 = vector.broadcast %add3A_783 : i32 to vector<16xi32>
        %add3A_785 = arith.addi %mul3A_782, %add3A_784 : vector<16xi32>
        tpu.vector_store_idx %arg16[%add3A_785], %exp3A_773 : memref<1600xf32, #tpu.memory_space<vmem>>[vector<16xi32>], vector<16xf32>,
        %add3A_786 = arith.constant 30720 : i32
        %add3A_787 = vector.broadcast %add3A_786 : i32 to vector<16xi32>
        %add3A_788 = arith.addi %get3A_690, %add3A_787 : vector<16xi32>
        %gather3A_789 = tpu.vector_load_idx %arg8[%add3A_788] : memref<40960xf32, #tpu.memory_space<vmem>>[vector<16xi32>], vector<16xf32>,
        %add3A_790 = arith.constant 30720 : i32
        %add3A_791 = vector.broadcast %add3A_790 : i32 to vector<16xi32>
        %add3A_792 = arith.addi %get3A_694, %add3A_791 : vector<16xi32>
        %gather3A_793 = tpu.vector_load_idx %arg9[%add3A_792] : memref<40960xf32, #tpu.memory_space<vmem>>[vector<16xi32>], vector<16xf32>,
        %add3A_794 = arith.addf %gather3A_789, %gather3A_793 : vector<16xf32>
        %ge3A_795 = arith.constant 0.000000e+00 : f32
        %ge3A_796 = vector.broadcast %ge3A_795 : f32 to vector<16xf32>
        %ge3A_797 = arith.cmpf oge, %add3A_794, %ge3A_796 : vector<16xf32>
        %mul3A_798 = arith.constant 2.000000e-01 : f32
        %mul3A_799 = vector.broadcast %mul3A_798 : f32 to vector<16xf32>
        %mul3A_800 = arith.mulf %add3A_794, %mul3A_799 : vector<16xf32>
        %select_n3A_801 = arith.select %ge3A_797, %add3A_794, %mul3A_800 : vector<16xi1>, vector<16xf32>
        %exp3A_802 = math.exp %select_n3A_801 : vector<16xf32>
        %mul3A_803 = arith.constant 4 : i32
        %mul3A_804 = vector.broadcast %mul3A_803 : i32 to vector<16xi32>
        %mul3A_805 = arith.muli %get3A_694, %mul3A_804 : vector<16xi32>
        %add3A_806 = arith.constant 3 : i32
        %add3A_807 = vector.broadcast %add3A_806 : i32 to vector<16xi32>
        %add3A_808 = arith.addi %mul3A_805, %add3A_807 : vector<16xi32>
        tpu.vector_store_idx %arg10[%add3A_808], %exp3A_802 {add = true} : memref<40960xf32, #tpu.memory_space<vmem>>[vector<16xi32>], vector<16xf32>,
        %mul3A_809 = arith.constant 4 : i32
        %mul3A_810 = vector.broadcast %mul3A_809 : i32 to vector<16xi32>
        %mul3A_811 = arith.muli %add3A_698, %mul3A_810 : vector<16xi32>
        %add3A_812 = arith.constant 3 : i32
        %add3A_813 = vector.broadcast %add3A_812 : i32 to vector<16xi32>
        %add3A_814 = arith.addi %mul3A_811, %add3A_813 : vector<16xi32>
        tpu.vector_store_idx %arg16[%add3A_814], %exp3A_802 : memref<1600xf32, #tpu.memory_space<vmem>>[vector<16xi32>], vector<16xf32>,
      }
      %scan3A_404 = arith.constant 24 : i32
      %scan3A_405 = arith.addi %scan3A_400, %scan3A_404 : i32
      %mul3A_406 = arith.constant 1 : i32
      %mul3A_407 = arith.muli %scan3A_405, %mul3A_406 : i32
      %add3A_408 = arith.constant 0 : i32
      %add3A_409 = arith.addi %add3A_408, %mul3A_407 : i32
      %mul3A_410 = arith.constant 16 : i32
      %mul3A_411 = arith.muli %add3A_409, %mul3A_410 : i32
      %get3A_412 = arith.index_cast %mul3A_411 : i32 to index
      %get3A_413 = tpu.vector_load %arg12[%get3A_412] {strides = array<i32>} : memref<400xi32, #tpu.memory_space<vmem>>, vector<16xi32>,
      %mul3A_414 = arith.constant 16 : i32
      %mul3A_415 = arith.muli %add3A_409, %mul3A_414 : i32
      %get3A_416 = arith.index_cast %mul3A_415 : i32 to index
      %get3A_417 = tpu.vector_load %arg14[%get3A_416] {strides = array<i32>} : memref<400xi32, #tpu.memory_space<vmem>>, vector<16xi32>,
      %mul3A_418 = arith.constant 16 : i32
      %mul3A_419 = arith.muli %add3A_409, %mul3A_418 : i32
      %add3A_420 = vector.broadcast %mul3A_419 : i32 to vector<16xi32>
      %add3A_421 = arith.addi %add3A_420, %iota3A : vector<16xi32>
      %add3A_422 = arith.constant 0 : i32
      %add3A_423 = vector.broadcast %add3A_422 : i32 to vector<16xi32>
      %add3A_424 = arith.addi %get3A_413, %add3A_423 : vector<16xi32>
      %gather3A_425 = tpu.vector_load_idx %arg8[%add3A_424] : memref<40960xf32, #tpu.memory_space<vmem>>[vector<16xi32>], vector<16xf32>,
      %add3A_426 = arith.constant 0 : i32
      %add3A_427 = vector.broadcast %add3A_426 : i32 to vector<16xi32>
      %add3A_428 = arith.addi %get3A_417, %add3A_427 : vector<16xi32>
      %gather3A_429 = tpu.vector_load_idx %arg9[%add3A_428] : memref<40960xf32, #tpu.memory_space<vmem>>[vector<16xi32>], vector<16xf32>,
      %add3A_430 = arith.addf %gather3A_425, %gather3A_429 : vector<16xf32>
      %ge3A_431 = arith.constant 0.000000e+00 : f32
      %ge3A_432 = vector.broadcast %ge3A_431 : f32 to vector<16xf32>
      %ge3A_433 = arith.cmpf oge, %add3A_430, %ge3A_432 : vector<16xf32>
      %mul3A_434 = arith.constant 2.000000e-01 : f32
      %mul3A_435 = vector.broadcast %mul3A_434 : f32 to vector<16xf32>
      %mul3A_436 = arith.mulf %add3A_430, %mul3A_435 : vector<16xf32>
      %select_n3A_437 = arith.select %ge3A_433, %add3A_430, %mul3A_436 : vector<16xi1>, vector<16xf32>
      %exp3A_438 = math.exp %select_n3A_437 : vector<16xf32>
      %mul3A_439 = arith.constant 4 : i32
      %mul3A_440 = vector.broadcast %mul3A_439 : i32 to vector<16xi32>
      %mul3A_441 = arith.muli %get3A_417, %mul3A_440 : vector<16xi32>
      %add3A_442 = arith.constant 0 : i32
      %add3A_443 = vector.broadcast %add3A_442 : i32 to vector<16xi32>
      %add3A_444 = arith.addi %mul3A_441, %add3A_443 : vector<16xi32>
      tpu.vector_store_idx %arg10[%add3A_444], %exp3A_438 {add = true} : memref<40960xf32, #tpu.memory_space<vmem>>[vector<16xi32>], vector<16xf32>,
      %mul3A_445 = arith.constant 4 : i32
      %mul3A_446 = vector.broadcast %mul3A_445 : i32 to vector<16xi32>
      %mul3A_447 = arith.muli %add3A_421, %mul3A_446 : vector<16xi32>
      %add3A_448 = arith.constant 0 : i32
      %add3A_449 = vector.broadcast %add3A_448 : i32 to vector<16xi32>
      %add3A_450 = arith.addi %mul3A_447, %add3A_449 : vector<16xi32>
      tpu.vector_store_idx %arg16[%add3A_450], %exp3A_438 : memref<1600xf32, #tpu.memory_space<vmem>>[vector<16xi32>], vector<16xf32>,
      %add3A_451 = arith.constant 10240 : i32
      %add3A_452 = vector.broadcast %add3A_451 : i32 to vector<16xi32>
      %add3A_453 = arith.addi %get3A_413, %add3A_452 : vector<16xi32>
      %gather3A_454 = tpu.vector_load_idx %arg8[%add3A_453] : memref<40960xf32, #tpu.memory_space<vmem>>[vector<16xi32>], vector<16xf32>,
      %add3A_455 = arith.constant 10240 : i32
      %add3A_456 = vector.broadcast %add3A_455 : i32 to vector<16xi32>
      %add3A_457 = arith.addi %get3A_417, %add3A_456 : vector<16xi32>
      %gather3A_458 = tpu.vector_load_idx %arg9[%add3A_457] : memref<40960xf32, #tpu.memory_space<vmem>>[vector<16xi32>], vector<16xf32>,
      %add3A_459 = arith.addf %gather3A_454, %gather3A_458 : vector<16xf32>
      %ge3A_460 = arith.constant 0.000000e+00 : f32
      %ge3A_461 = vector.broadcast %ge3A_460 : f32 to vector<16xf32>
      %ge3A_462 = arith.cmpf oge, %add3A_459, %ge3A_461 : vector<16xf32>
      %mul3A_463 = arith.constant 2.000000e-01 : f32
      %mul3A_464 = vector.broadcast %mul3A_463 : f32 to vector<16xf32>
      %mul3A_465 = arith.mulf %add3A_459, %mul3A_464 : vector<16xf32>
      %select_n3A_466 = arith.select %ge3A_462, %add3A_459, %mul3A_465 : vector<16xi1>, vector<16xf32>
      %exp3A_467 = math.exp %select_n3A_466 : vector<16xf32>
      %mul3A_468 = arith.constant 4 : i32
      %mul3A_469 = vector.broadcast %mul3A_468 : i32 to vector<16xi32>
      %mul3A_470 = arith.muli %get3A_417, %mul3A_469 : vector<16xi32>
      %add3A_471 = arith.constant 1 : i32
      %add3A_472 = vector.broadcast %add3A_471 : i32 to vector<16xi32>
      %add3A_473 = arith.addi %mul3A_470, %add3A_472 : vector<16xi32>
      tpu.vector_store_idx %arg10[%add3A_473], %exp3A_467 {add = true} : memref<40960xf32, #tpu.memory_space<vmem>>[vector<16xi32>], vector<16xf32>,
      %mul3A_474 = arith.constant 4 : i32
      %mul3A_475 = vector.broadcast %mul3A_474 : i32 to vector<16xi32>
      %mul3A_476 = arith.muli %add3A_421, %mul3A_475 : vector<16xi32>
      %add3A_477 = arith.constant 1 : i32
      %add3A_478 = vector.broadcast %add3A_477 : i32 to vector<16xi32>
      %add3A_479 = arith.addi %mul3A_476, %add3A_478 : vector<16xi32>
      tpu.vector_store_idx %arg16[%add3A_479], %exp3A_467 : memref<1600xf32, #tpu.memory_space<vmem>>[vector<16xi32>], vector<16xf32>,
      %add3A_480 = arith.constant 20480 : i32
      %add3A_481 = vector.broadcast %add3A_480 : i32 to vector<16xi32>
      %add3A_482 = arith.addi %get3A_413, %add3A_481 : vector<16xi32>
      %gather3A_483 = tpu.vector_load_idx %arg8[%add3A_482] : memref<40960xf32, #tpu.memory_space<vmem>>[vector<16xi32>], vector<16xf32>,
      %add3A_484 = arith.constant 20480 : i32
      %add3A_485 = vector.broadcast %add3A_484 : i32 to vector<16xi32>
      %add3A_486 = arith.addi %get3A_417, %add3A_485 : vector<16xi32>
      %gather3A_487 = tpu.vector_load_idx %arg9[%add3A_486] : memref<40960xf32, #tpu.memory_space<vmem>>[vector<16xi32>], vector<16xf32>,
      %add3A_488 = arith.addf %gather3A_483, %gather3A_487 : vector<16xf32>
      %ge3A_489 = arith.constant 0.000000e+00 : f32
      %ge3A_490 = vector.broadcast %ge3A_489 : f32 to vector<16xf32>
      %ge3A_491 = arith.cmpf oge, %add3A_488, %ge3A_490 : vector<16xf32>
      %mul3A_492 = arith.constant 2.000000e-01 : f32
      %mul3A_493 = vector.broadcast %mul3A_492 : f32 to vector<16xf32>
      %mul3A_494 = arith.mulf %add3A_488, %mul3A_493 : vector<16xf32>
      %select_n3A_495 = arith.select %ge3A_491, %add3A_488, %mul3A_494 : vector<16xi1>, vector<16xf32>
      %exp3A_496 = math.exp %select_n3A_495 : vector<16xf32>
      %mul3A_497 = arith.constant 4 : i32
      %mul3A_498 = vector.broadcast %mul3A_497 : i32 to vector<16xi32>
      %mul3A_499 = arith.muli %get3A_417, %mul3A_498 : vector<16xi32>
      %add3A_500 = arith.constant 2 : i32
      %add3A_501 = vector.broadcast %add3A_500 : i32 to vector<16xi32>
      %add3A_502 = arith.addi %mul3A_499, %add3A_501 : vector<16xi32>
      tpu.vector_store_idx %arg10[%add3A_502], %exp3A_496 {add = true} : memref<40960xf32, #tpu.memory_space<vmem>>[vector<16xi32>], vector<16xf32>,
      %mul3A_503 = arith.constant 4 : i32
      %mul3A_504 = vector.broadcast %mul3A_503 : i32 to vector<16xi32>
      %mul3A_505 = arith.muli %add3A_421, %mul3A_504 : vector<16xi32>
      %add3A_506 = arith.constant 2 : i32
      %add3A_507 = vector.broadcast %add3A_506 : i32 to vector<16xi32>
      %add3A_508 = arith.addi %mul3A_505, %add3A_507 : vector<16xi32>
      tpu.vector_store_idx %arg16[%add3A_508], %exp3A_496 : memref<1600xf32, #tpu.memory_space<vmem>>[vector<16xi32>], vector<16xf32>,
      %add3A_509 = arith.constant 30720 : i32
      %add3A_510 = vector.broadcast %add3A_509 : i32 to vector<16xi32>
      %add3A_511 = arith.addi %get3A_413, %add3A_510 : vector<16xi32>
      %gather3A_512 = tpu.vector_load_idx %arg8[%add3A_511] : memref<40960xf32, #tpu.memory_space<vmem>>[vector<16xi32>], vector<16xf32>,
      %add3A_513 = arith.constant 30720 : i32
      %add3A_514 = vector.broadcast %add3A_513 : i32 to vector<16xi32>
      %add3A_515 = arith.addi %get3A_417, %add3A_514 : vector<16xi32>
      %gather3A_516 = tpu.vector_load_idx %arg9[%add3A_515] : memref<40960xf32, #tpu.memory_space<vmem>>[vector<16xi32>], vector<16xf32>,
      %add3A_517 = arith.addf %gather3A_512, %gather3A_516 : vector<16xf32>
      %ge3A_518 = arith.constant 0.000000e+00 : f32
      %ge3A_519 = vector.broadcast %ge3A_518 : f32 to vector<16xf32>
      %ge3A_520 = arith.cmpf oge, %add3A_517, %ge3A_519 : vector<16xf32>
      %mul3A_521 = arith.constant 2.000000e-01 : f32
      %mul3A_522 = vector.broadcast %mul3A_521 : f32 to vector<16xf32>
      %mul3A_523 = arith.mulf %add3A_517, %mul3A_522 : vector<16xf32>
      %select_n3A_524 = arith.select %ge3A_520, %add3A_517, %mul3A_523 : vector<16xi1>, vector<16xf32>
      %exp3A_525 = math.exp %select_n3A_524 : vector<16xf32>
      %mul3A_526 = arith.constant 4 : i32
      %mul3A_527 = vector.broadcast %mul3A_526 : i32 to vector<16xi32>
      %mul3A_528 = arith.muli %get3A_417, %mul3A_527 : vector<16xi32>
      %add3A_529 = arith.constant 3 : i32
      %add3A_530 = vector.broadcast %add3A_529 : i32 to vector<16xi32>
      %add3A_531 = arith.addi %mul3A_528, %add3A_530 : vector<16xi32>
      tpu.vector_store_idx %arg10[%add3A_531], %exp3A_525 {add = true} : memref<40960xf32, #tpu.memory_space<vmem>>[vector<16xi32>], vector<16xf32>,
      %mul3A_532 = arith.constant 4 : i32
      %mul3A_533 = vector.broadcast %mul3A_532 : i32 to vector<16xi32>
      %mul3A_534 = arith.muli %add3A_421, %mul3A_533 : vector<16xi32>
      %add3A_535 = arith.constant 3 : i32
      %add3A_536 = vector.broadcast %add3A_535 : i32 to vector<16xi32>
      %add3A_537 = arith.addi %mul3A_534, %add3A_536 : vector<16xi32>
      tpu.vector_store_idx %arg16[%add3A_537], %exp3A_525 : memref<1600xf32, #tpu.memory_space<vmem>>[vector<16xi32>], vector<16xf32>,
      %scan3A_538 = arith.constant 25 : i32
      %mul3A_539 = arith.constant 20000 : i32
      %mul3A_540 = arith.muli %add3A, %mul3A_539 : i32
      %mul3A_541 = arith.constant 400 : i32
      %mul3A_542 = arith.muli %add3A_378, %mul3A_541 : i32
      %add3A_543 = arith.addi %mul3A_540, %mul3A_542 : i32
      %mul3A_544 = arith.constant 4 : i32
      %mul3A_545 = arith.muli %add3A_543, %mul3A_544 : i32
      %dma_start3A_546 = tpu.memref_slice %arg6[%mul3A_545] : memref<2560000xf32, #tpu.memory_space<hbm>> -> memref<1600xf32, #tpu.memory_space<hbm>>
      %dma_start3A_547 = tpu.memref_slice %arg6[%mul3A_545] : memref<2560000xf32, #tpu.memory_space<hbm>> -> memref<1600xf32, #tpu.memory_space<hbm>>
      tpu.enqueue_dma source(%arg16 : memref<1600xf32, #tpu.memory_space<vmem>>) target(%dma_start3A_547 : memref<1600xf32, #tpu.memory_space<hbm>>) target_semaphore(%arg20 : memref<!tpu.dma_semaphore, #tpu.memory_space<semaphore_mem>>)
    }
    %scan3A_192 = arith.constant 25 : i32
    %mul3A_193 = arith.constant 20000 : i32
    %mul3A_194 = arith.muli %add3A, %mul3A_193 : i32
    %add3A_195 = arith.constant 19200 : i32
    %add3A_196 = arith.addi %mul3A_194, %add3A_195 : i32
    %mul3A_197 = arith.constant 4 : i32
    %mul3A_198 = arith.muli %add3A_196, %mul3A_197 : i32
    %dma_wait3A_199 = tpu.memref_slice %arg6[%mul3A_198] : memref<2560000xf32, #tpu.memory_space<hbm>> -> memref<1600xf32, #tpu.memory_space<hbm>>
    %dma_wait3A_200 = tpu.memref_slice %arg6[%mul3A_198] : memref<2560000xf32, #tpu.memory_space<hbm>> -> memref<1600xf32, #tpu.memory_space<hbm>>
    tpu.wait_dma2 semaphore(%arg19 : memref<!tpu.dma_semaphore, #tpu.memory_space<semaphore_mem>>) src(%arg15 : memref<1600xf32, #tpu.memory_space<vmem>>) dst(%dma_wait3A_200 : memref<1600xf32, #tpu.memory_space<hbm>>)
    %mul3A_201 = arith.constant 20000 : i32
    %mul3A_202 = arith.muli %add3A, %mul3A_201 : i32
    %add3A_203 = arith.constant 19600 : i32
    %add3A_204 = arith.addi %mul3A_202, %add3A_203 : i32
    %mul3A_205 = arith.constant 4 : i32
    %mul3A_206 = arith.muli %add3A_204, %mul3A_205 : i32
    %dma_wait3A_207 = tpu.memref_slice %arg6[%mul3A_206] : memref<2560000xf32, #tpu.memory_space<hbm>> -> memref<1600xf32, #tpu.memory_space<hbm>>
    %dma_wait3A_208 = tpu.memref_slice %arg6[%mul3A_206] : memref<2560000xf32, #tpu.memory_space<hbm>> -> memref<1600xf32, #tpu.memory_space<hbm>>
    tpu.wait_dma2 semaphore(%arg20 : memref<!tpu.dma_semaphore, #tpu.memory_space<semaphore_mem>>) src(%arg16 : memref<1600xf32, #tpu.memory_space<vmem>>) dst(%dma_wait3A_208 : memref<1600xf32, #tpu.memory_space<hbm>>)
    "tpu.region"() ({
      %run_scoped3A = tpu.sem_alloc : memref<!tpu.dma_semaphore, #tpu.memory_space<semaphore_mem>>
      %dma_start3A_209 = arith.constant 0 : i32
      %dma_start3A_210 = tpu.memref_slice %arg7[%add3A, %dma_start3A_209] : memref<32x40960xf32, #tpu.memory_space<hbm>> -> memref<1x40960xf32, #tpu.memory_space<hbm>>
      %dma_start3A_211 = tpu.memref_squeeze %dma_start3A_210 : memref<1x40960xf32, #tpu.memory_space<hbm>> -> memref<40960xf32, #tpu.memory_space<hbm>>
      %dma_start3A_212 = arith.constant 0 : i32
      %dma_start3A_213 = tpu.memref_slice %arg7[%add3A, %dma_start3A_212] : memref<32x40960xf32, #tpu.memory_space<hbm>> -> memref<1x40960xf32, #tpu.memory_space<hbm>>
      %dma_start3A_214 = tpu.memref_squeeze %dma_start3A_213 : memref<1x40960xf32, #tpu.memory_space<hbm>> -> memref<40960xf32, #tpu.memory_space<hbm>>
      tpu.enqueue_dma source(%arg10 : memref<40960xf32, #tpu.memory_space<vmem>>) target(%dma_start3A_214 : memref<40960xf32, #tpu.memory_space<hbm>>) target_semaphore(%run_scoped3A : memref<!tpu.dma_semaphore, #tpu.memory_space<semaphore_mem>>)
      %dma_wait3A_215 = arith.constant 0 : i32
      %dma_wait3A_216 = tpu.memref_slice %arg7[%add3A, %dma_wait3A_215] : memref<32x40960xf32, #tpu.memory_space<hbm>> -> memref<1x40960xf32, #tpu.memory_space<hbm>>
      %dma_wait3A_217 = tpu.memref_squeeze %dma_wait3A_216 : memref<1x40960xf32, #tpu.memory_space<hbm>> -> memref<40960xf32, #tpu.memory_space<hbm>>
      %dma_wait3A_218 = arith.constant 0 : i32
      %dma_wait3A_219 = tpu.memref_slice %arg7[%add3A, %dma_wait3A_218] : memref<32x40960xf32, #tpu.memory_space<hbm>> -> memref<1x40960xf32, #tpu.memory_space<hbm>>
      %dma_wait3A_220 = tpu.memref_squeeze %dma_wait3A_219 : memref<1x40960xf32, #tpu.memory_space<hbm>> -> memref<40960xf32, #tpu.memory_space<hbm>>
      tpu.wait_dma2 semaphore(%run_scoped3A : memref<!tpu.dma_semaphore, #tpu.memory_space<semaphore_mem>>) src(%arg10 : memref<40960xf32, #tpu.memory_space<vmem>>) dst(%dma_wait3A_220 : memref<40960xf32, #tpu.memory_space<hbm>>)
      tpu.yield
    }) : () -> ()
    return
  }
}

module attributes {stable_mosaic.version = 14 : i64} {
  func.func @_tc_transpose_body(%arg0: memref<10240x4xf32, #tpu.memory_space<vmem>>, %arg1: memref<10240x4xf32, #tpu.memory_space<vmem>>, %arg2: memref<4x4xf32, #tpu.memory_space<vmem>>, %arg3: memref<4x10240xf32, #tpu.memory_space<vmem>>, %arg4: memref<4x10240xf32, #tpu.memory_space<vmem>>) attributes {dimension_semantics = [], scalar_prefetch = 0 : i64, scratch_operands = 0 : i64, tpu.core_type = #tpu.core_type<tc>} {
    %get3A = arith.constant 0 : index
    %get3A_0 = arith.constant 0 : index
    %get3A_1 = vector.load %arg2[%get3A, %get3A_0] : memref<4x4xf32, #tpu.memory_space<vmem>>, vector<4x4xf32>
    %get3A_2 = arith.constant 0 : index
    %get3A_3 = arith.constant 0 : index
    %get3A_4 = vector.load %arg0[%get3A_2, %get3A_3] : memref<10240x4xf32, #tpu.memory_space<vmem>>, vector<10240x4xf32>
    %dot_general3A = arith.constant dense<0.000000e+00> : vector<4x10240xf32>
    %dot_general3A_5 = tpu.matmul %get3A_1, %get3A_4, %dot_general3A {dimension_numbers = #tpu.dot_dimension_numbers<[1], [1], [0], [0], [0, 0, 1, 0], [], []>, transpose_lhs_hint = false} : vector<4x4xf32>, vector<10240x4xf32>, vector<4x10240xf32> -> vector<4x10240xf32>
    %swap3A = arith.constant 0 : index
    %swap3A_6 = arith.constant 0 : index
    %swap3A_7 = vector.load %arg3[%swap3A, %swap3A_6] : memref<4x10240xf32, #tpu.memory_space<vmem>>, vector<4x10240xf32>
    tpu.vector_store %arg3[%swap3A, %swap3A_6], %dot_general3A_5 {strides = array<i32>} : memref<4x10240xf32, #tpu.memory_space<vmem>>, vector<4x10240xf32>,
    %get3A_8 = arith.constant 0 : index
    %get3A_9 = arith.constant 0 : index
    %get3A_10 = vector.load %arg1[%get3A_8, %get3A_9] : memref<10240x4xf32, #tpu.memory_space<vmem>>, vector<10240x4xf32>
    %dot_general3A_11 = arith.constant dense<0.000000e+00> : vector<4x10240xf32>
    %dot_general3A_12 = tpu.matmul %get3A_1, %get3A_10, %dot_general3A_11 {dimension_numbers = #tpu.dot_dimension_numbers<[1], [1], [0], [0], [0, 0, 1, 0], [], []>, transpose_lhs_hint = false} : vector<4x4xf32>, vector<10240x4xf32>, vector<4x10240xf32> -> vector<4x10240xf32>
    %swap3A_13 = arith.constant 0 : index
    %swap3A_14 = arith.constant 0 : index
    %swap3A_15 = vector.load %arg4[%swap3A_13, %swap3A_14] : memref<4x10240xf32, #tpu.memory_space<vmem>>, vector<4x10240xf32>
    tpu.vector_store %arg4[%swap3A_13, %swap3A_14], %dot_general3A_12 {strides = array<i32>} : memref<4x10240xf32, #tpu.memory_space<vmem>>, vector<4x10240xf32>,
    return
  }
}

module attributes {stable_mosaic.version = 14 : i64} {
  func.func @_tc_project_body(%arg0: i32, %arg1: memref<2000x128xf32, #tpu.memory_space<vmem>>, %arg2: memref<128x128xf32, #tpu.memory_space<vmem>>, %arg3: memref<4x32xf32, #tpu.memory_space<vmem>>, %arg4: memref<4x32xf32, #tpu.memory_space<vmem>>, %arg5: memref<2000x128xf32, #tpu.memory_space<vmem>>, %arg6: memref<2000x4xf32, #tpu.memory_space<vmem>>, %arg7: memref<2000x4xf32, #tpu.memory_space<vmem>>) attributes {dimension_semantics = [#tpu.dimension_semantics<arbitrary>], iteration_bounds = array<i64: 5>, scalar_prefetch = 0 : i64, scratch_operands = 0 : i64, tpu.core_type = #tpu.core_type<tc>, window_params = [{transform_indices = @transform_0, window_bounds = array<i64: 2000, 128>}, {pipeline_mode = #tpu.pipeline_mode<synchronous>, transform_indices = @transform_1, window_bounds = array<i64: 128, 128>}, {pipeline_mode = #tpu.pipeline_mode<synchronous>, transform_indices = @transform_2, window_bounds = array<i64: 4, 32>}, {pipeline_mode = #tpu.pipeline_mode<synchronous>, transform_indices = @transform_3, window_bounds = array<i64: 4, 32>}, {transform_indices = @transform_4, window_bounds = array<i64: 2000, 128>}, {transform_indices = @transform_5, window_bounds = array<i64: 2000, 4>}, {transform_indices = @transform_6, window_bounds = array<i64: 2000, 4>}]} {
    %get3A = arith.constant 0 : index
    %get3A_0 = arith.constant 0 : index
    %get3A_1 = vector.load %arg1[%get3A, %get3A_0] : memref<2000x128xf32, #tpu.memory_space<vmem>>, vector<2000x128xf32>
    %get3A_2 = arith.constant 0 : index
    %get3A_3 = arith.constant 0 : index
    %get3A_4 = vector.load %arg2[%get3A_2, %get3A_3] : memref<128x128xf32, #tpu.memory_space<vmem>>, vector<128x128xf32>
    %dot_general3A = arith.constant dense<0.000000e+00> : vector<2000x128xf32>
    %dot_general3A_5 = tpu.matmul %get3A_1, %get3A_4, %dot_general3A {dimension_numbers = #tpu.dot_dimension_numbers<[1], [1], [0], [0], [0, 0, 1, 0], [], []>, transpose_lhs_hint = false} : vector<2000x128xf32>, vector<128x128xf32>, vector<2000x128xf32> -> vector<2000x128xf32>
    %swap3A = arith.constant 0 : index
    %swap3A_6 = arith.constant 0 : index
    %swap3A_7 = vector.load %arg5[%swap3A, %swap3A_6] : memref<2000x128xf32, #tpu.memory_space<vmem>>, vector<2000x128xf32>
    tpu.vector_store %arg5[%swap3A, %swap3A_6], %dot_general3A_5 {strides = array<i32>} : memref<2000x128xf32, #tpu.memory_space<vmem>>, vector<2000x128xf32>,
    %slice3A = vector.extract_strided_slice %dot_general3A_5 {offsets = [0, 0], sizes = [2000, 32], strides = [1, 1]} : vector<2000x128xf32> to vector<2000x32xf32>
    %get3A_8 = arith.constant 0 : index
    %get3A_9 = arith.constant 0 : index
    %get3A_10 = vector.load %arg3[%get3A_8, %get3A_9] : memref<4x32xf32, #tpu.memory_space<vmem>>, vector<1x32xf32>
    %mul3A = vector.broadcast %get3A_10 : vector<1x32xf32> to vector<2000x32xf32>
    %mul3A_11 = arith.mulf %slice3A, %mul3A : vector<2000x32xf32>
    %reduce_sum3A = arith.constant dense<0.000000e+00> : vector<2000xf32>
    %reduce_sum3A_12 = vector.multi_reduction <add>, %mul3A_11, %reduce_sum3A [1] : vector<2000x32xf32> to vector<2000xf32>
    %broadcast_in_dim3A = vector.shape_cast %reduce_sum3A_12 : vector<2000xf32> to vector<2000x1xf32>
    %swap3A_13 = arith.constant 0 : index
    %swap3A_14 = arith.constant 0 : index
    %swap3A_15 = vector.load %arg6[%swap3A_13, %swap3A_14] : memref<2000x4xf32, #tpu.memory_space<vmem>>, vector<2000x1xf32>
    tpu.vector_store %arg6[%swap3A_13, %swap3A_14], %broadcast_in_dim3A {strides = array<i32>} : memref<2000x4xf32, #tpu.memory_space<vmem>>, vector<2000x1xf32>,
    %get3A_16 = arith.constant 0 : index
    %get3A_17 = arith.constant 0 : index
    %get3A_18 = vector.load %arg4[%get3A_16, %get3A_17] : memref<4x32xf32, #tpu.memory_space<vmem>>, vector<1x32xf32>
    %mul3A_19 = vector.broadcast %get3A_18 : vector<1x32xf32> to vector<2000x32xf32>
    %mul3A_20 = arith.mulf %slice3A, %mul3A_19 : vector<2000x32xf32>
    %reduce_sum3A_21 = arith.constant dense<0.000000e+00> : vector<2000xf32>
    %reduce_sum3A_22 = vector.multi_reduction <add>, %mul3A_20, %reduce_sum3A_21 [1] : vector<2000x32xf32> to vector<2000xf32>
    %broadcast_in_dim3A_23 = vector.shape_cast %reduce_sum3A_22 : vector<2000xf32> to vector<2000x1xf32>
    %swap3A_24 = arith.constant 0 : index
    %swap3A_25 = arith.constant 0 : index
    %swap3A_26 = vector.load %arg7[%swap3A_24, %swap3A_25] : memref<2000x4xf32, #tpu.memory_space<vmem>>, vector<2000x1xf32>
    tpu.vector_store %arg7[%swap3A_24, %swap3A_25], %broadcast_in_dim3A_23 {strides = array<i32>} : memref<2000x4xf32, #tpu.memory_space<vmem>>, vector<2000x1xf32>,
    %slice3A_27 = vector.extract_strided_slice %dot_general3A_5 {offsets = [0, 32], sizes = [2000, 32], strides = [1, 1]} : vector<2000x128xf32> to vector<2000x32xf32>
    %get3A_28 = arith.constant 1 : index
    %get3A_29 = arith.constant 0 : index
    %get3A_30 = vector.load %arg3[%get3A_28, %get3A_29] : memref<4x32xf32, #tpu.memory_space<vmem>>, vector<1x32xf32>
    %mul3A_31 = vector.broadcast %get3A_30 : vector<1x32xf32> to vector<2000x32xf32>
    %mul3A_32 = arith.mulf %slice3A_27, %mul3A_31 : vector<2000x32xf32>
    %reduce_sum3A_33 = arith.constant dense<0.000000e+00> : vector<2000xf32>
    %reduce_sum3A_34 = vector.multi_reduction <add>, %mul3A_32, %reduce_sum3A_33 [1] : vector<2000x32xf32> to vector<2000xf32>
    %broadcast_in_dim3A_35 = vector.shape_cast %reduce_sum3A_34 : vector<2000xf32> to vector<2000x1xf32>
    %swap3A_36 = arith.constant 0 : index
    %swap3A_37 = arith.constant 1 : index
    %swap3A_38 = vector.load %arg6[%swap3A_36, %swap3A_37] : memref<2000x4xf32, #tpu.memory_space<vmem>>, vector<2000x1xf32>
    tpu.vector_store %arg6[%swap3A_36, %swap3A_37], %broadcast_in_dim3A_35 {strides = array<i32>} : memref<2000x4xf32, #tpu.memory_space<vmem>>, vector<2000x1xf32>,
    %get3A_39 = arith.constant 1 : index
    %get3A_40 = arith.constant 0 : index
    %get3A_41 = vector.load %arg4[%get3A_39, %get3A_40] : memref<4x32xf32, #tpu.memory_space<vmem>>, vector<1x32xf32>
    %mul3A_42 = vector.broadcast %get3A_41 : vector<1x32xf32> to vector<2000x32xf32>
    %mul3A_43 = arith.mulf %slice3A_27, %mul3A_42 : vector<2000x32xf32>
    %reduce_sum3A_44 = arith.constant dense<0.000000e+00> : vector<2000xf32>
    %reduce_sum3A_45 = vector.multi_reduction <add>, %mul3A_43, %reduce_sum3A_44 [1] : vector<2000x32xf32> to vector<2000xf32>
    %broadcast_in_dim3A_46 = vector.shape_cast %reduce_sum3A_45 : vector<2000xf32> to vector<2000x1xf32>
    %swap3A_47 = arith.constant 0 : index
    %swap3A_48 = arith.constant 1 : index
    %swap3A_49 = vector.load %arg7[%swap3A_47, %swap3A_48] : memref<2000x4xf32, #tpu.memory_space<vmem>>, vector<2000x1xf32>
    tpu.vector_store %arg7[%swap3A_47, %swap3A_48], %broadcast_in_dim3A_46 {strides = array<i32>} : memref<2000x4xf32, #tpu.memory_space<vmem>>, vector<2000x1xf32>,
    %slice3A_50 = vector.extract_strided_slice %dot_general3A_5 {offsets = [0, 64], sizes = [2000, 32], strides = [1, 1]} : vector<2000x128xf32> to vector<2000x32xf32>
    %get3A_51 = arith.constant 2 : index
    %get3A_52 = arith.constant 0 : index
    %get3A_53 = vector.load %arg3[%get3A_51, %get3A_52] : memref<4x32xf32, #tpu.memory_space<vmem>>, vector<1x32xf32>
    %mul3A_54 = vector.broadcast %get3A_53 : vector<1x32xf32> to vector<2000x32xf32>
    %mul3A_55 = arith.mulf %slice3A_50, %mul3A_54 : vector<2000x32xf32>
    %reduce_sum3A_56 = arith.constant dense<0.000000e+00> : vector<2000xf32>
    %reduce_sum3A_57 = vector.multi_reduction <add>, %mul3A_55, %reduce_sum3A_56 [1] : vector<2000x32xf32> to vector<2000xf32>
    %broadcast_in_dim3A_58 = vector.shape_cast %reduce_sum3A_57 : vector<2000xf32> to vector<2000x1xf32>
    %swap3A_59 = arith.constant 0 : index
    %swap3A_60 = arith.constant 2 : index
    %swap3A_61 = vector.load %arg6[%swap3A_59, %swap3A_60] : memref<2000x4xf32, #tpu.memory_space<vmem>>, vector<2000x1xf32>
    tpu.vector_store %arg6[%swap3A_59, %swap3A_60], %broadcast_in_dim3A_58 {strides = array<i32>} : memref<2000x4xf32, #tpu.memory_space<vmem>>, vector<2000x1xf32>,
    %get3A_62 = arith.constant 2 : index
    %get3A_63 = arith.constant 0 : index
    %get3A_64 = vector.load %arg4[%get3A_62, %get3A_63] : memref<4x32xf32, #tpu.memory_space<vmem>>, vector<1x32xf32>
    %mul3A_65 = vector.broadcast %get3A_64 : vector<1x32xf32> to vector<2000x32xf32>
    %mul3A_66 = arith.mulf %slice3A_50, %mul3A_65 : vector<2000x32xf32>
    %reduce_sum3A_67 = arith.constant dense<0.000000e+00> : vector<2000xf32>
    %reduce_sum3A_68 = vector.multi_reduction <add>, %mul3A_66, %reduce_sum3A_67 [1] : vector<2000x32xf32> to vector<2000xf32>
    %broadcast_in_dim3A_69 = vector.shape_cast %reduce_sum3A_68 : vector<2000xf32> to vector<2000x1xf32>
    %swap3A_70 = arith.constant 0 : index
    %swap3A_71 = arith.constant 2 : index
    %swap3A_72 = vector.load %arg7[%swap3A_70, %swap3A_71] : memref<2000x4xf32, #tpu.memory_space<vmem>>, vector<2000x1xf32>
    tpu.vector_store %arg7[%swap3A_70, %swap3A_71], %broadcast_in_dim3A_69 {strides = array<i32>} : memref<2000x4xf32, #tpu.memory_space<vmem>>, vector<2000x1xf32>,
    %slice3A_73 = vector.extract_strided_slice %dot_general3A_5 {offsets = [0, 96], sizes = [2000, 32], strides = [1, 1]} : vector<2000x128xf32> to vector<2000x32xf32>
    %get3A_74 = arith.constant 3 : index
    %get3A_75 = arith.constant 0 : index
    %get3A_76 = vector.load %arg3[%get3A_74, %get3A_75] : memref<4x32xf32, #tpu.memory_space<vmem>>, vector<1x32xf32>
    %mul3A_77 = vector.broadcast %get3A_76 : vector<1x32xf32> to vector<2000x32xf32>
    %mul3A_78 = arith.mulf %slice3A_73, %mul3A_77 : vector<2000x32xf32>
    %reduce_sum3A_79 = arith.constant dense<0.000000e+00> : vector<2000xf32>
    %reduce_sum3A_80 = vector.multi_reduction <add>, %mul3A_78, %reduce_sum3A_79 [1] : vector<2000x32xf32> to vector<2000xf32>
    %broadcast_in_dim3A_81 = vector.shape_cast %reduce_sum3A_80 : vector<2000xf32> to vector<2000x1xf32>
    %swap3A_82 = arith.constant 0 : index
    %swap3A_83 = arith.constant 3 : index
    %swap3A_84 = vector.load %arg6[%swap3A_82, %swap3A_83] : memref<2000x4xf32, #tpu.memory_space<vmem>>, vector<2000x1xf32>
    tpu.vector_store %arg6[%swap3A_82, %swap3A_83], %broadcast_in_dim3A_81 {strides = array<i32>} : memref<2000x4xf32, #tpu.memory_space<vmem>>, vector<2000x1xf32>,
    %get3A_85 = arith.constant 3 : index
    %get3A_86 = arith.constant 0 : index
    %get3A_87 = vector.load %arg4[%get3A_85, %get3A_86] : memref<4x32xf32, #tpu.memory_space<vmem>>, vector<1x32xf32>
    %mul3A_88 = vector.broadcast %get3A_87 : vector<1x32xf32> to vector<2000x32xf32>
    %mul3A_89 = arith.mulf %slice3A_73, %mul3A_88 : vector<2000x32xf32>
    %reduce_sum3A_90 = arith.constant dense<0.000000e+00> : vector<2000xf32>
    %reduce_sum3A_91 = vector.multi_reduction <add>, %mul3A_89, %reduce_sum3A_90 [1] : vector<2000x32xf32> to vector<2000xf32>
    %broadcast_in_dim3A_92 = vector.shape_cast %reduce_sum3A_91 : vector<2000xf32> to vector<2000x1xf32>
    %swap3A_93 = arith.constant 0 : index
    %swap3A_94 = arith.constant 3 : index
    %swap3A_95 = vector.load %arg7[%swap3A_93, %swap3A_94] : memref<2000x4xf32, #tpu.memory_space<vmem>>, vector<2000x1xf32>
    tpu.vector_store %arg7[%swap3A_93, %swap3A_94], %broadcast_in_dim3A_92 {strides = array<i32>} : memref<2000x4xf32, #tpu.memory_space<vmem>>, vector<2000x1xf32>,
    return
  }
  func.func @transform_0(%arg0: i32) -> (i32, i32) {
    %c0_i32 = arith.constant 0 : i32
    %c0_i32_0 = arith.constant 0 : i32
    return %arg0, %c0_i32 : i32, i32
  }
  func.func @transform_1(%arg0: i32) -> (i32, i32) {
    %c0_i32 = arith.constant 0 : i32
    %c0_i32_0 = arith.constant 0 : i32
    %c0_i32_1 = arith.constant 0 : i32
    return %c0_i32, %c0_i32_0 : i32, i32
  }
  func.func @transform_2(%arg0: i32) -> (i32, i32) {
    %c0_i32 = arith.constant 0 : i32
    %c0_i32_0 = arith.constant 0 : i32
    %c0_i32_1 = arith.constant 0 : i32
    return %c0_i32, %c0_i32_0 : i32, i32
  }
  func.func @transform_3(%arg0: i32) -> (i32, i32) {
    %c0_i32 = arith.constant 0 : i32
    %c0_i32_0 = arith.constant 0 : i32
    %c0_i32_1 = arith.constant 0 : i32
    return %c0_i32, %c0_i32_0 : i32, i32
  }
  func.func @transform_4(%arg0: i32) -> (i32, i32) {
    %c0_i32 = arith.constant 0 : i32
    %c0_i32_0 = arith.constant 0 : i32
    return %arg0, %c0_i32 : i32, i32
  }
  func.func @transform_5(%arg0: i32) -> (i32, i32) {
    %c0_i32 = arith.constant 0 : i32
    %c0_i32_0 = arith.constant 0 : i32
    return %arg0, %c0_i32 : i32, i32
  }
  func.func @transform_6(%arg0: i32) -> (i32, i32) {
    %c0_i32 = arith.constant 0 : i32
    %c0_i32_0 = arith.constant 0 : i32
    return %arg0, %c0_i32 : i32, i32
  }
}

module attributes {stable_mosaic.version = 14 : i64} {
  func.func @_tc_densum_body(%arg0: i32, %arg1: memref<32x40x128xf32, #tpu.memory_space<vmem>>, %arg2: memref<40x128xf32, #tpu.memory_space<vmem>>) attributes {dimension_semantics = [#tpu.dimension_semantics<arbitrary>], iteration_bounds = array<i64: 8>, scalar_prefetch = 0 : i64, scratch_operands = 0 : i64, tpu.core_type = #tpu.core_type<tc>, window_params = [{transform_indices = @transform_0, window_bounds = array<i64: 32, 40, 128>}, {transform_indices = @transform_1, window_bounds = array<i64: 40, 128>}]} {
    %get3A = arith.constant 0 : index
    %get3A_0 = arith.constant 0 : index
    %get3A_1 = arith.constant 0 : index
    %get3A_2 = vector.load %arg1[%get3A, %get3A_0, %get3A_1] : memref<32x40x128xf32, #tpu.memory_space<vmem>>, vector<32x40x128xf32>
    %reduce_sum3A = arith.constant dense<0.000000e+00> : vector<40x128xf32>
    %reduce_sum3A_3 = vector.multi_reduction <add>, %get3A_2, %reduce_sum3A [0] : vector<32x40x128xf32> to vector<40x128xf32>
    %swap3A = arith.constant 0 : index
    %swap3A_4 = arith.constant 0 : index
    %swap3A_5 = vector.load %arg2[%swap3A, %swap3A_4] : memref<40x128xf32, #tpu.memory_space<vmem>>, vector<40x128xf32>
    tpu.vector_store %arg2[%swap3A, %swap3A_4], %reduce_sum3A_3 {strides = array<i32>} : memref<40x128xf32, #tpu.memory_space<vmem>>, vector<40x128xf32>,
    return
  }
  func.func @transform_0(%arg0: i32) -> (i32, i32, i32) {
    %c0_i32 = arith.constant 0 : i32
    %c0_i32_0 = arith.constant 0 : i32
    %c0_i32_1 = arith.constant 0 : i32
    return %c0_i32, %arg0, %c0_i32_0 : i32, i32, i32
  }
  func.func @transform_1(%arg0: i32) -> (i32, i32) {
    %c0_i32 = arith.constant 0 : i32
    %c0_i32_0 = arith.constant 0 : i32
    return %arg0, %c0_i32 : i32, i32
  }
}

module attributes {stable_mosaic.version = 14 : i64} {
  func.func @_tc_fin_body(%arg0: i32, %arg1: memref<2x2000x128xf32, #tpu.memory_space<vmem>>, %arg2: memref<2000x4xf32, #tpu.memory_space<vmem>>, %arg3: memref<2000x4xf32, #tpu.memory_space<vmem>>, %arg4: memref<2000x4xf32, #tpu.memory_space<vmem>>, %arg5: memref<2000x128xf32, #tpu.memory_space<vmem>>, %arg6: memref<1x128xf32, #tpu.memory_space<vmem>>, %arg7: memref<2000x128xf32, #tpu.memory_space<vmem>>) attributes {dimension_semantics = [#tpu.dimension_semantics<arbitrary>], iteration_bounds = array<i64: 5>, scalar_prefetch = 0 : i64, scratch_operands = 0 : i64, tpu.core_type = #tpu.core_type<tc>, window_params = [{transform_indices = @transform_0, window_bounds = array<i64: 2, 2000, 128>}, {transform_indices = @transform_1, window_bounds = array<i64: 2000, 4>}, {transform_indices = @transform_2, window_bounds = array<i64: 2000, 4>}, {transform_indices = @transform_3, window_bounds = array<i64: 2000, 4>}, {transform_indices = @transform_4, window_bounds = array<i64: 2000, 128>}, {pipeline_mode = #tpu.pipeline_mode<synchronous>, transform_indices = @transform_5, window_bounds = array<i64: 1, 128>}, {transform_indices = @transform_6, window_bounds = array<i64: 2000, 128>}]} {
    %get3A = arith.constant 0 : index
    %get3A_0 = arith.constant 0 : index
    %get3A_1 = arith.constant 0 : index
    %get3A_2 = vector.load %arg1[%get3A, %get3A_0, %get3A_1] : memref<2x2000x128xf32, #tpu.memory_space<vmem>>, vector<1x2000x128xf32>
    %get3A_3 = vector.shape_cast %get3A_2 : vector<1x2000x128xf32> to vector<2000x128xf32>
    %get3A_4 = arith.constant 1 : index
    %get3A_5 = arith.constant 0 : index
    %get3A_6 = arith.constant 0 : index
    %get3A_7 = vector.load %arg1[%get3A_4, %get3A_5, %get3A_6] : memref<2x2000x128xf32, #tpu.memory_space<vmem>>, vector<1x2000x128xf32>
    %get3A_8 = vector.shape_cast %get3A_7 : vector<1x2000x128xf32> to vector<2000x128xf32>
    %add3A = arith.addf %get3A_3, %get3A_8 : vector<2000x128xf32>
    %get3A_9 = arith.constant 0 : index
    %get3A_10 = arith.constant 0 : index
    %get3A_11 = vector.load %arg2[%get3A_9, %get3A_10] : memref<2000x4xf32, #tpu.memory_space<vmem>>, vector<2000x4xf32>
    %get3A_12 = arith.constant 0 : index
    %get3A_13 = arith.constant 0 : index
    %get3A_14 = vector.load %arg3[%get3A_12, %get3A_13] : memref<2000x4xf32, #tpu.memory_space<vmem>>, vector<2000x4xf32>
    %get3A_15 = arith.constant 0 : index
    %get3A_16 = arith.constant 0 : index
    %get3A_17 = vector.load %arg4[%get3A_15, %get3A_16] : memref<2000x4xf32, #tpu.memory_space<vmem>>, vector<2000x4xf32>
    %add3A_18 = arith.addf %get3A_14, %get3A_17 : vector<2000x4xf32>
    %ge3A = arith.constant 0.000000e+00 : f32
    %ge3A_19 = vector.broadcast %ge3A : f32 to vector<2000x4xf32>
    %ge3A_20 = arith.cmpf oge, %add3A_18, %ge3A_19 : vector<2000x4xf32>
    %mul3A = arith.constant 2.000000e-01 : f32
    %mul3A_21 = vector.broadcast %mul3A : f32 to vector<2000x4xf32>
    %mul3A_22 = arith.mulf %add3A_18, %mul3A_21 : vector<2000x4xf32>
    %select_n3A = arith.select %ge3A_20, %add3A_18, %mul3A_22 : vector<2000x4xi1>, vector<2000x4xf32>
    %exp3A = math.exp %select_n3A : vector<2000x4xf32>
    %get3A_23 = arith.constant 0 : index
    %get3A_24 = arith.constant 0 : index
    %get3A_25 = vector.load %arg5[%get3A_23, %get3A_24] : memref<2000x128xf32, #tpu.memory_space<vmem>>, vector<2000x128xf32>
    %slice3A = vector.extract_strided_slice %add3A {offsets = [0, 0], sizes = [2000, 32], strides = [1, 1]} : vector<2000x128xf32> to vector<2000x32xf32>
    %slice3A_26 = vector.extract_strided_slice %exp3A {offsets = [0, 0], sizes = [2000, 1], strides = [1, 1]} : vector<2000x4xf32> to vector<2000x1xf32>
    %slice3A_27 = vector.extract_strided_slice %get3A_25 {offsets = [0, 0], sizes = [2000, 32], strides = [1, 1]} : vector<2000x128xf32> to vector<2000x32xf32>
    %mul3A_28 = vector.broadcast %slice3A_26 : vector<2000x1xf32> to vector<2000x32xf32>
    %mul3A_29 = arith.mulf %mul3A_28, %slice3A_27 : vector<2000x32xf32>
    %add3A_30 = arith.addf %slice3A, %mul3A_29 : vector<2000x32xf32>
    %slice3A_31 = vector.extract_strided_slice %get3A_11 {offsets = [0, 0], sizes = [2000, 1], strides = [1, 1]} : vector<2000x4xf32> to vector<2000x1xf32>
    %slice3A_32 = vector.extract_strided_slice %exp3A {offsets = [0, 0], sizes = [2000, 1], strides = [1, 1]} : vector<2000x4xf32> to vector<2000x1xf32>
    %add3A_33 = arith.addf %slice3A_31, %slice3A_32 : vector<2000x1xf32>
    %add3A_34 = arith.constant 1.000000e-16 : f32
    %add3A_35 = vector.broadcast %add3A_34 : f32 to vector<2000x1xf32>
    %add3A_36 = arith.addf %add3A_33, %add3A_35 : vector<2000x1xf32>
    %div3A = vector.broadcast %add3A_36 : vector<2000x1xf32> to vector<2000x32xf32>
    %div3A_37 = arith.divf %add3A_30, %div3A : vector<2000x32xf32>
    %get3A_38 = arith.constant 0 : index
    %get3A_39 = arith.constant 0 : index
    %get3A_40 = vector.load %arg6[%get3A_38, %get3A_39] : memref<1x128xf32, #tpu.memory_space<vmem>>, vector<1x32xf32>
    %get3A_41 = vector.shape_cast %get3A_40 : vector<1x32xf32> to vector<32xf32>
    %broadcast_in_dim3A = vector.shape_cast %get3A_41 : vector<32xf32> to vector<1x32xf32>
    %add3A_42 = vector.broadcast %broadcast_in_dim3A : vector<1x32xf32> to vector<2000x32xf32>
    %add3A_43 = arith.addf %div3A_37, %add3A_42 : vector<2000x32xf32>
    %swap3A = arith.constant 0 : index
    %swap3A_44 = arith.constant 0 : index
    %swap3A_45 = vector.load %arg7[%swap3A, %swap3A_44] : memref<2000x128xf32, #tpu.memory_space<vmem>>, vector<2000x32xf32>
    tpu.vector_store %arg7[%swap3A, %swap3A_44], %add3A_43 {strides = array<i32>} : memref<2000x128xf32, #tpu.memory_space<vmem>>, vector<2000x32xf32>,
    %slice3A_46 = vector.extract_strided_slice %add3A {offsets = [0, 32], sizes = [2000, 32], strides = [1, 1]} : vector<2000x128xf32> to vector<2000x32xf32>
    %slice3A_47 = vector.extract_strided_slice %exp3A {offsets = [0, 1], sizes = [2000, 1], strides = [1, 1]} : vector<2000x4xf32> to vector<2000x1xf32>
    %slice3A_48 = vector.extract_strided_slice %get3A_25 {offsets = [0, 32], sizes = [2000, 32], strides = [1, 1]} : vector<2000x128xf32> to vector<2000x32xf32>
    %mul3A_49 = vector.broadcast %slice3A_47 : vector<2000x1xf32> to vector<2000x32xf32>
    %mul3A_50 = arith.mulf %mul3A_49, %slice3A_48 : vector<2000x32xf32>
    %add3A_51 = arith.addf %slice3A_46, %mul3A_50 : vector<2000x32xf32>
    %slice3A_52 = vector.extract_strided_slice %get3A_11 {offsets = [0, 1], sizes = [2000, 1], strides = [1, 1]} : vector<2000x4xf32> to vector<2000x1xf32>
    %slice3A_53 = vector.extract_strided_slice %exp3A {offsets = [0, 1], sizes = [2000, 1], strides = [1, 1]} : vector<2000x4xf32> to vector<2000x1xf32>
    %add3A_54 = arith.addf %slice3A_52, %slice3A_53 : vector<2000x1xf32>
    %add3A_55 = arith.constant 1.000000e-16 : f32
    %add3A_56 = vector.broadcast %add3A_55 : f32 to vector<2000x1xf32>
    %add3A_57 = arith.addf %add3A_54, %add3A_56 : vector<2000x1xf32>
    %div3A_58 = vector.broadcast %add3A_57 : vector<2000x1xf32> to vector<2000x32xf32>
    %div3A_59 = arith.divf %add3A_51, %div3A_58 : vector<2000x32xf32>
    %get3A_60 = arith.constant 0 : index
    %get3A_61 = arith.constant 32 : index
    %get3A_62 = vector.load %arg6[%get3A_60, %get3A_61] : memref<1x128xf32, #tpu.memory_space<vmem>>, vector<1x32xf32>
    %get3A_63 = vector.shape_cast %get3A_62 : vector<1x32xf32> to vector<32xf32>
    %broadcast_in_dim3A_64 = vector.shape_cast %get3A_63 : vector<32xf32> to vector<1x32xf32>
    %add3A_65 = vector.broadcast %broadcast_in_dim3A_64 : vector<1x32xf32> to vector<2000x32xf32>
    %add3A_66 = arith.addf %div3A_59, %add3A_65 : vector<2000x32xf32>
    %swap3A_67 = arith.constant 0 : index
    %swap3A_68 = arith.constant 32 : index
    %swap3A_69 = vector.load %arg7[%swap3A_67, %swap3A_68] : memref<2000x128xf32, #tpu.memory_space<vmem>>, vector<2000x32xf32>
    tpu.vector_store %arg7[%swap3A_67, %swap3A_68], %add3A_66 {strides = array<i32>} : memref<2000x128xf32, #tpu.memory_space<vmem>>, vector<2000x32xf32>,
    %slice3A_70 = vector.extract_strided_slice %add3A {offsets = [0, 64], sizes = [2000, 32], strides = [1, 1]} : vector<2000x128xf32> to vector<2000x32xf32>
    %slice3A_71 = vector.extract_strided_slice %exp3A {offsets = [0, 2], sizes = [2000, 1], strides = [1, 1]} : vector<2000x4xf32> to vector<2000x1xf32>
    %slice3A_72 = vector.extract_strided_slice %get3A_25 {offsets = [0, 64], sizes = [2000, 32], strides = [1, 1]} : vector<2000x128xf32> to vector<2000x32xf32>
    %mul3A_73 = vector.broadcast %slice3A_71 : vector<2000x1xf32> to vector<2000x32xf32>
    %mul3A_74 = arith.mulf %mul3A_73, %slice3A_72 : vector<2000x32xf32>
    %add3A_75 = arith.addf %slice3A_70, %mul3A_74 : vector<2000x32xf32>
    %slice3A_76 = vector.extract_strided_slice %get3A_11 {offsets = [0, 2], sizes = [2000, 1], strides = [1, 1]} : vector<2000x4xf32> to vector<2000x1xf32>
    %slice3A_77 = vector.extract_strided_slice %exp3A {offsets = [0, 2], sizes = [2000, 1], strides = [1, 1]} : vector<2000x4xf32> to vector<2000x1xf32>
    %add3A_78 = arith.addf %slice3A_76, %slice3A_77 : vector<2000x1xf32>
    %add3A_79 = arith.constant 1.000000e-16 : f32
    %add3A_80 = vector.broadcast %add3A_79 : f32 to vector<2000x1xf32>
    %add3A_81 = arith.addf %add3A_78, %add3A_80 : vector<2000x1xf32>
    %div3A_82 = vector.broadcast %add3A_81 : vector<2000x1xf32> to vector<2000x32xf32>
    %div3A_83 = arith.divf %add3A_75, %div3A_82 : vector<2000x32xf32>
    %get3A_84 = arith.constant 0 : index
    %get3A_85 = arith.constant 64 : index
    %get3A_86 = vector.load %arg6[%get3A_84, %get3A_85] : memref<1x128xf32, #tpu.memory_space<vmem>>, vector<1x32xf32>
    %get3A_87 = vector.shape_cast %get3A_86 : vector<1x32xf32> to vector<32xf32>
    %broadcast_in_dim3A_88 = vector.shape_cast %get3A_87 : vector<32xf32> to vector<1x32xf32>
    %add3A_89 = vector.broadcast %broadcast_in_dim3A_88 : vector<1x32xf32> to vector<2000x32xf32>
    %add3A_90 = arith.addf %div3A_83, %add3A_89 : vector<2000x32xf32>
    %swap3A_91 = arith.constant 0 : index
    %swap3A_92 = arith.constant 64 : index
    %swap3A_93 = vector.load %arg7[%swap3A_91, %swap3A_92] : memref<2000x128xf32, #tpu.memory_space<vmem>>, vector<2000x32xf32>
    tpu.vector_store %arg7[%swap3A_91, %swap3A_92], %add3A_90 {strides = array<i32>} : memref<2000x128xf32, #tpu.memory_space<vmem>>, vector<2000x32xf32>,
    %slice3A_94 = vector.extract_strided_slice %add3A {offsets = [0, 96], sizes = [2000, 32], strides = [1, 1]} : vector<2000x128xf32> to vector<2000x32xf32>
    %slice3A_95 = vector.extract_strided_slice %exp3A {offsets = [0, 3], sizes = [2000, 1], strides = [1, 1]} : vector<2000x4xf32> to vector<2000x1xf32>
    %slice3A_96 = vector.extract_strided_slice %get3A_25 {offsets = [0, 96], sizes = [2000, 32], strides = [1, 1]} : vector<2000x128xf32> to vector<2000x32xf32>
    %mul3A_97 = vector.broadcast %slice3A_95 : vector<2000x1xf32> to vector<2000x32xf32>
    %mul3A_98 = arith.mulf %mul3A_97, %slice3A_96 : vector<2000x32xf32>
    %add3A_99 = arith.addf %slice3A_94, %mul3A_98 : vector<2000x32xf32>
    %slice3A_100 = vector.extract_strided_slice %get3A_11 {offsets = [0, 3], sizes = [2000, 1], strides = [1, 1]} : vector<2000x4xf32> to vector<2000x1xf32>
    %slice3A_101 = vector.extract_strided_slice %exp3A {offsets = [0, 3], sizes = [2000, 1], strides = [1, 1]} : vector<2000x4xf32> to vector<2000x1xf32>
    %add3A_102 = arith.addf %slice3A_100, %slice3A_101 : vector<2000x1xf32>
    %add3A_103 = arith.constant 1.000000e-16 : f32
    %add3A_104 = vector.broadcast %add3A_103 : f32 to vector<2000x1xf32>
    %add3A_105 = arith.addf %add3A_102, %add3A_104 : vector<2000x1xf32>
    %div3A_106 = vector.broadcast %add3A_105 : vector<2000x1xf32> to vector<2000x32xf32>
    %div3A_107 = arith.divf %add3A_99, %div3A_106 : vector<2000x32xf32>
    %get3A_108 = arith.constant 0 : index
    %get3A_109 = arith.constant 96 : index
    %get3A_110 = vector.load %arg6[%get3A_108, %get3A_109] : memref<1x128xf32, #tpu.memory_space<vmem>>, vector<1x32xf32>
    %get3A_111 = vector.shape_cast %get3A_110 : vector<1x32xf32> to vector<32xf32>
    %broadcast_in_dim3A_112 = vector.shape_cast %get3A_111 : vector<32xf32> to vector<1x32xf32>
    %add3A_113 = vector.broadcast %broadcast_in_dim3A_112 : vector<1x32xf32> to vector<2000x32xf32>
    %add3A_114 = arith.addf %div3A_107, %add3A_113 : vector<2000x32xf32>
    %swap3A_115 = arith.constant 0 : index
    %swap3A_116 = arith.constant 96 : index
    %swap3A_117 = vector.load %arg7[%swap3A_115, %swap3A_116] : memref<2000x128xf32, #tpu.memory_space<vmem>>, vector<2000x32xf32>
    tpu.vector_store %arg7[%swap3A_115, %swap3A_116], %add3A_114 {strides = array<i32>} : memref<2000x128xf32, #tpu.memory_space<vmem>>, vector<2000x32xf32>,
    return
  }
  func.func @transform_0(%arg0: i32) -> (i32, i32, i32) {
    %c0_i32 = arith.constant 0 : i32
    %c0_i32_0 = arith.constant 0 : i32
    %c0_i32_1 = arith.constant 0 : i32
    return %c0_i32, %arg0, %c0_i32_0 : i32, i32, i32
  }
  func.func @transform_1(%arg0: i32) -> (i32, i32) {
    %c0_i32 = arith.constant 0 : i32
    %c0_i32_0 = arith.constant 0 : i32
    return %arg0, %c0_i32 : i32, i32
  }
  func.func @transform_2(%arg0: i32) -> (i32, i32) {
    %c0_i32 = arith.constant 0 : i32
    %c0_i32_0 = arith.constant 0 : i32
    return %arg0, %c0_i32 : i32, i32
  }
  func.func @transform_3(%arg0: i32) -> (i32, i32) {
    %c0_i32 = arith.constant 0 : i32
    %c0_i32_0 = arith.constant 0 : i32
    return %arg0, %c0_i32 : i32, i32
  }
  func.func @transform_4(%arg0: i32) -> (i32, i32) {
    %c0_i32 = arith.constant 0 : i32
    %c0_i32_0 = arith.constant 0 : i32
    return %arg0, %c0_i32 : i32, i32
  }
  func.func @transform_5(%arg0: i32) -> (i32, i32) {
    %c0_i32 = arith.constant 0 : i32
    %c0_i32_0 = arith.constant 0 : i32
    %c0_i32_1 = arith.constant 0 : i32
    return %c0_i32, %c0_i32_0 : i32, i32
  }
  func.func @transform_6(%arg0: i32) -> (i32, i32) {
    %c0_i32 = arith.constant 0 : i32
    %c0_i32_0 = arith.constant 0 : i32
    return %arg0, %c0_i32 : i32, i32
  }
}

</mosaic_0001>

<sc_bundles>
// kernel: kernel.11.cloned.1.call-start
scs
__scs_entry_jumppad:
0x0: {  	(pc) =	sbr.rel $0x88, $3  }
0x1: {  	(tag) =	ssettag $0x0;
	lr =	simm.s32 $0x1  }
0x2: {  	[smem:$0x3F9B] =	sst lr;
	_ =	strace $0xD0000000  }
0x3: {  	_ = 	snop  }
0x4: {  	_ = 	snop  }
0x5: {  	_ = 	snop  }
0x6: {  	_ = 	snop  }
0x7: {  	_ = 	snop  }
__scs_overlays_trampoline_lowered:
0x8: {  	[smem:$0x3FAA] =	sst s0  }
0x9: {  	[smem:$0x3FAB] =	sst s1  }
0xa: {  	[smem:$0x3FAC] =	sst s2  }
0xb: {  	[smem:$0x3FAD] =	sst s3  }
0xc: {  	[smem:$0x3FAE] =	sst s4  }
0xd: {  	[smem:$0x3FAF] =	sst s5  }
0xe: {  	[smem:$0x3FB0] =	sst s6  }
0xf: {  	[smem:$0x3FB1] =	sst s7  }
0x10: {  	[smem:$0x3FB2] =	sst s8  }
0x11: {  	[smem:$0x3FB3] =	sst s9;
	s0 =	simm.s32 @!p0 $0x0  }
0x12: {  	s1 =	sld [smem:$0x3F99];
	s0 =	simm.s32 @p0 $0x1  }
0x13: {  	[smem:$0x3FB4] =	sst s0;
	s0 =	simm.s32 @!p1 $0x0  }
0x14: {  	s2 =	sld [smem:$0x3F98];
	s0 =	simm.s32 @p1 $0x1  }
0x15: {  	[smem:$0x3FB5] =	sst s0;
	s0 =	simm.s32 @!p2 $0x0  }
0x16: {  	s3 =	sld [smem:$0x3FDB];
	s0 =	simm.s32 @p2 $0x1  }
0x17: {  	s4 =	simm.s32 $0x1BF5;
	[smem:$0x3FB7] =	sst s0  }
0x18: {  	s0 =	sld [smem:$0x3F9A];
	_ =	swait.ge [sflag:s4], $0x0  }
0x19: {  	s7 =	sld [smem:$0x3F9B]  }
0x1a: {  	s8 =	sadd.s32 $0xFFFFE003, lr  }
0x1b: {  	s9 =	sadd.s32 $0xFFFFFEF7, lr;
	s5 =	simm.s32 $0xFFFFFFFF;
	p2 =	slt.u32 s8, $0xFFFFF086  }
0x1c: {  	p1 =	slt.u32 s9, $0xF7A;
	s5 =	simm.s32 @!p2 $0x0  }
0x1d: {  	s5 =	simm.s32 @p1 $0x1;
	p0 =	seq.s32 s7, s2  }
0x1e: {  	s7 =	smul.u32 @!p0 $0xF7A, s2;
	p2 =	seq.s32 @!p0 s5, $0x0  }
0x1f: {  	s9 =	smul.u32 $0xF7A, s1;
	s8 =	simm.s32 @!p0 $0x1BF5;
	p2 =	por !p2, p0  }
0x20: {  	[sflag:s8] =	ssyncset.s32 @!p0 $0xFFFFF086;
	s6 =	sadd.s32 @!p0 s3, s7;
	s7 =	simm.s32 @!p0 $0x108  }
0x21: {  	s3 =	sadd.s32 s3, s9;
	s6 =	sadd.s32 @!p0 $0x88, s6;
	s7 =	simm.s32 @p2 $0x1082  }
0x22: {  	[simem:s7], [sflag:s8] =	dma.local @!p0 [hbm:s6], $0xF7A  }
0x23: {  	s9 =	sor.u32 $0xD0000000, s2;
	s6 =	simm.s32 $0x108;
	_ =	swait.ge @!p0 [sflag:s8], $0x0  }
0x24: {  	s3 =	sadd.s32 $0x88, s3;
	s6 =	simm.s32 @!p1 $0x1082;
	[sflag:s4] =	ssyncset.s32 $0xFFFFF086  }
0x25: {  	[simem:s6], [sflag:s4] =	dma.local [hbm:s3], $0xF7A  }
0x26: {  	[smem:$0x3F9B] =	sst s1;
	(tag) =	ssettag s2;
	_ =	strace s9  }
0x27: {  	s1 =	sld [smem:$0x3FAB]  }
0x28: {  	s2 =	sld [smem:$0x3FAC]  }
0x29: {  	s4 =	sld [smem:$0x3FAE]  }
0x2a: {  	p0 =	seq.s32 s5, $0x0;
	s5 =	sld [smem:$0x3FAF]  }
0x2b: {  	s6 =	sld [smem:$0x3FB0]  }
0x2c: {  	s7 =	sld [smem:$0x3FB1]  }
0x2d: {  	s3 =	simm.s32 $0x108;
	s8 =	sld [smem:$0x3FB2]  }
0x2e: {  	s3 =	simm.s32 @!p0 $0x1082;
	s9 =	sld [smem:$0x3FB3]  }
0x2f: {  	lr =	sadd.s32 s0, s3;
	s0 =	sld [smem:$0x3FAA]  }
0x30: {  	s3 =	sld [smem:$0x3FAD]  }
0x31: {  	[smem:$0x3FB6] =	sst s10  }
0x32: {  	s10 =	sld [smem:$0x3FB4];
	_ =	sdelay $0x3  }
0x33: {  	p0 =	seq.s32 s10, $0x1;
	s10 =	sld [smem:$0x3FB6];
	_ =	sdelay $0x3  }
0x34: {  	[smem:$0x3FB6] =	sst s10  }
0x35: {  	s10 =	sld [smem:$0x3FB5];
	_ =	sdelay $0x3  }
0x36: {  	p1 =	seq.s32 s10, $0x1;
	s10 =	sld [smem:$0x3FB6];
	_ =	sdelay $0x3  }
0x37: {  	[smem:$0x3FB6] =	sst s10  }
0x38: {  	s10 =	sld [smem:$0x3FB7]  }
0x39: {  	_ = 	snop;
	(pc) =	sbr.ind lr, $3  }
0x3a: {  	_ = 	snop  }
0x3b: {  	_ = 	snop  }
0x3c: {  	p2 =	seq.s32 s10, $0x1;
	s10 =	sld [smem:$0x3FB6]  }
0x3d: {  	_ =	shalt  }
0x3e: {  	_ =	shalt  }
0x3f: {  	_ =	shalt  }
0x40: {  	_ =	shalt  }
0x41: {  	_ =	shalt  }
0x42: {  	_ =	shalt  }
0x43: {  	_ =	shalt  }
0x44: {  	_ =	shalt  }
0x45: {  	_ =	shalt  }
0x46: {  	_ =	shalt  }
0x47: {  	_ =	shalt  }
0x48: {  	_ =	shalt  }
0x49: {  	_ =	shalt  }
0x4a: {  	_ =	shalt  }
0x4b: {  	_ =	shalt  }
0x4c: {  	_ =	shalt  }
0x4d: {  	_ =	shalt  }
0x4e: {  	_ =	shalt  }
0x4f: {  	_ =	shalt  }
0x50: {  	_ =	shalt  }
0x51: {  	_ =	shalt  }
0x52: {  	_ =	shalt  }
0x53: {  	_ =	shalt  }
0x54: {  	_ =	shalt  }
0x55: {  	_ =	shalt  }
0x56: {  	_ =	shalt  }
0x57: {  	_ =	shalt  }
0x58: {  	_ =	shalt  }
0x59: {  	_ =	shalt  }
0x5a: {  	_ =	shalt  }
0x5b: {  	_ =	shalt  }
0x5c: {  	_ =	shalt  }
0x5d: {  	_ =	shalt  }
0x5e: {  	_ =	shalt  }
0x5f: {  	_ =	shalt  }
0x60: {  	_ =	shalt  }
0x61: {  	_ =	shalt  }
0x62: {  	_ =	shalt  }
0x63: {  	_ =	shalt  }
0x64: {  	_ =	shalt  }
0x65: {  	_ =	shalt  }
0x66: {  	_ =	shalt  }
0x67: {  	_ =	shalt  }
0x68: {  	_ =	shalt  }
0x69: {  	_ =	shalt  }
0x6a: {  	_ =	shalt  }
0x6b: {  	_ =	shalt  }
0x6c: {  	_ =	shalt  }
0x6d: {  	_ =	shalt  }
0x6e: {  	_ =	shalt  }
0x6f: {  	_ =	shalt  }
0x70: {  	_ =	shalt  }
0x71: {  	_ =	shalt  }
0x72: {  	_ =	shalt  }
0x73: {  	_ =	shalt  }
0x74: {  	_ =	shalt  }
0x75: {  	_ =	shalt  }
0x76: {  	_ =	shalt  }
0x77: {  	_ =	shalt  }
0x78: {  	_ =	shalt  }
0x79: {  	_ =	shalt  }
0x7a: {  	_ =	shalt  }
0x7b: {  	_ =	shalt  }
0x7c: {  	_ =	shalt  }
0x7d: {  	_ =	shalt  }
0x7e: {  	_ =	shalt  }
0x7f: {  	_ =	shalt  }
0x80: {  	_ =	shalt  }
0x81: {  	_ =	shalt  }
0x82: {  	_ =	shalt  }
0x83: {  	_ =	shalt  }
0x84: {  	_ =	shalt  }
0x85: {  	_ =	shalt  }
0x86: {  	_ =	shalt  }
0x87: {  	_ =	shalt  }
.Lfunc_end0:
.L_simem_size_0:
called_computation.1_lowered:
.L_overlay_start_0:
0x88: {  	s2 =	sld [smem:$0x3FD9]  }
0x89: {  	s3 =	sld [smem:$0x3FFE];
	_ =	sdelay $0x1  }
0x8a: {  	s1 =	srdreg.scid  }
0x8b: {  	s0 =	sand.u32 $0x1, s1  }
0x8c: {  	s17 =	sshll.u32 s0, $0xA;
	s2 =	sadd.s32 s3, s2  }
0x8d: {  	s2 =	sadd.s32 s2, s17  }
0x8e: {  	[smem:$0x3FC2] =	sst s2  }
0x8f: {  	_ = 	snop  }
0x90: {  	s2 =	sld [smem:$0x3FD0];
	(tm) =	ssettm $0x1  }
0x91: {  	s18 =	sld [smem:$0x3FFB];
	_ =	sdelay $0x3  }
0x92: {  	_ =	strace s18  }
0x93: {  	s3 =	sld [smem:$0x3FFC];
	_ =	sdelay $0x3  }
0x94: {  	_ =	strace s3  }
0x95: {  	s3 =	sld [smem:$0x3FFD];
	_ =	sdelay $0x3  }
0x96: {  	_ =	strace s3  }
0x97: {  	_ =	strace $0x8FFFFFFF  }
0x98: {  	s19 =	sld [smem:$0x3FDB];
	_ =	sdelay $0x1  }
0x99: {  	s4 =	simm.s32 $_scs_section_size  }
0x9a: {  	s5 =	simm.s32 $_size__tile_overlayer_lowered;
	s6 =	simm.s32 $_tile_overlayer_lowered  }
0x9b: {  	s22 =	simm.s32 $0x1BFF;
	s21 =	sshll.u32 s6, $0x1;
	s3 =	sadd.s32 s4, s19  }
0x9c: {  	s7 =	simm.s32 $0x0;
	s20 =	sshll.u32 s5, $0x1;
	s5 =	sadd.s32 s21, s3  }
0x9d: {  	[timem:s7], [sflag:s22] =	dma.local [hbm:s5], s20  }
0x9e: {  	_ =	swait.ge [sflag:s22], s20  }
0x9f: {  	s4 =	ssub.s32 $0x0, s20;
	[sflag:s22] =	ssyncset.done $0x0  }
0xa0: {  	[sflag:s22] =	ssyncadd.s32 s4;
	_ =	sdelay $0x1  }
0xa1: {  	s23 =	simm.s32 $0x1B8B  }
0xa2: {  	_ =	swait.ge [sflag:s23], $0x1  }
0xa3: {  	[sflag:s23] =	ssyncset.done $0x0  }
0xa4: {  	s25 =	simm.s32 $0x1B8E;
	s24 =	sld [smem:$0x3FFE];
	[sflag:s23] =	ssyncadd.s32 $0xFFFFFFFF  }
0xa5: {  	s26 =	simm.s32 $execute0_lowered;
	[smem:$0x3FD2] =	sst s25  }
0xa6: {  	s5 =	sshll.u32 s26, $0x1;
	_ =	strace $0x80000049;
	[dreg:$0x1] =	wrdreg $0xFFFFFFFF  }
0xa7: {  	s28 =	simm.s32 $_size_execute0_lowered;
	s3 =	sadd.s32 s3, s5;
	[dreg:$0x0] =	wrdreg $0x0  }
0xa8: {  	s5 =	sshll.u32 s28, $0x1;
	[dreg:$0x2] =	wrdreg s3  }
0xa9: {  	[dreg:$0x3] =	wrdreg s5  }
0xaa: {  	[dreg:$0x4] =	wrdreg $0xC0  }
0xab: {  	_ =	task [dreg:s7], $0x5FFFF  }
0xac: {  	[dreg:$0x1] =	wrdreg $0xFFFFFFFF  }
0xad: {  	[dreg:$0x0] =	wrdreg $0x60  }
0xae: {  	[dreg:$0x2] =	wrdreg s2  }
0xaf: {  	[dreg:$0x3] =	wrdreg s24  }
0xb0: {  	[dreg:$0x4] =	wrdreg $0xAA000  }
0xb1: {  	[dreg:$0x5] =	wrdreg $0x9  }
0xb2: {  	_ =	task.clear_ibuf [dreg:s7], $0x6FFFF;
	_ =	strace $0x90000049  }
0xb3: {  	s29 =	simm.s32 $0x9;
	_ =	strace $0x8000004B  }
0xb4: {  	_ =	swait.ge [sflag:s29], $0x1  }
0xb5: {  	[sflag:s29] =	ssyncadd.s32 $0xFFFFFFFF  }
0xb6: {  	_ =	strace $0x9000004B  }
0xb7: {  	_ =	sfence  }
0xb8: {  	s30 =	sld [smem:$0x0];
	_ =	sdelay $0x2  }
0xb9: {  	s31 =	sshll.u32 s1, $0xD;
	s1 =	sshrl.u32 s1, $0x2  }
0xba: {  	s3 =	sand.u32 $0x4000, s31;
	s1 =	sadd.s32 s1, s30  }
0xbb: {  	s0 =	sor.u32 s3, s0;
	s1 =	sshll.u32 s1, $0x11  }
0xbc: {  	s0 =	sor.u32 s1, s0  }
0xbd: {  	s0 =	sadd.s32 $0x8F2B, s0  }
0xbe: {  	[sflag:s0] =	ssyncadd.remote.s32 $0x1  }
0xbf: {  	_ =	sfence.sel $0xFFFF  }
0xc0: {  	[dreg:$0x0] =	wrdreg $0xFFFFFFFF;
	(pc) =	sbr.abs _section_cstart, $3  }
0xc1: {  	[dreg:$0x1] =	wrdreg $0xFFFFFFFF  }
0xc2: {  	_ =	task.clear_ibuf [dreg:s7], $0x2FFFF;
	_ =	strace $0x9FFFFFFF  }
0xc3: {  	(tm) =	ssettm $0x7FFFFFFF  }
tec
execute0_lowered:
.L_overlay_start_1:
0x0: {  	(tag) =	ssettag $0x1  }
0x1: {  	s1 =	rddreg [dreg:$0x0]  }
0x2: {  	s0 =	rddreg [dreg:$0x1]  }
0x3: {  	s2 =	rddreg [dreg:$0x2];
	s3 =	simm.s32 $0x0;
	s4 =	srdreg.scid  }
0x4: {  	s11 =	stileid.u32;
	s31 =	simm.s32 $0x1;
	s28 =	simm.s32 $0xA780  }
0x5: {  	s29 =	simm.s32 $0x9;
	s30 =	simm.s32 $0x7;
	[smem:$0x7FF] =	sst s3  }
0x6: {  	s5 =	sadd.s32 $0xC9C00, s0;
	s6 =	sadd.s32 $0x7BA00, s0;
	s8 =	smul.u32 $0x50000, s11  }
0x7: {  	s4 =	sand.u32 $0x1, s4;
	s10 =	sshll.u32 s11, $0x1;
	s11 =	smul.u32 $0x14000, s11  }
0x8: {  	s0 =	sadd.s32 $0x108400, s0;
	_ =	strace $0x8000004A;
	s7 =	ssub.s32 $0x2, s4  }
0x9: {  	s9 =	sshrl.u32 s7, $0x1;
	s8 =	sshrl.u32 s8, $0x2;
	s25 =	sor.u32 $0x2800, s11  }
0xa: {  	s26 =	sadd.s32 $0x5000, s11;
	s13 =	sadd.s32 $0xA000, s11;
	s14 =	sadd.s32 $0xC800, s11  }
0xb: {  	s15 =	sadd.s32 $0xF000, s11;
	s7 =	ssub.s32 s7, s9;
	s12 =	sadd.s32 s25, s2  }
0xc: {  	s9 =	sor.u32 s4, s10;
	s18 =	sadd.s32 s26, s2;
	[dreg:$0x5] =	wrdreg s12  }
0xd: {  	s17 =	sadd.s32 s8, s2;
	s4 =	smul.u32 $0x140000, s4;
	[dreg:$0x6] =	wrdreg s18  }
0xe: {  	s12 =	sadd.s32 $0x7800, s11;
	s18 =	smul.u32 $0xFA00, s9;
	[dreg:$0x4] =	wrdreg s17  }
0xf: {  	s16 =	sadd.s32 s11, s4;
	s8 =	sadd.s32 s4, s25;
	s11 =	sadd.s32 $0x11800, s11  }
0x10: {  	s19 =	sadd.s32 s4, s26;
	s20 =	sadd.s32 s4, s12;
	s21 =	sadd.s32 s4, s13  }
0x11: {  	s25 =	sadd.s32 s4, s14;
	s26 =	sadd.s32 s4, s15;
	s13 =	sadd.s32 s13, s2  }
0x12: {  	s16 =	sshrl.u32 s16, $0x3;
	s8 =	sshrl.u32 s8, $0x3;
	s22 =	sshrl.u32 s20, $0x3  }
0x13: {  	s23 =	sshrl.u32 s21, $0x3;
	s4 =	sadd.s32 s4, s11;
	s10 =	sshrl.u32 s26, $0x3  }
0x14: {  	s20 =	sadd.s32 s15, s2;
	s21 =	smul.u32 $0x2710, s9;
	[dreg:$0x10] =	wrdreg s13  }
0x15: {  	s26 =	smul.u32 $0x4E20, s9;
	s16 =	sadd.s32 s0, s16;
	[dreg:$0x12] =	wrdreg s20  }
0x16: {  	s15 =	simm.s32 $0xA680;
	s8 =	sadd.s32 s0, s8;
	[dreg:$0x7] =	wrdreg s16  }
0x17: {  	s24 =	sadd.s32 s0, s23;
	s4 =	sshrl.u32 s4, $0x3;
	[dreg:$0x8] =	wrdreg s8  }
0x18: {  	s8 =	sshrl.u32 s19, $0x3;
	[dreg:$0xb] =	wrdreg s24;
	s19 =	sadd.s32 s14, s2  }
0x19: {  	s23 =	sshrl.u32 s18, $0x3;
	s24 =	smax.u32 s7, $0x1;
	[dreg:$0x11] =	wrdreg s19  }
0x1a: {  	s20 =	simm.s32 $0x7800;
	s16 =	sadd.s32 s12, s2;
	[dreg:$0x17] =	wrdreg s24  }
0x1b: {  	s12 =	smul.u32 $0x13880, s9;
	s8 =	sadd.s32 s0, s8;
	[dreg:$0xf] =	wrdreg s16  }
0x1c: {  	s14 =	simm.s32 $0x2800;
	[dreg:$0x9] =	wrdreg s8;
	s8 =	sadd.s32 s0, s22  }
0x1d: {  	s22 =	sadd.s32 s11, s2;
	[dreg:$0xa] =	wrdreg s8;
	s8 =	sshrl.u32 s25, $0x3  }
0x1e: {  	s9 =	simm.s32 $0x8;
	[dreg:$0x13] =	wrdreg s22;
	s8 =	sadd.s32 s0, s8  }
0x1f: {  	s11 =	simm.s32 $0x2;
	[dreg:$0xc] =	wrdreg s8;
	s8 =	sadd.s32 s0, s10  }
0x20: {  	s0 =	sadd.s32 s0, s4;
	s4 =	sadd.s32 s6, s21;
	[dreg:$0xd] =	wrdreg s8  }
0x21: {  	s10 =	simm.s32 $0x50;
	s21 =	simm.s32 $0xD;
	[dreg:$0xe] =	wrdreg s0  }
.Ltmp0:
0x22: {  	s0 =	sshrl.u32 s12, $0x3;
	s8 =	sadd.s32 s5, s23;
	(pc) =	sbr.rel .LBB2_1-.Ltmp0, $4  }
0x23: {  	[dreg:$0x15] =	wrdreg s4;
	s4 =	simm.s32 $0xA700;
	s12 =	simm.s32 $0x0  }
0x24: {  	s0 =	sadd.s32 s6, s0;
	[dreg:$0x14] =	wrdreg s8;
	s25 =	sadd.s32 $0x20, s8  }
0x25: {  	s8 =	simm.s32 $0xA;
	s0 =	sadd.s32 $0x28, s0;
	[dreg:$0x18] =	wrdreg s25  }
0x26: {  	v0 =	vimm.f32 $0.0e+00;
	s25 =	simm.s32 $0x6;
	[dreg:$0x16] =	wrdreg s0;
	s0 =	simm.s32 $0x5  }
.LBB2_21:
0x27: {  	[bflag:$0x0] =	sbarrier.arrive $0xFFFF  }
0x28: {  	s17 =	rddreg [dreg:$0x4]  }
0x29: {  	[tilespmem:s3], [sflag:$0xD] =	stream.linear.gather [spmem:s17], $0x2800, $0x38;
	[tilespmem:$0x1EA00] =	vst v63  }
0x2a: {  	_ =	swait.ge [sflag:s21], $0x2800  }
0x2b: {  	[sflag:s21] =	ssyncset.done $0x0  }
0x2c: {  	s7 =	rddreg [dreg:$0x7];
	[sflag:s21] =	ssyncadd.s32 $0xFFFFD800  }
0x2d: {  	[hbm4b:s7+s3] =	stream.linear.scatter [tilespmem:s3], [sflag:$0x2], $0x2800, $0x38;
	[tilespmem:$0x1EA00] =	vst v63  }
0x2e: {  	s24 =	rddreg [dreg:$0x5]  }
0x2f: {  	[tilespmem:s14], [sflag:$0xD] =	stream.linear.gather [spmem:s24], $0x2800, $0x38;
	[tilespmem:$0x1EA00] =	vst v63  }
0x30: {  	_ =	swait.ge [sflag:s21], $0x2800  }
0x31: {  	[sflag:s21] =	ssyncset.done $0x0  }
0x32: {  	s12 =	rddreg [dreg:$0x8];
	[sflag:s21] =	ssyncadd.s32 $0xFFFFD800  }
0x33: {  	[hbm4b:s12+s3] =	stream.linear.scatter [tilespmem:s14], [sflag:$0x2], $0x2800, $0x38;
	[tilespmem:$0x1EA00] =	vst v63  }
0x34: {  	_ =	swait.ge [sflag:s11], $0x2800  }
0x35: {  	[sflag:s11] =	ssyncset.done $0x0  }
0x36: {  	s13 =	rddreg [dreg:$0x6];
	[sflag:s11] =	ssyncadd.s32 $0xFFFFD800  }
0x37: {  	[tilespmem:s3], [sflag:$0xD] =	stream.linear.gather [spmem:s13], $0x2800, $0x38;
	[tilespmem:$0x1EA00] =	vst v63  }
0x38: {  	_ =	swait.ge [sflag:s21], $0x2800  }
0x39: {  	[sflag:s21] =	ssyncset.done $0x0  }
0x3a: {  	s16 =	rddreg [dreg:$0x9];
	[sflag:s21] =	ssyncadd.s32 $0xFFFFD800  }
0x3b: {  	[hbm4b:s16+s3] =	stream.linear.scatter [tilespmem:s3], [sflag:$0x2], $0x2800, $0x38;
	[tilespmem:$0x1EA00] =	vst v63  }
0x3c: {  	_ =	swait.ge [sflag:s11], $0x2800  }
0x3d: {  	[sflag:s11] =	ssyncset.done $0x0  }
0x3e: {  	s16 =	rddreg [dreg:$0xf];
	[sflag:s11] =	ssyncadd.s32 $0xFFFFD800  }
0x3f: {  	[tilespmem:s14], [sflag:$0xD] =	stream.linear.gather [spmem:s16], $0x2800, $0x38;
	[tilespmem:$0x1EA00] =	vst v63  }
0x40: {  	_ =	swait.ge [sflag:s21], $0x2800  }
0x41: {  	[sflag:s21] =	ssyncset.done $0x0  }
0x42: {  	s19 =	rddreg [dreg:$0xa];
	[sflag:s21] =	ssyncadd.s32 $0xFFFFD800  }
0x43: {  	[hbm4b:s19+s3] =	stream.linear.scatter [tilespmem:s14], [sflag:$0x2], $0x2800, $0x38;
	[tilespmem:$0x1EA00] =	vst v63  }
0x44: {  	_ =	swait.ge [sflag:s11], $0x2800  }
0x45: {  	[sflag:s11] =	ssyncset.done $0x0  }
0x46: {  	s13 =	rddreg [dreg:$0x10];
	[sflag:s11] =	ssyncadd.s32 $0xFFFFD800  }
0x47: {  	[tilespmem:s3], [sflag:$0xD] =	stream.linear.gather [spmem:s13], $0x2800, $0x38;
	[tilespmem:$0x1EA00] =	vst v63  }
0x48: {  	_ =	swait.ge [sflag:s21], $0x2800  }
0x49: {  	[sflag:s21] =	ssyncset.done $0x0  }
0x4a: {  	s22 =	rddreg [dreg:$0xb];
	[sflag:s21] =	ssyncadd.s32 $0xFFFFD800  }
0x4b: {  	[hbm4b:s22+s3] =	stream.linear.scatter [tilespmem:s3], [sflag:$0x2], $0x2800, $0x38;
	[tilespmem:$0x1EA00] =	vst v63  }
0x4c: {  	_ =	swait.ge [sflag:s11], $0x2800  }
0x4d: {  	[sflag:s11] =	ssyncset.done $0x0  }
0x4e: {  	s23 =	rddreg [dreg:$0x11];
	[sflag:s11] =	ssyncadd.s32 $0xFFFFD800  }
0x4f: {  	[tilespmem:s14], [sflag:$0xD] =	stream.linear.gather [spmem:s23], $0x2800, $0x38;
	[tilespmem:$0x1EA00] =	vst v63  }
0x50: {  	_ =	swait.ge [sflag:s21], $0x2800  }
0x51: {  	[sflag:s21] =	ssyncset.done $0x0  }
0x52: {  	s24 =	rddreg [dreg:$0xc];
	[sflag:s21] =	ssyncadd.s32 $0xFFFFD800  }
0x53: {  	[hbm4b:s24+s3] =	stream.linear.scatter [tilespmem:s14], [sflag:$0x2], $0x2800, $0x38;
	[tilespmem:$0x1EA00] =	vst v63  }
0x54: {  	_ =	swait.ge [sflag:s11], $0x2800  }
0x55: {  	[sflag:s11] =	ssyncset.done $0x0  }
0x56: {  	s12 =	rddreg [dreg:$0x12];
	[sflag:s11] =	ssyncadd.s32 $0xFFFFD800  }
0x57: {  	[tilespmem:s3], [sflag:$0xD] =	stream.linear.gather [spmem:s12], $0x2800, $0x38;
	[tilespmem:$0x1EA00] =	vst v63  }
0x58: {  	_ =	swait.ge [sflag:s21], $0x2800  }
0x59: {  	[sflag:s21] =	ssyncset.done $0x0  }
0x5a: {  	s19 =	rddreg [dreg:$0xd];
	[sflag:s21] =	ssyncadd.s32 $0xFFFFD800  }
0x5b: {  	[hbm4b:s19+s3] =	stream.linear.scatter [tilespmem:s3], [sflag:$0x2], $0x2800, $0x38;
	[tilespmem:$0x1EA00] =	vst v63  }
0x5c: {  	_ =	swait.ge [sflag:s11], $0x2800  }
0x5d: {  	[sflag:s11] =	ssyncset.done $0x0  }
0x5e: {  	s22 =	rddreg [dreg:$0x13];
	[sflag:s11] =	ssyncadd.s32 $0xFFFFD800  }
0x5f: {  	[tilespmem:s14], [sflag:$0xD] =	stream.linear.gather [spmem:s22], $0x2800, $0x38;
	[tilespmem:$0x1EA00] =	vst v63  }
0x60: {  	_ =	swait.ge [sflag:s21], $0x2800  }
0x61: {  	[sflag:s21] =	ssyncset.done $0x0  }
0x62: {  	s23 =	rddreg [dreg:$0xe];
	[sflag:s21] =	ssyncadd.s32 $0xFFFFD800  }
0x63: {  	[hbm4b:s23+s3] =	stream.linear.scatter [tilespmem:s14], [sflag:$0x2], $0x2800, $0x38;
	[tilespmem:$0x1EA00] =	vst v63  }
0x64: {  	_ =	swait.ge [sflag:s11], $0x2800  }
0x65: {  	[sflag:s11] =	ssyncset.done $0x0  }
0x66: {  	[sflag:s11] =	ssyncadd.s32 $0xFFFFD800  }
0x67: {  	_ =	swait.ge [sflag:s11], $0x2800  }
0x68: {  	s12 =	rddreg [dreg:$0x19]  }
0x69: {  	s24 =	rddreg [dreg:$0x17];
	s12 =	sadd.s32 $0x1, s12  }
0x6a: {  	p0 =	sne.s32 s12, s24  }
.Ltmp1:
0x6b: {  	_ = 	snop;
	(pc) =	sbr.rel @!p0 .LBB2_22-.Ltmp1, $3  }
0x6c: {  	_ =	sdelay $0x1  }
0x6d: {  	[sflag:s11] =	ssyncset.done $0x0  }
0x6e: {  	[sflag:s11] =	ssyncadd.s32 $0xFFFFD800  }
.LBB2_1:
0x6f: {  	[dreg:$0x19] =	wrdreg s12;
	s7 =	simm.s32 $0x0;
	s12 =	simm.s32 $0x200  }
.LBB2_2:
0x70: {  	p0 =	sne.s32 s12, $0x9E00;
	[tilespmem:s7+$0x70] =	vst v0  }
0x71: {  	[tilespmem:s7+$0x0] =	vst v0  }
0x72: {  	[tilespmem:s7+$0x10] =	vst v0  }
.Ltmp2:
0x73: {  	[tilespmem:s7+$0x20] =	vst v0;
	(pc) =	sbr.rel @p0 .LBB2_2-.Ltmp2, $4  }
0x74: {  	[tilespmem:s7+$0x30] =	vst v0  }
0x75: {  	[tilespmem:s7+$0x40] =	vst v0  }
0x76: {  	[tilespmem:s7+$0x50] =	vst v0  }
0x77: {  	[tilespmem:s7+$0x60] =	vst v0;
	s7 =	sshra.s32 s12, $0x2;
	s12 =	sadd.s32 $0x200, s12  }
0x78: {  	[tilespmem:s7+$0x70] =	vst v0  }
0x79: {  	[tilespmem:s7+$0x0] =	vst v0  }
0x7a: {  	[tilespmem:s7+$0x10] =	vst v0  }
0x7b: {  	[tilespmem:s7+$0x20] =	vst v0  }
0x7c: {  	[tilespmem:s7+$0x30] =	vst v0  }
0x7d: {  	[tilespmem:s7+$0x40] =	vst v0  }
0x7e: {  	[tilespmem:s7+$0x50] =	vst v0  }
0x7f: {  	[tilespmem:s7+$0x60] =	vst v0;
	s23 =	simm.s32 $0x0  }
0x80: {  	[spmem:s17] =	stream.linear.scatter [tilespmem:s23], [sflag:$0x1], $0x2800, $0x38;
	[tilespmem:$0x1EA00] =	vst v63  }
0x81: {  	s17 =	rddreg [dreg:$0x5]  }
0x82: {  	[spmem:s17] =	stream.linear.scatter [tilespmem:s23], [sflag:$0x1], $0x2800, $0x38;
	[tilespmem:$0x1EA00] =	vst v63  }
0x83: {  	s19 =	rddreg [dreg:$0x6]  }
0x84: {  	[spmem:s19] =	stream.linear.scatter [tilespmem:s23], [sflag:$0x1], $0x2800, $0x38;
	[tilespmem:$0x1EA00] =	vst v63  }
0x85: {  	_ = 	snop  }
0x86: {  	[spmem:s16] =	stream.linear.scatter [tilespmem:s23], [sflag:$0x1], $0x2800, $0x38;
	[tilespmem:$0x1EA00] =	vst v63  }
0x87: {  	_ = 	snop  }
0x88: {  	[spmem:s13] =	stream.linear.scatter [tilespmem:s23], [sflag:$0x1], $0x2800, $0x38;
	[tilespmem:$0x1EA00] =	vst v63  }
0x89: {  	s22 =	rddreg [dreg:$0x11]  }
0x8a: {  	[spmem:s22] =	stream.linear.scatter [tilespmem:s23], [sflag:$0x1], $0x2800, $0x38;
	[tilespmem:$0x1EA00] =	vst v63  }
0x8b: {  	s24 =	rddreg [dreg:$0x12]  }
0x8c: {  	[spmem:s24] =	stream.linear.scatter [tilespmem:s23], [sflag:$0x1], $0x2800, $0x38;
	[tilespmem:$0x1EA00] =	vst v63  }
0x8d: {  	s12 =	rddreg [dreg:$0x13]  }
0x8e: {  	[spmem:s12] =	stream.linear.scatter [tilespmem:s23], [sflag:$0x1], $0x2800, $0x38;
	[tilespmem:$0x1EA00] =	vst v63  }
0x8f: {  	_ =	swait.ge [sflag:s31], $0x2800  }
0x90: {  	[sflag:s31] =	ssyncset.done $0x0  }
0x91: {  	[sflag:s31] =	ssyncadd.s32 $0xFFFFD800  }
0x92: {  	_ =	swait.ge [sflag:s31], $0x2800  }
0x93: {  	[sflag:s31] =	ssyncset.done $0x0  }
0x94: {  	[sflag:s31] =	ssyncadd.s32 $0xFFFFD800  }
0x95: {  	_ =	swait.ge [sflag:s31], $0x2800  }
0x96: {  	[sflag:s31] =	ssyncset.done $0x0  }
0x97: {  	[sflag:s31] =	ssyncadd.s32 $0xFFFFD800  }
0x98: {  	_ =	swait.ge [sflag:s31], $0x2800  }
0x99: {  	[sflag:s31] =	ssyncset.done $0x0  }
0x9a: {  	[sflag:s31] =	ssyncadd.s32 $0xFFFFD800  }
0x9b: {  	_ =	swait.ge [sflag:s31], $0x2800  }
0x9c: {  	[sflag:s31] =	ssyncset.done $0x0  }
0x9d: {  	[sflag:s31] =	ssyncadd.s32 $0xFFFFD800  }
0x9e: {  	_ =	swait.ge [sflag:s31], $0x2800  }
0x9f: {  	[sflag:s31] =	ssyncset.done $0x0  }
0xa0: {  	[sflag:s31] =	ssyncadd.s32 $0xFFFFD800  }
0xa1: {  	_ =	swait.ge [sflag:s31], $0x2800  }
0xa2: {  	[sflag:s31] =	ssyncset.done $0x0  }
0xa3: {  	[sflag:s31] =	ssyncadd.s32 $0xFFFFD800  }
0xa4: {  	_ =	swait.ge [sflag:s31], $0x2800  }
0xa5: {  	[sflag:s31] =	ssyncset.done $0x0  }
0xa6: {  	[sflag:s31] =	ssyncadd.s32 $0xFFFFD800  }
0xa7: {  	[bflag:$0x0] =	sbarrier.arrive $0xFFFF  }
0xa8: {  	s12 =	simm.s32 $0xA600;
	s13 =	rddreg [dreg:$0x14]  }
0xa9: {  	[tilespmem:s12], [sflag:$0x1] =	stream.linear.gather [hbm4b:s13+s23], $0x100, $0x38;
	[tilespmem:$0x1EA00] =	vst v63  }
0xaa: {  	s17 =	simm.s32 $0xA000;
	s16 =	rddreg [dreg:$0x15]  }
0xab: {  	[tilespmem:s17], [sflag:$0x1] =	stream.linear.gather [hbm4b:s16+s23], $0x140, $0x38;
	[tilespmem:$0x1EA00] =	vst v63  }
0xac: {  	s19 =	rddreg [dreg:$0x18]  }
0xad: {  	[tilespmem:s4], [sflag:$0x2] =	stream.linear.gather [hbm4b:s19+s23], $0x100, $0x38;
	[tilespmem:$0x1EA00] =	vst v63  }
0xae: {  	s24 =	simm.s32 $0xA180;
	s22 =	rddreg [dreg:$0x16]  }
0xaf: {  	[tilespmem:s24], [sflag:$0x2] =	stream.linear.gather [hbm4b:s22+s23], $0x140, $0x38;
	[tilespmem:$0x1EA00] =	vst v63  }
0xb0: {  	_ =	swait.ge [sflag:s31], $0x100  }
0xb1: {  	[sflag:s31] =	ssyncset.done $0x0  }
.Ltmp3:
0xb2: {  	[sflag:s31] =	ssyncadd.s32 $0xFFFFFF00;
	(pc) =	sbr.rel .LBB2_4-.Ltmp3, $4  }
0xb3: {  	_ =	swait.ge [sflag:s31], $0x140  }
0xb4: {  	[sflag:s31] =	ssyncset.done $0x0  }
0xb5: {  	[sflag:s31] =	ssyncadd.s32 $0xFFFFFEC0  }
0xb6: {  	[tilespmem:s23], [sflag:$0x5] =	stream.indirect.gather [hbm4b:s1+s10], $0x80, s12, s10, $0xb8;
	[tilespmem:$0x1EA00] =	vst v63  }
.LBB2_20:
0xb7: {  	s23 =	sadd.s32 $0x1, s23  }
0xb8: {  	p0 =	sne.s32 s23, $0x3F  }
.Ltmp4:
0xb9: {  	_ = 	snop;
	(pc) =	sbr.rel @!p0 .LBB2_21-.Ltmp4, $1  }
0xba: {  	_ =	sdelay $0x3  }
.LBB2_4:
0xbb: {  	s22 =	sshll.u32 s23, $0x2;
	p2 =	seq.s32 s23, $0x0  }
0xbc: {  	s7 =	sor.u32 @!p2 $0x2, s22  }
0xbd: {  	p0 =	sgt.u32 @!p2 s7, $0xF9  }
0xbe: {  	p1 =	por p2, !p0  }
.Ltmp5:
0xbf: {  	_ = 	snop;
	(pc) =	sbr.rel @!p1 .LBB2_6-.Ltmp5, $4  }
0xc0: {  	s12 =	simm.s32 @!p2 $0xB  }
0xc1: {  	_ =	swait.ge @!p2 [sflag:s12], $0x2800  }
0xc2: {  	[sflag:s12] =	ssyncset.done @!p2 $0x0  }
0xc3: {  	p0 =	por @!p2 $0x0, $0x0;
	[sflag:s12] =	ssyncadd.s32 @!p2 $0xFFFFD800  }
0xc4: {  	s7 =	simm.s32 @p2 $0x2  }
0xc5: {  	s12 =	sshll.u32 s7, $0x8;
	s7 =	smul.u32 $0x50, s7  }
0xc6: {  	s12 =	sadd.s32 s18, s12  }
0xc7: {  	s12 =	sshrl.u32 s12, $0x3;
	s7 =	sadd.s32 s26, s7  }
0xc8: {  	s13 =	simm.s32 $0xA800;
	s12 =	sadd.s32 s5, s12;
	s7 =	sshrl.u32 s7, $0x1  }
0xc9: {  	[tilespmem:s13], [sflag:$0x3] =	stream.linear.gather [hbm4b:s12+s3], $0x100, $0x38;
	[tilespmem:$0x1EA00] =	vst v63  }
0xca: {  	s7 =	sand.u32 $0x1FFFFFF0, s7  }
0xcb: {  	s24 =	simm.s32 $0xA300;
	p0 =	por $0x1, $0x1;
	s7 =	sadd.s32 s6, s7  }
0xcc: {  	[tilespmem:s24], [sflag:$0x3] =	stream.linear.gather [hbm4b:s7+s3], $0x140, $0x38;
	[tilespmem:$0x1EA00] =	vst v63  }
.LBB2_6:
0xcd: {  	_ =	swait.ge [sflag:s11], $0x100  }
0xce: {  	[sflag:s11] =	ssyncset.done $0x0  }
0xcf: {  	[sflag:s11] =	ssyncadd.s32 $0xFFFFFF00  }
0xd0: {  	_ =	swait.ge [sflag:s11], $0x140  }
0xd1: {  	[sflag:s11] =	ssyncset.done $0x0  }
0xd2: {  	[sflag:s11] =	ssyncadd.s32 $0xFFFFFEC0  }
0xd3: {  	[tilespmem:s14], [sflag:$0x6] =	stream.indirect.gather [hbm4b:s1+s10], $0x80, s4, s10, $0xb8;
	[tilespmem:$0x1EA00] =	vst v63  }
0xd4: {  	_ =	swait.ge [sflag:s0], $0x2800  }
0xd5: {  	[sflag:s0] =	ssyncset.done $0x0  }
0xd6: {  	s16 =	simm.s32 $0xA008;
	[sflag:s0] =	ssyncadd.s32 $0xFFFFD800  }
0xd7: {  	v1 =	vld [tilespmem:s16+$0xFFFFFFF8]  }
0xd8: {  	s12 =	simm.s32 $0x100  }
0xd9: {  	v3 =	vld [tilespmem:s12+$0xFFFFFF60]  }
0xda: {  	v4 =	vld [tilespmem:s12+$0xFFFFFF00]  }
0xdb: {  	v5 =	vld [tilespmem:s12+$0xFFFFFF30]  }
0xdc: {  	v2 =	vld [tilespmem:s12+$0xFFFFFF40];
	v7 =	vbroadcast v1, $0x3  }
0xdd: {  	v6 =	vld [tilespmem:s12+$0xFFFFFF10];
	v9 =	vbroadcast v1, $0x0  }
0xde: {  	v8 =	vld [tilespmem:s12+$0xFFFFFF70];
	v11 =	vbroadcast v1, $0x1;
	v3 =	vmul.f32 v3, v7  }
0xdf: {  	v12 =	vld [tilespmem:s12+$0xFFFFFF50];
	v1 =	vbroadcast v1, $0x2;
	v4 =	vmul.f32 v9, v4  }
0xe0: {  	v10 =	vld [tilespmem:s12+$0xFFFFFF20];
	v5 =	vmul.f32 v5, v11;
	[tilespmem:s12+$0xFFFFFF60] =	vst v3  }
0xe1: {  	v2 =	vmul.f32 v2, v1;
	[tilespmem:s12+$0xFFFFFF00] =	vst v4  }
0xe2: {  	v3 =	vmul.f32 v6, v9;
	[tilespmem:s12+$0xFFFFFF30] =	vst v5  }
0xe3: {  	v4 =	vmul.f32 v8, v7;
	[tilespmem:s12+$0xFFFFFF40] =	vst v2  }
0xe4: {  	v2 =	vmul.f32 v12, v1;
	[tilespmem:s12+$0xFFFFFF10] =	vst v3  }
0xe5: {  	v1 =	vld [tilespmem:s12+$0xFFFFFFF0];
	v3 =	vmul.f32 v10, v11;
	[tilespmem:s12+$0xFFFFFF70] =	vst v4  }
0xe6: {  	[tilespmem:s12+$0xFFFFFF50] =	vst v2;
	v2 =	vld [tilespmem:s12+$0xFFFFFFA0]  }
0xe7: {  	[tilespmem:s12+$0xFFFFFF20] =	vst v3;
	v3 =	vld [tilespmem:s12+$0xFFFFFF90]  }
0xe8: {  	s17 =	simm.s32 $0x0;
	s7 =	simm.s32 $0x100;
	s13 =	simm.s32 $0xA008;
	v4 =	vld [tilespmem:s16+$0xFFFFFFFC]  }
.LBB2_7:
0xe9: {  	s17 =	sadd.s32 $0x4, s17;
	v5 =	vld [tilespmem:s12+$0xFFFFFFD0];
	s16 =	sadd.s32 $0x10, s16;
	s7 =	sadd.s32 $0x200, s7  }
0xea: {  	p1 =	slt.u32 s17, $0x4C;
	v6 =	vld [tilespmem:s12+$0xFFFFFF80]  }
0xeb: {  	v7 =	vld [tilespmem:s12+$0xFFFFFFC0]  }
0xec: {  	v8 =	vld [tilespmem:s12+$0xFFFFFFE0]  }
0xed: {  	v9 =	vbroadcast v4, $0x0;
	v10 =	vbroadcast v4, $0x1;
	v11 =	vld [tilespmem:s12+$0xFFFFFFB0]  }
0xee: {  	v12 =	vbroadcast v4, $0x2;
	v4 =	vbroadcast v4, $0x3  }
0xef: {  	v6 =	vmul.f32 v9, v6;
	v3 =	vmul.f32 v3, v9  }
0xf0: {  	v5 =	vmul.f32 v5, v12;
	v7 =	vmul.f32 v7, v12  }
0xf1: {  	v1 =	vmul.f32 v1, v4;
	[tilespmem:s12+$0xFFFFFF90] =	vst v3;
	v3 =	vmul.f32 v8, v4  }
0xf2: {  	v2 =	vmul.f32 v2, v10;
	v4 =	vmul.f32 v11, v10;
	[tilespmem:s12+$0xFFFFFFC0] =	vst v7  }
0xf3: {  	[tilespmem:s12+$0xFFFFFFD0] =	vst v5  }
0xf4: {  	[tilespmem:s12+$0xFFFFFFF0] =	vst v1  }
0xf5: {  	[tilespmem:s12+$0xFFFFFFA0] =	vst v2  }
0xf6: {  	[tilespmem:s12+$0xFFFFFFE0] =	vst v3;
	v1 =	vld [tilespmem:s12+$0x60]  }
0xf7: {  	[tilespmem:s12+$0xFFFFFF80] =	vst v6;
	v2 =	vld [tilespmem:s12+$0x70]  }
0xf8: {  	[tilespmem:s12+$0xFFFFFFB0] =	vst v4;
	v3 =	vld [tilespmem:s12+$0x40]  }
0xf9: {  	v4 =	vld [tilespmem:s13+$0x0]  }
0xfa: {  	v5 =	vld [tilespmem:s12+$0x20]  }
0xfb: {  	v6 =	vld [tilespmem:s12+$0x10]  }
0xfc: {  	v7 =	vld [tilespmem:s12+$0x50]  }
0xfd: {  	v8 =	vld [tilespmem:s12+$0x30]  }
0xfe: {  	v9 =	vbroadcast v4, $0x0;
	v10 =	vld [tilespmem:s12+$0x0];
	v11 =	vbroadcast v4, $0x1  }
0xff: {  	v12 =	vbroadcast v4, $0x2;
	v4 =	vbroadcast v4, $0x3  }
0x100: {  	v6 =	vmul.f32 v6, v9;
	v5 =	vmul.f32 v5, v11  }
0x101: {  	v3 =	vmul.f32 v3, v12;
	v7 =	vmul.f32 v7, v12  }
0x102: {  	v2 =	vmul.f32 v2, v4;
	[tilespmem:s12+$0x10] =	vst v6;
	v6 =	vmul.f32 v8, v11  }
0x103: {  	v1 =	vmul.f32 v1, v4;
	v8 =	vmul.f32 v9, v10;
	[tilespmem:s12+$0x40] =	vst v3  }
0x104: {  	[tilespmem:s12+$0x30] =	vst v6  }
0x105: {  	[tilespmem:s12+$0x0] =	vst v8  }
0x106: {  	[tilespmem:s12+$0x70] =	vst v2  }
0x107: {  	[tilespmem:s12+$0x60] =	vst v1;
	v1 =	vld [tilespmem:s12+$0xE0]  }
0x108: {  	[tilespmem:s12+$0x20] =	vst v5;
	v2 =	vld [tilespmem:s12+$0x80]  }
0x109: {  	[tilespmem:s12+$0x50] =	vst v7;
	v3 =	vld [tilespmem:s12+$0xA0]  }
0x10a: {  	v4 =	vld [tilespmem:s13+$0x4];
	s13 =	smov.u32 s16  }
0x10b: {  	v5 =	vld [tilespmem:s12+$0xD0]  }
0x10c: {  	v6 =	vld [tilespmem:s12+$0x90]  }
0x10d: {  	v7 =	vld [tilespmem:s12+$0xC0]  }
0x10e: {  	v8 =	vld [tilespmem:s12+$0xF0]  }
0x10f: {  	v9 =	vbroadcast v4, $0x0;
	v10 =	vbroadcast v4, $0x1;
	v11 =	vld [tilespmem:s12+$0xB0]  }
0x110: {  	v12 =	vbroadcast v4, $0x2;
	v4 =	vbroadcast v4, $0x3  }
0x111: {  	v2 =	vmul.f32 v9, v2;
	v6 =	vmul.f32 v6, v9  }
0x112: {  	v5 =	vmul.f32 v5, v12;
	v7 =	vmul.f32 v7, v12  }
0x113: {  	v1 =	vmul.f32 v1, v4;
	[tilespmem:s12+$0x80] =	vst v2;
	v2 =	vmul.f32 v8, v4  }
0x114: {  	v3 =	vmul.f32 v3, v10;
	v4 =	vmul.f32 v11, v10;
	[tilespmem:s12+$0xC0] =	vst v7  }
0x115: {  	[tilespmem:s12+$0xD0] =	vst v5  }
0x116: {  	[tilespmem:s12+$0xE0] =	vst v1  }
0x117: {  	[tilespmem:s12+$0xF0] =	vst v2  }
0x118: {  	[tilespmem:s12+$0x90] =	vst v6  }
0x119: {  	v1 =	vld [tilespmem:s7+$0xFFFFFF40];
	[tilespmem:s12+$0xA0] =	vst v3  }
0x11a: {  	v2 =	vld [tilespmem:s7+$0xFFFFFF70];
	[tilespmem:s12+$0xB0] =	vst v4;
	s12 =	smov.u32 s7  }
0x11b: {  	v3 =	vld [tilespmem:s16+$0xFFFFFFF8]  }
0x11c: {  	v4 =	vld [tilespmem:s7+$0xFFFFFF20]  }
0x11d: {  	v5 =	vld [tilespmem:s7+$0xFFFFFF60]  }
0x11e: {  	v6 =	vld [tilespmem:s7+$0xFFFFFF00]  }
0x11f: {  	v7 =	vld [tilespmem:s7+$0xFFFFFF30]  }
0x120: {  	v8 =	vld [tilespmem:s7+$0xFFFFFF10];
	v9 =	vbroadcast v3, $0x1;
	v10 =	vbroadcast v3, $0x3  }
0x121: {  	v11 =	vbroadcast v3, $0x0;
	v3 =	vbroadcast v3, $0x2;
	v12 =	vld [tilespmem:s7+$0xFFFFFF50]  }
0x122: {  	v5 =	vmul.f32 v5, v10  }
0x123: {  	v4 =	vmul.f32 v4, v9;
	v6 =	vmul.f32 v11, v6  }
0x124: {  	v2 =	vmul.f32 v2, v10;
	v7 =	vmul.f32 v7, v9;
	[tilespmem:s7+$0xFFFFFF60] =	vst v5  }
0x125: {  	v1 =	vmul.f32 v1, v3;
	[tilespmem:s7+$0xFFFFFF00] =	vst v6;
	v5 =	vmul.f32 v8, v11  }
0x126: {  	[tilespmem:s7+$0xFFFFFF30] =	vst v7;
	v6 =	vmul.f32 v12, v3  }
0x127: {  	[tilespmem:s7+$0xFFFFFF10] =	vst v5  }
.Ltmp6:
0x128: {  	[tilespmem:s7+$0xFFFFFF40] =	vst v1;
	(pc) =	sbr.rel @p1 .LBB2_7-.Ltmp6, $4  }
0x129: {  	[tilespmem:s7+$0xFFFFFF70] =	vst v2;
	v1 =	vld [tilespmem:s7+$0xFFFFFFF0]  }
0x12a: {  	[tilespmem:s7+$0xFFFFFF20] =	vst v4;
	v3 =	vld [tilespmem:s7+$0xFFFFFF90]  }
0x12b: {  	[tilespmem:s7+$0xFFFFFF50] =	vst v6;
	v2 =	vld [tilespmem:s7+$0xFFFFFFA0]  }
0x12c: {  	v4 =	vld [tilespmem:s16+$0xFFFFFFFC]  }
0x12d: {  	_ =	sdelay $0x1  }
0x12e: {  	v5 =	vld [tilespmem:s12+$0xFFFFFFC0]  }
0x12f: {  	v6 =	vld [tilespmem:s12+$0xFFFFFFD0]  }
0x130: {  	v7 =	vbroadcast v4, $0x0  }
0x131: {  	v9 =	vbroadcast v4, $0x2  }
0x132: {  	v10 =	vld [tilespmem:s12+$0xFFFFFFE0];
	v3 =	vmul.f32 v3, v7  }
0x133: {  	v8 =	vld [tilespmem:s12+$0xFFFFFF80];
	v12 =	vbroadcast v4, $0x3;
	v5 =	vmul.f32 v5, v9  }
0x134: {  	v11 =	vld [tilespmem:s12+$0xFFFFFFB0];
	v43 =	vbroadcast v4, $0x1;
	v6 =	vmul.f32 v6, v9;
	[tilespmem:s12+$0xFFFFFF90] =	vst v3  }
0x135: {  	v1 =	vmul.f32 v1, v12;
	[tilespmem:s12+$0xFFFFFFC0] =	vst v5  }
0x136: {  	v2 =	vmul.f32 v2, v43;
	[tilespmem:s12+$0xFFFFFFD0] =	vst v6  }
0x137: {  	v3 =	vmul.f32 v10, v12;
	[tilespmem:s12+$0xFFFFFFF0] =	vst v1  }
0x138: {  	v1 =	vmul.f32 v7, v8;
	[tilespmem:s12+$0xFFFFFFA0] =	vst v2  }
0x139: {  	v2 =	vmul.f32 v11, v43;
	[tilespmem:s12+$0xFFFFFFE0] =	vst v3  }
0x13a: {  	[tilespmem:s12+$0xFFFFFF80] =	vst v1  }
0x13b: {  	[tilespmem:s12+$0xFFFFFFB0] =	vst v2  }
0x13c: {  	v1 =	vld [tilespmem:s13+$0x0];
	_ =	sdelay $0x1  }
0x13d: {  	v2 =	vld [tilespmem:s12+$0x10]  }
0x13e: {  	v3 =	vld [tilespmem:s12+$0x40]  }
0x13f: {  	v46 =	vld [tilespmem:s12+$0x0]  }
0x140: {  	v44 =	vld [tilespmem:s12+$0x30];
	v45 =	vbroadcast v1, $0x0  }
0x141: {  	v47 =	vld [tilespmem:s12+$0x70];
	v48 =	vbroadcast v1, $0x2  }
0x142: {  	v49 =	vld [tilespmem:s12+$0x60];
	v2 =	vmul.f32 v2, v45  }
0x143: {  	v51 =	vld [tilespmem:s12+$0x20];
	v50 =	vbroadcast v1, $0x1;
	v3 =	vmul.f32 v3, v48  }
0x144: {  	v52 =	vld [tilespmem:s12+$0x50];
	v1 =	vbroadcast v1, $0x3;
	v53 =	vmul.f32 v45, v46;
	[tilespmem:s12+$0x10] =	vst v2  }
0x145: {  	v2 =	vmul.f32 v44, v50;
	[tilespmem:s12+$0x40] =	vst v3  }
0x146: {  	v3 =	vmul.f32 v47, v1;
	[tilespmem:s12+$0x0] =	vst v53  }
0x147: {  	v1 =	vmul.f32 v49, v1;
	[tilespmem:s12+$0x30] =	vst v2  }
0x148: {  	v2 =	vmul.f32 v51, v50;
	[tilespmem:s12+$0x70] =	vst v3  }
0x149: {  	v3 =	vmul.f32 v52, v48;
	[tilespmem:s12+$0x60] =	vst v1  }
0x14a: {  	[tilespmem:s12+$0x20] =	vst v2  }
0x14b: {  	[tilespmem:s12+$0x50] =	vst v3  }
0x14c: {  	v2 =	vld [tilespmem:s13+$0x4];
	_ =	sdelay $0x1  }
0x14d: {  	v1 =	vld [tilespmem:s12+$0x80]  }
0x14e: {  	v54 =	vld [tilespmem:s12+$0xC0]  }
0x14f: {  	v55 =	vld [tilespmem:s12+$0xD0]  }
0x150: {  	v60 =	vld [tilespmem:s12+$0x90];
	v57 =	vbroadcast v2, $0x0  }
0x151: {  	v3 =	vld [tilespmem:s12+$0xE0];
	v59 =	vbroadcast v2, $0x2  }
0x152: {  	v58 =	vld [tilespmem:s12+$0xF0];
	v1 =	vmul.f32 v57, v1  }
0x153: {  	v56 =	vld [tilespmem:s12+$0xA0];
	v4 =	vmul.f32 v54, v59  }
0x154: {  	v61 =	vld [tilespmem:s12+$0xB0];
	v62 =	vbroadcast v2, $0x3;
	v5 =	vmul.f32 v55, v59;
	[tilespmem:s12+$0x80] =	vst v1  }
0x155: {  	v63 =	vmul.f32 v60, v57;
	[tilespmem:s12+$0xC0] =	vst v4  }
0x156: {  	v2 =	vbroadcast v2, $0x1;
	v1 =	vmul.f32 v3, v62;
	[tilespmem:s12+$0xD0] =	vst v5  }
0x157: {  	v3 =	vmul.f32 v58, v62;
	[tilespmem:s12+$0x90] =	vst v63  }
0x158: {  	s7 =	sor.u32 @!p2 $0x3, s22;
	[tilespmem:s12+$0xE0] =	vst v1;
	v1 =	vmul.f32 v56, v2  }
0x159: {  	p1 =	sgt.u32 @!p2 s7, $0xF9;
	[tilespmem:s12+$0xF0] =	vst v3;
	v2 =	vmul.f32 v61, v2  }
0x15a: {  	p3 =	por p2, !p1;
	[tilespmem:s12+$0xA0] =	vst v1  }
.Ltmp7:
0x15b: {  	[tilespmem:s12+$0xB0] =	vst v2;
	s12 =	simm.s32 @!p2 $0xC;
	(pc) =	sbr.rel @!p3 .LBB2_10-.Ltmp7, $4  }
0x15c: {  	[spmem:s2] =	stream.indirect.scatter.add.f32 [tilespmem:s3], [sflag:$0x9], $0x80, s15, s10, $0xb8;
	[tilespmem:$0x1EA00] =	vst v63  }
0x15d: {  	_ =	swait.ge @!p2 [sflag:s12], $0x2800  }
0x15e: {  	[sflag:s12] =	ssyncset.done @!p2 $0x0  }
0x15f: {  	p1 =	por @!p2 $0x0, $0x0;
	[sflag:s12] =	ssyncadd.s32 @!p2 $0xFFFFD800  }
0x160: {  	s7 =	simm.s32 @p2 $0x3  }
0x161: {  	s12 =	sshll.u32 s7, $0x8;
	s7 =	smul.u32 $0x50, s7  }
0x162: {  	s12 =	sadd.s32 s18, s12  }
0x163: {  	s12 =	sshrl.u32 s12, $0x3;
	s7 =	sadd.s32 s26, s7  }
0x164: {  	s13 =	simm.s32 $0xA900;
	s12 =	sadd.s32 s5, s12;
	s7 =	sshrl.u32 s7, $0x1  }
0x165: {  	[tilespmem:s13], [sflag:$0x4] =	stream.linear.gather [hbm4b:s12+s3], $0x100, $0x38;
	[tilespmem:$0x1EA00] =	vst v63  }
0x166: {  	s7 =	sand.u32 $0x1FFFFFF8, s7  }
0x167: {  	s24 =	simm.s32 $0xA480;
	p1 =	por $0x1, $0x1;
	s7 =	sadd.s32 s6, s7  }
0x168: {  	[tilespmem:s24], [sflag:$0x4] =	stream.linear.gather [hbm4b:s7+s3], $0x140, $0x38;
	[tilespmem:$0x1EA00] =	vst v63  }
.LBB2_10:
0x169: {  	s7 =	simm.s32 @p0 $0x3  }
0x16a: {  	_ =	swait.ge @p0 [sflag:s7], $0x100  }
0x16b: {  	[sflag:s7] =	ssyncset.done @p0 $0x0  }
0x16c: {  	[sflag:s7] =	ssyncadd.s32 @p0 $0xFFFFFF00  }
0x16d: {  	_ =	swait.ge @p0 [sflag:s7], $0x140  }
0x16e: {  	s12 =	simm.s32 @p0 $0xA800;
	[sflag:s7] =	ssyncset.done @p0 $0x0  }
0x16f: {  	s13 =	simm.s32 @p0 $0x5000;
	[sflag:s7] =	ssyncadd.s32 @p0 $0xFFFFFEC0;
	s7 =	simm.s32 @p0 $0x50  }
0x170: {  	[tilespmem:s13], [sflag:$0x7] =	stream.indirect.gather @p0 [hbm4b:s1+s7], $0x80, s12, s7, $0xb8;
	[tilespmem:$0x1EA00] =	vst v63  }
0x171: {  	_ =	swait.ge [sflag:s25], $0x2800  }
0x172: {  	[sflag:s25] =	ssyncset.done $0x0  }
0x173: {  	s16 =	simm.s32 $0xA188;
	[sflag:s25] =	ssyncadd.s32 $0xFFFFD800  }
0x174: {  	v1 =	vld [tilespmem:s16+$0xFFFFFFF8]  }
0x175: {  	s12 =	simm.s32 $0x2900  }
0x176: {  	v3 =	vld [tilespmem:s12+$0xFFFFFF60]  }
0x177: {  	v4 =	vld [tilespmem:s12+$0xFFFFFF00]  }
0x178: {  	v5 =	vld [tilespmem:s12+$0xFFFFFF30]  }
0x179: {  	v2 =	vld [tilespmem:s12+$0xFFFFFF40];
	v7 =	vbroadcast v1, $0x3  }
0x17a: {  	v6 =	vld [tilespmem:s12+$0xFFFFFF10];
	v9 =	vbroadcast v1, $0x0  }
0x17b: {  	v8 =	vld [tilespmem:s12+$0xFFFFFF70];
	v11 =	vbroadcast v1, $0x1;
	v3 =	vmul.f32 v3, v7  }
0x17c: {  	v12 =	vld [tilespmem:s12+$0xFFFFFF50];
	v1 =	vbroadcast v1, $0x2;
	v4 =	vmul.f32 v9, v4  }
0x17d: {  	v10 =	vld [tilespmem:s12+$0xFFFFFF20];
	v5 =	vmul.f32 v5, v11;
	[tilespmem:s12+$0xFFFFFF60] =	vst v3  }
0x17e: {  	v2 =	vmul.f32 v2, v1;
	[tilespmem:s12+$0xFFFFFF00] =	vst v4  }
0x17f: {  	v3 =	vmul.f32 v6, v9;
	[tilespmem:s12+$0xFFFFFF30] =	vst v5  }
0x180: {  	v4 =	vmul.f32 v8, v7;
	[tilespmem:s12+$0xFFFFFF40] =	vst v2  }
0x181: {  	v2 =	vmul.f32 v12, v1;
	[tilespmem:s12+$0xFFFFFF10] =	vst v3  }
0x182: {  	v1 =	vld [tilespmem:s12+$0xFFFFFFF0];
	v3 =	vmul.f32 v10, v11;
	[tilespmem:s12+$0xFFFFFF70] =	vst v4  }
0x183: {  	[tilespmem:s12+$0xFFFFFF50] =	vst v2;
	v2 =	vld [tilespmem:s12+$0xFFFFFFA0]  }
0x184: {  	[tilespmem:s12+$0xFFFFFF20] =	vst v3;
	v3 =	vld [tilespmem:s12+$0xFFFFFF90]  }
0x185: {  	s17 =	simm.s32 $0x0;
	s7 =	simm.s32 $0x2900;
	s13 =	simm.s32 $0xA188;
	v4 =	vld [tilespmem:s16+$0xFFFFFFFC]  }
.LBB2_11:
0x186: {  	s17 =	sadd.s32 $0x4, s17;
	v5 =	vld [tilespmem:s12+$0xFFFFFFD0];
	s16 =	sadd.s32 $0x10, s16;
	s7 =	sadd.s32 $0x200, s7  }
0x187: {  	p2 =	slt.u32 s17, $0x4C;
	v6 =	vld [tilespmem:s12+$0xFFFFFF80]  }
0x188: {  	v7 =	vld [tilespmem:s12+$0xFFFFFFC0]  }
0x189: {  	v8 =	vld [tilespmem:s12+$0xFFFFFFE0]  }
0x18a: {  	v9 =	vbroadcast v4, $0x0;
	v10 =	vbroadcast v4, $0x1;
	v11 =	vld [tilespmem:s12+$0xFFFFFFB0]  }
0x18b: {  	v12 =	vbroadcast v4, $0x2;
	v4 =	vbroadcast v4, $0x3  }
0x18c: {  	v6 =	vmul.f32 v9, v6;
	v3 =	vmul.f32 v3, v9  }
0x18d: {  	v5 =	vmul.f32 v5, v12;
	v7 =	vmul.f32 v7, v12  }
0x18e: {  	v1 =	vmul.f32 v1, v4;
	[tilespmem:s12+$0xFFFFFF90] =	vst v3;
	v3 =	vmul.f32 v8, v4  }
0x18f: {  	v2 =	vmul.f32 v2, v10;
	v4 =	vmul.f32 v11, v10;
	[tilespmem:s12+$0xFFFFFFC0] =	vst v7  }
0x190: {  	[tilespmem:s12+$0xFFFFFFD0] =	vst v5  }
0x191: {  	[tilespmem:s12+$0xFFFFFFF0] =	vst v1  }
0x192: {  	[tilespmem:s12+$0xFFFFFFA0] =	vst v2  }
0x193: {  	[tilespmem:s12+$0xFFFFFFE0] =	vst v3;
	v1 =	vld [tilespmem:s12+$0x60]  }
0x194: {  	[tilespmem:s12+$0xFFFFFF80] =	vst v6;
	v2 =	vld [tilespmem:s12+$0x70]  }
0x195: {  	[tilespmem:s12+$0xFFFFFFB0] =	vst v4;
	v3 =	vld [tilespmem:s12+$0x40]  }
0x196: {  	v4 =	vld [tilespmem:s13+$0x0]  }
0x197: {  	v5 =	vld [tilespmem:s12+$0x20]  }
0x198: {  	v6 =	vld [tilespmem:s12+$0x10]  }
0x199: {  	v7 =	vld [tilespmem:s12+$0x50]  }
0x19a: {  	v8 =	vld [tilespmem:s12+$0x30]  }
0x19b: {  	v9 =	vbroadcast v4, $0x0;
	v10 =	vld [tilespmem:s12+$0x0];
	v11 =	vbroadcast v4, $0x1  }
0x19c: {  	v12 =	vbroadcast v4, $0x2;
	v4 =	vbroadcast v4, $0x3  }
0x19d: {  	v6 =	vmul.f32 v6, v9;
	v5 =	vmul.f32 v5, v11  }
0x19e: {  	v3 =	vmul.f32 v3, v12;
	v7 =	vmul.f32 v7, v12  }
0x19f: {  	v2 =	vmul.f32 v2, v4;
	[tilespmem:s12+$0x10] =	vst v6;
	v6 =	vmul.f32 v8, v11  }
0x1a0: {  	v1 =	vmul.f32 v1, v4;
	v8 =	vmul.f32 v9, v10;
	[tilespmem:s12+$0x40] =	vst v3  }
0x1a1: {  	[tilespmem:s12+$0x30] =	vst v6  }
0x1a2: {  	[tilespmem:s12+$0x0] =	vst v8  }
0x1a3: {  	[tilespmem:s12+$0x70] =	vst v2  }
0x1a4: {  	[tilespmem:s12+$0x60] =	vst v1;
	v1 =	vld [tilespmem:s12+$0xE0]  }
0x1a5: {  	[tilespmem:s12+$0x20] =	vst v5;
	v2 =	vld [tilespmem:s12+$0x80]  }
0x1a6: {  	[tilespmem:s12+$0x50] =	vst v7;
	v3 =	vld [tilespmem:s12+$0xA0]  }
0x1a7: {  	v4 =	vld [tilespmem:s13+$0x4];
	s13 =	smov.u32 s16  }
0x1a8: {  	v5 =	vld [tilespmem:s12+$0xD0]  }
0x1a9: {  	v6 =	vld [tilespmem:s12+$0x90]  }
0x1aa: {  	v7 =	vld [tilespmem:s12+$0xC0]  }
0x1ab: {  	v8 =	vld [tilespmem:s12+$0xF0]  }
0x1ac: {  	v9 =	vbroadcast v4, $0x0;
	v10 =	vbroadcast v4, $0x1;
	v11 =	vld [tilespmem:s12+$0xB0]  }
0x1ad: {  	v12 =	vbroadcast v4, $0x2;
	v4 =	vbroadcast v4, $0x3  }
0x1ae: {  	v2 =	vmul.f32 v9, v2;
	v6 =	vmul.f32 v6, v9  }
0x1af: {  	v5 =	vmul.f32 v5, v12;
	v7 =	vmul.f32 v7, v12  }
0x1b0: {  	v1 =	vmul.f32 v1, v4;
	[tilespmem:s12+$0x80] =	vst v2;
	v2 =	vmul.f32 v8, v4  }
0x1b1: {  	v3 =	vmul.f32 v3, v10;
	v4 =	vmul.f32 v11, v10;
	[tilespmem:s12+$0xC0] =	vst v7  }
0x1b2: {  	[tilespmem:s12+$0xD0] =	vst v5  }
0x1b3: {  	[tilespmem:s12+$0xE0] =	vst v1  }
0x1b4: {  	[tilespmem:s12+$0xF0] =	vst v2  }
0x1b5: {  	[tilespmem:s12+$0x90] =	vst v6  }
0x1b6: {  	v1 =	vld [tilespmem:s7+$0xFFFFFF40];
	[tilespmem:s12+$0xA0] =	vst v3  }
0x1b7: {  	v2 =	vld [tilespmem:s7+$0xFFFFFF70];
	[tilespmem:s12+$0xB0] =	vst v4;
	s12 =	smov.u32 s7  }
0x1b8: {  	v3 =	vld [tilespmem:s16+$0xFFFFFFF8]  }
0x1b9: {  	v4 =	vld [tilespmem:s7+$0xFFFFFF20]  }
0x1ba: {  	v5 =	vld [tilespmem:s7+$0xFFFFFF60]  }
0x1bb: {  	v6 =	vld [tilespmem:s7+$0xFFFFFF00]  }
0x1bc: {  	v7 =	vld [tilespmem:s7+$0xFFFFFF30]  }
0x1bd: {  	v8 =	vld [tilespmem:s7+$0xFFFFFF10];
	v9 =	vbroadcast v3, $0x1;
	v10 =	vbroadcast v3, $0x3  }
0x1be: {  	v11 =	vbroadcast v3, $0x0;
	v3 =	vbroadcast v3, $0x2;
	v12 =	vld [tilespmem:s7+$0xFFFFFF50]  }
0x1bf: {  	v5 =	vmul.f32 v5, v10  }
0x1c0: {  	v4 =	vmul.f32 v4, v9;
	v6 =	vmul.f32 v11, v6  }
0x1c1: {  	v2 =	vmul.f32 v2, v10;
	v7 =	vmul.f32 v7, v9;
	[tilespmem:s7+$0xFFFFFF60] =	vst v5  }
0x1c2: {  	v1 =	vmul.f32 v1, v3;
	[tilespmem:s7+$0xFFFFFF00] =	vst v6;
	v5 =	vmul.f32 v8, v11  }
0x1c3: {  	[tilespmem:s7+$0xFFFFFF30] =	vst v7;
	v6 =	vmul.f32 v12, v3  }
0x1c4: {  	[tilespmem:s7+$0xFFFFFF10] =	vst v5  }
.Ltmp8:
0x1c5: {  	[tilespmem:s7+$0xFFFFFF40] =	vst v1;
	(pc) =	sbr.rel @p2 .LBB2_11-.Ltmp8, $4  }
0x1c6: {  	[tilespmem:s7+$0xFFFFFF70] =	vst v2;
	v1 =	vld [tilespmem:s7+$0xFFFFFFF0]  }
0x1c7: {  	[tilespmem:s7+$0xFFFFFF20] =	vst v4;
	v3 =	vld [tilespmem:s7+$0xFFFFFF90]  }
0x1c8: {  	[tilespmem:s7+$0xFFFFFF50] =	vst v6;
	v2 =	vld [tilespmem:s7+$0xFFFFFFA0]  }
0x1c9: {  	v4 =	vld [tilespmem:s16+$0xFFFFFFFC]  }
0x1ca: {  	_ =	sdelay $0x1  }
0x1cb: {  	v5 =	vld [tilespmem:s12+$0xFFFFFFC0]  }
0x1cc: {  	v6 =	vld [tilespmem:s12+$0xFFFFFFD0]  }
0x1cd: {  	v7 =	vbroadcast v4, $0x0  }
0x1ce: {  	v9 =	vbroadcast v4, $0x2  }
0x1cf: {  	v10 =	vld [tilespmem:s12+$0xFFFFFFE0];
	v3 =	vmul.f32 v3, v7  }
0x1d0: {  	v8 =	vld [tilespmem:s12+$0xFFFFFF80];
	v12 =	vbroadcast v4, $0x3;
	v5 =	vmul.f32 v5, v9  }
0x1d1: {  	v11 =	vld [tilespmem:s12+$0xFFFFFFB0];
	v43 =	vbroadcast v4, $0x1;
	v6 =	vmul.f32 v6, v9;
	[tilespmem:s12+$0xFFFFFF90] =	vst v3  }
0x1d2: {  	v1 =	vmul.f32 v1, v12;
	[tilespmem:s12+$0xFFFFFFC0] =	vst v5  }
0x1d3: {  	v2 =	vmul.f32 v2, v43;
	[tilespmem:s12+$0xFFFFFFD0] =	vst v6  }
0x1d4: {  	v3 =	vmul.f32 v10, v12;
	[tilespmem:s12+$0xFFFFFFF0] =	vst v1  }
0x1d5: {  	v1 =	vmul.f32 v7, v8;
	[tilespmem:s12+$0xFFFFFFA0] =	vst v2  }
0x1d6: {  	v2 =	vmul.f32 v11, v43;
	[tilespmem:s12+$0xFFFFFFE0] =	vst v3  }
0x1d7: {  	[tilespmem:s12+$0xFFFFFF80] =	vst v1  }
0x1d8: {  	[tilespmem:s12+$0xFFFFFFB0] =	vst v2  }
0x1d9: {  	v1 =	vld [tilespmem:s13+$0x0];
	_ =	sdelay $0x1  }
0x1da: {  	v2 =	vld [tilespmem:s12+$0x10]  }
0x1db: {  	v3 =	vld [tilespmem:s12+$0x40]  }
0x1dc: {  	v46 =	vld [tilespmem:s12+$0x0]  }
0x1dd: {  	v44 =	vld [tilespmem:s12+$0x30];
	v45 =	vbroadcast v1, $0x0  }
0x1de: {  	v47 =	vld [tilespmem:s12+$0x70];
	v48 =	vbroadcast v1, $0x2  }
0x1df: {  	v49 =	vld [tilespmem:s12+$0x60];
	v2 =	vmul.f32 v2, v45  }
0x1e0: {  	v51 =	vld [tilespmem:s12+$0x20];
	v50 =	vbroadcast v1, $0x1;
	v3 =	vmul.f32 v3, v48  }
0x1e1: {  	v52 =	vld [tilespmem:s12+$0x50];
	v1 =	vbroadcast v1, $0x3;
	v53 =	vmul.f32 v45, v46;
	[tilespmem:s12+$0x10] =	vst v2  }
0x1e2: {  	v2 =	vmul.f32 v44, v50;
	[tilespmem:s12+$0x40] =	vst v3  }
0x1e3: {  	v3 =	vmul.f32 v47, v1;
	[tilespmem:s12+$0x0] =	vst v53  }
0x1e4: {  	v1 =	vmul.f32 v49, v1;
	[tilespmem:s12+$0x30] =	vst v2  }
0x1e5: {  	v2 =	vmul.f32 v51, v50;
	[tilespmem:s12+$0x70] =	vst v3  }
0x1e6: {  	v3 =	vmul.f32 v52, v48;
	[tilespmem:s12+$0x60] =	vst v1  }
0x1e7: {  	[tilespmem:s12+$0x20] =	vst v2  }
0x1e8: {  	[tilespmem:s12+$0x50] =	vst v3  }
0x1e9: {  	v2 =	vld [tilespmem:s13+$0x4];
	_ =	sdelay $0x1  }
0x1ea: {  	v1 =	vld [tilespmem:s12+$0x80]  }
0x1eb: {  	v54 =	vld [tilespmem:s12+$0xC0]  }
0x1ec: {  	v55 =	vld [tilespmem:s12+$0xD0]  }
0x1ed: {  	v60 =	vld [tilespmem:s12+$0x90];
	v57 =	vbroadcast v2, $0x0  }
0x1ee: {  	v3 =	vld [tilespmem:s12+$0xE0];
	v59 =	vbroadcast v2, $0x2  }
0x1ef: {  	v58 =	vld [tilespmem:s12+$0xF0];
	v1 =	vmul.f32 v57, v1  }
0x1f0: {  	v56 =	vld [tilespmem:s12+$0xA0];
	v4 =	vmul.f32 v54, v59  }
0x1f1: {  	v61 =	vld [tilespmem:s12+$0xB0];
	v62 =	vbroadcast v2, $0x3;
	v5 =	vmul.f32 v55, v59;
	[tilespmem:s12+$0x80] =	vst v1  }
0x1f2: {  	v63 =	vmul.f32 v60, v57;
	[tilespmem:s12+$0xC0] =	vst v4  }
0x1f3: {  	v2 =	vbroadcast v2, $0x1;
	v1 =	vmul.f32 v3, v62;
	[tilespmem:s12+$0xD0] =	vst v5  }
0x1f4: {  	v3 =	vmul.f32 v58, v62;
	[tilespmem:s12+$0x90] =	vst v63  }
0x1f5: {  	[tilespmem:s12+$0xE0] =	vst v1;
	v1 =	vmul.f32 v56, v2  }
0x1f6: {  	p2 =	seq.s32 s23, $0x3E;
	[tilespmem:s12+$0xF0] =	vst v3;
	v2 =	vmul.f32 v61, v2  }
0x1f7: {  	s7 =	sadd.s32 @!p2 $0x4, s22;
	[tilespmem:s12+$0xA0] =	vst v1  }
0x1f8: {  	[tilespmem:s12+$0xB0] =	vst v2;
	s12 =	sshll.u32 @!p2 s7, $0x8;
	s7 =	smul.u32 @!p2 $0x50, s7  }
0x1f9: {  	[spmem:s2] =	stream.indirect.scatter.add.f32 [tilespmem:s14], [sflag:$0xA], $0x80, s28, s10, $0xb8;
	[tilespmem:$0x1EA00] =	vst v63  }
0x1fa: {  	s13 =	simm.s32 @!p2 $0xA600;
	s12 =	sadd.s32 @!p2 s18, s12  }
0x1fb: {  	_ =	swait.ge [sflag:s29], $0x2800;
	s12 =	sshrl.u32 @!p2 s12, $0x3;
	s7 =	sadd.s32 @!p2 s26, s7  }
0x1fc: {  	[sflag:s29] =	ssyncset.done $0x0;
	s16 =	sadd.s32 @!p2 s5, s12;
	s7 =	sshrl.u32 @!p2 s7, $0x1  }
0x1fd: {  	s12 =	simm.s32 @!p2 $0x0;
	[sflag:s29] =	ssyncadd.s32 $0xFFFFD800;
	s7 =	sand.u32 @!p2 $0x1FFFFFF0, s7  }
0x1fe: {  	[tilespmem:s13], [sflag:$0x1] =	stream.linear.gather @!p2 [hbm4b:s16+s12], $0x100, $0x38;
	[tilespmem:$0x1EA00] =	vst v63  }
0x1ff: {  	s7 =	sadd.s32 @!p2 s6, s7;
	s16 =	simm.s32 @!p2 $0xA000  }
0x200: {  	[tilespmem:s16], [sflag:$0x1] =	stream.linear.gather @!p2 [hbm4b:s7+s12], $0x140, $0x38;
	[tilespmem:$0x1EA00] =	vst v63  }
0x201: {  	s7 =	simm.s32 @p1 $0x4  }
0x202: {  	_ =	swait.ge @p1 [sflag:s7], $0x100  }
0x203: {  	[sflag:s7] =	ssyncset.done @p1 $0x0  }
.Ltmp9:
0x204: {  	[sflag:s7] =	ssyncadd.s32 @p1 $0xFFFFFF00;
	(pc) =	sbr.rel @!p0 .LBB2_16-.Ltmp9, $4  }
0x205: {  	_ =	swait.ge @p1 [sflag:s7], $0x140  }
0x206: {  	s17 =	simm.s32 @p1 $0x7800;
	[sflag:s7] =	ssyncset.done @p1 $0x0  }
0x207: {  	s16 =	simm.s32 @p1 $0xA900;
	[sflag:s7] =	ssyncadd.s32 @p1 $0xFFFFFEC0;
	s7 =	simm.s32 @p1 $0x50  }
0x208: {  	[tilespmem:s17], [sflag:$0x8] =	stream.indirect.gather @p1 [hbm4b:s1+s7], $0x80, s16, s7, $0xb8;
	[tilespmem:$0x1EA00] =	vst v63  }
0x209: {  	_ =	swait.ge [sflag:s30], $0x2800  }
0x20a: {  	[sflag:s30] =	ssyncset.done $0x0  }
0x20b: {  	s24 =	simm.s32 $0xA308;
	[sflag:s30] =	ssyncadd.s32 $0xFFFFD800  }
0x20c: {  	v1 =	vld [tilespmem:s24+$0xFFFFFFF8]  }
0x20d: {  	s16 =	simm.s32 $0x5100  }
0x20e: {  	v3 =	vld [tilespmem:s16+$0xFFFFFF60]  }
0x20f: {  	v4 =	vld [tilespmem:s16+$0xFFFFFF00]  }
0x210: {  	v5 =	vld [tilespmem:s16+$0xFFFFFF30]  }
0x211: {  	v2 =	vld [tilespmem:s16+$0xFFFFFF40];
	v7 =	vbroadcast v1, $0x3  }
0x212: {  	v6 =	vld [tilespmem:s16+$0xFFFFFF10];
	v9 =	vbroadcast v1, $0x0  }
0x213: {  	v8 =	vld [tilespmem:s16+$0xFFFFFF70];
	v11 =	vbroadcast v1, $0x1;
	v3 =	vmul.f32 v3, v7  }
0x214: {  	v12 =	vld [tilespmem:s16+$0xFFFFFF50];
	v1 =	vbroadcast v1, $0x2;
	v4 =	vmul.f32 v9, v4  }
0x215: {  	v10 =	vld [tilespmem:s16+$0xFFFFFF20];
	v5 =	vmul.f32 v5, v11;
	[tilespmem:s16+$0xFFFFFF60] =	vst v3  }
0x216: {  	v2 =	vmul.f32 v2, v1;
	[tilespmem:s16+$0xFFFFFF00] =	vst v4  }
0x217: {  	v3 =	vmul.f32 v6, v9;
	[tilespmem:s16+$0xFFFFFF30] =	vst v5  }
0x218: {  	v4 =	vmul.f32 v8, v7;
	[tilespmem:s16+$0xFFFFFF40] =	vst v2  }
0x219: {  	v2 =	vmul.f32 v12, v1;
	[tilespmem:s16+$0xFFFFFF10] =	vst v3  }
0x21a: {  	v1 =	vld [tilespmem:s16+$0xFFFFFFF0];
	v3 =	vmul.f32 v10, v11;
	[tilespmem:s16+$0xFFFFFF70] =	vst v4  }
0x21b: {  	[tilespmem:s16+$0xFFFFFF50] =	vst v2;
	v2 =	vld [tilespmem:s16+$0xFFFFFFA0]  }
0x21c: {  	[tilespmem:s16+$0xFFFFFF20] =	vst v3;
	v3 =	vld [tilespmem:s16+$0xFFFFFF90]  }
0x21d: {  	s7 =	simm.s32 $0x0;
	s19 =	simm.s32 $0x5100;
	s17 =	simm.s32 $0xA308;
	v4 =	vld [tilespmem:s24+$0xFFFFFFFC]  }
.LBB2_14:
0x21e: {  	s7 =	sadd.s32 $0x4, s7;
	v5 =	vld [tilespmem:s16+$0xFFFFFFD0];
	s24 =	sadd.s32 $0x10, s24;
	s19 =	sadd.s32 $0x200, s19  }
0x21f: {  	p0 =	slt.u32 s7, $0x4C;
	v6 =	vld [tilespmem:s16+$0xFFFFFF80]  }
0x220: {  	v7 =	vld [tilespmem:s16+$0xFFFFFFC0]  }
0x221: {  	v8 =	vld [tilespmem:s16+$0xFFFFFFE0]  }
0x222: {  	v9 =	vbroadcast v4, $0x0;
	v10 =	vbroadcast v4, $0x1;
	v11 =	vld [tilespmem:s16+$0xFFFFFFB0]  }
0x223: {  	v12 =	vbroadcast v4, $0x2;
	v4 =	vbroadcast v4, $0x3  }
0x224: {  	v6 =	vmul.f32 v9, v6;
	v3 =	vmul.f32 v3, v9  }
0x225: {  	v5 =	vmul.f32 v5, v12;
	v7 =	vmul.f32 v7, v12  }
0x226: {  	v1 =	vmul.f32 v1, v4;
	[tilespmem:s16+$0xFFFFFF90] =	vst v3;
	v3 =	vmul.f32 v8, v4  }
0x227: {  	v2 =	vmul.f32 v2, v10;
	v4 =	vmul.f32 v11, v10;
	[tilespmem:s16+$0xFFFFFFC0] =	vst v7  }
0x228: {  	[tilespmem:s16+$0xFFFFFFD0] =	vst v5  }
0x229: {  	[tilespmem:s16+$0xFFFFFFF0] =	vst v1  }
0x22a: {  	[tilespmem:s16+$0xFFFFFFA0] =	vst v2  }
0x22b: {  	[tilespmem:s16+$0xFFFFFFE0] =	vst v3;
	v1 =	vld [tilespmem:s16+$0x60]  }
0x22c: {  	[tilespmem:s16+$0xFFFFFF80] =	vst v6;
	v2 =	vld [tilespmem:s16+$0x70]  }
0x22d: {  	[tilespmem:s16+$0xFFFFFFB0] =	vst v4;
	v3 =	vld [tilespmem:s16+$0x40]  }
0x22e: {  	v4 =	vld [tilespmem:s17+$0x0]  }
0x22f: {  	v5 =	vld [tilespmem:s16+$0x20]  }
0x230: {  	v6 =	vld [tilespmem:s16+$0x10]  }
0x231: {  	v7 =	vld [tilespmem:s16+$0x50]  }
0x232: {  	v8 =	vld [tilespmem:s16+$0x30]  }
0x233: {  	v9 =	vbroadcast v4, $0x0;
	v10 =	vld [tilespmem:s16+$0x0];
	v11 =	vbroadcast v4, $0x1  }
0x234: {  	v12 =	vbroadcast v4, $0x2;
	v4 =	vbroadcast v4, $0x3  }
0x235: {  	v6 =	vmul.f32 v6, v9;
	v5 =	vmul.f32 v5, v11  }
0x236: {  	v3 =	vmul.f32 v3, v12;
	v7 =	vmul.f32 v7, v12  }
0x237: {  	v2 =	vmul.f32 v2, v4;
	[tilespmem:s16+$0x10] =	vst v6;
	v6 =	vmul.f32 v8, v11  }
0x238: {  	v1 =	vmul.f32 v1, v4;
	v8 =	vmul.f32 v9, v10;
	[tilespmem:s16+$0x40] =	vst v3  }
0x239: {  	[tilespmem:s16+$0x30] =	vst v6  }
0x23a: {  	[tilespmem:s16+$0x0] =	vst v8  }
0x23b: {  	[tilespmem:s16+$0x70] =	vst v2  }
0x23c: {  	[tilespmem:s16+$0x60] =	vst v1;
	v1 =	vld [tilespmem:s16+$0xE0]  }
0x23d: {  	[tilespmem:s16+$0x20] =	vst v5;
	v2 =	vld [tilespmem:s16+$0x80]  }
0x23e: {  	[tilespmem:s16+$0x50] =	vst v7;
	v3 =	vld [tilespmem:s16+$0xA0]  }
0x23f: {  	v4 =	vld [tilespmem:s17+$0x4];
	s17 =	smov.u32 s24  }
0x240: {  	v5 =	vld [tilespmem:s16+$0xD0]  }
0x241: {  	v6 =	vld [tilespmem:s16+$0x90]  }
0x242: {  	v7 =	vld [tilespmem:s16+$0xC0]  }
0x243: {  	v8 =	vld [tilespmem:s16+$0xF0]  }
0x244: {  	v9 =	vbroadcast v4, $0x0;
	v10 =	vbroadcast v4, $0x1;
	v11 =	vld [tilespmem:s16+$0xB0]  }
0x245: {  	v12 =	vbroadcast v4, $0x2;
	v4 =	vbroadcast v4, $0x3  }
0x246: {  	v2 =	vmul.f32 v9, v2;
	v6 =	vmul.f32 v6, v9  }
0x247: {  	v5 =	vmul.f32 v5, v12;
	v7 =	vmul.f32 v7, v12  }
0x248: {  	v1 =	vmul.f32 v1, v4;
	[tilespmem:s16+$0x80] =	vst v2;
	v2 =	vmul.f32 v8, v4  }
0x249: {  	v3 =	vmul.f32 v3, v10;
	v4 =	vmul.f32 v11, v10;
	[tilespmem:s16+$0xC0] =	vst v7  }
0x24a: {  	[tilespmem:s16+$0xD0] =	vst v5  }
0x24b: {  	[tilespmem:s16+$0xE0] =	vst v1  }
0x24c: {  	[tilespmem:s16+$0xF0] =	vst v2  }
0x24d: {  	[tilespmem:s16+$0x90] =	vst v6  }
0x24e: {  	v1 =	vld [tilespmem:s19+$0xFFFFFF40];
	[tilespmem:s16+$0xA0] =	vst v3  }
0x24f: {  	v2 =	vld [tilespmem:s19+$0xFFFFFF70];
	[tilespmem:s16+$0xB0] =	vst v4;
	s16 =	smov.u32 s19  }
0x250: {  	v3 =	vld [tilespmem:s24+$0xFFFFFFF8]  }
0x251: {  	v4 =	vld [tilespmem:s19+$0xFFFFFF20]  }
0x252: {  	v5 =	vld [tilespmem:s19+$0xFFFFFF60]  }
0x253: {  	v6 =	vld [tilespmem:s19+$0xFFFFFF00]  }
0x254: {  	v7 =	vld [tilespmem:s19+$0xFFFFFF30]  }
0x255: {  	v8 =	vld [tilespmem:s19+$0xFFFFFF10];
	v9 =	vbroadcast v3, $0x1;
	v10 =	vbroadcast v3, $0x3  }
0x256: {  	v11 =	vbroadcast v3, $0x0;
	v3 =	vbroadcast v3, $0x2;
	v12 =	vld [tilespmem:s19+$0xFFFFFF50]  }
0x257: {  	v5 =	vmul.f32 v5, v10  }
0x258: {  	v4 =	vmul.f32 v4, v9;
	v6 =	vmul.f32 v11, v6  }
0x259: {  	v2 =	vmul.f32 v2, v10;
	v7 =	vmul.f32 v7, v9;
	[tilespmem:s19+$0xFFFFFF60] =	vst v5  }
0x25a: {  	v1 =	vmul.f32 v1, v3;
	[tilespmem:s19+$0xFFFFFF00] =	vst v6;
	v5 =	vmul.f32 v8, v11  }
0x25b: {  	[tilespmem:s19+$0xFFFFFF30] =	vst v7;
	v6 =	vmul.f32 v12, v3  }
0x25c: {  	[tilespmem:s19+$0xFFFFFF10] =	vst v5  }
.Ltmp10:
0x25d: {  	[tilespmem:s19+$0xFFFFFF40] =	vst v1;
	(pc) =	sbr.rel @p0 .LBB2_14-.Ltmp10, $4  }
0x25e: {  	[tilespmem:s19+$0xFFFFFF70] =	vst v2;
	v1 =	vld [tilespmem:s19+$0xFFFFFFF0]  }
0x25f: {  	[tilespmem:s19+$0xFFFFFF20] =	vst v4;
	v3 =	vld [tilespmem:s19+$0xFFFFFF90]  }
0x260: {  	[tilespmem:s19+$0xFFFFFF50] =	vst v6;
	v2 =	vld [tilespmem:s19+$0xFFFFFFA0]  }
0x261: {  	v4 =	vld [tilespmem:s24+$0xFFFFFFFC]  }
0x262: {  	_ =	sdelay $0x1  }
0x263: {  	v5 =	vld [tilespmem:s16+$0xFFFFFFC0]  }
0x264: {  	v6 =	vld [tilespmem:s16+$0xFFFFFFD0]  }
0x265: {  	v7 =	vbroadcast v4, $0x0  }
0x266: {  	v9 =	vbroadcast v4, $0x2  }
0x267: {  	v10 =	vld [tilespmem:s16+$0xFFFFFFE0];
	v3 =	vmul.f32 v3, v7  }
0x268: {  	v8 =	vld [tilespmem:s16+$0xFFFFFF80];
	v12 =	vbroadcast v4, $0x3;
	v5 =	vmul.f32 v5, v9  }
0x269: {  	v11 =	vld [tilespmem:s16+$0xFFFFFFB0];
	v43 =	vbroadcast v4, $0x1;
	v6 =	vmul.f32 v6, v9;
	[tilespmem:s16+$0xFFFFFF90] =	vst v3  }
0x26a: {  	v1 =	vmul.f32 v1, v12;
	[tilespmem:s16+$0xFFFFFFC0] =	vst v5  }
0x26b: {  	v2 =	vmul.f32 v2, v43;
	[tilespmem:s16+$0xFFFFFFD0] =	vst v6  }
0x26c: {  	v3 =	vmul.f32 v10, v12;
	[tilespmem:s16+$0xFFFFFFF0] =	vst v1  }
0x26d: {  	v1 =	vmul.f32 v7, v8;
	[tilespmem:s16+$0xFFFFFFA0] =	vst v2  }
0x26e: {  	v2 =	vmul.f32 v11, v43;
	[tilespmem:s16+$0xFFFFFFE0] =	vst v3  }
0x26f: {  	[tilespmem:s16+$0xFFFFFF80] =	vst v1  }
0x270: {  	[tilespmem:s16+$0xFFFFFFB0] =	vst v2  }
0x271: {  	v1 =	vld [tilespmem:s17+$0x0];
	_ =	sdelay $0x1  }
0x272: {  	v2 =	vld [tilespmem:s16+$0x10]  }
0x273: {  	v3 =	vld [tilespmem:s16+$0x40]  }
0x274: {  	v46 =	vld [tilespmem:s16+$0x0]  }
0x275: {  	v44 =	vld [tilespmem:s16+$0x30];
	v45 =	vbroadcast v1, $0x0  }
0x276: {  	v47 =	vld [tilespmem:s16+$0x70];
	v48 =	vbroadcast v1, $0x2  }
0x277: {  	v49 =	vld [tilespmem:s16+$0x60];
	v2 =	vmul.f32 v2, v45  }
0x278: {  	v51 =	vld [tilespmem:s16+$0x20];
	v50 =	vbroadcast v1, $0x1;
	v3 =	vmul.f32 v3, v48  }
0x279: {  	v52 =	vld [tilespmem:s16+$0x50];
	v1 =	vbroadcast v1, $0x3;
	v53 =	vmul.f32 v45, v46;
	[tilespmem:s16+$0x10] =	vst v2  }
0x27a: {  	v2 =	vmul.f32 v44, v50;
	[tilespmem:s16+$0x40] =	vst v3  }
0x27b: {  	v3 =	vmul.f32 v47, v1;
	[tilespmem:s16+$0x0] =	vst v53  }
0x27c: {  	v1 =	vmul.f32 v49, v1;
	[tilespmem:s16+$0x30] =	vst v2  }
0x27d: {  	v2 =	vmul.f32 v51, v50;
	[tilespmem:s16+$0x70] =	vst v3  }
0x27e: {  	v3 =	vmul.f32 v52, v48;
	[tilespmem:s16+$0x60] =	vst v1  }
0x27f: {  	[tilespmem:s16+$0x20] =	vst v2  }
0x280: {  	[tilespmem:s16+$0x50] =	vst v3  }
0x281: {  	v2 =	vld [tilespmem:s17+$0x4];
	_ =	sdelay $0x1  }
0x282: {  	v1 =	vld [tilespmem:s16+$0x80]  }
0x283: {  	v54 =	vld [tilespmem:s16+$0xC0]  }
0x284: {  	v55 =	vld [tilespmem:s16+$0xD0]  }
0x285: {  	v60 =	vld [tilespmem:s16+$0x90];
	v57 =	vbroadcast v2, $0x0  }
0x286: {  	v3 =	vld [tilespmem:s16+$0xE0];
	v59 =	vbroadcast v2, $0x2  }
0x287: {  	v58 =	vld [tilespmem:s16+$0xF0];
	v1 =	vmul.f32 v57, v1  }
0x288: {  	v56 =	vld [tilespmem:s16+$0xA0];
	v4 =	vmul.f32 v54, v59  }
0x289: {  	v61 =	vld [tilespmem:s16+$0xB0];
	v62 =	vbroadcast v2, $0x3;
	v5 =	vmul.f32 v55, v59;
	[tilespmem:s16+$0x80] =	vst v1  }
0x28a: {  	v63 =	vmul.f32 v60, v57;
	[tilespmem:s16+$0xC0] =	vst v4  }
0x28b: {  	v2 =	vbroadcast v2, $0x1;
	v1 =	vmul.f32 v3, v62;
	[tilespmem:s16+$0xD0] =	vst v5  }
0x28c: {  	v3 =	vmul.f32 v58, v62;
	[tilespmem:s16+$0x90] =	vst v63  }
0x28d: {  	[tilespmem:s16+$0xE0] =	vst v1;
	v1 =	vmul.f32 v56, v2  }
0x28e: {  	[tilespmem:s16+$0xF0] =	vst v3;
	v2 =	vmul.f32 v61, v2  }
0x28f: {  	[tilespmem:s16+$0xA0] =	vst v1  }
0x290: {  	s7 =	simm.s32 $0xA880;
	s24 =	simm.s32 $0x5000;
	[tilespmem:s16+$0xB0] =	vst v2  }
0x291: {  	[spmem:s2] =	stream.indirect.scatter.add.f32 [tilespmem:s24], [sflag:$0xB], $0x80, s7, s10, $0xb8;
	[tilespmem:$0x1EA00] =	vst v63  }
.LBB2_16:
0x292: {  	s7 =	sadd.s32 @!p2 $0x5, s22  }
0x293: {  	s16 =	sshll.u32 @!p2 s7, $0x8;
	s7 =	smul.u32 @!p2 $0x50, s7  }
0x294: {  	_ =	swait.ge [sflag:s8], $0x2800;
	s17 =	simm.s32 @!p2 $0xA700;
	s16 =	sadd.s32 @!p2 s18, s16  }
0x295: {  	[sflag:s8] =	ssyncset.done $0x0;
	s16 =	sshrl.u32 @!p2 s16, $0x3;
	s7 =	sadd.s32 @!p2 s26, s7  }
0x296: {  	[sflag:s8] =	ssyncadd.s32 $0xFFFFD800;
	s16 =	sadd.s32 @!p2 s5, s16;
	s7 =	sshrl.u32 @!p2 s7, $0x1  }
0x297: {  	[tilespmem:s17], [sflag:$0x2] =	stream.linear.gather @!p2 [hbm4b:s16+s12], $0x100, $0x38;
	[tilespmem:$0x1EA00] =	vst v63  }
0x298: {  	s7 =	sadd.s32 @!p2 s6, s7;
	s16 =	simm.s32 @!p2 $0xA180  }
0x299: {  	[tilespmem:s16], [sflag:$0x2] =	stream.linear.gather @!p2 [hbm4b:s7+s12], $0x140, $0x38;
	[tilespmem:$0x1EA00] =	vst v63  }
0x29a: {  	s7 =	simm.s32 @!p2 $0x1  }
0x29b: {  	_ =	swait.ge @!p2 [sflag:s7], $0x100  }
0x29c: {  	[sflag:s7] =	ssyncset.done @!p2 $0x0  }
.Ltmp11:
0x29d: {  	[sflag:s7] =	ssyncadd.s32 @!p2 $0xFFFFFF00;
	(pc) =	sbr.rel @!p1 .LBB2_20-.Ltmp11, $4  }
0x29e: {  	_ =	swait.ge @!p2 [sflag:s7], $0x140  }
0x29f: {  	[sflag:s7] =	ssyncset.done @!p2 $0x0  }
0x2a0: {  	[sflag:s7] =	ssyncadd.s32 @!p2 $0xFFFFFEC0;
	s7 =	simm.s32 @!p2 $0x50  }
0x2a1: {  	[tilespmem:s12], [sflag:$0x5] =	stream.indirect.gather @!p2 [hbm4b:s1+s7], $0x80, s13, s7, $0xb8;
	[tilespmem:$0x1EA00] =	vst v63  }
0x2a2: {  	_ =	swait.ge [sflag:s9], $0x2800  }
0x2a3: {  	[sflag:s9] =	ssyncset.done $0x0  }
0x2a4: {  	s16 =	simm.s32 $0xA488;
	[sflag:s9] =	ssyncadd.s32 $0xFFFFD800  }
0x2a5: {  	v1 =	vld [tilespmem:s16+$0xFFFFFFF8]  }
0x2a6: {  	s12 =	simm.s32 $0x7900  }
0x2a7: {  	v3 =	vld [tilespmem:s12+$0xFFFFFF60]  }
0x2a8: {  	v4 =	vld [tilespmem:s12+$0xFFFFFF00]  }
0x2a9: {  	v5 =	vld [tilespmem:s12+$0xFFFFFF30]  }
0x2aa: {  	v2 =	vld [tilespmem:s12+$0xFFFFFF40];
	v7 =	vbroadcast v1, $0x3  }
0x2ab: {  	v6 =	vld [tilespmem:s12+$0xFFFFFF10];
	v9 =	vbroadcast v1, $0x0  }
0x2ac: {  	v8 =	vld [tilespmem:s12+$0xFFFFFF70];
	v11 =	vbroadcast v1, $0x1;
	v3 =	vmul.f32 v3, v7  }
0x2ad: {  	v12 =	vld [tilespmem:s12+$0xFFFFFF50];
	v1 =	vbroadcast v1, $0x2;
	v4 =	vmul.f32 v9, v4  }
0x2ae: {  	v10 =	vld [tilespmem:s12+$0xFFFFFF20];
	v5 =	vmul.f32 v5, v11;
	[tilespmem:s12+$0xFFFFFF60] =	vst v3  }
0x2af: {  	v2 =	vmul.f32 v2, v1;
	[tilespmem:s12+$0xFFFFFF00] =	vst v4  }
0x2b0: {  	v3 =	vmul.f32 v6, v9;
	[tilespmem:s12+$0xFFFFFF30] =	vst v5  }
0x2b1: {  	v4 =	vmul.f32 v8, v7;
	[tilespmem:s12+$0xFFFFFF40] =	vst v2  }
0x2b2: {  	v2 =	vmul.f32 v12, v1;
	[tilespmem:s12+$0xFFFFFF10] =	vst v3  }
0x2b3: {  	v1 =	vld [tilespmem:s12+$0xFFFFFFF0];
	v3 =	vmul.f32 v10, v11;
	[tilespmem:s12+$0xFFFFFF70] =	vst v4  }
0x2b4: {  	[tilespmem:s12+$0xFFFFFF50] =	vst v2;
	v2 =	vld [tilespmem:s12+$0xFFFFFFA0]  }
0x2b5: {  	[tilespmem:s12+$0xFFFFFF20] =	vst v3;
	v3 =	vld [tilespmem:s12+$0xFFFFFF90]  }
0x2b6: {  	s7 =	simm.s32 $0x0;
	s17 =	simm.s32 $0x7900;
	s13 =	simm.s32 $0xA488;
	v4 =	vld [tilespmem:s16+$0xFFFFFFFC]  }
.LBB2_18:
0x2b7: {  	s7 =	sadd.s32 $0x4, s7;
	v5 =	vld [tilespmem:s12+$0xFFFFFFD0];
	s16 =	sadd.s32 $0x10, s16;
	s17 =	sadd.s32 $0x200, s17  }
0x2b8: {  	p0 =	slt.u32 s7, $0x4C;
	v6 =	vld [tilespmem:s12+$0xFFFFFF80]  }
0x2b9: {  	v7 =	vld [tilespmem:s12+$0xFFFFFFC0]  }
0x2ba: {  	v8 =	vld [tilespmem:s12+$0xFFFFFFE0]  }
0x2bb: {  	v9 =	vbroadcast v4, $0x0;
	v10 =	vbroadcast v4, $0x1;
	v11 =	vld [tilespmem:s12+$0xFFFFFFB0]  }
0x2bc: {  	v12 =	vbroadcast v4, $0x2;
	v4 =	vbroadcast v4, $0x3  }
0x2bd: {  	v6 =	vmul.f32 v9, v6;
	v3 =	vmul.f32 v3, v9  }
0x2be: {  	v5 =	vmul.f32 v5, v12;
	v7 =	vmul.f32 v7, v12  }
0x2bf: {  	v1 =	vmul.f32 v1, v4;
	[tilespmem:s12+$0xFFFFFF90] =	vst v3;
	v3 =	vmul.f32 v8, v4  }
0x2c0: {  	v2 =	vmul.f32 v2, v10;
	v4 =	vmul.f32 v11, v10;
	[tilespmem:s12+$0xFFFFFFC0] =	vst v7  }
0x2c1: {  	[tilespmem:s12+$0xFFFFFFD0] =	vst v5  }
0x2c2: {  	[tilespmem:s12+$0xFFFFFFF0] =	vst v1  }
0x2c3: {  	[tilespmem:s12+$0xFFFFFFA0] =	vst v2  }
0x2c4: {  	[tilespmem:s12+$0xFFFFFFE0] =	vst v3;
	v1 =	vld [tilespmem:s12+$0x60]  }
0x2c5: {  	[tilespmem:s12+$0xFFFFFF80] =	vst v6;
	v2 =	vld [tilespmem:s12+$0x70]  }
0x2c6: {  	[tilespmem:s12+$0xFFFFFFB0] =	vst v4;
	v3 =	vld [tilespmem:s12+$0x40]  }
0x2c7: {  	v4 =	vld [tilespmem:s13+$0x0]  }
0x2c8: {  	v5 =	vld [tilespmem:s12+$0x20]  }
0x2c9: {  	v6 =	vld [tilespmem:s12+$0x10]  }
0x2ca: {  	v7 =	vld [tilespmem:s12+$0x50]  }
0x2cb: {  	v8 =	vld [tilespmem:s12+$0x30]  }
0x2cc: {  	v9 =	vbroadcast v4, $0x0;
	v10 =	vld [tilespmem:s12+$0x0];
	v11 =	vbroadcast v4, $0x1  }
0x2cd: {  	v12 =	vbroadcast v4, $0x2;
	v4 =	vbroadcast v4, $0x3  }
0x2ce: {  	v6 =	vmul.f32 v6, v9;
	v5 =	vmul.f32 v5, v11  }
0x2cf: {  	v3 =	vmul.f32 v3, v12;
	v7 =	vmul.f32 v7, v12  }
0x2d0: {  	v2 =	vmul.f32 v2, v4;
	[tilespmem:s12+$0x10] =	vst v6;
	v6 =	vmul.f32 v8, v11  }
0x2d1: {  	v1 =	vmul.f32 v1, v4;
	v8 =	vmul.f32 v9, v10;
	[tilespmem:s12+$0x40] =	vst v3  }
0x2d2: {  	[tilespmem:s12+$0x30] =	vst v6  }
0x2d3: {  	[tilespmem:s12+$0x0] =	vst v8  }
0x2d4: {  	[tilespmem:s12+$0x70] =	vst v2  }
0x2d5: {  	[tilespmem:s12+$0x60] =	vst v1;
	v1 =	vld [tilespmem:s12+$0xE0]  }
0x2d6: {  	[tilespmem:s12+$0x20] =	vst v5;
	v2 =	vld [tilespmem:s12+$0x80]  }
0x2d7: {  	[tilespmem:s12+$0x50] =	vst v7;
	v3 =	vld [tilespmem:s12+$0xA0]  }
0x2d8: {  	v4 =	vld [tilespmem:s13+$0x4];
	s13 =	smov.u32 s16  }
0x2d9: {  	v5 =	vld [tilespmem:s12+$0xD0]  }
0x2da: {  	v6 =	vld [tilespmem:s12+$0x90]  }
0x2db: {  	v7 =	vld [tilespmem:s12+$0xC0]  }
0x2dc: {  	v8 =	vld [tilespmem:s12+$0xF0]  }
0x2dd: {  	v9 =	vbroadcast v4, $0x0;
	v10 =	vbroadcast v4, $0x1;
	v11 =	vld [tilespmem:s12+$0xB0]  }
0x2de: {  	v12 =	vbroadcast v4, $0x2;
	v4 =	vbroadcast v4, $0x3  }
0x2df: {  	v2 =	vmul.f32 v9, v2;
	v6 =	vmul.f32 v6, v9  }
0x2e0: {  	v5 =	vmul.f32 v5, v12;
	v7 =	vmul.f32 v7, v12  }
0x2e1: {  	v1 =	vmul.f32 v1, v4;
	[tilespmem:s12+$0x80] =	vst v2;
	v2 =	vmul.f32 v8, v4  }
0x2e2: {  	v3 =	vmul.f32 v3, v10;
	v4 =	vmul.f32 v11, v10;
	[tilespmem:s12+$0xC0] =	vst v7  }
0x2e3: {  	[tilespmem:s12+$0xD0] =	vst v5  }
0x2e4: {  	[tilespmem:s12+$0xE0] =	vst v1  }
0x2e5: {  	[tilespmem:s12+$0xF0] =	vst v2  }
0x2e6: {  	[tilespmem:s12+$0x90] =	vst v6  }
0x2e7: {  	v1 =	vld [tilespmem:s17+$0xFFFFFF40];
	[tilespmem:s12+$0xA0] =	vst v3  }
0x2e8: {  	v2 =	vld [tilespmem:s17+$0xFFFFFF70];
	[tilespmem:s12+$0xB0] =	vst v4;
	s12 =	smov.u32 s17  }
0x2e9: {  	v3 =	vld [tilespmem:s16+$0xFFFFFFF8]  }
0x2ea: {  	v4 =	vld [tilespmem:s17+$0xFFFFFF20]  }
0x2eb: {  	v5 =	vld [tilespmem:s17+$0xFFFFFF60]  }
0x2ec: {  	v6 =	vld [tilespmem:s17+$0xFFFFFF00]  }
0x2ed: {  	v7 =	vld [tilespmem:s17+$0xFFFFFF30]  }
0x2ee: {  	v8 =	vld [tilespmem:s17+$0xFFFFFF10];
	v9 =	vbroadcast v3, $0x1;
	v10 =	vbroadcast v3, $0x3  }
0x2ef: {  	v11 =	vbroadcast v3, $0x0;
	v3 =	vbroadcast v3, $0x2;
	v12 =	vld [tilespmem:s17+$0xFFFFFF50]  }
0x2f0: {  	v5 =	vmul.f32 v5, v10  }
0x2f1: {  	v4 =	vmul.f32 v4, v9;
	v6 =	vmul.f32 v11, v6  }
0x2f2: {  	v2 =	vmul.f32 v2, v10;
	v7 =	vmul.f32 v7, v9;
	[tilespmem:s17+$0xFFFFFF60] =	vst v5  }
0x2f3: {  	v1 =	vmul.f32 v1, v3;
	[tilespmem:s17+$0xFFFFFF00] =	vst v6;
	v5 =	vmul.f32 v8, v11  }
0x2f4: {  	[tilespmem:s17+$0xFFFFFF30] =	vst v7;
	v6 =	vmul.f32 v12, v3  }
0x2f5: {  	[tilespmem:s17+$0xFFFFFF10] =	vst v5  }
.Ltmp12:
0x2f6: {  	[tilespmem:s17+$0xFFFFFF40] =	vst v1;
	(pc) =	sbr.rel @p0 .LBB2_18-.Ltmp12, $4  }
0x2f7: {  	[tilespmem:s17+$0xFFFFFF70] =	vst v2;
	v1 =	vld [tilespmem:s17+$0xFFFFFFF0]  }
0x2f8: {  	[tilespmem:s17+$0xFFFFFF20] =	vst v4;
	v3 =	vld [tilespmem:s17+$0xFFFFFF90]  }
0x2f9: {  	[tilespmem:s17+$0xFFFFFF50] =	vst v6;
	v2 =	vld [tilespmem:s17+$0xFFFFFFA0]  }
0x2fa: {  	v4 =	vld [tilespmem:s16+$0xFFFFFFFC]  }
0x2fb: {  	_ =	sdelay $0x1  }
0x2fc: {  	v5 =	vld [tilespmem:s12+$0xFFFFFFC0]  }
0x2fd: {  	v6 =	vld [tilespmem:s12+$0xFFFFFFD0]  }
0x2fe: {  	v7 =	vbroadcast v4, $0x0  }
0x2ff: {  	v9 =	vbroadcast v4, $0x2  }
0x300: {  	v10 =	vld [tilespmem:s12+$0xFFFFFFE0];
	v3 =	vmul.f32 v3, v7  }
0x301: {  	v8 =	vld [tilespmem:s12+$0xFFFFFF80];
	v12 =	vbroadcast v4, $0x3;
	v5 =	vmul.f32 v5, v9  }
0x302: {  	v11 =	vld [tilespmem:s12+$0xFFFFFFB0];
	v43 =	vbroadcast v4, $0x1;
	v6 =	vmul.f32 v6, v9;
	[tilespmem:s12+$0xFFFFFF90] =	vst v3  }
0x303: {  	v1 =	vmul.f32 v1, v12;
	[tilespmem:s12+$0xFFFFFFC0] =	vst v5  }
0x304: {  	v2 =	vmul.f32 v2, v43;
	[tilespmem:s12+$0xFFFFFFD0] =	vst v6  }
0x305: {  	v3 =	vmul.f32 v10, v12;
	[tilespmem:s12+$0xFFFFFFF0] =	vst v1  }
0x306: {  	v1 =	vmul.f32 v7, v8;
	[tilespmem:s12+$0xFFFFFFA0] =	vst v2  }
0x307: {  	v2 =	vmul.f32 v11, v43;
	[tilespmem:s12+$0xFFFFFFE0] =	vst v3  }
0x308: {  	[tilespmem:s12+$0xFFFFFF80] =	vst v1  }
0x309: {  	[tilespmem:s12+$0xFFFFFFB0] =	vst v2  }
0x30a: {  	v1 =	vld [tilespmem:s13+$0x0];
	_ =	sdelay $0x1  }
0x30b: {  	v2 =	vld [tilespmem:s12+$0x10]  }
0x30c: {  	v3 =	vld [tilespmem:s12+$0x40]  }
0x30d: {  	v46 =	vld [tilespmem:s12+$0x0]  }
0x30e: {  	v44 =	vld [tilespmem:s12+$0x30];
	v45 =	vbroadcast v1, $0x0  }
0x30f: {  	v47 =	vld [tilespmem:s12+$0x70];
	v48 =	vbroadcast v1, $0x2  }
0x310: {  	v49 =	vld [tilespmem:s12+$0x60];
	v2 =	vmul.f32 v2, v45  }
0x311: {  	v51 =	vld [tilespmem:s12+$0x20];
	v50 =	vbroadcast v1, $0x1;
	v3 =	vmul.f32 v3, v48  }
0x312: {  	v52 =	vld [tilespmem:s12+$0x50];
	v1 =	vbroadcast v1, $0x3;
	v53 =	vmul.f32 v45, v46;
	[tilespmem:s12+$0x10] =	vst v2  }
0x313: {  	v2 =	vmul.f32 v44, v50;
	[tilespmem:s12+$0x40] =	vst v3  }
0x314: {  	v3 =	vmul.f32 v47, v1;
	[tilespmem:s12+$0x0] =	vst v53  }
0x315: {  	v1 =	vmul.f32 v49, v1;
	[tilespmem:s12+$0x30] =	vst v2  }
0x316: {  	v2 =	vmul.f32 v51, v50;
	[tilespmem:s12+$0x70] =	vst v3  }
0x317: {  	v3 =	vmul.f32 v52, v48;
	[tilespmem:s12+$0x60] =	vst v1  }
0x318: {  	[tilespmem:s12+$0x20] =	vst v2  }
0x319: {  	[tilespmem:s12+$0x50] =	vst v3  }
0x31a: {  	v2 =	vld [tilespmem:s13+$0x4];
	_ =	sdelay $0x1  }
0x31b: {  	v1 =	vld [tilespmem:s12+$0x80]  }
0x31c: {  	v54 =	vld [tilespmem:s12+$0xC0]  }
0x31d: {  	v55 =	vld [tilespmem:s12+$0xD0]  }
0x31e: {  	v60 =	vld [tilespmem:s12+$0x90];
	v57 =	vbroadcast v2, $0x0  }
0x31f: {  	v3 =	vld [tilespmem:s12+$0xE0];
	v59 =	vbroadcast v2, $0x2  }
0x320: {  	v58 =	vld [tilespmem:s12+$0xF0];
	v1 =	vmul.f32 v57, v1  }
0x321: {  	v56 =	vld [tilespmem:s12+$0xA0];
	v4 =	vmul.f32 v54, v59  }
0x322: {  	v61 =	vld [tilespmem:s12+$0xB0];
	v62 =	vbroadcast v2, $0x3;
	v5 =	vmul.f32 v55, v59;
	[tilespmem:s12+$0x80] =	vst v1  }
0x323: {  	v63 =	vmul.f32 v60, v57;
	[tilespmem:s12+$0xC0] =	vst v4  }
0x324: {  	v2 =	vbroadcast v2, $0x1;
	v1 =	vmul.f32 v3, v62;
	[tilespmem:s12+$0xD0] =	vst v5  }
0x325: {  	v3 =	vmul.f32 v58, v62;
	[tilespmem:s12+$0x90] =	vst v63  }
.Ltmp13:
0x326: {  	[tilespmem:s12+$0xE0] =	vst v1;
	v1 =	vmul.f32 v56, v2;
	(pc) =	sbr.rel .LBB2_20-.Ltmp13, $4  }
0x327: {  	[tilespmem:s12+$0xF0] =	vst v3;
	v2 =	vmul.f32 v61, v2  }
0x328: {  	[tilespmem:s12+$0xA0] =	vst v1  }
0x329: {  	s7 =	simm.s32 $0xA980;
	[tilespmem:s12+$0xB0] =	vst v2  }
0x32a: {  	[spmem:s2] =	stream.indirect.scatter.add.f32 [tilespmem:s20], [sflag:$0xC], $0x80, s7, s10, $0xb8;
	[tilespmem:$0x1EA00] =	vst v63  }
.LBB2_22:
0x32b: {  	_ =	sfence.sel $0x180000  }
0x32c: {  	[bflag:$0x0] =	sbarrier.arrive $0xFFFF  }
0x32d: {  	_ =	strace $0x9000004A  }
0x32e: {  	s0 =	stileid.u32;
	[bflag:$0x2] =	sbarrier.arrive $0xFFFF  }
0x32f: {  	p0 =	sne.s32 s0, $0x0;
	s0 =	rddreg [dreg:$0x3]  }
0x330: {  	s0 =	sadd.s32 @!p0 $0x100000, s0  }
0x331: {  	[sflag:s0] =	ssyncadd.tile.s32 @!p0 $0x1;
	_ =	shalt  }
.Lfunc_end2:
_tile_overlayer_lowered:
.L_overlay_start_2:
0x332: {  	(tag) =	ssettag $0x2  }
0x333: {  	s0 =	rddreg [dreg:$0x0];
	s2 =	stileid.u32  }
0x334: {  	s1 =	rddreg [dreg:$0x1];
	p0 =	sne.s32 s2, $0x0  }
0x335: {  	s3 =	rddreg [dreg:$0x2];
	[bflag:$0x3] =	sbarrier.arrive $0xFFFF;
	s2 =	simm.s32 @!p0 $0x1C0D  }
0x336: {  	[timem:s3], [sflag:s2] =	dma.local @!p0 [hbm:s0], s1  }
0x337: {  	s0 =	simm.s32 @!p0 $0xD  }
0x338: {  	_ =	swait.ge @!p0 [sflag:s0], s1  }
0x339: {  	s1 =	ssub.s32 @!p0 $0x0, s1;
	[sflag:s0] =	ssyncset.done @!p0 $0x0  }
0x33a: {  	[sflag:s0] =	ssyncadd.s32 @!p0 s1  }
0x33b: {  	[bflag:$0x3] =	sbarrier.arrive $0xFFFF  }
0x33c: {  	_ =	shalt  }

// kernel: kernel.8.cloned.1.call-start
scs
__scs_entry_jumppad:
0x0: {  	(pc) =	sbr.rel $0x88, $3  }
0x1: {  	(tag) =	ssettag $0x0;
	lr =	simm.s32 $0x1  }
0x2: {  	[smem:$0x3F9B] =	sst lr;
	_ =	strace $0xD0000000  }
0x3: {  	_ = 	snop  }
0x4: {  	_ = 	snop  }
0x5: {  	_ = 	snop  }
0x6: {  	_ = 	snop  }
0x7: {  	_ = 	snop  }
__scs_overlays_trampoline_lowered:
0x8: {  	[smem:$0x3FAA] =	sst s0  }
0x9: {  	[smem:$0x3FAB] =	sst s1  }
0xa: {  	[smem:$0x3FAC] =	sst s2  }
0xb: {  	[smem:$0x3FAD] =	sst s3  }
0xc: {  	[smem:$0x3FAE] =	sst s4  }
0xd: {  	[smem:$0x3FAF] =	sst s5  }
0xe: {  	[smem:$0x3FB0] =	sst s6  }
0xf: {  	[smem:$0x3FB1] =	sst s7  }
0x10: {  	[smem:$0x3FB2] =	sst s8  }
0x11: {  	[smem:$0x3FB3] =	sst s9;
	s0 =	simm.s32 @!p0 $0x0  }
0x12: {  	s1 =	sld [smem:$0x3F99];
	s0 =	simm.s32 @p0 $0x1  }
0x13: {  	[smem:$0x3FB4] =	sst s0;
	s0 =	simm.s32 @!p1 $0x0  }
0x14: {  	s2 =	sld [smem:$0x3F98];
	s0 =	simm.s32 @p1 $0x1  }
0x15: {  	[smem:$0x3FB5] =	sst s0;
	s0 =	simm.s32 @!p2 $0x0  }
0x16: {  	s3 =	sld [smem:$0x3FDB];
	s0 =	simm.s32 @p2 $0x1  }
0x17: {  	s4 =	simm.s32 $0x1BF5;
	[smem:$0x3FB7] =	sst s0  }
0x18: {  	s0 =	sld [smem:$0x3F9A];
	_ =	swait.ge [sflag:s4], $0x0  }
0x19: {  	s7 =	sld [smem:$0x3F9B]  }
0x1a: {  	s8 =	sadd.s32 $0xFFFFE003, lr  }
0x1b: {  	s9 =	sadd.s32 $0xFFFFFEF7, lr;
	s5 =	simm.s32 $0xFFFFFFFF;
	p2 =	slt.u32 s8, $0xFFFFF086  }
0x1c: {  	p1 =	slt.u32 s9, $0xF7A;
	s5 =	simm.s32 @!p2 $0x0  }
0x1d: {  	s5 =	simm.s32 @p1 $0x1;
	p0 =	seq.s32 s7, s2  }
0x1e: {  	s7 =	smul.u32 @!p0 $0xF7A, s2;
	p2 =	seq.s32 @!p0 s5, $0x0  }
0x1f: {  	s9 =	smul.u32 $0xF7A, s1;
	s8 =	simm.s32 @!p0 $0x1BF5;
	p2 =	por !p2, p0  }
0x20: {  	[sflag:s8] =	ssyncset.s32 @!p0 $0xFFFFF086;
	s6 =	sadd.s32 @!p0 s3, s7;
	s7 =	simm.s32 @!p0 $0x108  }
0x21: {  	s3 =	sadd.s32 s3, s9;
	s6 =	sadd.s32 @!p0 $0x88, s6;
	s7 =	simm.s32 @p2 $0x1082  }
0x22: {  	[simem:s7], [sflag:s8] =	dma.local @!p0 [hbm:s6], $0xF7A  }
0x23: {  	s9 =	sor.u32 $0xD0000000, s2;
	s6 =	simm.s32 $0x108;
	_ =	swait.ge @!p0 [sflag:s8], $0x0  }
0x24: {  	s3 =	sadd.s32 $0x88, s3;
	s6 =	simm.s32 @!p1 $0x1082;
	[sflag:s4] =	ssyncset.s32 $0xFFFFF086  }
0x25: {  	[simem:s6], [sflag:s4] =	dma.local [hbm:s3], $0xF7A  }
0x26: {  	[smem:$0x3F9B] =	sst s1;
	(tag) =	ssettag s2;
	_ =	strace s9  }
0x27: {  	s1 =	sld [smem:$0x3FAB]  }
0x28: {  	s2 =	sld [smem:$0x3FAC]  }
0x29: {  	s4 =	sld [smem:$0x3FAE]  }
0x2a: {  	p0 =	seq.s32 s5, $0x0;
	s5 =	sld [smem:$0x3FAF]  }
0x2b: {  	s6 =	sld [smem:$0x3FB0]  }
0x2c: {  	s7 =	sld [smem:$0x3FB1]  }
0x2d: {  	s3 =	simm.s32 $0x108;
	s8 =	sld [smem:$0x3FB2]  }
0x2e: {  	s3 =	simm.s32 @!p0 $0x1082;
	s9 =	sld [smem:$0x3FB3]  }
0x2f: {  	lr =	sadd.s32 s0, s3;
	s0 =	sld [smem:$0x3FAA]  }
0x30: {  	s3 =	sld [smem:$0x3FAD]  }
0x31: {  	[smem:$0x3FB6] =	sst s10  }
0x32: {  	s10 =	sld [smem:$0x3FB4];
	_ =	sdelay $0x3  }
0x33: {  	p0 =	seq.s32 s10, $0x1;
	s10 =	sld [smem:$0x3FB6];
	_ =	sdelay $0x3  }
0x34: {  	[smem:$0x3FB6] =	sst s10  }
0x35: {  	s10 =	sld [smem:$0x3FB5];
	_ =	sdelay $0x3  }
0x36: {  	p1 =	seq.s32 s10, $0x1;
	s10 =	sld [smem:$0x3FB6];
	_ =	sdelay $0x3  }
0x37: {  	[smem:$0x3FB6] =	sst s10  }
0x38: {  	s10 =	sld [smem:$0x3FB7]  }
0x39: {  	_ = 	snop;
	(pc) =	sbr.ind lr, $3  }
0x3a: {  	_ = 	snop  }
0x3b: {  	_ = 	snop  }
0x3c: {  	p2 =	seq.s32 s10, $0x1;
	s10 =	sld [smem:$0x3FB6]  }
0x3d: {  	_ =	shalt  }
0x3e: {  	_ =	shalt  }
0x3f: {  	_ =	shalt  }
0x40: {  	_ =	shalt  }
0x41: {  	_ =	shalt  }
0x42: {  	_ =	shalt  }
0x43: {  	_ =	shalt  }
0x44: {  	_ =	shalt  }
0x45: {  	_ =	shalt  }
0x46: {  	_ =	shalt  }
0x47: {  	_ =	shalt  }
0x48: {  	_ =	shalt  }
0x49: {  	_ =	shalt  }
0x4a: {  	_ =	shalt  }
0x4b: {  	_ =	shalt  }
0x4c: {  	_ =	shalt  }
0x4d: {  	_ =	shalt  }
0x4e: {  	_ =	shalt  }
0x4f: {  	_ =	shalt  }
0x50: {  	_ =	shalt  }
0x51: {  	_ =	shalt  }
0x52: {  	_ =	shalt  }
0x53: {  	_ =	shalt  }
0x54: {  	_ =	shalt  }
0x55: {  	_ =	shalt  }
0x56: {  	_ =	shalt  }
0x57: {  	_ =	shalt  }
0x58: {  	_ =	shalt  }
0x59: {  	_ =	shalt  }
0x5a: {  	_ =	shalt  }
0x5b: {  	_ =	shalt  }
0x5c: {  	_ =	shalt  }
0x5d: {  	_ =	shalt  }
0x5e: {  	_ =	shalt  }
0x5f: {  	_ =	shalt  }
0x60: {  	_ =	shalt  }
0x61: {  	_ =	shalt  }
0x62: {  	_ =	shalt  }
0x63: {  	_ =	shalt  }
0x64: {  	_ =	shalt  }
0x65: {  	_ =	shalt  }
0x66: {  	_ =	shalt  }
0x67: {  	_ =	shalt  }
0x68: {  	_ =	shalt  }
0x69: {  	_ =	shalt  }
0x6a: {  	_ =	shalt  }
0x6b: {  	_ =	shalt  }
0x6c: {  	_ =	shalt  }
0x6d: {  	_ =	shalt  }
0x6e: {  	_ =	shalt  }
0x6f: {  	_ =	shalt  }
0x70: {  	_ =	shalt  }
0x71: {  	_ =	shalt  }
0x72: {  	_ =	shalt  }
0x73: {  	_ =	shalt  }
0x74: {  	_ =	shalt  }
0x75: {  	_ =	shalt  }
0x76: {  	_ =	shalt  }
0x77: {  	_ =	shalt  }
0x78: {  	_ =	shalt  }
0x79: {  	_ =	shalt  }
0x7a: {  	_ =	shalt  }
0x7b: {  	_ =	shalt  }
0x7c: {  	_ =	shalt  }
0x7d: {  	_ =	shalt  }
0x7e: {  	_ =	shalt  }
0x7f: {  	_ =	shalt  }
0x80: {  	_ =	shalt  }
0x81: {  	_ =	shalt  }
0x82: {  	_ =	shalt  }
0x83: {  	_ =	shalt  }
0x84: {  	_ =	shalt  }
0x85: {  	_ =	shalt  }
0x86: {  	_ =	shalt  }
0x87: {  	_ =	shalt  }
.Lfunc_end0:
.L_simem_size_0:
called_computation_lowered:
.L_overlay_start_0:
0x88: {  	s2 =	sld [smem:$0x3FD9]  }
0x89: {  	s3 =	sld [smem:$0x3FFE];
	_ =	sdelay $0x1  }
0x8a: {  	s1 =	srdreg.scid  }
0x8b: {  	s0 =	sand.u32 $0x1, s1  }
0x8c: {  	s16 =	sshll.u32 s0, $0xA;
	s2 =	sadd.s32 s3, s2  }
0x8d: {  	s2 =	sadd.s32 s2, s16  }
0x8e: {  	[smem:$0x3FC2] =	sst s2  }
0x8f: {  	_ = 	snop  }
0x90: {  	(tm) =	ssettm $0x1  }
0x91: {  	s17 =	sld [smem:$0x3FFB];
	_ =	sdelay $0x3  }
0x92: {  	_ =	strace s17  }
0x93: {  	s2 =	sld [smem:$0x3FFC];
	_ =	sdelay $0x3  }
0x94: {  	_ =	strace s2  }
0x95: {  	s2 =	sld [smem:$0x3FFD];
	_ =	sdelay $0x3  }
0x96: {  	_ =	strace s2  }
0x97: {  	_ =	strace $0x8FFFFFFF  }
0x98: {  	s18 =	sld [smem:$0x3FDB];
	_ =	sdelay $0x1  }
0x99: {  	s19 =	simm.s32 $_scs_section_size  }
0x9a: {  	s4 =	simm.s32 $_size__tile_overlayer_lowered;
	s5 =	simm.s32 $_tile_overlayer_lowered  }
0x9b: {  	s22 =	simm.s32 $0x1BFF;
	s21 =	sshll.u32 s5, $0x1;
	s2 =	sadd.s32 s19, s18  }
0x9c: {  	s6 =	simm.s32 $0x0;
	s20 =	sshll.u32 s4, $0x1;
	s4 =	sadd.s32 s21, s2  }
0x9d: {  	[timem:s6], [sflag:s22] =	dma.local [hbm:s4], s20  }
0x9e: {  	_ =	swait.ge [sflag:s22], s20  }
0x9f: {  	s3 =	ssub.s32 $0x0, s20;
	[sflag:s22] =	ssyncset.done $0x0  }
0xa0: {  	[sflag:s22] =	ssyncadd.s32 s3;
	_ =	sdelay $0x1  }
0xa1: {  	s23 =	simm.s32 $0x1B8B  }
0xa2: {  	_ =	swait.ge [sflag:s23], $0x1  }
0xa3: {  	[sflag:s23] =	ssyncset.done $0x0  }
0xa4: {  	s25 =	simm.s32 $0x1B8E;
	s24 =	sld [smem:$0x3FFE];
	[sflag:s23] =	ssyncadd.s32 $0xFFFFFFFF  }
0xa5: {  	s26 =	simm.s32 $execute0_lowered;
	[smem:$0x3FD2] =	sst s25  }
0xa6: {  	s4 =	sshll.u32 s26, $0x1;
	_ =	strace $0x80000046;
	[dreg:$0x1] =	wrdreg $0xFFFFFFFF  }
0xa7: {  	s28 =	simm.s32 $_size_execute0_lowered;
	s2 =	sadd.s32 s2, s4;
	[dreg:$0x0] =	wrdreg $0x0  }
0xa8: {  	s4 =	sshll.u32 s28, $0x1;
	[dreg:$0x2] =	wrdreg s2  }
0xa9: {  	[dreg:$0x3] =	wrdreg s4  }
0xaa: {  	[dreg:$0x4] =	wrdreg $0xC0  }
0xab: {  	_ =	task [dreg:s6], $0x5FFFF  }
0xac: {  	[dreg:$0x1] =	wrdreg $0xFFFFFFFF  }
0xad: {  	[dreg:$0x0] =	wrdreg $0x60  }
0xae: {  	[dreg:$0x2] =	wrdreg s24  }
0xaf: {  	[dreg:$0x3] =	wrdreg $0x9  }
0xb0: {  	_ =	task.clear_ibuf [dreg:s6], $0x4FFFF;
	_ =	strace $0x90000046  }
0xb1: {  	s29 =	simm.s32 $0x9;
	_ =	strace $0x80000048  }
0xb2: {  	_ =	swait.ge [sflag:s29], $0x1  }
0xb3: {  	[sflag:s29] =	ssyncadd.s32 $0xFFFFFFFF  }
0xb4: {  	_ =	strace $0x90000048  }
0xb5: {  	_ =	sfence  }
0xb6: {  	s30 =	sld [smem:$0x0];
	_ =	sdelay $0x2  }
0xb7: {  	s31 =	sshll.u32 s1, $0xD;
	s1 =	sshrl.u32 s1, $0x2  }
0xb8: {  	s3 =	sand.u32 $0x4000, s31;
	s1 =	sadd.s32 s1, s30  }
0xb9: {  	s0 =	sor.u32 s3, s0;
	s1 =	sshll.u32 s1, $0x11  }
0xba: {  	s0 =	sor.u32 s1, s0  }
0xbb: {  	s0 =	sadd.s32 $0x8F2B, s0  }
0xbc: {  	[sflag:s0] =	ssyncadd.remote.s32 $0x1  }
0xbd: {  	_ =	sfence.sel $0xFFFF  }
0xbe: {  	[dreg:$0x0] =	wrdreg $0xFFFFFFFF;
	(pc) =	sbr.abs _section_cstart, $3  }
0xbf: {  	[dreg:$0x1] =	wrdreg $0xFFFFFFFF  }
0xc0: {  	_ =	task.clear_ibuf [dreg:s6], $0x2FFFF;
	_ =	strace $0x9FFFFFFF  }
0xc1: {  	(tm) =	ssettm $0x7FFFFFFF  }
tec
execute0_lowered:
.L_overlay_start_1:
0x0: {  	(tag) =	ssettag $0x1  }
0x1: {  	s0 =	rddreg [dreg:$0x0];
	s2 =	simm.s32 $0x0  }
0x2: {  	s1 =	srdreg.scid;
	s4 =	stileid.u32;
	s31 =	simm.s32 $0x1  }
0x3: {  	s28 =	simm.s32 $0x1E800;
	s29 =	simm.s32 $0x2;
	s30 =	simm.s32 $0x1EE80  }
0x4: {  	[smem:$0x7FF] =	sst s2;
	s1 =	sand.u32 $0x1, s1;
	s5 =	sadd.s32 $0x51200, s0  }
0x5: {  	s18 =	sadd.s32 $0x52600, s0;
	_ =	strace $0x80000047;
	[dreg:$0x2] =	wrdreg s5  }
0x6: {  	s3 =	sshll.u32 s4, $0x1;
	s19 =	sadd.s32 $0x51210, s0;
	[dreg:$0x3] =	wrdreg s18  }
0x7: {  	s4 =	sshrl.u32 s4, $0x2;
	s20 =	sadd.s32 $0x52610, s0;
	[dreg:$0x4] =	wrdreg s19  }
0x8: {  	s21 =	sadd.s32 $0x51220, s0;
	s22 =	sadd.s32 $0x52620, s0;
	[dreg:$0x5] =	wrdreg s20  }
0x9: {  	s23 =	sadd.s32 $0x51230, s0;
	s3 =	sor.u32 s1, s3;
	[dreg:$0x6] =	wrdreg s21  }
0xa: {  	s4 =	smul.u32 $0x50000, s4;
	s5 =	sadd.s32 $0x16600, s0;
	[dreg:$0x7] =	wrdreg s22  }
0xb: {  	s1 =	ssub.s32 $0x2, s1;
	[dreg:$0x8] =	wrdreg s23;
	s21 =	simm.s32 $0x80  }
0xc: {  	s22 =	simm.s32 $0x200;
	s23 =	simm.s32 $0xA000;
	s6 =	sshll.u32 s3, $0x7  }
0xd: {  	s8 =	sshrl.u32 s1, $0x1;
	s7 =	sand.u32 $0x380, s6;
	s6 =	sadd.s32 $0x2C00, s0  }
0xe: {  	s1 =	ssub.s32 s1, s8;
	s8 =	smul.u32 $0x4E20, s3;
	s3 =	simm.s32 $0x5  }
0xf: {  	s4 =	sor.u32 s4, s7;
	s7 =	sadd.s32 $0x7BA00, s0;
	s20 =	smax.u32 s1, $0x1  }
0x10: {  	s1 =	simm.s32 $0x4;
	s4 =	sshrl.u32 s4, $0x3;
	s24 =	sshrl.u32 s8, $0x3  }
0x11: {  	v0 =	vlaneseq.u32;
	s17 =	sadd.s32 $0x190, s8;
	s4 =	sadd.s32 s4, s0;
	s0 =	sadd.s32 $0x52630, s0  }
0x12: {  	v0 =	vmul.u32 $0x4, v0;
	s18 =	sadd.s32 $0x320, s8;
	s25 =	sadd.s32 s5, s24;
	[dreg:$0x9] =	wrdreg s0  }
0x13: {  	s26 =	sadd.s32 s6, s24;
	s24 =	simm.s32 $0x1E200;
	[dreg:$0xa] =	wrdreg s25  }
0x14: {  	v1 =	vimm.f32 $0.0e+00;
	v2 =	vor.u32 $0x600, v0;
	[dreg:$0xb] =	wrdreg s26;
	s19 =	sadd.s32 $0x53A00, s4;
	s25 =	simm.s32 $0x1E600  }
0x15: {  	v3 =	vor.u32 $0x601, v0;
	v4 =	vor.u32 $0x602, v0;
	v5 =	vor.u32 $0x603, v0;
	s26 =	simm.s32 $0x14000;
	s0 =	simm.s32 $0x3;
	s4 =	simm.s32 $0x0  }
.LBB2_1:
0x16: {  	s9 =	rddreg [dreg:$0x2]  }
0x17: {  	[tilespmem:s2], [sflag:$0x1] =	stream.strided.gather [hbm4b:s9+s21], $0x2800, s22, s21, $0x38;
	[tilespmem:$0x1F500] =	vst v63  }
0x18: {  	s11 =	rddreg [dreg:$0x3]  }
0x19: {  	[tilespmem:s23], [sflag:$0x1] =	stream.strided.gather [hbm4b:s11+s21], $0x2800, s22, s21, $0x38;
	[tilespmem:$0x1F500] =	vst v63  }
0x1a: {  	s12 =	rddreg [dreg:$0x4];
	s10 =	simm.s32 $0x2800  }
0x1b: {  	[tilespmem:s10], [sflag:$0x1] =	stream.strided.gather [hbm4b:s12+s21], $0x2800, s22, s21, $0x38;
	[tilespmem:$0x1F500] =	vst v63  }
0x1c: {  	s13 =	rddreg [dreg:$0x5];
	s14 =	simm.s32 $0xC800  }
0x1d: {  	[tilespmem:s14], [sflag:$0x1] =	stream.strided.gather [hbm4b:s13+s21], $0x2800, s22, s21, $0x38;
	[tilespmem:$0x1F500] =	vst v63  }
0x1e: {  	s15 =	rddreg [dreg:$0x6];
	s16 =	simm.s32 $0x5000  }
0x1f: {  	[tilespmem:s16], [sflag:$0x1] =	stream.strided.gather [hbm4b:s15+s21], $0x2800, s22, s21, $0x38;
	[tilespmem:$0x1F500] =	vst v63  }
0x20: {  	s11 =	rddreg [dreg:$0x7];
	s12 =	simm.s32 $0xF000  }
0x21: {  	[tilespmem:s12], [sflag:$0x1] =	stream.strided.gather [hbm4b:s11+s21], $0x2800, s22, s21, $0x38;
	[tilespmem:$0x1F500] =	vst v63  }
0x22: {  	s13 =	rddreg [dreg:$0x8];
	s14 =	simm.s32 $0x7800  }
0x23: {  	[tilespmem:s14], [sflag:$0x1] =	stream.strided.gather [hbm4b:s13+s21], $0x2800, s22, s21, $0x38;
	[tilespmem:$0x1F500] =	vst v63  }
0x24: {  	s15 =	rddreg [dreg:$0x9];
	s16 =	simm.s32 $0x11800  }
0x25: {  	[tilespmem:s16], [sflag:$0x1] =	stream.strided.gather [hbm4b:s15+s21], $0x2800, s22, s21, $0x38;
	[tilespmem:$0x1F500] =	vst v63  }
0x26: {  	_ =	swait.ge [sflag:s31], $0x2800  }
0x27: {  	[sflag:s31] =	ssyncset.done $0x0  }
0x28: {  	[sflag:s31] =	ssyncadd.s32 $0xFFFFD800  }
0x29: {  	_ =	swait.ge [sflag:s31], $0x2800  }
0x2a: {  	[sflag:s31] =	ssyncset.done $0x0  }
0x2b: {  	[sflag:s31] =	ssyncadd.s32 $0xFFFFD800  }
0x2c: {  	_ =	swait.ge [sflag:s31], $0x2800  }
0x2d: {  	[sflag:s31] =	ssyncset.done $0x0  }
0x2e: {  	[sflag:s31] =	ssyncadd.s32 $0xFFFFD800  }
0x2f: {  	_ =	swait.ge [sflag:s31], $0x2800  }
0x30: {  	[sflag:s31] =	ssyncset.done $0x0  }
0x31: {  	[sflag:s31] =	ssyncadd.s32 $0xFFFFD800  }
0x32: {  	_ =	swait.ge [sflag:s31], $0x2800  }
0x33: {  	[sflag:s31] =	ssyncset.done $0x0  }
0x34: {  	[sflag:s31] =	ssyncadd.s32 $0xFFFFD800  }
0x35: {  	_ =	swait.ge [sflag:s31], $0x2800  }
0x36: {  	[sflag:s31] =	ssyncset.done $0x0  }
0x37: {  	[sflag:s31] =	ssyncadd.s32 $0xFFFFD800  }
0x38: {  	_ =	swait.ge [sflag:s31], $0x2800  }
0x39: {  	[sflag:s31] =	ssyncset.done $0x0  }
0x3a: {  	[sflag:s31] =	ssyncadd.s32 $0xFFFFD800  }
0x3b: {  	_ =	swait.ge [sflag:s31], $0x2800  }
0x3c: {  	[sflag:s31] =	ssyncset.done $0x0  }
0x3d: {  	s9 =	simm.s32 $0x40;
	s10 =	simm.s32 $0x0;
	[sflag:s31] =	ssyncadd.s32 $0xFFFFD800  }
.LBB2_2:
0x3e: {  	p0 =	sne.s32 s9, $0x27FC0;
	[tilespmem:s10+$0x14000] =	vst v1;
	s10 =	smov.u32 s9;
	s9 =	sadd.s32 $0x40, s9  }
.Ltmp0:
0x3f: {  	(pc) =	sbr.rel @p0 .LBB2_2-.Ltmp0, $2  }
0x40: {  	_ =	sdelay $0x2  }
0x41: {  	s10 =	sshra.s32 s10, $0x2  }
0x42: {  	[tilespmem:s10+$0x14000] =	vst v1;
	s9 =	simm.s32 $0x0;
	s14 =	rddreg [dreg:$0xa];
	s11 =	simm.s32 $0x1E000  }
0x43: {  	[tilespmem:s11], [sflag:$0x1] =	stream.linear.gather [hbm4b:s14+s9], $0x190, $0x38;
	[tilespmem:$0x1F500] =	vst v63  }
0x44: {  	s15 =	rddreg [dreg:$0xb];
	s16 =	simm.s32 $0x1E400  }
0x45: {  	[tilespmem:s16], [sflag:$0x1] =	stream.linear.gather [hbm4b:s15+s9], $0x190, $0x38;
	[tilespmem:$0x1F500] =	vst v63  }
.LBB2_4:
0x46: {  	s11 =	smul.u32 $0x320, s9;
	_ =	sdelay $0x1  }
0x47: {  	s10 =	sadd.s32 s11, s17  }
0x48: {  	s12 =	sshrl.u32 s10, $0x3  }
0x49: {  	s13 =	sadd.s32 s5, s12  }
0x4a: {  	[tilespmem:s24], [sflag:$0x2] =	stream.linear.gather [hbm4b:s13+s2], $0x190, $0x38;
	[tilespmem:$0x1F500] =	vst v63  }
0x4b: {  	p0 =	seq.s32 s9, $0x0;
	s12 =	sadd.s32 s6, s12  }
0x4c: {  	[tilespmem:s25], [sflag:$0x2] =	stream.linear.gather [hbm4b:s12+s2], $0x190, $0x38;
	[tilespmem:$0x1F500] =	vst v63  }
0x4d: {  	s12 =	simm.s32 @!p0 $0x3  }
0x4e: {  	_ =	swait.ge @!p0 [sflag:s12], $0x640  }
0x4f: {  	[sflag:s12] =	ssyncset.done @!p0 $0x0  }
0x50: {  	[sflag:s12] =	ssyncadd.s32 @!p0 $0xFFFFF9C0  }
0x51: {  	_ =	swait.ge [sflag:s31], $0x190  }
0x52: {  	[sflag:s31] =	ssyncset.done $0x0  }
0x53: {  	[sflag:s31] =	ssyncadd.s32 $0xFFFFFE70  }
0x54: {  	_ =	swait.ge [sflag:s31], $0x190  }
0x55: {  	s14 =	simm.s32 $0x1E410;
	s15 =	simm.s32 $0x10;
	[sflag:s31] =	ssyncset.done $0x0  }
0x56: {  	s13 =	simm.s32 $0x1E010;
	s12 =	simm.s32 $0xFFFFFFFE;
	[sflag:s31] =	ssyncadd.s32 $0xFFFFFE70  }
.LBB2_5:
0x57: {  	v6 =	vld [tilespmem:s13+$0xFFFFFFF0]  }
0x58: {  	v7 =	vld [tilespmem:s14+$0xFFFFFFF0];
	_ =	sdelay $0x6  }
0x59: {  	v8 =	vld.idx.msk [tilespmem:v6+s2+$0x0], $0xffff  }
0x5a: {  	v9 =	vld.idx.msk [tilespmem:v7+s23+$0x0], $0xffff;
	_ =	sdelay $0x4  }
0x5b: {  	v8 =	vadd.f32 v9, v8;
	_ =	sdelay $0x1  }
0x5c: {  	v9 =	vmul.f32 $2.000000030e-01, v8  }
0x5d: {  	vm0 =	vge.f32 v8, $0.0e+00  }
0x5e: {  	v8 =	vsel vm0, v8, v9  }
0x5f: {  	v8 =	vmul.f32 $1.442695020e+00, v8;
	_ =	sdelay $0x1  }
0x60: {  	(erf) = vpow2.f32 v8;
	_ =	sdelay $0x2  }
0x61: {  	s16 =	sadd.s32 $0xFFFFFFF0, s15  }
0x62: {  	v40 =	vmov s16  }
0x63: {  	v41 =	vshll.u32 v7, $0x2;
	v8 =	vshll.u32 v40, $0x2  }
0x64: {  	v8 =	vor.u32 v0, v8  }
0x65: {  	v10 =	vadd.s32 $0x2800, v6  }
0x66: {  	v11 =	vadd.s32 $0x2800, v7  }
0x67: {  	v12 =	vpop (erf)  }
0x68: {  	[tilespmem:v41+s26+$0x0] =	vst.idx.add.f32.msk $0xffff, v12  }
0x69: {  	[tilespmem:v8+s28+$0x0] =	vst.idx.msk $0xffff, v12  }
0x6a: {  	v10 =	vld.idx.msk [tilespmem:v10+s2+$0x0], $0xffff  }
0x6b: {  	v11 =	vld.idx.msk [tilespmem:v11+s23+$0x0], $0xffff;
	_ =	sdelay $0x4  }
0x6c: {  	v10 =	vadd.f32 v11, v10;
	_ =	sdelay $0x1  }
0x6d: {  	v11 =	vmul.f32 $2.000000030e-01, v10  }
0x6e: {  	vm9 =	vge.f32 v10, $0.0e+00  }
0x6f: {  	v10 =	vsel vm9, v10, v11  }
0x70: {  	v10 =	vmul.f32 $1.442695020e+00, v10;
	_ =	sdelay $0x1  }
0x71: {  	(erf) = vpow2.f32 v10;
	_ =	sdelay $0x4  }
0x72: {  	v42 =	vor.u32 $0x1, v41  }
0x73: {  	v43 =	vor.u32 $0x1, v8  }
0x74: {  	v44 =	vadd.s32 $0x5000, v6  }
0x75: {  	v13 =	vadd.s32 $0x5000, v7  }
0x76: {  	v14 =	vpop (erf)  }
0x77: {  	[tilespmem:v42+s26+$0x0] =	vst.idx.add.f32.msk $0xffff, v14  }
0x78: {  	[tilespmem:v43+s28+$0x0] =	vst.idx.msk $0xffff, v14  }
0x79: {  	v10 =	vld.idx.msk [tilespmem:v44+s2+$0x0], $0xffff  }
0x7a: {  	v11 =	vld.idx.msk [tilespmem:v13+s23+$0x0], $0xffff;
	_ =	sdelay $0x4  }
0x7b: {  	v10 =	vadd.f32 v11, v10;
	_ =	sdelay $0x1  }
0x7c: {  	v11 =	vmul.f32 $2.000000030e-01, v10  }
0x7d: {  	vm10 =	vge.f32 v10, $0.0e+00  }
0x7e: {  	v10 =	vsel vm10, v10, v11  }
0x7f: {  	v10 =	vmul.f32 $1.442695020e+00, v10;
	_ =	sdelay $0x1  }
0x80: {  	(erf) = vpow2.f32 v10;
	_ =	sdelay $0x4  }
0x81: {  	v45 =	vor.u32 $0x2, v41  }
0x82: {  	v46 =	vor.u32 $0x2, v8  }
0x83: {  	v6 =	vadd.s32 $0x7800, v6  }
0x84: {  	v7 =	vadd.s32 $0x7800, v7  }
0x85: {  	v47 =	vpop (erf)  }
0x86: {  	[tilespmem:v45+s26+$0x0] =	vst.idx.add.f32.msk $0xffff, v47  }
0x87: {  	[tilespmem:v46+s28+$0x0] =	vst.idx.msk $0xffff, v47  }
0x88: {  	v6 =	vld.idx.msk [tilespmem:v6+s2+$0x0], $0xffff  }
0x89: {  	v7 =	vld.idx.msk [tilespmem:v7+s23+$0x0], $0xffff;
	_ =	sdelay $0x4  }
0x8a: {  	v6 =	vadd.f32 v7, v6;
	_ =	sdelay $0x1  }
0x8b: {  	v7 =	vmul.f32 $2.000000030e-01, v6  }
0x8c: {  	vm11 =	vge.f32 v6, $0.0e+00  }
0x8d: {  	v6 =	vsel vm11, v6, v7  }
0x8e: {  	v6 =	vmul.f32 $1.442695020e+00, v6;
	_ =	sdelay $0x1  }
0x8f: {  	(erf) = vpow2.f32 v6;
	_ =	sdelay $0x4  }
0x90: {  	v6 =	vor.u32 $0x3, v41  }
0x91: {  	v7 =	vor.u32 $0x3, v8;
	_ =	sdelay $0x2  }
0x92: {  	v48 =	vpop (erf)  }
0x93: {  	[tilespmem:v6+s26+$0x0] =	vst.idx.add.f32.msk $0xffff, v48  }
0x94: {  	[tilespmem:v7+s28+$0x0] =	vst.idx.msk $0xffff, v48  }
0x95: {  	v6 =	vld [tilespmem:s13+$0x0]  }
0x96: {  	v7 =	vld [tilespmem:s14+$0x0];
	_ =	sdelay $0x6  }
0x97: {  	v8 =	vld.idx.msk [tilespmem:v6+s2+$0x0], $0xffff  }
0x98: {  	v49 =	vld.idx.msk [tilespmem:v7+s23+$0x0], $0xffff;
	_ =	sdelay $0x4  }
0x99: {  	v8 =	vadd.f32 v49, v8;
	_ =	sdelay $0x1  }
0x9a: {  	v9 =	vmul.f32 $2.000000030e-01, v8  }
0x9b: {  	vm12 =	vge.f32 v8, $0.0e+00  }
0x9c: {  	v8 =	vsel vm12, v8, v9  }
0x9d: {  	v8 =	vmul.f32 $1.442695020e+00, v8;
	_ =	sdelay $0x1  }
0x9e: {  	(erf) = vpow2.f32 v8;
	_ =	sdelay $0x3  }
0x9f: {  	v50 =	vmov s15  }
0xa0: {  	v51 =	vshll.u32 v7, $0x2;
	v8 =	vshll.u32 v50, $0x2  }
0xa1: {  	v8 =	vor.u32 v0, v8  }
0xa2: {  	v52 =	vadd.s32 $0x2800, v6  }
0xa3: {  	v53 =	vadd.s32 $0x2800, v7  }
0xa4: {  	v54 =	vpop (erf)  }
0xa5: {  	[tilespmem:v51+s26+$0x0] =	vst.idx.add.f32.msk $0xffff, v54  }
0xa6: {  	[tilespmem:v8+s28+$0x0] =	vst.idx.msk $0xffff, v54  }
0xa7: {  	v10 =	vld.idx.msk [tilespmem:v52+s2+$0x0], $0xffff  }
0xa8: {  	v11 =	vld.idx.msk [tilespmem:v53+s23+$0x0], $0xffff;
	_ =	sdelay $0x4  }
0xa9: {  	v10 =	vadd.f32 v11, v10;
	_ =	sdelay $0x1  }
0xaa: {  	v11 =	vmul.f32 $2.000000030e-01, v10  }
0xab: {  	vm13 =	vge.f32 v10, $0.0e+00  }
0xac: {  	v10 =	vsel vm13, v10, v11  }
0xad: {  	v10 =	vmul.f32 $1.442695020e+00, v10;
	_ =	sdelay $0x1  }
0xae: {  	(erf) = vpow2.f32 v10;
	_ =	sdelay $0x4  }
0xaf: {  	v55 =	vor.u32 $0x1, v51  }
0xb0: {  	v56 =	vor.u32 $0x1, v8  }
0xb1: {  	v57 =	vadd.s32 $0x5000, v6  }
0xb2: {  	v58 =	vadd.s32 $0x5000, v7  }
0xb3: {  	v59 =	vpop (erf)  }
0xb4: {  	[tilespmem:v55+s26+$0x0] =	vst.idx.add.f32.msk $0xffff, v59  }
0xb5: {  	[tilespmem:v56+s28+$0x0] =	vst.idx.msk $0xffff, v59  }
0xb6: {  	v10 =	vld.idx.msk [tilespmem:v57+s2+$0x0], $0xffff  }
0xb7: {  	v11 =	vld.idx.msk [tilespmem:v58+s23+$0x0], $0xffff;
	_ =	sdelay $0x4  }
0xb8: {  	v10 =	vadd.f32 v11, v10;
	_ =	sdelay $0x1  }
0xb9: {  	v11 =	vmul.f32 $2.000000030e-01, v10  }
0xba: {  	vm14 =	vge.f32 v10, $0.0e+00  }
0xbb: {  	v10 =	vsel vm14, v10, v11  }
0xbc: {  	v10 =	vmul.f32 $1.442695020e+00, v10;
	_ =	sdelay $0x1  }
0xbd: {  	(erf) = vpow2.f32 v10;
	_ =	sdelay $0x4  }
0xbe: {  	v60 =	vor.u32 $0x2, v51  }
0xbf: {  	v61 =	vor.u32 $0x2, v8  }
0xc0: {  	v6 =	vadd.s32 $0x7800, v6  }
0xc1: {  	v7 =	vadd.s32 $0x7800, v7  }
0xc2: {  	v62 =	vpop (erf)  }
0xc3: {  	[tilespmem:v60+s26+$0x0] =	vst.idx.add.f32.msk $0xffff, v62  }
0xc4: {  	[tilespmem:v61+s28+$0x0] =	vst.idx.msk $0xffff, v62  }
0xc5: {  	v6 =	vld.idx.msk [tilespmem:v6+s2+$0x0], $0xffff  }
0xc6: {  	v7 =	vld.idx.msk [tilespmem:v7+s23+$0x0], $0xffff;
	_ =	sdelay $0x4  }
0xc7: {  	v6 =	vadd.f32 v7, v6;
	_ =	sdelay $0x1  }
0xc8: {  	v7 =	vmul.f32 $2.000000030e-01, v6  }
0xc9: {  	vm15 =	vge.f32 v6, $0.0e+00  }
0xca: {  	v6 =	vsel vm15, v6, v7  }
0xcb: {  	v6 =	vmul.f32 $1.442695020e+00, v6;
	_ =	sdelay $0x1  }
0xcc: {  	(erf) = vpow2.f32 v6;
	_ =	sdelay $0x4  }
0xcd: {  	s12 =	sadd.s32 $0x2, s12;
	v6 =	vor.u32 $0x3, v51  }
0xce: {  	p0 =	slt.u32 s12, $0x16;
	v7 =	vor.u32 $0x3, v8  }
.Ltmp1:
0xcf: {  	_ = 	snop;
	(pc) =	sbr.rel @p0 .LBB2_5-.Ltmp1, $4  }
0xd0: {  	_ = 	snop  }
0xd1: {  	v63 =	vpop (erf)  }
0xd2: {  	[tilespmem:v6+s26+$0x0] =	vst.idx.add.f32.msk $0xffff, v63  }
0xd3: {  	s15 =	sadd.s32 $0x20, s15;
	s13 =	sadd.s32 $0x20, s13;
	s14 =	sadd.s32 $0x20, s14;
	[tilespmem:v7+s28+$0x0] =	vst.idx.msk $0xffff, v63  }
0xd4: {  	v6 =	vld [tilespmem:$0x1E180]  }
0xd5: {  	v7 =	vld [tilespmem:$0x1E580];
	_ =	sdelay $0x6  }
0xd6: {  	v8 =	vld.idx.msk [tilespmem:v6+s2+$0x0], $0xffff  }
0xd7: {  	v9 =	vld.idx.msk [tilespmem:v7+s23+$0x0], $0xffff;
	_ =	sdelay $0x4  }
0xd8: {  	v8 =	vadd.f32 v9, v8;
	_ =	sdelay $0x1  }
0xd9: {  	v9 =	vmul.f32 $2.000000030e-01, v8  }
0xda: {  	vm0 =	vge.f32 v8, $0.0e+00  }
0xdb: {  	v8 =	vsel vm0, v8, v9  }
0xdc: {  	v8 =	vmul.f32 $1.442695020e+00, v8;
	_ =	sdelay $0x1  }
0xdd: {  	(erf) = vpow2.f32 v8;
	_ =	sdelay $0x4  }
0xde: {  	v56 =	vshll.u32 v7, $0x2;
	_ =	sdelay $0x1  }
0xdf: {  	v57 =	vadd.s32 $0x2800, v6  }
0xe0: {  	v10 =	vadd.s32 $0x2800, v7  }
0xe1: {  	v11 =	vpop (erf)  }
0xe2: {  	[tilespmem:v56+s26+$0x0] =	vst.idx.add.f32.msk $0xffff, v11  }
0xe3: {  	[tilespmem:v2+s28+$0x0] =	vst.idx.msk $0xffff, v11  }
0xe4: {  	v9 =	vld.idx.msk [tilespmem:v57+s2+$0x0], $0xffff  }
0xe5: {  	v10 =	vld.idx.msk [tilespmem:v10+s23+$0x0], $0xffff;
	_ =	sdelay $0x4  }
0xe6: {  	v9 =	vadd.f32 v10, v9;
	_ =	sdelay $0x1  }
0xe7: {  	v10 =	vmul.f32 $2.000000030e-01, v9  }
0xe8: {  	vm13 =	vge.f32 v9, $0.0e+00  }
0xe9: {  	v9 =	vsel vm13, v9, v10  }
0xea: {  	v9 =	vmul.f32 $1.442695020e+00, v9;
	_ =	sdelay $0x1  }
0xeb: {  	(erf) = vpow2.f32 v9;
	_ =	sdelay $0x4  }
0xec: {  	v58 =	vor.u32 $0x1, v56;
	_ =	sdelay $0x1  }
0xed: {  	v59 =	vadd.s32 $0x5000, v6  }
0xee: {  	v60 =	vadd.s32 $0x5000, v7  }
0xef: {  	v12 =	vpop (erf)  }
0xf0: {  	[tilespmem:v58+s26+$0x0] =	vst.idx.add.f32.msk $0xffff, v12  }
0xf1: {  	[tilespmem:v3+s28+$0x0] =	vst.idx.msk $0xffff, v12  }
0xf2: {  	v9 =	vld.idx.msk [tilespmem:v59+s2+$0x0], $0xffff  }
0xf3: {  	v61 =	vld.idx.msk [tilespmem:v60+s23+$0x0], $0xffff;
	_ =	sdelay $0x4  }
0xf4: {  	v9 =	vadd.f32 v61, v9;
	_ =	sdelay $0x1  }
0xf5: {  	v10 =	vmul.f32 $2.000000030e-01, v9  }
0xf6: {  	vm14 =	vge.f32 v9, $0.0e+00  }
0xf7: {  	v9 =	vsel vm14, v9, v10  }
0xf8: {  	v9 =	vmul.f32 $1.442695020e+00, v9;
	_ =	sdelay $0x1  }
0xf9: {  	(erf) = vpow2.f32 v9;
	_ =	sdelay $0x4  }
0xfa: {  	v62 =	vor.u32 $0x2, v56;
	_ =	sdelay $0x1  }
0xfb: {  	v6 =	vadd.s32 $0x7800, v6  }
0xfc: {  	v7 =	vadd.s32 $0x7800, v7  }
0xfd: {  	v63 =	vpop (erf)  }
0xfe: {  	[tilespmem:v62+s26+$0x0] =	vst.idx.add.f32.msk $0xffff, v63  }
0xff: {  	[tilespmem:v4+s28+$0x0] =	vst.idx.msk $0xffff, v63  }
0x100: {  	v6 =	vld.idx.msk [tilespmem:v6+s2+$0x0], $0xffff  }
0x101: {  	v7 =	vld.idx.msk [tilespmem:v7+s23+$0x0], $0xffff;
	_ =	sdelay $0x4  }
0x102: {  	v6 =	vadd.f32 v7, v6;
	_ =	sdelay $0x1  }
0x103: {  	v7 =	vmul.f32 $2.000000030e-01, v6  }
0x104: {  	vm15 =	vge.f32 v6, $0.0e+00  }
0x105: {  	v6 =	vsel vm15, v6, v7  }
0x106: {  	v6 =	vmul.f32 $1.442695020e+00, v6;
	_ =	sdelay $0x1  }
0x107: {  	(erf) = vpow2.f32 v6;
	_ =	sdelay $0x4  }
0x108: {  	v6 =	vor.u32 $0x3, v56;
	_ =	sdelay $0x3  }
0x109: {  	s12 =	sadd.s32 s8, s11;
	p0 =	seq.s32 s9, $0x18;
	v7 =	vpop (erf)  }
0x10a: {  	s12 =	sshrl.u32 s12, $0x1;
	s11 =	sadd.s32 @!p0 s11, s18;
	[tilespmem:v6+s26+$0x0] =	vst.idx.add.f32.msk $0xffff, v7  }
0x10b: {  	s12 =	sadd.s32 s7, s12;
	s11 =	sshrl.u32 @!p0 s11, $0x3;
	[tilespmem:v5+s28+$0x0] =	vst.idx.msk $0xffff, v7  }
0x10c: {  	[hbm4b:s12+s2] =	stream.linear.scatter [tilespmem:s28], [sflag:$0x3], $0x640, $0x38;
	[tilespmem:$0x1F500] =	vst v63  }
0x10d: {  	s13 =	simm.s32 @!p0 $0x0;
	s14 =	simm.s32 @!p0 $0x1E000;
	s12 =	sadd.s32 @!p0 s5, s11  }
0x10e: {  	[tilespmem:s14], [sflag:$0x1] =	stream.linear.gather @!p0 [hbm4b:s12+s13], $0x190, $0x38;
	[tilespmem:$0x1F500] =	vst v63  }
0x10f: {  	p1 =	seq.s32 @!p0 s9, $0x0;
	s11 =	sadd.s32 @!p0 s6, s11;
	s12 =	simm.s32 @!p0 $0x1E400  }
0x110: {  	[tilespmem:s12], [sflag:$0x1] =	stream.linear.gather @!p0 [hbm4b:s11+s13], $0x190, $0x38;
	[tilespmem:$0x1F500] =	vst v63  }
0x111: {  	p0 =	por p0, !p1  }
0x112: {  	_ =	swait.ge @p0 [sflag:s1], $0x640  }
0x113: {  	[sflag:s1] =	ssyncset.done @p0 $0x0  }
0x114: {  	[sflag:s1] =	ssyncadd.s32 @p0 $0xFFFFF9C0  }
0x115: {  	_ =	swait.ge [sflag:s29], $0x190  }
0x116: {  	[sflag:s29] =	ssyncset.done $0x0  }
0x117: {  	[sflag:s29] =	ssyncadd.s32 $0xFFFFFE70  }
0x118: {  	_ =	swait.ge [sflag:s29], $0x190  }
0x119: {  	s14 =	simm.s32 $0x10;
	s11 =	simm.s32 $0xFFFFFFFE;
	[sflag:s29] =	ssyncset.done $0x0  }
0x11a: {  	s12 =	simm.s32 $0x1E210;
	s13 =	simm.s32 $0x1E610;
	[sflag:s29] =	ssyncadd.s32 $0xFFFFFE70  }
.LBB2_7:
0x11b: {  	v6 =	vld [tilespmem:s12+$0xFFFFFFF0]  }
0x11c: {  	v7 =	vld [tilespmem:s13+$0xFFFFFFF0];
	_ =	sdelay $0x6  }
0x11d: {  	v8 =	vld.idx.msk [tilespmem:v6+s2+$0x0], $0xffff  }
0x11e: {  	v9 =	vld.idx.msk [tilespmem:v7+s23+$0x0], $0xffff;
	_ =	sdelay $0x4  }
0x11f: {  	v8 =	vadd.f32 v9, v8;
	_ =	sdelay $0x1  }
0x120: {  	v9 =	vmul.f32 $2.000000030e-01, v8  }
0x121: {  	vm0 =	vge.f32 v8, $0.0e+00  }
0x122: {  	v8 =	vsel vm0, v8, v9  }
0x123: {  	v8 =	vmul.f32 $1.442695020e+00, v8;
	_ =	sdelay $0x1  }
0x124: {  	(erf) = vpow2.f32 v8;
	_ =	sdelay $0x2  }
0x125: {  	s15 =	sadd.s32 $0xFFFFFFF0, s14  }
0x126: {  	v40 =	vmov s15  }
0x127: {  	v41 =	vshll.u32 v7, $0x2;
	v8 =	vshll.u32 v40, $0x2  }
0x128: {  	v8 =	vor.u32 v0, v8  }
0x129: {  	v10 =	vadd.s32 $0x2800, v6  }
0x12a: {  	v11 =	vadd.s32 $0x2800, v7  }
0x12b: {  	v12 =	vpop (erf)  }
0x12c: {  	[tilespmem:v41+s26+$0x0] =	vst.idx.add.f32.msk $0xffff, v12  }
0x12d: {  	[tilespmem:v8+s30+$0x0] =	vst.idx.msk $0xffff, v12  }
0x12e: {  	v10 =	vld.idx.msk [tilespmem:v10+s2+$0x0], $0xffff  }
0x12f: {  	v11 =	vld.idx.msk [tilespmem:v11+s23+$0x0], $0xffff;
	_ =	sdelay $0x4  }
0x130: {  	v10 =	vadd.f32 v11, v10;
	_ =	sdelay $0x1  }
0x131: {  	v11 =	vmul.f32 $2.000000030e-01, v10  }
0x132: {  	vm9 =	vge.f32 v10, $0.0e+00  }
0x133: {  	v10 =	vsel vm9, v10, v11  }
0x134: {  	v10 =	vmul.f32 $1.442695020e+00, v10;
	_ =	sdelay $0x1  }
0x135: {  	(erf) = vpow2.f32 v10;
	_ =	sdelay $0x4  }
0x136: {  	v42 =	vor.u32 $0x1, v41  }
0x137: {  	v43 =	vor.u32 $0x1, v8  }
0x138: {  	v44 =	vadd.s32 $0x5000, v6  }
0x139: {  	v13 =	vadd.s32 $0x5000, v7  }
0x13a: {  	v14 =	vpop (erf)  }
0x13b: {  	[tilespmem:v42+s26+$0x0] =	vst.idx.add.f32.msk $0xffff, v14  }
0x13c: {  	[tilespmem:v43+s30+$0x0] =	vst.idx.msk $0xffff, v14  }
0x13d: {  	v10 =	vld.idx.msk [tilespmem:v44+s2+$0x0], $0xffff  }
0x13e: {  	v11 =	vld.idx.msk [tilespmem:v13+s23+$0x0], $0xffff;
	_ =	sdelay $0x4  }
0x13f: {  	v10 =	vadd.f32 v11, v10;
	_ =	sdelay $0x1  }
0x140: {  	v11 =	vmul.f32 $2.000000030e-01, v10  }
0x141: {  	vm10 =	vge.f32 v10, $0.0e+00  }
0x142: {  	v10 =	vsel vm10, v10, v11  }
0x143: {  	v10 =	vmul.f32 $1.442695020e+00, v10;
	_ =	sdelay $0x1  }
0x144: {  	(erf) = vpow2.f32 v10;
	_ =	sdelay $0x4  }
0x145: {  	v45 =	vor.u32 $0x2, v41  }
0x146: {  	v46 =	vor.u32 $0x2, v8  }
0x147: {  	v6 =	vadd.s32 $0x7800, v6  }
0x148: {  	v7 =	vadd.s32 $0x7800, v7  }
0x149: {  	v47 =	vpop (erf)  }
0x14a: {  	[tilespmem:v45+s26+$0x0] =	vst.idx.add.f32.msk $0xffff, v47  }
0x14b: {  	[tilespmem:v46+s30+$0x0] =	vst.idx.msk $0xffff, v47  }
0x14c: {  	v6 =	vld.idx.msk [tilespmem:v6+s2+$0x0], $0xffff  }
0x14d: {  	v7 =	vld.idx.msk [tilespmem:v7+s23+$0x0], $0xffff;
	_ =	sdelay $0x4  }
0x14e: {  	v6 =	vadd.f32 v7, v6;
	_ =	sdelay $0x1  }
0x14f: {  	v7 =	vmul.f32 $2.000000030e-01, v6  }
0x150: {  	vm11 =	vge.f32 v6, $0.0e+00  }
0x151: {  	v6 =	vsel vm11, v6, v7  }
0x152: {  	v6 =	vmul.f32 $1.442695020e+00, v6;
	_ =	sdelay $0x1  }
0x153: {  	(erf) = vpow2.f32 v6;
	_ =	sdelay $0x4  }
0x154: {  	v6 =	vor.u32 $0x3, v41  }
0x155: {  	v7 =	vor.u32 $0x3, v8;
	_ =	sdelay $0x2  }
0x156: {  	v48 =	vpop (erf)  }
0x157: {  	[tilespmem:v6+s26+$0x0] =	vst.idx.add.f32.msk $0xffff, v48  }
0x158: {  	[tilespmem:v7+s30+$0x0] =	vst.idx.msk $0xffff, v48  }
0x159: {  	v6 =	vld [tilespmem:s12+$0x0]  }
0x15a: {  	v7 =	vld [tilespmem:s13+$0x0];
	_ =	sdelay $0x6  }
0x15b: {  	v8 =	vld.idx.msk [tilespmem:v6+s2+$0x0], $0xffff  }
0x15c: {  	v49 =	vld.idx.msk [tilespmem:v7+s23+$0x0], $0xffff;
	_ =	sdelay $0x4  }
0x15d: {  	v8 =	vadd.f32 v49, v8;
	_ =	sdelay $0x1  }
0x15e: {  	v9 =	vmul.f32 $2.000000030e-01, v8  }
0x15f: {  	vm12 =	vge.f32 v8, $0.0e+00  }
0x160: {  	v8 =	vsel vm12, v8, v9  }
0x161: {  	v8 =	vmul.f32 $1.442695020e+00, v8;
	_ =	sdelay $0x1  }
0x162: {  	(erf) = vpow2.f32 v8;
	_ =	sdelay $0x3  }
0x163: {  	v50 =	vmov s14  }
0x164: {  	v51 =	vshll.u32 v7, $0x2;
	v8 =	vshll.u32 v50, $0x2  }
0x165: {  	v8 =	vor.u32 v0, v8  }
0x166: {  	v52 =	vadd.s32 $0x2800, v6  }
0x167: {  	v53 =	vadd.s32 $0x2800, v7  }
0x168: {  	v54 =	vpop (erf)  }
0x169: {  	[tilespmem:v51+s26+$0x0] =	vst.idx.add.f32.msk $0xffff, v54  }
0x16a: {  	[tilespmem:v8+s30+$0x0] =	vst.idx.msk $0xffff, v54  }
0x16b: {  	v10 =	vld.idx.msk [tilespmem:v52+s2+$0x0], $0xffff  }
0x16c: {  	v11 =	vld.idx.msk [tilespmem:v53+s23+$0x0], $0xffff;
	_ =	sdelay $0x4  }
0x16d: {  	v10 =	vadd.f32 v11, v10;
	_ =	sdelay $0x1  }
0x16e: {  	v11 =	vmul.f32 $2.000000030e-01, v10  }
0x16f: {  	vm13 =	vge.f32 v10, $0.0e+00  }
0x170: {  	v10 =	vsel vm13, v10, v11  }
0x171: {  	v10 =	vmul.f32 $1.442695020e+00, v10;
	_ =	sdelay $0x1  }
0x172: {  	(erf) = vpow2.f32 v10;
	_ =	sdelay $0x4  }
0x173: {  	v55 =	vor.u32 $0x1, v51  }
0x174: {  	v56 =	vor.u32 $0x1, v8  }
0x175: {  	v57 =	vadd.s32 $0x5000, v6  }
0x176: {  	v58 =	vadd.s32 $0x5000, v7  }
0x177: {  	v59 =	vpop (erf)  }
0x178: {  	[tilespmem:v55+s26+$0x0] =	vst.idx.add.f32.msk $0xffff, v59  }
0x179: {  	[tilespmem:v56+s30+$0x0] =	vst.idx.msk $0xffff, v59  }
0x17a: {  	v10 =	vld.idx.msk [tilespmem:v57+s2+$0x0], $0xffff  }
0x17b: {  	v11 =	vld.idx.msk [tilespmem:v58+s23+$0x0], $0xffff;
	_ =	sdelay $0x4  }
0x17c: {  	v10 =	vadd.f32 v11, v10;
	_ =	sdelay $0x1  }
0x17d: {  	v11 =	vmul.f32 $2.000000030e-01, v10  }
0x17e: {  	vm14 =	vge.f32 v10, $0.0e+00  }
0x17f: {  	v10 =	vsel vm14, v10, v11  }
0x180: {  	v10 =	vmul.f32 $1.442695020e+00, v10;
	_ =	sdelay $0x1  }
0x181: {  	(erf) = vpow2.f32 v10;
	_ =	sdelay $0x4  }
0x182: {  	v60 =	vor.u32 $0x2, v51  }
0x183: {  	v61 =	vor.u32 $0x2, v8  }
0x184: {  	v6 =	vadd.s32 $0x7800, v6  }
0x185: {  	v7 =	vadd.s32 $0x7800, v7  }
0x186: {  	v62 =	vpop (erf)  }
0x187: {  	[tilespmem:v60+s26+$0x0] =	vst.idx.add.f32.msk $0xffff, v62  }
0x188: {  	[tilespmem:v61+s30+$0x0] =	vst.idx.msk $0xffff, v62  }
0x189: {  	v6 =	vld.idx.msk [tilespmem:v6+s2+$0x0], $0xffff  }
0x18a: {  	v7 =	vld.idx.msk [tilespmem:v7+s23+$0x0], $0xffff;
	_ =	sdelay $0x4  }
0x18b: {  	v6 =	vadd.f32 v7, v6;
	_ =	sdelay $0x1  }
0x18c: {  	v7 =	vmul.f32 $2.000000030e-01, v6  }
0x18d: {  	vm15 =	vge.f32 v6, $0.0e+00  }
0x18e: {  	v6 =	vsel vm15, v6, v7  }
0x18f: {  	v6 =	vmul.f32 $1.442695020e+00, v6;
	_ =	sdelay $0x1  }
0x190: {  	(erf) = vpow2.f32 v6;
	_ =	sdelay $0x4  }
0x191: {  	s11 =	sadd.s32 $0x2, s11;
	v6 =	vor.u32 $0x3, v51  }
0x192: {  	p0 =	slt.u32 s11, $0x16;
	v7 =	vor.u32 $0x3, v8  }
.Ltmp2:
0x193: {  	_ = 	snop;
	(pc) =	sbr.rel @p0 .LBB2_7-.Ltmp2, $4  }
0x194: {  	_ = 	snop  }
0x195: {  	v63 =	vpop (erf)  }
0x196: {  	[tilespmem:v6+s26+$0x0] =	vst.idx.add.f32.msk $0xffff, v63  }
0x197: {  	s14 =	sadd.s32 $0x20, s14;
	s12 =	sadd.s32 $0x20, s12;
	s13 =	sadd.s32 $0x20, s13;
	[tilespmem:v7+s30+$0x0] =	vst.idx.msk $0xffff, v63  }
0x198: {  	v6 =	vld [tilespmem:$0x1E380]  }
0x199: {  	v7 =	vld [tilespmem:$0x1E780];
	_ =	sdelay $0x6  }
0x19a: {  	v8 =	vld.idx.msk [tilespmem:v6+s2+$0x0], $0xffff  }
0x19b: {  	v9 =	vld.idx.msk [tilespmem:v7+s23+$0x0], $0xffff;
	_ =	sdelay $0x4  }
0x19c: {  	v8 =	vadd.f32 v9, v8;
	_ =	sdelay $0x1  }
0x19d: {  	v9 =	vmul.f32 $2.000000030e-01, v8  }
0x19e: {  	vm0 =	vge.f32 v8, $0.0e+00  }
0x19f: {  	v8 =	vsel vm0, v8, v9  }
0x1a0: {  	v8 =	vmul.f32 $1.442695020e+00, v8;
	_ =	sdelay $0x1  }
0x1a1: {  	(erf) = vpow2.f32 v8;
	_ =	sdelay $0x4  }
0x1a2: {  	v56 =	vshll.u32 v7, $0x2;
	_ =	sdelay $0x1  }
0x1a3: {  	v57 =	vadd.s32 $0x2800, v6  }
0x1a4: {  	v10 =	vadd.s32 $0x2800, v7  }
0x1a5: {  	v11 =	vpop (erf)  }
0x1a6: {  	[tilespmem:v56+s26+$0x0] =	vst.idx.add.f32.msk $0xffff, v11  }
0x1a7: {  	[tilespmem:v2+s30+$0x0] =	vst.idx.msk $0xffff, v11  }
0x1a8: {  	v9 =	vld.idx.msk [tilespmem:v57+s2+$0x0], $0xffff  }
0x1a9: {  	v10 =	vld.idx.msk [tilespmem:v10+s23+$0x0], $0xffff;
	_ =	sdelay $0x4  }
0x1aa: {  	v9 =	vadd.f32 v10, v9;
	_ =	sdelay $0x1  }
0x1ab: {  	v10 =	vmul.f32 $2.000000030e-01, v9  }
0x1ac: {  	vm13 =	vge.f32 v9, $0.0e+00  }
0x1ad: {  	v9 =	vsel vm13, v9, v10  }
0x1ae: {  	v9 =	vmul.f32 $1.442695020e+00, v9;
	_ =	sdelay $0x1  }
0x1af: {  	(erf) = vpow2.f32 v9;
	_ =	sdelay $0x4  }
0x1b0: {  	v58 =	vor.u32 $0x1, v56;
	_ =	sdelay $0x1  }
0x1b1: {  	v59 =	vadd.s32 $0x5000, v6  }
0x1b2: {  	v60 =	vadd.s32 $0x5000, v7  }
0x1b3: {  	v12 =	vpop (erf)  }
0x1b4: {  	[tilespmem:v58+s26+$0x0] =	vst.idx.add.f32.msk $0xffff, v12  }
0x1b5: {  	[tilespmem:v3+s30+$0x0] =	vst.idx.msk $0xffff, v12  }
0x1b6: {  	v9 =	vld.idx.msk [tilespmem:v59+s2+$0x0], $0xffff  }
0x1b7: {  	v61 =	vld.idx.msk [tilespmem:v60+s23+$0x0], $0xffff;
	_ =	sdelay $0x4  }
0x1b8: {  	v9 =	vadd.f32 v61, v9;
	_ =	sdelay $0x1  }
0x1b9: {  	v10 =	vmul.f32 $2.000000030e-01, v9  }
0x1ba: {  	vm14 =	vge.f32 v9, $0.0e+00  }
0x1bb: {  	v9 =	vsel vm14, v9, v10  }
0x1bc: {  	v9 =	vmul.f32 $1.442695020e+00, v9;
	_ =	sdelay $0x1  }
0x1bd: {  	(erf) = vpow2.f32 v9;
	_ =	sdelay $0x4  }
0x1be: {  	v62 =	vor.u32 $0x2, v56;
	_ =	sdelay $0x1  }
0x1bf: {  	v6 =	vadd.s32 $0x7800, v6  }
0x1c0: {  	v7 =	vadd.s32 $0x7800, v7  }
0x1c1: {  	v63 =	vpop (erf)  }
0x1c2: {  	[tilespmem:v62+s26+$0x0] =	vst.idx.add.f32.msk $0xffff, v63  }
0x1c3: {  	[tilespmem:v4+s30+$0x0] =	vst.idx.msk $0xffff, v63  }
0x1c4: {  	v6 =	vld.idx.msk [tilespmem:v6+s2+$0x0], $0xffff  }
0x1c5: {  	v7 =	vld.idx.msk [tilespmem:v7+s23+$0x0], $0xffff;
	_ =	sdelay $0x4  }
0x1c6: {  	v6 =	vadd.f32 v7, v6;
	_ =	sdelay $0x1  }
0x1c7: {  	v7 =	vmul.f32 $2.000000030e-01, v6  }
0x1c8: {  	vm15 =	vge.f32 v6, $0.0e+00  }
0x1c9: {  	v6 =	vsel vm15, v6, v7  }
0x1ca: {  	v6 =	vmul.f32 $1.442695020e+00, v6;
	_ =	sdelay $0x1  }
0x1cb: {  	(erf) = vpow2.f32 v6;
	_ =	sdelay $0x4  }
0x1cc: {  	v6 =	vor.u32 $0x3, v56  }
0x1cd: {  	s9 =	sadd.s32 $0x1, s9  }
0x1ce: {  	p0 =	sne.s32 s9, $0x19  }
.Ltmp3:
0x1cf: {  	_ = 	snop;
	(pc) =	sbr.rel @p0 .LBB2_4-.Ltmp3, $4  }
0x1d0: {  	v7 =	vpop (erf)  }
0x1d1: {  	s10 =	sshrl.u32 s10, $0x1;
	[tilespmem:v6+s26+$0x0] =	vst.idx.add.f32.msk $0xffff, v7  }
0x1d2: {  	s10 =	sadd.s32 s7, s10;
	[tilespmem:v5+s30+$0x0] =	vst.idx.msk $0xffff, v7  }
0x1d3: {  	[hbm4b:s10+s2] =	stream.linear.scatter [tilespmem:s30], [sflag:$0x4], $0x640, $0x38;
	[tilespmem:$0x1F500] =	vst v63  }
0x1d4: {  	_ =	swait.ge [sflag:s0], $0x640  }
0x1d5: {  	[sflag:s0] =	ssyncset.done $0x0  }
0x1d6: {  	[sflag:s0] =	ssyncadd.s32 $0xFFFFF9C0  }
0x1d7: {  	s4 =	sadd.s32 $0x1, s4;
	_ =	swait.ge [sflag:s1], $0x640  }
0x1d8: {  	p0 =	sne.s32 s4, s20;
	[sflag:s1] =	ssyncset.done $0x0  }
.Ltmp4:
0x1d9: {  	s9 =	simm.s32 $0x400;
	[sflag:s1] =	ssyncadd.s32 $0xFFFFF9C0;
	(pc) =	sbr.rel @p0 .LBB2_1-.Ltmp4, $4  }
0x1da: {  	[hbm4b:s19+s21] =	stream.strided.scatter [tilespmem:s26], [sflag:$0x5], $0xA000, s9, s21, $0x38;
	[tilespmem:$0x1F500] =	vst v63  }
0x1db: {  	_ =	swait.ge [sflag:s3], $0xA000  }
0x1dc: {  	[sflag:s3] =	ssyncset.done $0x0  }
0x1dd: {  	[sflag:s3] =	ssyncadd.s32 $0xFFFF6000  }
0x1de: {  	_ =	sfence.sel $0x180000  }
0x1df: {  	[bflag:$0x0] =	sbarrier.arrive $0xFFFF  }
0x1e0: {  	_ =	strace $0x90000047  }
0x1e1: {  	s0 =	stileid.u32;
	[bflag:$0x2] =	sbarrier.arrive $0xFFFF  }
0x1e2: {  	p0 =	sne.s32 s0, $0x0;
	s0 =	rddreg [dreg:$0x1]  }
0x1e3: {  	s0 =	sadd.s32 @!p0 $0x100000, s0  }
0x1e4: {  	[sflag:s0] =	ssyncadd.tile.s32 @!p0 $0x1;
	_ =	shalt  }
.Lfunc_end2:
_tile_overlayer_lowered:
.L_overlay_start_2:
0x1e5: {  	(tag) =	ssettag $0x2  }
0x1e6: {  	s0 =	rddreg [dreg:$0x0];
	s2 =	stileid.u32  }
0x1e7: {  	s1 =	rddreg [dreg:$0x1];
	p0 =	sne.s32 s2, $0x0  }
0x1e8: {  	s3 =	rddreg [dreg:$0x2];
	[bflag:$0x3] =	sbarrier.arrive $0xFFFF;
	s2 =	simm.s32 @!p0 $0x1C05  }
0x1e9: {  	[timem:s3], [sflag:s2] =	dma.local @!p0 [hbm:s0], s1  }
0x1ea: {  	s0 =	simm.s32 @!p0 $0x5  }
0x1eb: {  	_ =	swait.ge @!p0 [sflag:s0], s1  }
0x1ec: {  	s1 =	ssub.s32 @!p0 $0x0, s1;
	[sflag:s0] =	ssyncset.done @!p0 $0x0  }
0x1ed: {  	[sflag:s0] =	ssyncadd.s32 @!p0 s1  }
0x1ee: {  	[bflag:$0x3] =	sbarrier.arrive $0xFFFF  }
0x1ef: {  	_ =	shalt  }

</sc_bundles>
